<compile_context>
chip_gen: v7x
topology: tpu7x:2x2x1
jax: 0.10.2.dev20260603
libtpu: 0.0.44.dev20260713+nightly
codegen_flags: <defaults>
</compile_context>

<pallas_src>
import numpy as np

import jax
import jax.numpy as jnp
from jax import lax
from jax.experimental import pallas as pl
from jax.experimental.pallas import tpu as pltpu
from jax.experimental.pallas import tpu_sc as plsc

_V = 1000000
_VPAD = 1000064
_D = 32
_NS = 128
_B = 16384
_NW = 32
_VPW = 31232
_C = 1024
_CP = 1025
_NCHUNK = 32
_SMAX = _VPAD - _C
_L = 16
_IB = 2048
_NSINK = 64


def _sc_body(tbl3, idx_hbm, pad_hbm, idxs_v, hits_v, stage_v, rows_v, bb_v,
             isem, gsem, ssem):
    wid = lax.axis_index("s") * 2 + lax.axis_index("c")
    lo = wid * _VPW
    n_work = jnp.where(wid == _NW - 1, _VPW + 576, _VPW)

    lane = lax.iota(jnp.int32, _L)
    zero = jnp.zeros((_L,), jnp.int32)
    ones = jnp.ones((_L,), jnp.int32)

    def stage_fire(ck, sel):
        s0 = pl.multiple_of(jnp.minimum(lo + ck * _C, _SMAX), 128)
        for g in range(4):
            pltpu.async_copy(
                tbl3.at[g, :, pl.ds(s0, _C)],
                stage_v.at[sel, g, :, pl.ds(0, _C)],
                gsem,
            )

    def stage_wait(sel):
        for g in range(4):
            pltpu.make_async_copy(
                tbl3.at[g, :, pl.ds(0, _C)],
                stage_v.at[sel, g, :, pl.ds(0, _C)],
                gsem,
            ).wait()

    stage_fire(0, 0)

    pltpu.async_copy(idx_hbm.at[0], idxs_v.at[0], isem)

    def scan_blk(blk, off):
        pltpu.make_async_copy(idx_hbm.at[0], idxs_v.at[0], isem).wait()

        @pl.when(blk < _B // _IB - 1)
        def _():
            pltpu.async_copy(idx_hbm.at[blk + 1],
                             idxs_v.at[(blk + 1) % 2], isem)

        def scan_vec(k, off):
            iv = idxs_v[blk % 2, pl.ds(k * _L, _L)]
            vloc = iv - lo
            m = (vloc >= 0) & (vloc < n_work)
            bpos = (blk * _IB + k * _L) + lane
            packed = (vloc << 14) | bpos
            pos = off + plsc.cumsum(ones, mask=m) - 1
            plsc.store_scatter(hits_v, [pos], packed, mask=m)
            return off + plsc.all_reduce_population_count(m)

        return lax.fori_loop(0, _IB // _L, scan_vec, off)

    nh_vec = lax.fori_loop(0, _B // _IB, scan_blk, zero)
    nh = jnp.max(nh_vec)
    nvec = (nh + _L - 1) // _L

    def do_chunk(ck, _):
        sel = ck % 2
        s0 = pl.multiple_of(jnp.minimum(lo + ck * _C, _SMAX), 128)
        sl0 = s0 - lo

        def refilt(r, nc):
            h = hits_v[pl.ds(r * _L, _L)]
            active = (r * _L + lane) < nh
            vl = h >> 14
            m = active & (vl >= sl0) & (vl < sl0 + _C)
            pos = nc + plsc.cumsum(ones, mask=m) - 1
            plsc.store_scatter(hits_v, [pos + _B], h, mask=m)
            return nc + plsc.all_reduce_population_count(m)

        nc = jnp.max(lax.fori_loop(0, nvec, refilt, zero))

        stage_wait(sel)

        @pl.when(ck < _NCHUNK - 1)
        def _():
            stage_fire(ck + 1, 1 - sel)

        sel_vec = zero + sel

        def batch(bi, _):
            base = bi * (4 * _L)
            for u in range(4):
                bb_v[pl.ds(u * _L, _L)] = _B + u * _L + lane
            for u in range(4):
                t = base + u * _L
                gm = (t + lane) < nc
                h = hits_v[pl.ds(_B + t, _L)]
                v = jnp.where(gm, (h >> 14) - sl0, 0)
                for j in range(_D):
                    feat = plsc.load_gather(
                        stage_v,
                        [sel_vec, zero + (j // 8), zero + (j % 8), v],
                        mask=gm)
                    plsc.store_scatter(
                        rows_v, [lane + u * _L, zero + j], feat)
                b = jnp.where(gm, h & 0x3FFF, _B + (t + lane) % _NSINK)
                plsc.store_scatter(bb_v, [lane + u * _L], b, mask=gm)
            pltpu.async_copy(
                rows_v.at[:, pl.ds(0, _NS)], pad_hbm.at[bb_v], ssem).wait()
            return 0

        lax.fori_loop(0, (nc + 4 * _L - 1) // (4 * _L), batch, 0)
        return 0

    lax.fori_loop(0, _NCHUNK, do_chunk, 0)


def _sc_gather(tbl3, idx):
    mesh = plsc.VectorSubcoreMesh(core_axis_name="c", subcore_axis_name="s")
    call = pl.kernel(
        _sc_body,
        mesh=mesh,
        out_type=jax.ShapeDtypeStruct((_B + _NSINK, _NS), jnp.float32),
        scratch_types=[
            pltpu.VMEM((2, _IB), jnp.int32),
            pltpu.VMEM((2 * _B,), jnp.int32),
            pltpu.VMEM((2, 4, 8, _CP), jnp.float32),
            pltpu.VMEM((4 * _L, _NS), jnp.float32),
            pltpu.VMEM((4 * _L,), jnp.int32),
            pltpu.SemaphoreType.DMA,
            pltpu.SemaphoreType.DMA,
            pltpu.SemaphoreType.DMA,
        ],
        compiler_params=pltpu.CompilerParams(
            needs_layout_passes=False, use_tc_tiling_on_sc=True),
    )
    return call(tbl3, idx)


def _interp_matrices():
    col = np.arange(_NS, dtype=np.int64)
    num = col * (_D - 1)
    lo = num // (_NS - 1)
    hi = np.minimum(lo + 1, _D - 1)
    w = (num - lo * (_NS - 1)).astype(np.float32) / np.float32(_NS - 1)
    m = np.zeros((_NS, _NS), np.float32)
    m[lo, col] += 1.0 - w
    m[hi, col] += w
    sel = np.zeros((_D, _NS), np.float32)
    sel[np.arange(_D), np.arange(_D)] = 1.0
    return jnp.asarray(m), jnp.asarray(sel)


def _tc_body(pad_ref, m_ref, sel_ref, func_ref, pt_ref):
    rows = pad_ref[...]
    func_ref[...] = jax.lax.dot_general(
        rows, m_ref[...], (((1,), (0,)), ((), ())),
        precision=jax.lax.Precision.HIGHEST,
        preferred_element_type=jnp.float32)
    pt_ref[...] = jax.lax.dot_general(
        sel_ref[...], rows, (((1,), (1,)), ((), ())),
        precision=jax.lax.Precision.HIGHEST,
        preferred_element_type=jnp.float32)


def _tc_interp(pad):
    m, sel = _interp_matrices()
    nblk = _B // 2048
    func, pt = pl.pallas_call(
        _tc_body,
        grid=(nblk,),
        in_specs=[
            pl.BlockSpec((2048, _NS), lambda i: (i, 0)),
            pl.BlockSpec((_NS, _NS), lambda i: (0, 0)),
            pl.BlockSpec((_D, _NS), lambda i: (0, 0)),
        ],
        out_specs=[
            pl.BlockSpec((2048, _NS), lambda i: (i, 0)),
            pl.BlockSpec((_D, 2048), lambda i: (0, i)),
        ],
        out_shape=[
            jax.ShapeDtypeStruct((_B, _NS), jnp.float32),
            jax.ShapeDtypeStruct((_D, _B), jnp.float32),
        ],
    )(pad, m, sel)
    return func, pt


def kernel(table, word_indices):
    tbl3 = table.T.reshape(4, 8, _V)
    idx = word_indices.astype(jnp.int32).reshape(_B // _IB, _IB)
    pad = _sc_gather(tbl3, idx)
    func, pt = _tc_interp(pad)
    return func, pt.T

# --- scband reference (transcript-rebuilt; emitter-appended) ---
"""Pipeline reference for scband-functional-embedding-model-14774687498663 (READ-ONLY COPY).

The authoritative reference and input builder live on the scoring server;
editing this copy changes nothing except your own understanding.
"""

import jax, jax.numpy as jnp
import numpy as np

VOCAB = 1000000
EMBED_DIM = 32
NUM_SAMPLES = 128
BATCH = 16384


def _interpolate_linear_align_corners(params, num_samples):
    # params: [B, L_in] -> [B, num_samples], matches F.interpolate(mode='linear', align_corners=True)
    L_in = params.shape[-1]
    pos = jnp.arange(num_samples, dtype=jnp.float32) * (L_in - 1) / (num_samples - 1)
    lo = jnp.floor(pos).astype(jnp.int32)
    lo = jnp.clip(lo, 0, L_in - 1)
    hi = jnp.clip(lo + 1, 0, L_in - 1)
    w = (pos - lo.astype(jnp.float32))
    left = jnp.take(params, lo, axis=-1)
    right = jnp.take(params, hi, axis=-1)
    return left * (1.0 - w) + right * w


def setup_inputs(seed: int = 0) -> dict:
    key = jax.random.key(seed)
    k1, k2 = jax.random.split(key)
    word_indices = jax.random.randint(k1, (BATCH,), 0, VOCAB, dtype=jnp.int64 if jax.config.jax_enable_x64 else jnp.int32)
    table = jax.random.normal(k2, (VOCAB, EMBED_DIM), dtype=jnp.float32) * 0.1
    return {"table": table, "word_indices": word_indices}


def reference(table, word_indices):
    params = jnp.take(table, word_indices, axis=0)  # [B, EMBED_DIM]
    functions = _interpolate_linear_align_corners(params, NUM_SAMPLES)  # [B, NUM_SAMPLES]
    return (functions, params)

if __name__ == "__main__":
    import jax
    _d = setup_inputs()
    print(jax.jit(kernel)(*tuple(_d.values())))

</pallas_src>

<mosaic_0001>
#map = affine_map<(d0, d1) -> (0, 0, 0)>
#map1 = affine_map<(d0, d1) -> (0, 0)>
module attributes {stable_mosaic.version = 14 : i64} {
  func.func @_sc_body(%arg0: i32, %arg1: i32, %arg2: memref<4x8x1000000xf32, #tpu.memory_space<hbm>>, %arg3: memref<8x2048xi32, #tpu.memory_space<hbm>>, %arg4: memref<16448x128xf32, #tpu.memory_space<hbm>>, %arg5: memref<2x2048xi32, #tpu.memory_space<vmem>>, %arg6: memref<32768xi32, #tpu.memory_space<vmem>>, %arg7: memref<2x4x8x1025xf32, #tpu.memory_space<vmem>>, %arg8: memref<64x128xf32, #tpu.memory_space<vmem>>, %arg9: memref<64xi32, #tpu.memory_space<vmem>>, %arg10: memref<!tpu.dma_semaphore, #tpu.memory_space<semaphore_mem>>, %arg11: memref<!tpu.dma_semaphore, #tpu.memory_space<semaphore_mem>>, %arg12: memref<!tpu.dma_semaphore, #tpu.memory_space<semaphore_mem>>) attributes {dimension_semantics = [#tpu.dimension_semantics<core_parallel>, #tpu.dimension_semantics<subcore_parallel>], iteration_bounds = array<i64: 2, 16>, scalar_prefetch = 0 : i64, scratch_operands = 8 : i64, tpu.core_type = #tpu.core_type<sc_vector_subcore>, window_params = [{transform_indices = #map}, {transform_indices = #map1}, {transform_indices = #map1}]} {
    %mul3A = arith.constant 2 : i32
    %mul3A_0 = arith.muli %arg1, %mul3A : i32
    %add3A = arith.addi %mul3A_0, %arg0 : i32
    %mul3A_1 = arith.constant 31232 : i32
    %mul3A_2 = arith.muli %add3A, %mul3A_1 : i32
    %eq3A = arith.constant 31 : i32
    %eq3A_3 = arith.cmpi eq, %add3A, %eq3A : i32
    %jit3A = arith.constant 31808 : i32
    %jit3A_4 = arith.constant 31232 : i32
    %select_n3A = arith.select %eq3A_3, %jit3A, %jit3A_4 : i32
    %iota3A = tpu.iota {dimensions = array<i32: 0>} : vector<16xi32>
    %broadcast_in_dim3A = arith.constant 0 : i32
    %broadcast_in_dim3A_5 = vector.broadcast %broadcast_in_dim3A : i32 to vector<16xi32>
    %broadcast_in_dim3A_6 = arith.constant 1 : i32
    %broadcast_in_dim3A_7 = vector.broadcast %broadcast_in_dim3A_6 : i32 to vector<16xi32>
    %add3A_8 = arith.constant 0 : i32
    %add3A_9 = arith.addi %mul3A_2, %add3A_8 : i32
    %min3A = arith.constant 999040 : i32
    %min3A_10 = arith.minsi %add3A_9, %min3A : i32
    %multiple_of3A = tpu.assume_multiple %min3A_10, 128 : i32
    %dma_start3A = arith.constant 0 : i32
    %dma_start3A_11 = arith.constant 0 : i32
    %dma_start3A_12 = arith.constant 0 : i32
    %dma_start3A_13 = arith.constant 0 : i32
    %dma_start3A_14 = arith.constant 0 : i32
    %dma_start3A_15 = tpu.memref_slice %arg7[%dma_start3A_11, %dma_start3A_12, %dma_start3A_13, %dma_start3A_14] : memref<2x4x8x1025xf32, #tpu.memory_space<vmem>> -> memref<1x1x8x1024xf32, #tpu.memory_space<vmem>>
    %dma_start3A_16 = tpu.memref_squeeze %dma_start3A_15 : memref<1x1x8x1024xf32, #tpu.memory_space<vmem>> -> memref<8x1024xf32, #tpu.memory_space<vmem>>
    %dma_start3A_17 = arith.constant 0 : i32
    %dma_start3A_18 = tpu.memref_slice %arg2[%dma_start3A, %dma_start3A_17, %multiple_of3A] : memref<4x8x1000000xf32, #tpu.memory_space<hbm>> -> memref<1x8x1024xf32, #tpu.memory_space<hbm>>
    %dma_start3A_19 = tpu.memref_squeeze %dma_start3A_18 : memref<1x8x1024xf32, #tpu.memory_space<hbm>> -> memref<8x1024xf32, #tpu.memory_space<hbm>>
    %dma_start3A_20 = arith.constant 0 : i32
    %dma_start3A_21 = arith.constant 0 : i32
    %dma_start3A_22 = tpu.memref_slice %arg7[%dma_start3A_11, %dma_start3A_12, %dma_start3A_20, %dma_start3A_21] : memref<2x4x8x1025xf32, #tpu.memory_space<vmem>> -> memref<1x1x8x1024xf32, #tpu.memory_space<vmem>>
    %dma_start3A_23 = tpu.memref_squeeze %dma_start3A_22 : memref<1x1x8x1024xf32, #tpu.memory_space<vmem>> -> memref<8x1024xf32, #tpu.memory_space<vmem>>
    %dma_start3A_24 = arith.constant 0 : i32
    %dma_start3A_25 = tpu.memref_slice %arg2[%dma_start3A, %dma_start3A_24, %multiple_of3A] : memref<4x8x1000000xf32, #tpu.memory_space<hbm>> -> memref<1x8x1024xf32, #tpu.memory_space<hbm>>
    %dma_start3A_26 = tpu.memref_squeeze %dma_start3A_25 : memref<1x8x1024xf32, #tpu.memory_space<hbm>> -> memref<8x1024xf32, #tpu.memory_space<hbm>>
    tpu.enqueue_dma source(%dma_start3A_26 : memref<8x1024xf32, #tpu.memory_space<hbm>>) target(%dma_start3A_23 : memref<8x1024xf32, #tpu.memory_space<vmem>>) target_semaphore(%arg11 : memref<!tpu.dma_semaphore, #tpu.memory_space<semaphore_mem>>)
    %dma_start3A_27 = arith.constant 1 : i32
    %dma_start3A_28 = arith.constant 0 : i32
    %dma_start3A_29 = arith.constant 1 : i32
    %dma_start3A_30 = arith.constant 0 : i32
    %dma_start3A_31 = arith.constant 0 : i32
    %dma_start3A_32 = tpu.memref_slice %arg7[%dma_start3A_28, %dma_start3A_29, %dma_start3A_30, %dma_start3A_31] : memref<2x4x8x1025xf32, #tpu.memory_space<vmem>> -> memref<1x1x8x1024xf32, #tpu.memory_space<vmem>>
    %dma_start3A_33 = tpu.memref_squeeze %dma_start3A_32 : memref<1x1x8x1024xf32, #tpu.memory_space<vmem>> -> memref<8x1024xf32, #tpu.memory_space<vmem>>
    %dma_start3A_34 = arith.constant 0 : i32
    %dma_start3A_35 = tpu.memref_slice %arg2[%dma_start3A_27, %dma_start3A_34, %multiple_of3A] : memref<4x8x1000000xf32, #tpu.memory_space<hbm>> -> memref<1x8x1024xf32, #tpu.memory_space<hbm>>
    %dma_start3A_36 = tpu.memref_squeeze %dma_start3A_35 : memref<1x8x1024xf32, #tpu.memory_space<hbm>> -> memref<8x1024xf32, #tpu.memory_space<hbm>>
    %dma_start3A_37 = arith.constant 0 : i32
    %dma_start3A_38 = arith.constant 0 : i32
    %dma_start3A_39 = tpu.memref_slice %arg7[%dma_start3A_28, %dma_start3A_29, %dma_start3A_37, %dma_start3A_38] : memref<2x4x8x1025xf32, #tpu.memory_space<vmem>> -> memref<1x1x8x1024xf32, #tpu.memory_space<vmem>>
    %dma_start3A_40 = tpu.memref_squeeze %dma_start3A_39 : memref<1x1x8x1024xf32, #tpu.memory_space<vmem>> -> memref<8x1024xf32, #tpu.memory_space<vmem>>
    %dma_start3A_41 = arith.constant 0 : i32
    %dma_start3A_42 = tpu.memref_slice %arg2[%dma_start3A_27, %dma_start3A_41, %multiple_of3A] : memref<4x8x1000000xf32, #tpu.memory_space<hbm>> -> memref<1x8x1024xf32, #tpu.memory_space<hbm>>
    %dma_start3A_43 = tpu.memref_squeeze %dma_start3A_42 : memref<1x8x1024xf32, #tpu.memory_space<hbm>> -> memref<8x1024xf32, #tpu.memory_space<hbm>>
    tpu.enqueue_dma source(%dma_start3A_43 : memref<8x1024xf32, #tpu.memory_space<hbm>>) target(%dma_start3A_40 : memref<8x1024xf32, #tpu.memory_space<vmem>>) target_semaphore(%arg11 : memref<!tpu.dma_semaphore, #tpu.memory_space<semaphore_mem>>)
    %dma_start3A_44 = arith.constant 2 : i32
    %dma_start3A_45 = arith.constant 0 : i32
    %dma_start3A_46 = arith.constant 2 : i32
    %dma_start3A_47 = arith.constant 0 : i32
    %dma_start3A_48 = arith.constant 0 : i32
    %dma_start3A_49 = tpu.memref_slice %arg7[%dma_start3A_45, %dma_start3A_46, %dma_start3A_47, %dma_start3A_48] : memref<2x4x8x1025xf32, #tpu.memory_space<vmem>> -> memref<1x1x8x1024xf32, #tpu.memory_space<vmem>>
    %dma_start3A_50 = tpu.memref_squeeze %dma_start3A_49 : memref<1x1x8x1024xf32, #tpu.memory_space<vmem>> -> memref<8x1024xf32, #tpu.memory_space<vmem>>
    %dma_start3A_51 = arith.constant 0 : i32
    %dma_start3A_52 = tpu.memref_slice %arg2[%dma_start3A_44, %dma_start3A_51, %multiple_of3A] : memref<4x8x1000000xf32, #tpu.memory_space<hbm>> -> memref<1x8x1024xf32, #tpu.memory_space<hbm>>
    %dma_start3A_53 = tpu.memref_squeeze %dma_start3A_52 : memref<1x8x1024xf32, #tpu.memory_space<hbm>> -> memref<8x1024xf32, #tpu.memory_space<hbm>>
    %dma_start3A_54 = arith.constant 0 : i32
    %dma_start3A_55 = arith.constant 0 : i32
    %dma_start3A_56 = tpu.memref_slice %arg7[%dma_start3A_45, %dma_start3A_46, %dma_start3A_54, %dma_start3A_55] : memref<2x4x8x1025xf32, #tpu.memory_space<vmem>> -> memref<1x1x8x1024xf32, #tpu.memory_space<vmem>>
    %dma_start3A_57 = tpu.memref_squeeze %dma_start3A_56 : memref<1x1x8x1024xf32, #tpu.memory_space<vmem>> -> memref<8x1024xf32, #tpu.memory_space<vmem>>
    %dma_start3A_58 = arith.constant 0 : i32
    %dma_start3A_59 = tpu.memref_slice %arg2[%dma_start3A_44, %dma_start3A_58, %multiple_of3A] : memref<4x8x1000000xf32, #tpu.memory_space<hbm>> -> memref<1x8x1024xf32, #tpu.memory_space<hbm>>
    %dma_start3A_60 = tpu.memref_squeeze %dma_start3A_59 : memref<1x8x1024xf32, #tpu.memory_space<hbm>> -> memref<8x1024xf32, #tpu.memory_space<hbm>>
    tpu.enqueue_dma source(%dma_start3A_60 : memref<8x1024xf32, #tpu.memory_space<hbm>>) target(%dma_start3A_57 : memref<8x1024xf32, #tpu.memory_space<vmem>>) target_semaphore(%arg11 : memref<!tpu.dma_semaphore, #tpu.memory_space<semaphore_mem>>)
    %dma_start3A_61 = arith.constant 3 : i32
    %dma_start3A_62 = arith.constant 0 : i32
    %dma_start3A_63 = arith.constant 3 : i32
    %dma_start3A_64 = arith.constant 0 : i32
    %dma_start3A_65 = arith.constant 0 : i32
    %dma_start3A_66 = tpu.memref_slice %arg7[%dma_start3A_62, %dma_start3A_63, %dma_start3A_64, %dma_start3A_65] : memref<2x4x8x1025xf32, #tpu.memory_space<vmem>> -> memref<1x1x8x1024xf32, #tpu.memory_space<vmem>>
    %dma_start3A_67 = tpu.memref_squeeze %dma_start3A_66 : memref<1x1x8x1024xf32, #tpu.memory_space<vmem>> -> memref<8x1024xf32, #tpu.memory_space<vmem>>
    %dma_start3A_68 = arith.constant 0 : i32
    %dma_start3A_69 = tpu.memref_slice %arg2[%dma_start3A_61, %dma_start3A_68, %multiple_of3A] : memref<4x8x1000000xf32, #tpu.memory_space<hbm>> -> memref<1x8x1024xf32, #tpu.memory_space<hbm>>
    %dma_start3A_70 = tpu.memref_squeeze %dma_start3A_69 : memref<1x8x1024xf32, #tpu.memory_space<hbm>> -> memref<8x1024xf32, #tpu.memory_space<hbm>>
    %dma_start3A_71 = arith.constant 0 : i32
    %dma_start3A_72 = arith.constant 0 : i32
    %dma_start3A_73 = tpu.memref_slice %arg7[%dma_start3A_62, %dma_start3A_63, %dma_start3A_71, %dma_start3A_72] : memref<2x4x8x1025xf32, #tpu.memory_space<vmem>> -> memref<1x1x8x1024xf32, #tpu.memory_space<vmem>>
    %dma_start3A_74 = tpu.memref_squeeze %dma_start3A_73 : memref<1x1x8x1024xf32, #tpu.memory_space<vmem>> -> memref<8x1024xf32, #tpu.memory_space<vmem>>
    %dma_start3A_75 = arith.constant 0 : i32
    %dma_start3A_76 = tpu.memref_slice %arg2[%dma_start3A_61, %dma_start3A_75, %multiple_of3A] : memref<4x8x1000000xf32, #tpu.memory_space<hbm>> -> memref<1x8x1024xf32, #tpu.memory_space<hbm>>
    %dma_start3A_77 = tpu.memref_squeeze %dma_start3A_76 : memref<1x8x1024xf32, #tpu.memory_space<hbm>> -> memref<8x1024xf32, #tpu.memory_space<hbm>>
    tpu.enqueue_dma source(%dma_start3A_77 : memref<8x1024xf32, #tpu.memory_space<hbm>>) target(%dma_start3A_74 : memref<8x1024xf32, #tpu.memory_space<vmem>>) target_semaphore(%arg11 : memref<!tpu.dma_semaphore, #tpu.memory_space<semaphore_mem>>)
    %dma_start3A_78 = arith.constant 0 : i32
    %dma_start3A_79 = arith.constant 0 : i32
    %dma_start3A_80 = arith.constant 0 : i32
    %dma_start3A_81 = tpu.memref_slice %arg5[%dma_start3A_79, %dma_start3A_80] : memref<2x2048xi32, #tpu.memory_space<vmem>> -> memref<1x2048xi32, #tpu.memory_space<vmem>>
    %dma_start3A_82 = tpu.memref_squeeze %dma_start3A_81 : memref<1x2048xi32, #tpu.memory_space<vmem>> -> memref<2048xi32, #tpu.memory_space<vmem>>
    %dma_start3A_83 = arith.constant 0 : i32
    %dma_start3A_84 = tpu.memref_slice %arg3[%dma_start3A_78, %dma_start3A_83] : memref<8x2048xi32, #tpu.memory_space<hbm>> -> memref<1x2048xi32, #tpu.memory_space<hbm>>
    %dma_start3A_85 = tpu.memref_squeeze %dma_start3A_84 : memref<1x2048xi32, #tpu.memory_space<hbm>> -> memref<2048xi32, #tpu.memory_space<hbm>>
    %dma_start3A_86 = arith.constant 0 : i32
    %dma_start3A_87 = tpu.memref_slice %arg5[%dma_start3A_79, %dma_start3A_86] : memref<2x2048xi32, #tpu.memory_space<vmem>> -> memref<1x2048xi32, #tpu.memory_space<vmem>>
    %dma_start3A_88 = tpu.memref_squeeze %dma_start3A_87 : memref<1x2048xi32, #tpu.memory_space<vmem>> -> memref<2048xi32, #tpu.memory_space<vmem>>
    %dma_start3A_89 = arith.constant 0 : i32
    %dma_start3A_90 = tpu.memref_slice %arg3[%dma_start3A_78, %dma_start3A_89] : memref<8x2048xi32, #tpu.memory_space<hbm>> -> memref<1x2048xi32, #tpu.memory_space<hbm>>
    %dma_start3A_91 = tpu.memref_squeeze %dma_start3A_90 : memref<1x2048xi32, #tpu.memory_space<hbm>> -> memref<2048xi32, #tpu.memory_space<hbm>>
    tpu.enqueue_dma source(%dma_start3A_91 : memref<2048xi32, #tpu.memory_space<hbm>>) target(%dma_start3A_88 : memref<2048xi32, #tpu.memory_space<vmem>>) target_semaphore(%arg10 : memref<!tpu.dma_semaphore, #tpu.memory_space<semaphore_mem>>)
    %scan3A = arith.constant 0 : i32
    %scan3A_92 = arith.constant 8 : i32
    %scan3A_93 = arith.addi %scan3A, %scan3A_92 : i32
    %scan3A_94 = arith.constant 1 : i32
    %scan3A_95 = scf.for %scan3A_133 = %scan3A to %scan3A_93 step %scan3A_94 iter_args(%scan3A_134 = %broadcast_in_dim3A_5) -> (vector<16xi32>)  : i32 {
      %dma_wait3A = arith.constant 0 : i32
      %dma_wait3A_135 = arith.constant 0 : i32
      %dma_wait3A_136 = arith.constant 0 : i32
      %dma_wait3A_137 = tpu.memref_slice %arg5[%dma_wait3A_135, %dma_wait3A_136] : memref<2x2048xi32, #tpu.memory_space<vmem>> -> memref<1x2048xi32, #tpu.memory_space<vmem>>
      %dma_wait3A_138 = tpu.memref_squeeze %dma_wait3A_137 : memref<1x2048xi32, #tpu.memory_space<vmem>> -> memref<2048xi32, #tpu.memory_space<vmem>>
      %dma_wait3A_139 = arith.constant 0 : i32
      %dma_wait3A_140 = tpu.memref_slice %arg3[%dma_wait3A, %dma_wait3A_139] : memref<8x2048xi32, #tpu.memory_space<hbm>> -> memref<1x2048xi32, #tpu.memory_space<hbm>>
      %dma_wait3A_141 = tpu.memref_squeeze %dma_wait3A_140 : memref<1x2048xi32, #tpu.memory_space<hbm>> -> memref<2048xi32, #tpu.memory_space<hbm>>
      %dma_wait3A_142 = arith.constant 0 : i32
      %dma_wait3A_143 = tpu.memref_slice %arg5[%dma_wait3A_135, %dma_wait3A_142] : memref<2x2048xi32, #tpu.memory_space<vmem>> -> memref<1x2048xi32, #tpu.memory_space<vmem>>
      %dma_wait3A_144 = tpu.memref_squeeze %dma_wait3A_143 : memref<1x2048xi32, #tpu.memory_space<vmem>> -> memref<2048xi32, #tpu.memory_space<vmem>>
      %dma_wait3A_145 = arith.constant 0 : i32
      %dma_wait3A_146 = tpu.memref_slice %arg3[%dma_wait3A, %dma_wait3A_145] : memref<8x2048xi32, #tpu.memory_space<hbm>> -> memref<1x2048xi32, #tpu.memory_space<hbm>>
      %dma_wait3A_147 = tpu.memref_squeeze %dma_wait3A_146 : memref<1x2048xi32, #tpu.memory_space<hbm>> -> memref<2048xi32, #tpu.memory_space<hbm>>
      tpu.wait_dma2 semaphore(%arg10 : memref<!tpu.dma_semaphore, #tpu.memory_space<semaphore_mem>>) src(%dma_wait3A_147 : memref<2048xi32, #tpu.memory_space<hbm>>) dst(%dma_wait3A_144 : memref<2048xi32, #tpu.memory_space<vmem>>)
      %lt3A = arith.constant 7 : i32
      %lt3A_148 = arith.cmpi slt, %scan3A_133, %lt3A : i32
      %convert_element_type3A = arith.extui %lt3A_148 : i1 to i32
      %cond3A = arith.constant 0 : i32
      %cond3A_149 = arith.cmpi ne, %convert_element_type3A, %cond3A : i32
      scf.if %cond3A_149 {
        %add3A_156 = arith.constant 1 : i32
        %add3A_157 = arith.addi %scan3A_133, %add3A_156 : i32
        %add3A_158 = arith.constant 1 : i32
        %add3A_159 = arith.addi %scan3A_133, %add3A_158 : i32
        %jit3A_160 = arith.constant 2 : i32
        %eq3A_161 = arith.constant 0 : i32
        %eq3A_162 = arith.cmpi eq, %jit3A_160, %eq3A_161 : i32
        %jit3A_163 = arith.constant 1 : i32
        %select_n3A_164 = arith.select %eq3A_162, %jit3A_163, %jit3A_160 : i32
        %rem3A_165 = arith.remsi %add3A_159, %select_n3A_164 : i32
        %ne3A_166 = arith.constant 0 : i32
        %ne3A_167 = arith.cmpi ne, %rem3A_165, %ne3A_166 : i32
        %lt3A_168 = arith.constant 0 : i32
        %lt3A_169 = arith.cmpi slt, %rem3A_165, %lt3A_168 : i32
        %lt3A_170 = arith.constant 0 : i32
        %lt3A_171 = arith.cmpi slt, %select_n3A_164, %lt3A_170 : i32
        %ne3A_172 = arith.xori %lt3A_169, %lt3A_171 : i1
        %and3A_173 = arith.andi %ne3A_172, %ne3A_167 : i1
        %add3A_174 = arith.addi %rem3A_165, %select_n3A_164 : i32
        %select_n3A_175 = arith.select %and3A_173, %add3A_174, %rem3A_165 : i32
        %dma_start3A_176 = arith.constant 0 : i32
        %dma_start3A_177 = tpu.memref_slice %arg5[%select_n3A_175, %dma_start3A_176] : memref<2x2048xi32, #tpu.memory_space<vmem>> -> memref<1x2048xi32, #tpu.memory_space<vmem>>
        %dma_start3A_178 = tpu.memref_squeeze %dma_start3A_177 : memref<1x2048xi32, #tpu.memory_space<vmem>> -> memref<2048xi32, #tpu.memory_space<vmem>>
        %dma_start3A_179 = arith.constant 0 : i32
        %dma_start3A_180 = tpu.memref_slice %arg3[%add3A_157, %dma_start3A_179] : memref<8x2048xi32, #tpu.memory_space<hbm>> -> memref<1x2048xi32, #tpu.memory_space<hbm>>
        %dma_start3A_181 = tpu.memref_squeeze %dma_start3A_180 : memref<1x2048xi32, #tpu.memory_space<hbm>> -> memref<2048xi32, #tpu.memory_space<hbm>>
        %dma_start3A_182 = arith.constant 0 : i32
        %dma_start3A_183 = tpu.memref_slice %arg5[%select_n3A_175, %dma_start3A_182] : memref<2x2048xi32, #tpu.memory_space<vmem>> -> memref<1x2048xi32, #tpu.memory_space<vmem>>
        %dma_start3A_184 = tpu.memref_squeeze %dma_start3A_183 : memref<1x2048xi32, #tpu.memory_space<vmem>> -> memref<2048xi32, #tpu.memory_space<vmem>>
        %dma_start3A_185 = arith.constant 0 : i32
        %dma_start3A_186 = tpu.memref_slice %arg3[%add3A_157, %dma_start3A_185] : memref<8x2048xi32, #tpu.memory_space<hbm>> -> memref<1x2048xi32, #tpu.memory_space<hbm>>
        %dma_start3A_187 = tpu.memref_squeeze %dma_start3A_186 : memref<1x2048xi32, #tpu.memory_space<hbm>> -> memref<2048xi32, #tpu.memory_space<hbm>>
        tpu.enqueue_dma source(%dma_start3A_187 : memref<2048xi32, #tpu.memory_space<hbm>>) target(%dma_start3A_184 : memref<2048xi32, #tpu.memory_space<vmem>>) target_semaphore(%arg10 : memref<!tpu.dma_semaphore, #tpu.memory_space<semaphore_mem>>)
      } else {
      }
      %scan3A_150 = arith.constant 0 : i32
      %scan3A_151 = arith.constant 128 : i32
      %scan3A_152 = arith.addi %scan3A_150, %scan3A_151 : i32
      %scan3A_153 = arith.constant 1 : i32
      %scan3A_154 = scf.for %scan3A_156 = %scan3A_150 to %scan3A_152 step %scan3A_153 iter_args(%scan3A_157 = %scan3A_134) -> (vector<16xi32>)  : i32 {
        %jit3A_158 = arith.constant 2 : i32
        %eq3A_159 = arith.constant 0 : i32
        %eq3A_160 = arith.cmpi eq, %jit3A_158, %eq3A_159 : i32
        %jit3A_161 = arith.constant 1 : i32
        %select_n3A_162 = arith.select %eq3A_160, %jit3A_161, %jit3A_158 : i32
        %rem3A_163 = arith.remsi %scan3A_133, %select_n3A_162 : i32
        %ne3A_164 = arith.constant 0 : i32
        %ne3A_165 = arith.cmpi ne, %rem3A_163, %ne3A_164 : i32
        %lt3A_166 = arith.constant 0 : i32
        %lt3A_167 = arith.cmpi slt, %rem3A_163, %lt3A_166 : i32
        %lt3A_168 = arith.constant 0 : i32
        %lt3A_169 = arith.cmpi slt, %select_n3A_162, %lt3A_168 : i32
        %ne3A_170 = arith.xori %lt3A_167, %lt3A_169 : i1
        %and3A_171 = arith.andi %ne3A_170, %ne3A_165 : i1
        %add3A_172 = arith.addi %rem3A_163, %select_n3A_162 : i32
        %select_n3A_173 = arith.select %and3A_171, %add3A_172, %rem3A_163 : i32
        %mul3A_174 = arith.constant 16 : i32
        %mul3A_175 = arith.muli %scan3A_156, %mul3A_174 : i32
        %get3A = arith.index_cast %select_n3A_173 : i32 to index
        %get3A_176 = arith.index_cast %mul3A_175 : i32 to index
        %get3A_177 = tpu.vector_load %arg5[%get3A, %get3A_176] {strides = array<i32>} : memref<2x2048xi32, #tpu.memory_space<vmem>>, vector<16xi32>,
        %sub3A_178 = vector.broadcast %mul3A_2 : i32 to vector<16xi32>
        %sub3A_179 = arith.subi %get3A_177, %sub3A_178 : vector<16xi32>
        %ge3A = arith.constant 0 : i32
        %ge3A_180 = vector.broadcast %ge3A : i32 to vector<16xi32>
        %ge3A_181 = arith.cmpi sge, %sub3A_179, %ge3A_180 : vector<16xi32>
        %lt3A_182 = vector.broadcast %select_n3A : i32 to vector<16xi32>
        %lt3A_183 = arith.cmpi slt, %sub3A_179, %lt3A_182 : vector<16xi32>
        %and3A_184 = arith.andi %ge3A_181, %lt3A_183 : vector<16xi1>
        %mul3A_185 = arith.constant 2048 : i32
        %mul3A_186 = arith.muli %scan3A_133, %mul3A_185 : i32
        %mul3A_187 = arith.constant 16 : i32
        %mul3A_188 = arith.muli %scan3A_156, %mul3A_187 : i32
        %add3A_189 = arith.addi %mul3A_186, %mul3A_188 : i32
        %add3A_190 = vector.broadcast %add3A_189 : i32 to vector<16xi32>
        %add3A_191 = arith.addi %add3A_190, %iota3A : vector<16xi32>
        %shift_left3A = arith.constant 14 : i32
        %shift_left3A_192 = vector.broadcast %shift_left3A : i32 to vector<16xi32>
        %shift_left3A_193 = arith.shli %sub3A_179, %shift_left3A_192 : vector<16xi32>
        %or3A = arith.ori %shift_left3A_193, %add3A_191 : vector<16xi32>
        %masked_cumsum3A = tpu.scan <sum>, %broadcast_in_dim3A_7 masked %and3A_184 : vector<16xi32>, vector<16xi1> -> vector<16xi32>
        %add3A_194 = arith.addi %scan3A_157, %masked_cumsum3A : vector<16xi32>
        %sub3A_195 = arith.constant 1 : i32
        %sub3A_196 = vector.broadcast %sub3A_195 : i32 to vector<16xi32>
        %sub3A_197 = arith.subi %add3A_194, %sub3A_196 : vector<16xi32>
        tpu.vector_store_idx %arg6[%sub3A_197], %or3A masked %and3A_184 : memref<32768xi32, #tpu.memory_space<vmem>>[vector<16xi32>], vector<16xi32>, vector<16xi1>
        %all_reduce_population_count3A = tpu.all_reduce %and3A_184 {dim = 0 : i64, kind = #tpu.reduction_kind<sum>} : vector<16xi1> -> vector<16xi32>
        %add3A_198 = arith.addi %scan3A_157, %all_reduce_population_count3A : vector<16xi32>
        scf.yield %add3A_198 : vector<16xi32>
      }
      %scan3A_155 = arith.constant 128 : i32
      scf.yield %scan3A_154 : vector<16xi32>
    }
    %scan3A_96 = arith.constant 8 : i32
    %reduce_max3A = arith.constant true
    %reduce_max3A_97 = vector.broadcast %reduce_max3A : i1 to vector<16xi1>
    %reduce_max3A_98 = arith.constant -2147483648 : i32
    %reduce_max3A_99 = vector.broadcast %reduce_max3A_98 : i32 to vector<16xi32>
    %reduce_max3A_100 = arith.xori %scan3A_95, %reduce_max3A_99 : vector<16xi32>
    %reduce_max3A_101 = tpu.scan <max>, %reduce_max3A_100 masked %reduce_max3A_97 : vector<16xi32>, vector<16xi1> -> vector<16xi32>
    %reduce_max3A_102 = arith.xori %reduce_max3A_101, %reduce_max3A_99 : vector<16xi32>
    %reduce_max3A_103 = vector.extract %reduce_max3A_102[15] : i32 from vector<16xi32>
    %add3A_104 = arith.constant 16 : i32
    %add3A_105 = arith.addi %reduce_max3A_103, %add3A_104 : i32
    %sub3A = arith.constant 1 : i32
    %sub3A_106 = arith.subi %add3A_105, %sub3A : i32
    %jit3A_107 = arith.constant 16 : i32
    %div3A = arith.divsi %sub3A_106, %jit3A_107 : i32
    %sign3A = arith.constant 0 : i32
    %sign3A_108 = arith.cmpi sgt, %sub3A_106, %sign3A : i32
    %sign3A_109 = arith.extui %sign3A_108 : i1 to i32
    %sign3A_110 = arith.constant 0 : i32
    %sign3A_111 = arith.cmpi slt, %sub3A_106, %sign3A_110 : i32
    %sign3A_112 = arith.extui %sign3A_111 : i1 to i32
    %sign3A_113 = arith.subi %sign3A_109, %sign3A_112 : i32
    %sign3A_114 = arith.constant 0 : i32
    %sign3A_115 = arith.cmpi sgt, %jit3A_107, %sign3A_114 : i32
    %sign3A_116 = arith.extui %sign3A_115 : i1 to i32
    %sign3A_117 = arith.constant 0 : i32
    %sign3A_118 = arith.cmpi slt, %jit3A_107, %sign3A_117 : i32
    %sign3A_119 = arith.extui %sign3A_118 : i1 to i32
    %sign3A_120 = arith.subi %sign3A_116, %sign3A_119 : i32
    %ne3A = arith.cmpi ne, %sign3A_113, %sign3A_120 : i32
    %rem3A = arith.remsi %sub3A_106, %jit3A_107 : i32
    %ne3A_121 = arith.constant 0 : i32
    %ne3A_122 = arith.cmpi ne, %rem3A, %ne3A_121 : i32
    %and3A = arith.andi %ne3A, %ne3A_122 : i1
    %sub3A_123 = arith.constant 1 : i32
    %sub3A_124 = arith.subi %div3A, %sub3A_123 : i32
    %select_n3A_125 = arith.select %and3A, %sub3A_124, %div3A : i32
    %scan3A_126 = arith.constant 0 : i32
    %scan3A_127 = arith.constant 0 : i32
    %scan3A_128 = arith.constant 32 : i32
    %scan3A_129 = arith.addi %scan3A_127, %scan3A_128 : i32
    %scan3A_130 = arith.constant 1 : i32
    %scan3A_131 = scf.for %scan3A_133 = %scan3A_127 to %scan3A_129 step %scan3A_130 iter_args(%scan3A_134 = %scan3A_126) -> (i32)  : i32 {
      %jit3A_135 = arith.constant 2 : i32
      %eq3A_136 = arith.constant 0 : i32
      %eq3A_137 = arith.cmpi eq, %jit3A_135, %eq3A_136 : i32
      %jit3A_138 = arith.constant 1 : i32
      %select_n3A_139 = arith.select %eq3A_137, %jit3A_138, %jit3A_135 : i32
      %rem3A_140 = arith.remsi %scan3A_133, %select_n3A_139 : i32
      %ne3A_141 = arith.constant 0 : i32
      %ne3A_142 = arith.cmpi ne, %rem3A_140, %ne3A_141 : i32
      %lt3A = arith.constant 0 : i32
      %lt3A_143 = arith.cmpi slt, %rem3A_140, %lt3A : i32
      %lt3A_144 = arith.constant 0 : i32
      %lt3A_145 = arith.cmpi slt, %select_n3A_139, %lt3A_144 : i32
      %ne3A_146 = arith.xori %lt3A_143, %lt3A_145 : i1
      %and3A_147 = arith.andi %ne3A_146, %ne3A_142 : i1
      %add3A_148 = arith.addi %rem3A_140, %select_n3A_139 : i32
      %select_n3A_149 = arith.select %and3A_147, %add3A_148, %rem3A_140 : i32
      %mul3A_150 = arith.constant 1024 : i32
      %mul3A_151 = arith.muli %scan3A_133, %mul3A_150 : i32
      %add3A_152 = arith.addi %mul3A_2, %mul3A_151 : i32
      %min3A_153 = arith.constant 999040 : i32
      %min3A_154 = arith.minsi %add3A_152, %min3A_153 : i32
      %multiple_of3A_155 = tpu.assume_multiple %min3A_154, 128 : i32
      %sub3A_156 = arith.subi %multiple_of3A_155, %mul3A_2 : i32
      %while3A = arith.constant 0 : i32
      %while3A_157 = arith.subi %select_n3A_125, %while3A : i32
      %while3A_158 = arith.addi %while3A, %while3A_157 : i32
      %while3A_159 = arith.constant 1 : i32
      %while3A_160 = arith.divsi %while3A_157, %while3A_159 : i32
      %while3A_161 = arith.muli %while3A_160, %while3A_159 : i32
      %while3A_162 = arith.addi %while3A, %while3A_161 : i32
      %while3A_163 = arith.constant 1 : i32
      %while3A_164 = scf.for %while3A_292 = %while3A to %while3A_162 step %while3A_163 iter_args(%while3A_293 = %broadcast_in_dim3A_5) -> (vector<16xi32>)  : i32 {
        %mul3A_294 = arith.constant 16 : i32
        %mul3A_295 = arith.muli %while3A_292, %mul3A_294 : i32
        %get3A = arith.index_cast %mul3A_295 : i32 to index
        %get3A_296 = tpu.vector_load %arg6[%get3A] {strides = array<i32>} : memref<32768xi32, #tpu.memory_space<vmem>>, vector<16xi32>,
        %mul3A_297 = arith.constant 16 : i32
        %mul3A_298 = arith.muli %while3A_292, %mul3A_297 : i32
        %add3A_299 = vector.broadcast %mul3A_298 : i32 to vector<16xi32>
        %add3A_300 = arith.addi %add3A_299, %iota3A : vector<16xi32>
        %lt3A_301 = vector.broadcast %reduce_max3A_103 : i32 to vector<16xi32>
        %lt3A_302 = arith.cmpi slt, %add3A_300, %lt3A_301 : vector<16xi32>
        %shift_right_arithmetic3A = arith.constant 14 : i32
        %shift_right_arithmetic3A_303 = vector.broadcast %shift_right_arithmetic3A : i32 to vector<16xi32>
        %shift_right_arithmetic3A_304 = arith.shrsi %get3A_296, %shift_right_arithmetic3A_303 : vector<16xi32>
        %ge3A = vector.broadcast %sub3A_156 : i32 to vector<16xi32>
        %ge3A_305 = arith.cmpi sge, %shift_right_arithmetic3A_304, %ge3A : vector<16xi32>
        %and3A_306 = arith.andi %lt3A_302, %ge3A_305 : vector<16xi1>
        %add3A_307 = arith.constant 1024 : i32
        %add3A_308 = arith.addi %sub3A_156, %add3A_307 : i32
        %lt3A_309 = vector.broadcast %add3A_308 : i32 to vector<16xi32>
        %lt3A_310 = arith.cmpi slt, %shift_right_arithmetic3A_304, %lt3A_309 : vector<16xi32>
        %and3A_311 = arith.andi %and3A_306, %lt3A_310 : vector<16xi1>
        %masked_cumsum3A = tpu.scan <sum>, %broadcast_in_dim3A_7 masked %and3A_311 : vector<16xi32>, vector<16xi1> -> vector<16xi32>
        %add3A_312 = arith.addi %while3A_293, %masked_cumsum3A : vector<16xi32>
        %sub3A_313 = arith.constant 1 : i32
        %sub3A_314 = vector.broadcast %sub3A_313 : i32 to vector<16xi32>
        %sub3A_315 = arith.subi %add3A_312, %sub3A_314 : vector<16xi32>
        %add3A_316 = arith.constant 16384 : i32
        %add3A_317 = vector.broadcast %add3A_316 : i32 to vector<16xi32>
        %add3A_318 = arith.addi %sub3A_315, %add3A_317 : vector<16xi32>
        tpu.vector_store_idx %arg6[%add3A_318], %get3A_296 masked %and3A_311 : memref<32768xi32, #tpu.memory_space<vmem>>[vector<16xi32>], vector<16xi32>, vector<16xi1>
        %all_reduce_population_count3A = tpu.all_reduce %and3A_311 {dim = 0 : i64, kind = #tpu.reduction_kind<sum>} : vector<16xi1> -> vector<16xi32>
        %add3A_319 = arith.addi %while3A_293, %all_reduce_population_count3A : vector<16xi32>
        scf.yield %add3A_319 : vector<16xi32>
      }
      %while3A_165 = arith.constant 1 : i32
      %while3A_166 = scf.for %while3A_292 = %while3A_162 to %while3A_158 step %while3A_165 iter_args(%while3A_293 = %while3A_164) -> (vector<16xi32>)  : i32 {
        %mul3A_294 = arith.constant 16 : i32
        %mul3A_295 = arith.muli %while3A_292, %mul3A_294 : i32
        %get3A = arith.index_cast %mul3A_295 : i32 to index
        %get3A_296 = tpu.vector_load %arg6[%get3A] {strides = array<i32>} : memref<32768xi32, #tpu.memory_space<vmem>>, vector<16xi32>,
        %mul3A_297 = arith.constant 16 : i32
        %mul3A_298 = arith.muli %while3A_292, %mul3A_297 : i32
        %add3A_299 = vector.broadcast %mul3A_298 : i32 to vector<16xi32>
        %add3A_300 = arith.addi %add3A_299, %iota3A : vector<16xi32>
        %lt3A_301 = vector.broadcast %reduce_max3A_103 : i32 to vector<16xi32>
        %lt3A_302 = arith.cmpi slt, %add3A_300, %lt3A_301 : vector<16xi32>
        %shift_right_arithmetic3A = arith.constant 14 : i32
        %shift_right_arithmetic3A_303 = vector.broadcast %shift_right_arithmetic3A : i32 to vector<16xi32>
        %shift_right_arithmetic3A_304 = arith.shrsi %get3A_296, %shift_right_arithmetic3A_303 : vector<16xi32>
        %ge3A = vector.broadcast %sub3A_156 : i32 to vector<16xi32>
        %ge3A_305 = arith.cmpi sge, %shift_right_arithmetic3A_304, %ge3A : vector<16xi32>
        %and3A_306 = arith.andi %lt3A_302, %ge3A_305 : vector<16xi1>
        %add3A_307 = arith.constant 1024 : i32
        %add3A_308 = arith.addi %sub3A_156, %add3A_307 : i32
        %lt3A_309 = vector.broadcast %add3A_308 : i32 to vector<16xi32>
        %lt3A_310 = arith.cmpi slt, %shift_right_arithmetic3A_304, %lt3A_309 : vector<16xi32>
        %and3A_311 = arith.andi %and3A_306, %lt3A_310 : vector<16xi1>
        %masked_cumsum3A = tpu.scan <sum>, %broadcast_in_dim3A_7 masked %and3A_311 : vector<16xi32>, vector<16xi1> -> vector<16xi32>
        %add3A_312 = arith.addi %while3A_293, %masked_cumsum3A : vector<16xi32>
        %sub3A_313 = arith.constant 1 : i32
        %sub3A_314 = vector.broadcast %sub3A_313 : i32 to vector<16xi32>
        %sub3A_315 = arith.subi %add3A_312, %sub3A_314 : vector<16xi32>
        %add3A_316 = arith.constant 16384 : i32
        %add3A_317 = vector.broadcast %add3A_316 : i32 to vector<16xi32>
        %add3A_318 = arith.addi %sub3A_315, %add3A_317 : vector<16xi32>
        tpu.vector_store_idx %arg6[%add3A_318], %get3A_296 masked %and3A_311 : memref<32768xi32, #tpu.memory_space<vmem>>[vector<16xi32>], vector<16xi32>, vector<16xi1>
        %all_reduce_population_count3A = tpu.all_reduce %and3A_311 {dim = 0 : i64, kind = #tpu.reduction_kind<sum>} : vector<16xi1> -> vector<16xi32>
        %add3A_319 = arith.addi %while3A_293, %all_reduce_population_count3A : vector<16xi32>
        scf.yield %add3A_319 : vector<16xi32>
      }
      %reduce_max3A_167 = arith.constant true
      %reduce_max3A_168 = vector.broadcast %reduce_max3A_167 : i1 to vector<16xi1>
      %reduce_max3A_169 = arith.constant -2147483648 : i32
      %reduce_max3A_170 = vector.broadcast %reduce_max3A_169 : i32 to vector<16xi32>
      %reduce_max3A_171 = arith.xori %while3A_166, %reduce_max3A_170 : vector<16xi32>
      %reduce_max3A_172 = tpu.scan <max>, %reduce_max3A_171 masked %reduce_max3A_168 : vector<16xi32>, vector<16xi1> -> vector<16xi32>
      %reduce_max3A_173 = arith.xori %reduce_max3A_172, %reduce_max3A_170 : vector<16xi32>
      %reduce_max3A_174 = vector.extract %reduce_max3A_173[15] : i32 from vector<16xi32>
      %dma_wait3A = arith.constant 0 : i32
      %dma_wait3A_175 = arith.constant 0 : i32
      %dma_wait3A_176 = arith.constant 0 : i32
      %dma_wait3A_177 = arith.constant 0 : i32
      %dma_wait3A_178 = tpu.memref_slice %arg7[%select_n3A_149, %dma_wait3A_175, %dma_wait3A_176, %dma_wait3A_177] : memref<2x4x8x1025xf32, #tpu.memory_space<vmem>> -> memref<1x1x8x1024xf32, #tpu.memory_space<vmem>>
      %dma_wait3A_179 = tpu.memref_squeeze %dma_wait3A_178 : memref<1x1x8x1024xf32, #tpu.memory_space<vmem>> -> memref<8x1024xf32, #tpu.memory_space<vmem>>
      %dma_wait3A_180 = arith.constant 0 : i32
      %dma_wait3A_181 = arith.constant 0 : i32
      %dma_wait3A_182 = tpu.memref_slice %arg2[%dma_wait3A, %dma_wait3A_180, %dma_wait3A_181] : memref<4x8x1000000xf32, #tpu.memory_space<hbm>> -> memref<1x8x1024xf32, #tpu.memory_space<hbm>>
      %dma_wait3A_183 = tpu.memref_squeeze %dma_wait3A_182 : memref<1x8x1024xf32, #tpu.memory_space<hbm>> -> memref<8x1024xf32, #tpu.memory_space<hbm>>
      %dma_wait3A_184 = arith.constant 0 : i32
      %dma_wait3A_185 = arith.constant 0 : i32
      %dma_wait3A_186 = tpu.memref_slice %arg7[%select_n3A_149, %dma_wait3A_175, %dma_wait3A_184, %dma_wait3A_185] : memref<2x4x8x1025xf32, #tpu.memory_space<vmem>> -> memref<1x1x8x1024xf32, #tpu.memory_space<vmem>>
      %dma_wait3A_187 = tpu.memref_squeeze %dma_wait3A_186 : memref<1x1x8x1024xf32, #tpu.memory_space<vmem>> -> memref<8x1024xf32, #tpu.memory_space<vmem>>
      %dma_wait3A_188 = arith.constant 0 : i32
      %dma_wait3A_189 = arith.constant 0 : i32
      %dma_wait3A_190 = tpu.memref_slice %arg2[%dma_wait3A, %dma_wait3A_188, %dma_wait3A_189] : memref<4x8x1000000xf32, #tpu.memory_space<hbm>> -> memref<1x8x1024xf32, #tpu.memory_space<hbm>>
      %dma_wait3A_191 = tpu.memref_squeeze %dma_wait3A_190 : memref<1x8x1024xf32, #tpu.memory_space<hbm>> -> memref<8x1024xf32, #tpu.memory_space<hbm>>
      tpu.wait_dma2 semaphore(%arg11 : memref<!tpu.dma_semaphore, #tpu.memory_space<semaphore_mem>>) src(%dma_wait3A_191 : memref<8x1024xf32, #tpu.memory_space<hbm>>) dst(%dma_wait3A_187 : memref<8x1024xf32, #tpu.memory_space<vmem>>)
      %dma_wait3A_192 = arith.constant 1 : i32
      %dma_wait3A_193 = arith.constant 1 : i32
      %dma_wait3A_194 = arith.constant 0 : i32
      %dma_wait3A_195 = arith.constant 0 : i32
      %dma_wait3A_196 = tpu.memref_slice %arg7[%select_n3A_149, %dma_wait3A_193, %dma_wait3A_194, %dma_wait3A_195] : memref<2x4x8x1025xf32, #tpu.memory_space<vmem>> -> memref<1x1x8x1024xf32, #tpu.memory_space<vmem>>
      %dma_wait3A_197 = tpu.memref_squeeze %dma_wait3A_196 : memref<1x1x8x1024xf32, #tpu.memory_space<vmem>> -> memref<8x1024xf32, #tpu.memory_space<vmem>>
      %dma_wait3A_198 = arith.constant 0 : i32
      %dma_wait3A_199 = arith.constant 0 : i32
      %dma_wait3A_200 = tpu.memref_slice %arg2[%dma_wait3A_192, %dma_wait3A_198, %dma_wait3A_199] : memref<4x8x1000000xf32, #tpu.memory_space<hbm>> -> memref<1x8x1024xf32, #tpu.memory_space<hbm>>
      %dma_wait3A_201 = tpu.memref_squeeze %dma_wait3A_200 : memref<1x8x1024xf32, #tpu.memory_space<hbm>> -> memref<8x1024xf32, #tpu.memory_space<hbm>>
      %dma_wait3A_202 = arith.constant 0 : i32
      %dma_wait3A_203 = arith.constant 0 : i32
      %dma_wait3A_204 = tpu.memref_slice %arg7[%select_n3A_149, %dma_wait3A_193, %dma_wait3A_202, %dma_wait3A_203] : memref<2x4x8x1025xf32, #tpu.memory_space<vmem>> -> memref<1x1x8x1024xf32, #tpu.memory_space<vmem>>
      %dma_wait3A_205 = tpu.memref_squeeze %dma_wait3A_204 : memref<1x1x8x1024xf32, #tpu.memory_space<vmem>> -> memref<8x1024xf32, #tpu.memory_space<vmem>>
      %dma_wait3A_206 = arith.constant 0 : i32
      %dma_wait3A_207 = arith.constant 0 : i32
      %dma_wait3A_208 = tpu.memref_slice %arg2[%dma_wait3A_192, %dma_wait3A_206, %dma_wait3A_207] : memref<4x8x1000000xf32, #tpu.memory_space<hbm>> -> memref<1x8x1024xf32, #tpu.memory_space<hbm>>
      %dma_wait3A_209 = tpu.memref_squeeze %dma_wait3A_208 : memref<1x8x1024xf32, #tpu.memory_space<hbm>> -> memref<8x1024xf32, #tpu.memory_space<hbm>>
      tpu.wait_dma2 semaphore(%arg11 : memref<!tpu.dma_semaphore, #tpu.memory_space<semaphore_mem>>) src(%dma_wait3A_209 : memref<8x1024xf32, #tpu.memory_space<hbm>>) dst(%dma_wait3A_205 : memref<8x1024xf32, #tpu.memory_space<vmem>>)
      %dma_wait3A_210 = arith.constant 2 : i32
      %dma_wait3A_211 = arith.constant 2 : i32
      %dma_wait3A_212 = arith.constant 0 : i32
      %dma_wait3A_213 = arith.constant 0 : i32
      %dma_wait3A_214 = tpu.memref_slice %arg7[%select_n3A_149, %dma_wait3A_211, %dma_wait3A_212, %dma_wait3A_213] : memref<2x4x8x1025xf32, #tpu.memory_space<vmem>> -> memref<1x1x8x1024xf32, #tpu.memory_space<vmem>>
      %dma_wait3A_215 = tpu.memref_squeeze %dma_wait3A_214 : memref<1x1x8x1024xf32, #tpu.memory_space<vmem>> -> memref<8x1024xf32, #tpu.memory_space<vmem>>
      %dma_wait3A_216 = arith.constant 0 : i32
      %dma_wait3A_217 = arith.constant 0 : i32
      %dma_wait3A_218 = tpu.memref_slice %arg2[%dma_wait3A_210, %dma_wait3A_216, %dma_wait3A_217] : memref<4x8x1000000xf32, #tpu.memory_space<hbm>> -> memref<1x8x1024xf32, #tpu.memory_space<hbm>>
      %dma_wait3A_219 = tpu.memref_squeeze %dma_wait3A_218 : memref<1x8x1024xf32, #tpu.memory_space<hbm>> -> memref<8x1024xf32, #tpu.memory_space<hbm>>
      %dma_wait3A_220 = arith.constant 0 : i32
      %dma_wait3A_221 = arith.constant 0 : i32
      %dma_wait3A_222 = tpu.memref_slice %arg7[%select_n3A_149, %dma_wait3A_211, %dma_wait3A_220, %dma_wait3A_221] : memref<2x4x8x1025xf32, #tpu.memory_space<vmem>> -> memref<1x1x8x1024xf32, #tpu.memory_space<vmem>>
      %dma_wait3A_223 = tpu.memref_squeeze %dma_wait3A_222 : memref<1x1x8x1024xf32, #tpu.memory_space<vmem>> -> memref<8x1024xf32, #tpu.memory_space<vmem>>
      %dma_wait3A_224 = arith.constant 0 : i32
      %dma_wait3A_225 = arith.constant 0 : i32
      %dma_wait3A_226 = tpu.memref_slice %arg2[%dma_wait3A_210, %dma_wait3A_224, %dma_wait3A_225] : memref<4x8x1000000xf32, #tpu.memory_space<hbm>> -> memref<1x8x1024xf32, #tpu.memory_space<hbm>>
      %dma_wait3A_227 = tpu.memref_squeeze %dma_wait3A_226 : memref<1x8x1024xf32, #tpu.memory_space<hbm>> -> memref<8x1024xf32, #tpu.memory_space<hbm>>
      tpu.wait_dma2 semaphore(%arg11 : memref<!tpu.dma_semaphore, #tpu.memory_space<semaphore_mem>>) src(%dma_wait3A_227 : memref<8x1024xf32, #tpu.memory_space<hbm>>) dst(%dma_wait3A_223 : memref<8x1024xf32, #tpu.memory_space<vmem>>)
      %dma_wait3A_228 = arith.constant 3 : i32
      %dma_wait3A_229 = arith.constant 3 : i32
      %dma_wait3A_230 = arith.constant 0 : i32
      %dma_wait3A_231 = arith.constant 0 : i32
      %dma_wait3A_232 = tpu.memref_slice %arg7[%select_n3A_149, %dma_wait3A_229, %dma_wait3A_230, %dma_wait3A_231] : memref<2x4x8x1025xf32, #tpu.memory_space<vmem>> -> memref<1x1x8x1024xf32, #tpu.memory_space<vmem>>
      %dma_wait3A_233 = tpu.memref_squeeze %dma_wait3A_232 : memref<1x1x8x1024xf32, #tpu.memory_space<vmem>> -> memref<8x1024xf32, #tpu.memory_space<vmem>>
      %dma_wait3A_234 = arith.constant 0 : i32
      %dma_wait3A_235 = arith.constant 0 : i32
      %dma_wait3A_236 = tpu.memref_slice %arg2[%dma_wait3A_228, %dma_wait3A_234, %dma_wait3A_235] : memref<4x8x1000000xf32, #tpu.memory_space<hbm>> -> memref<1x8x1024xf32, #tpu.memory_space<hbm>>
      %dma_wait3A_237 = tpu.memref_squeeze %dma_wait3A_236 : memref<1x8x1024xf32, #tpu.memory_space<hbm>> -> memref<8x1024xf32, #tpu.memory_space<hbm>>
      %dma_wait3A_238 = arith.constant 0 : i32
      %dma_wait3A_239 = arith.constant 0 : i32
      %dma_wait3A_240 = tpu.memref_slice %arg7[%select_n3A_149, %dma_wait3A_229, %dma_wait3A_238, %dma_wait3A_239] : memref<2x4x8x1025xf32, #tpu.memory_space<vmem>> -> memref<1x1x8x1024xf32, #tpu.memory_space<vmem>>
      %dma_wait3A_241 = tpu.memref_squeeze %dma_wait3A_240 : memref<1x1x8x1024xf32, #tpu.memory_space<vmem>> -> memref<8x1024xf32, #tpu.memory_space<vmem>>
      %dma_wait3A_242 = arith.constant 0 : i32
      %dma_wait3A_243 = arith.constant 0 : i32
      %dma_wait3A_244 = tpu.memref_slice %arg2[%dma_wait3A_228, %dma_wait3A_242, %dma_wait3A_243] : memref<4x8x1000000xf32, #tpu.memory_space<hbm>> -> memref<1x8x1024xf32, #tpu.memory_space<hbm>>
      %dma_wait3A_245 = tpu.memref_squeeze %dma_wait3A_244 : memref<1x8x1024xf32, #tpu.memory_space<hbm>> -> memref<8x1024xf32, #tpu.memory_space<hbm>>
      tpu.wait_dma2 semaphore(%arg11 : memref<!tpu.dma_semaphore, #tpu.memory_space<semaphore_mem>>) src(%dma_wait3A_245 : memref<8x1024xf32, #tpu.memory_space<hbm>>) dst(%dma_wait3A_241 : memref<8x1024xf32, #tpu.memory_space<vmem>>)
      %lt3A_246 = arith.constant 31 : i32
      %lt3A_247 = arith.cmpi slt, %scan3A_133, %lt3A_246 : i32
      %convert_element_type3A = arith.extui %lt3A_247 : i1 to i32
      %cond3A = arith.constant 0 : i32
      %cond3A_248 = arith.cmpi ne, %convert_element_type3A, %cond3A : i32
      scf.if %cond3A_248 {
        %add3A_292 = arith.constant 1 : i32
        %add3A_293 = arith.addi %scan3A_133, %add3A_292 : i32
        %sub3A_294 = arith.constant 1 : i32
        %sub3A_295 = arith.subi %sub3A_294, %select_n3A_149 : i32
        %mul3A_296 = arith.constant 1024 : i32
        %mul3A_297 = arith.muli %add3A_293, %mul3A_296 : i32
        %add3A_298 = arith.addi %mul3A_2, %mul3A_297 : i32
        %min3A_299 = arith.constant 999040 : i32
        %min3A_300 = arith.minsi %add3A_298, %min3A_299 : i32
        %multiple_of3A_301 = tpu.assume_multiple %min3A_300, 128 : i32
        %dma_start3A_302 = arith.constant 0 : i32
        %dma_start3A_303 = arith.constant 0 : i32
        %dma_start3A_304 = arith.constant 0 : i32
        %dma_start3A_305 = arith.constant 0 : i32
        %dma_start3A_306 = tpu.memref_slice %arg7[%sub3A_295, %dma_start3A_303, %dma_start3A_304, %dma_start3A_305] : memref<2x4x8x1025xf32, #tpu.memory_space<vmem>> -> memref<1x1x8x1024xf32, #tpu.memory_space<vmem>>
        %dma_start3A_307 = tpu.memref_squeeze %dma_start3A_306 : memref<1x1x8x1024xf32, #tpu.memory_space<vmem>> -> memref<8x1024xf32, #tpu.memory_space<vmem>>
        %dma_start3A_308 = arith.constant 0 : i32
        %dma_start3A_309 = tpu.memref_slice %arg2[%dma_start3A_302, %dma_start3A_308, %multiple_of3A_301] : memref<4x8x1000000xf32, #tpu.memory_space<hbm>> -> memref<1x8x1024xf32, #tpu.memory_space<hbm>>
        %dma_start3A_310 = tpu.memref_squeeze %dma_start3A_309 : memref<1x8x1024xf32, #tpu.memory_space<hbm>> -> memref<8x1024xf32, #tpu.memory_space<hbm>>
        %dma_start3A_311 = arith.constant 0 : i32
        %dma_start3A_312 = arith.constant 0 : i32
        %dma_start3A_313 = tpu.memref_slice %arg7[%sub3A_295, %dma_start3A_303, %dma_start3A_311, %dma_start3A_312] : memref<2x4x8x1025xf32, #tpu.memory_space<vmem>> -> memref<1x1x8x1024xf32, #tpu.memory_space<vmem>>
        %dma_start3A_314 = tpu.memref_squeeze %dma_start3A_313 : memref<1x1x8x1024xf32, #tpu.memory_space<vmem>> -> memref<8x1024xf32, #tpu.memory_space<vmem>>
        %dma_start3A_315 = arith.constant 0 : i32
        %dma_start3A_316 = tpu.memref_slice %arg2[%dma_start3A_302, %dma_start3A_315, %multiple_of3A_301] : memref<4x8x1000000xf32, #tpu.memory_space<hbm>> -> memref<1x8x1024xf32, #tpu.memory_space<hbm>>
        %dma_start3A_317 = tpu.memref_squeeze %dma_start3A_316 : memref<1x8x1024xf32, #tpu.memory_space<hbm>> -> memref<8x1024xf32, #tpu.memory_space<hbm>>
        tpu.enqueue_dma source(%dma_start3A_317 : memref<8x1024xf32, #tpu.memory_space<hbm>>) target(%dma_start3A_314 : memref<8x1024xf32, #tpu.memory_space<vmem>>) target_semaphore(%arg11 : memref<!tpu.dma_semaphore, #tpu.memory_space<semaphore_mem>>)
        %dma_start3A_318 = arith.constant 1 : i32
        %dma_start3A_319 = arith.constant 1 : i32
        %dma_start3A_320 = arith.constant 0 : i32
        %dma_start3A_321 = arith.constant 0 : i32
        %dma_start3A_322 = tpu.memref_slice %arg7[%sub3A_295, %dma_start3A_319, %dma_start3A_320, %dma_start3A_321] : memref<2x4x8x1025xf32, #tpu.memory_space<vmem>> -> memref<1x1x8x1024xf32, #tpu.memory_space<vmem>>
        %dma_start3A_323 = tpu.memref_squeeze %dma_start3A_322 : memref<1x1x8x1024xf32, #tpu.memory_space<vmem>> -> memref<8x1024xf32, #tpu.memory_space<vmem>>
        %dma_start3A_324 = arith.constant 0 : i32
        %dma_start3A_325 = tpu.memref_slice %arg2[%dma_start3A_318, %dma_start3A_324, %multiple_of3A_301] : memref<4x8x1000000xf32, #tpu.memory_space<hbm>> -> memref<1x8x1024xf32, #tpu.memory_space<hbm>>
        %dma_start3A_326 = tpu.memref_squeeze %dma_start3A_325 : memref<1x8x1024xf32, #tpu.memory_space<hbm>> -> memref<8x1024xf32, #tpu.memory_space<hbm>>
        %dma_start3A_327 = arith.constant 0 : i32
        %dma_start3A_328 = arith.constant 0 : i32
        %dma_start3A_329 = tpu.memref_slice %arg7[%sub3A_295, %dma_start3A_319, %dma_start3A_327, %dma_start3A_328] : memref<2x4x8x1025xf32, #tpu.memory_space<vmem>> -> memref<1x1x8x1024xf32, #tpu.memory_space<vmem>>
        %dma_start3A_330 = tpu.memref_squeeze %dma_start3A_329 : memref<1x1x8x1024xf32, #tpu.memory_space<vmem>> -> memref<8x1024xf32, #tpu.memory_space<vmem>>
        %dma_start3A_331 = arith.constant 0 : i32
        %dma_start3A_332 = tpu.memref_slice %arg2[%dma_start3A_318, %dma_start3A_331, %multiple_of3A_301] : memref<4x8x1000000xf32, #tpu.memory_space<hbm>> -> memref<1x8x1024xf32, #tpu.memory_space<hbm>>
        %dma_start3A_333 = tpu.memref_squeeze %dma_start3A_332 : memref<1x8x1024xf32, #tpu.memory_space<hbm>> -> memref<8x1024xf32, #tpu.memory_space<hbm>>
        tpu.enqueue_dma source(%dma_start3A_333 : memref<8x1024xf32, #tpu.memory_space<hbm>>) target(%dma_start3A_330 : memref<8x1024xf32, #tpu.memory_space<vmem>>) target_semaphore(%arg11 : memref<!tpu.dma_semaphore, #tpu.memory_space<semaphore_mem>>)
        %dma_start3A_334 = arith.constant 2 : i32
        %dma_start3A_335 = arith.constant 2 : i32
        %dma_start3A_336 = arith.constant 0 : i32
        %dma_start3A_337 = arith.constant 0 : i32
        %dma_start3A_338 = tpu.memref_slice %arg7[%sub3A_295, %dma_start3A_335, %dma_start3A_336, %dma_start3A_337] : memref<2x4x8x1025xf32, #tpu.memory_space<vmem>> -> memref<1x1x8x1024xf32, #tpu.memory_space<vmem>>
        %dma_start3A_339 = tpu.memref_squeeze %dma_start3A_338 : memref<1x1x8x1024xf32, #tpu.memory_space<vmem>> -> memref<8x1024xf32, #tpu.memory_space<vmem>>
        %dma_start3A_340 = arith.constant 0 : i32
        %dma_start3A_341 = tpu.memref_slice %arg2[%dma_start3A_334, %dma_start3A_340, %multiple_of3A_301] : memref<4x8x1000000xf32, #tpu.memory_space<hbm>> -> memref<1x8x1024xf32, #tpu.memory_space<hbm>>
        %dma_start3A_342 = tpu.memref_squeeze %dma_start3A_341 : memref<1x8x1024xf32, #tpu.memory_space<hbm>> -> memref<8x1024xf32, #tpu.memory_space<hbm>>
        %dma_start3A_343 = arith.constant 0 : i32
        %dma_start3A_344 = arith.constant 0 : i32
        %dma_start3A_345 = tpu.memref_slice %arg7[%sub3A_295, %dma_start3A_335, %dma_start3A_343, %dma_start3A_344] : memref<2x4x8x1025xf32, #tpu.memory_space<vmem>> -> memref<1x1x8x1024xf32, #tpu.memory_space<vmem>>
        %dma_start3A_346 = tpu.memref_squeeze %dma_start3A_345 : memref<1x1x8x1024xf32, #tpu.memory_space<vmem>> -> memref<8x1024xf32, #tpu.memory_space<vmem>>
        %dma_start3A_347 = arith.constant 0 : i32
        %dma_start3A_348 = tpu.memref_slice %arg2[%dma_start3A_334, %dma_start3A_347, %multiple_of3A_301] : memref<4x8x1000000xf32, #tpu.memory_space<hbm>> -> memref<1x8x1024xf32, #tpu.memory_space<hbm>>
        %dma_start3A_349 = tpu.memref_squeeze %dma_start3A_348 : memref<1x8x1024xf32, #tpu.memory_space<hbm>> -> memref<8x1024xf32, #tpu.memory_space<hbm>>
        tpu.enqueue_dma source(%dma_start3A_349 : memref<8x1024xf32, #tpu.memory_space<hbm>>) target(%dma_start3A_346 : memref<8x1024xf32, #tpu.memory_space<vmem>>) target_semaphore(%arg11 : memref<!tpu.dma_semaphore, #tpu.memory_space<semaphore_mem>>)
        %dma_start3A_350 = arith.constant 3 : i32
        %dma_start3A_351 = arith.constant 3 : i32
        %dma_start3A_352 = arith.constant 0 : i32
        %dma_start3A_353 = arith.constant 0 : i32
        %dma_start3A_354 = tpu.memref_slice %arg7[%sub3A_295, %dma_start3A_351, %dma_start3A_352, %dma_start3A_353] : memref<2x4x8x1025xf32, #tpu.memory_space<vmem>> -> memref<1x1x8x1024xf32, #tpu.memory_space<vmem>>
        %dma_start3A_355 = tpu.memref_squeeze %dma_start3A_354 : memref<1x1x8x1024xf32, #tpu.memory_space<vmem>> -> memref<8x1024xf32, #tpu.memory_space<vmem>>
        %dma_start3A_356 = arith.constant 0 : i32
        %dma_start3A_357 = tpu.memref_slice %arg2[%dma_start3A_350, %dma_start3A_356, %multiple_of3A_301] : memref<4x8x1000000xf32, #tpu.memory_space<hbm>> -> memref<1x8x1024xf32, #tpu.memory_space<hbm>>
        %dma_start3A_358 = tpu.memref_squeeze %dma_start3A_357 : memref<1x8x1024xf32, #tpu.memory_space<hbm>> -> memref<8x1024xf32, #tpu.memory_space<hbm>>
        %dma_start3A_359 = arith.constant 0 : i32
        %dma_start3A_360 = arith.constant 0 : i32
        %dma_start3A_361 = tpu.memref_slice %arg7[%sub3A_295, %dma_start3A_351, %dma_start3A_359, %dma_start3A_360] : memref<2x4x8x1025xf32, #tpu.memory_space<vmem>> -> memref<1x1x8x1024xf32, #tpu.memory_space<vmem>>
        %dma_start3A_362 = tpu.memref_squeeze %dma_start3A_361 : memref<1x1x8x1024xf32, #tpu.memory_space<vmem>> -> memref<8x1024xf32, #tpu.memory_space<vmem>>
        %dma_start3A_363 = arith.constant 0 : i32
        %dma_start3A_364 = tpu.memref_slice %arg2[%dma_start3A_350, %dma_start3A_363, %multiple_of3A_301] : memref<4x8x1000000xf32, #tpu.memory_space<hbm>> -> memref<1x8x1024xf32, #tpu.memory_space<hbm>>
        %dma_start3A_365 = tpu.memref_squeeze %dma_start3A_364 : memref<1x8x1024xf32, #tpu.memory_space<hbm>> -> memref<8x1024xf32, #tpu.memory_space<hbm>>
        tpu.enqueue_dma source(%dma_start3A_365 : memref<8x1024xf32, #tpu.memory_space<hbm>>) target(%dma_start3A_362 : memref<8x1024xf32, #tpu.memory_space<vmem>>) target_semaphore(%arg11 : memref<!tpu.dma_semaphore, #tpu.memory_space<semaphore_mem>>)
      } else {
      }
      %add3A_249 = vector.broadcast %select_n3A_149 : i32 to vector<16xi32>
      %add3A_250 = arith.addi %broadcast_in_dim3A_5, %add3A_249 : vector<16xi32>
      %add3A_251 = arith.constant 64 : i32
      %add3A_252 = arith.addi %reduce_max3A_174, %add3A_251 : i32
      %sub3A_253 = arith.constant 1 : i32
      %sub3A_254 = arith.subi %add3A_252, %sub3A_253 : i32
      %jit3A_255 = arith.constant 64 : i32
      %div3A_256 = arith.divsi %sub3A_254, %jit3A_255 : i32
      %sign3A_257 = arith.constant 0 : i32
      %sign3A_258 = arith.cmpi sgt, %sub3A_254, %sign3A_257 : i32
      %sign3A_259 = arith.extui %sign3A_258 : i1 to i32
      %sign3A_260 = arith.constant 0 : i32
      %sign3A_261 = arith.cmpi slt, %sub3A_254, %sign3A_260 : i32
      %sign3A_262 = arith.extui %sign3A_261 : i1 to i32
      %sign3A_263 = arith.subi %sign3A_259, %sign3A_262 : i32
      %sign3A_264 = arith.constant 0 : i32
      %sign3A_265 = arith.cmpi sgt, %jit3A_255, %sign3A_264 : i32
      %sign3A_266 = arith.extui %sign3A_265 : i1 to i32
      %sign3A_267 = arith.constant 0 : i32
      %sign3A_268 = arith.cmpi slt, %jit3A_255, %sign3A_267 : i32
      %sign3A_269 = arith.extui %sign3A_268 : i1 to i32
      %sign3A_270 = arith.subi %sign3A_266, %sign3A_269 : i32
      %ne3A_271 = arith.cmpi ne, %sign3A_263, %sign3A_270 : i32
      %rem3A_272 = arith.remsi %sub3A_254, %jit3A_255 : i32
      %ne3A_273 = arith.constant 0 : i32
      %ne3A_274 = arith.cmpi ne, %rem3A_272, %ne3A_273 : i32
      %and3A_275 = arith.andi %ne3A_271, %ne3A_274 : i1
      %sub3A_276 = arith.constant 1 : i32
      %sub3A_277 = arith.subi %div3A_256, %sub3A_276 : i32
      %select_n3A_278 = arith.select %and3A_275, %sub3A_277, %div3A_256 : i32
      %while3A_279 = arith.constant 0 : i32
      %while3A_280 = arith.constant 0 : i32
      %while3A_281 = arith.subi %select_n3A_278, %while3A_279 : i32
      %while3A_282 = arith.addi %while3A_279, %while3A_281 : i32
      %while3A_283 = arith.constant 1 : i32
      %while3A_284 = arith.divsi %while3A_281, %while3A_283 : i32
      %while3A_285 = arith.muli %while3A_284, %while3A_283 : i32
      %while3A_286 = arith.addi %while3A_279, %while3A_285 : i32
      %while3A_287 = arith.constant 1 : i32
      %while3A_288 = scf.for %while3A_292 = %while3A_279 to %while3A_286 step %while3A_287 iter_args(%while3A_293 = %while3A_280) -> (i32)  : i32 {
        %mul3A_294 = arith.constant 64 : i32
        %mul3A_295 = arith.muli %while3A_292, %mul3A_294 : i32
        %add3A_296 = arith.constant 16384 : i32
        %add3A_297 = vector.broadcast %add3A_296 : i32 to vector<16xi32>
        %add3A_298 = arith.addi %add3A_297, %iota3A : vector<16xi32>
        %swap3A = arith.constant 0 : index
        %swap3A_299 = tpu.vector_load %arg9[%swap3A] {strides = array<i32>} : memref<64xi32, #tpu.memory_space<vmem>>, vector<16xi32>,
        tpu.vector_store %arg9[%swap3A], %add3A_298 {strides = array<i32>} : memref<64xi32, #tpu.memory_space<vmem>>, vector<16xi32>,
        %add3A_300 = arith.constant 16400 : i32
        %add3A_301 = vector.broadcast %add3A_300 : i32 to vector<16xi32>
        %add3A_302 = arith.addi %add3A_301, %iota3A : vector<16xi32>
        %swap3A_303 = arith.constant 16 : index
        %swap3A_304 = tpu.vector_load %arg9[%swap3A_303] {strides = array<i32>} : memref<64xi32, #tpu.memory_space<vmem>>, vector<16xi32>,
        tpu.vector_store %arg9[%swap3A_303], %add3A_302 {strides = array<i32>} : memref<64xi32, #tpu.memory_space<vmem>>, vector<16xi32>,
        %add3A_305 = arith.constant 16416 : i32
        %add3A_306 = vector.broadcast %add3A_305 : i32 to vector<16xi32>
        %add3A_307 = arith.addi %add3A_306, %iota3A : vector<16xi32>
        %swap3A_308 = arith.constant 32 : index
        %swap3A_309 = tpu.vector_load %arg9[%swap3A_308] {strides = array<i32>} : memref<64xi32, #tpu.memory_space<vmem>>, vector<16xi32>,
        tpu.vector_store %arg9[%swap3A_308], %add3A_307 {strides = array<i32>} : memref<64xi32, #tpu.memory_space<vmem>>, vector<16xi32>,
        %add3A_310 = arith.constant 16432 : i32
        %add3A_311 = vector.broadcast %add3A_310 : i32 to vector<16xi32>
        %add3A_312 = arith.addi %add3A_311, %iota3A : vector<16xi32>
        %swap3A_313 = arith.constant 48 : index
        %swap3A_314 = tpu.vector_load %arg9[%swap3A_313] {strides = array<i32>} : memref<64xi32, #tpu.memory_space<vmem>>, vector<16xi32>,
        tpu.vector_store %arg9[%swap3A_313], %add3A_312 {strides = array<i32>} : memref<64xi32, #tpu.memory_space<vmem>>, vector<16xi32>,
        %add3A_315 = arith.constant 0 : i32
        %add3A_316 = arith.addi %mul3A_295, %add3A_315 : i32
        %add3A_317 = vector.broadcast %add3A_316 : i32 to vector<16xi32>
        %add3A_318 = arith.addi %add3A_317, %iota3A : vector<16xi32>
        %lt3A_319 = vector.broadcast %reduce_max3A_174 : i32 to vector<16xi32>
        %lt3A_320 = arith.cmpi slt, %add3A_318, %lt3A_319 : vector<16xi32>
        %add3A_321 = arith.constant 16384 : i32
        %add3A_322 = arith.addi %add3A_321, %add3A_316 : i32
        %get3A = arith.index_cast %add3A_322 : i32 to index
        %get3A_323 = tpu.vector_load %arg6[%get3A] {strides = array<i32>} : memref<32768xi32, #tpu.memory_space<vmem>>, vector<16xi32>,
        %shift_right_arithmetic3A = arith.constant 14 : i32
        %shift_right_arithmetic3A_324 = vector.broadcast %shift_right_arithmetic3A : i32 to vector<16xi32>
        %shift_right_arithmetic3A_325 = arith.shrsi %get3A_323, %shift_right_arithmetic3A_324 : vector<16xi32>
        %sub3A_326 = vector.broadcast %sub3A_156 : i32 to vector<16xi32>
        %sub3A_327 = arith.subi %shift_right_arithmetic3A_325, %sub3A_326 : vector<16xi32>
        %jit3A_328 = arith.constant 0 : i32
        %broadcast_in_dim3A_329 = vector.broadcast %jit3A_328 : i32 to vector<16xi32>
        %select_n3A_330 = arith.select %lt3A_320, %sub3A_327, %broadcast_in_dim3A_329 : vector<16xi1>, vector<16xi32>
        %add3A_331 = arith.constant 0 : i32
        %add3A_332 = vector.broadcast %add3A_331 : i32 to vector<16xi32>
        %add3A_333 = arith.addi %broadcast_in_dim3A_5, %add3A_332 : vector<16xi32>
        %add3A_334 = arith.constant 0 : i32
        %add3A_335 = vector.broadcast %add3A_334 : i32 to vector<16xi32>
        %add3A_336 = arith.addi %broadcast_in_dim3A_5, %add3A_335 : vector<16xi32>
        %gather3A = tpu.vector_load_idx %arg7[%add3A_250, %add3A_333, %add3A_336, %select_n3A_330] masked %lt3A_320 : memref<2x4x8x1025xf32, #tpu.memory_space<vmem>>[vector<16xi32>, vector<16xi32>, vector<16xi32>, vector<16xi32>], vector<16xf32>, vector<16xi1>
        %add3A_337 = arith.constant 0 : i32
        %add3A_338 = vector.broadcast %add3A_337 : i32 to vector<16xi32>
        %add3A_339 = arith.addi %iota3A, %add3A_338 : vector<16xi32>
        %add3A_340 = arith.constant 0 : i32
        %add3A_341 = vector.broadcast %add3A_340 : i32 to vector<16xi32>
        %add3A_342 = arith.addi %broadcast_in_dim3A_5, %add3A_341 : vector<16xi32>
        tpu.vector_store_idx %arg8[%add3A_339, %add3A_342], %gather3A : memref<64x128xf32, #tpu.memory_space<vmem>>[vector<16xi32>, vector<16xi32>], vector<16xf32>,
        %add3A_343 = arith.constant 0 : i32
        %add3A_344 = vector.broadcast %add3A_343 : i32 to vector<16xi32>
        %add3A_345 = arith.addi %broadcast_in_dim3A_5, %add3A_344 : vector<16xi32>
        %add3A_346 = arith.constant 1 : i32
        %add3A_347 = vector.broadcast %add3A_346 : i32 to vector<16xi32>
        %add3A_348 = arith.addi %broadcast_in_dim3A_5, %add3A_347 : vector<16xi32>
        %gather3A_349 = tpu.vector_load_idx %arg7[%add3A_250, %add3A_345, %add3A_348, %select_n3A_330] masked %lt3A_320 : memref<2x4x8x1025xf32, #tpu.memory_space<vmem>>[vector<16xi32>, vector<16xi32>, vector<16xi32>, vector<16xi32>], vector<16xf32>, vector<16xi1>
        %add3A_350 = arith.constant 0 : i32
        %add3A_351 = vector.broadcast %add3A_350 : i32 to vector<16xi32>
        %add3A_352 = arith.addi %iota3A, %add3A_351 : vector<16xi32>
        %add3A_353 = arith.constant 1 : i32
        %add3A_354 = vector.broadcast %add3A_353 : i32 to vector<16xi32>
        %add3A_355 = arith.addi %broadcast_in_dim3A_5, %add3A_354 : vector<16xi32>
        tpu.vector_store_idx %arg8[%add3A_352, %add3A_355], %gather3A_349 : memref<64x128xf32, #tpu.memory_space<vmem>>[vector<16xi32>, vector<16xi32>], vector<16xf32>,
        %add3A_356 = arith.constant 0 : i32
        %add3A_357 = vector.broadcast %add3A_356 : i32 to vector<16xi32>
        %add3A_358 = arith.addi %broadcast_in_dim3A_5, %add3A_357 : vector<16xi32>
        %add3A_359 = arith.constant 2 : i32
        %add3A_360 = vector.broadcast %add3A_359 : i32 to vector<16xi32>
        %add3A_361 = arith.addi %broadcast_in_dim3A_5, %add3A_360 : vector<16xi32>
        %gather3A_362 = tpu.vector_load_idx %arg7[%add3A_250, %add3A_358, %add3A_361, %select_n3A_330] masked %lt3A_320 : memref<2x4x8x1025xf32, #tpu.memory_space<vmem>>[vector<16xi32>, vector<16xi32>, vector<16xi32>, vector<16xi32>], vector<16xf32>, vector<16xi1>
        %add3A_363 = arith.constant 0 : i32
        %add3A_364 = vector.broadcast %add3A_363 : i32 to vector<16xi32>
        %add3A_365 = arith.addi %iota3A, %add3A_364 : vector<16xi32>
        %add3A_366 = arith.constant 2 : i32
        %add3A_367 = vector.broadcast %add3A_366 : i32 to vector<16xi32>
        %add3A_368 = arith.addi %broadcast_in_dim3A_5, %add3A_367 : vector<16xi32>
        tpu.vector_store_idx %arg8[%add3A_365, %add3A_368], %gather3A_362 : memref<64x128xf32, #tpu.memory_space<vmem>>[vector<16xi32>, vector<16xi32>], vector<16xf32>,
        %add3A_369 = arith.constant 0 : i32
        %add3A_370 = vector.broadcast %add3A_369 : i32 to vector<16xi32>
        %add3A_371 = arith.addi %broadcast_in_dim3A_5, %add3A_370 : vector<16xi32>
        %add3A_372 = arith.constant 3 : i32
        %add3A_373 = vector.broadcast %add3A_372 : i32 to vector<16xi32>
        %add3A_374 = arith.addi %broadcast_in_dim3A_5, %add3A_373 : vector<16xi32>
        %gather3A_375 = tpu.vector_load_idx %arg7[%add3A_250, %add3A_371, %add3A_374, %select_n3A_330] masked %lt3A_320 : memref<2x4x8x1025xf32, #tpu.memory_space<vmem>>[vector<16xi32>, vector<16xi32>, vector<16xi32>, vector<16xi32>], vector<16xf32>, vector<16xi1>
        %add3A_376 = arith.constant 0 : i32
        %add3A_377 = vector.broadcast %add3A_376 : i32 to vector<16xi32>
        %add3A_378 = arith.addi %iota3A, %add3A_377 : vector<16xi32>
        %add3A_379 = arith.constant 3 : i32
        %add3A_380 = vector.broadcast %add3A_379 : i32 to vector<16xi32>
        %add3A_381 = arith.addi %broadcast_in_dim3A_5, %add3A_380 : vector<16xi32>
        tpu.vector_store_idx %arg8[%add3A_378, %add3A_381], %gather3A_375 : memref<64x128xf32, #tpu.memory_space<vmem>>[vector<16xi32>, vector<16xi32>], vector<16xf32>,
        %add3A_382 = arith.constant 0 : i32
        %add3A_383 = vector.broadcast %add3A_382 : i32 to vector<16xi32>
        %add3A_384 = arith.addi %broadcast_in_dim3A_5, %add3A_383 : vector<16xi32>
        %add3A_385 = arith.constant 4 : i32
        %add3A_386 = vector.broadcast %add3A_385 : i32 to vector<16xi32>
        %add3A_387 = arith.addi %broadcast_in_dim3A_5, %add3A_386 : vector<16xi32>
        %gather3A_388 = tpu.vector_load_idx %arg7[%add3A_250, %add3A_384, %add3A_387, %select_n3A_330] masked %lt3A_320 : memref<2x4x8x1025xf32, #tpu.memory_space<vmem>>[vector<16xi32>, vector<16xi32>, vector<16xi32>, vector<16xi32>], vector<16xf32>, vector<16xi1>
        %add3A_389 = arith.constant 0 : i32
        %add3A_390 = vector.broadcast %add3A_389 : i32 to vector<16xi32>
        %add3A_391 = arith.addi %iota3A, %add3A_390 : vector<16xi32>
        %add3A_392 = arith.constant 4 : i32
        %add3A_393 = vector.broadcast %add3A_392 : i32 to vector<16xi32>
        %add3A_394 = arith.addi %broadcast_in_dim3A_5, %add3A_393 : vector<16xi32>
        tpu.vector_store_idx %arg8[%add3A_391, %add3A_394], %gather3A_388 : memref<64x128xf32, #tpu.memory_space<vmem>>[vector<16xi32>, vector<16xi32>], vector<16xf32>,
        %add3A_395 = arith.constant 0 : i32
        %add3A_396 = vector.broadcast %add3A_395 : i32 to vector<16xi32>
        %add3A_397 = arith.addi %broadcast_in_dim3A_5, %add3A_396 : vector<16xi32>
        %add3A_398 = arith.constant 5 : i32
        %add3A_399 = vector.broadcast %add3A_398 : i32 to vector<16xi32>
        %add3A_400 = arith.addi %broadcast_in_dim3A_5, %add3A_399 : vector<16xi32>
        %gather3A_401 = tpu.vector_load_idx %arg7[%add3A_250, %add3A_397, %add3A_400, %select_n3A_330] masked %lt3A_320 : memref<2x4x8x1025xf32, #tpu.memory_space<vmem>>[vector<16xi32>, vector<16xi32>, vector<16xi32>, vector<16xi32>], vector<16xf32>, vector<16xi1>
        %add3A_402 = arith.constant 0 : i32
        %add3A_403 = vector.broadcast %add3A_402 : i32 to vector<16xi32>
        %add3A_404 = arith.addi %iota3A, %add3A_403 : vector<16xi32>
        %add3A_405 = arith.constant 5 : i32
        %add3A_406 = vector.broadcast %add3A_405 : i32 to vector<16xi32>
        %add3A_407 = arith.addi %broadcast_in_dim3A_5, %add3A_406 : vector<16xi32>
        tpu.vector_store_idx %arg8[%add3A_404, %add3A_407], %gather3A_401 : memref<64x128xf32, #tpu.memory_space<vmem>>[vector<16xi32>, vector<16xi32>], vector<16xf32>,
        %add3A_408 = arith.constant 0 : i32
        %add3A_409 = vector.broadcast %add3A_408 : i32 to vector<16xi32>
        %add3A_410 = arith.addi %broadcast_in_dim3A_5, %add3A_409 : vector<16xi32>
        %add3A_411 = arith.constant 6 : i32
        %add3A_412 = vector.broadcast %add3A_411 : i32 to vector<16xi32>
        %add3A_413 = arith.addi %broadcast_in_dim3A_5, %add3A_412 : vector<16xi32>
        %gather3A_414 = tpu.vector_load_idx %arg7[%add3A_250, %add3A_410, %add3A_413, %select_n3A_330] masked %lt3A_320 : memref<2x4x8x1025xf32, #tpu.memory_space<vmem>>[vector<16xi32>, vector<16xi32>, vector<16xi32>, vector<16xi32>], vector<16xf32>, vector<16xi1>
        %add3A_415 = arith.constant 0 : i32
        %add3A_416 = vector.broadcast %add3A_415 : i32 to vector<16xi32>
        %add3A_417 = arith.addi %iota3A, %add3A_416 : vector<16xi32>
        %add3A_418 = arith.constant 6 : i32
        %add3A_419 = vector.broadcast %add3A_418 : i32 to vector<16xi32>
        %add3A_420 = arith.addi %broadcast_in_dim3A_5, %add3A_419 : vector<16xi32>
        tpu.vector_store_idx %arg8[%add3A_417, %add3A_420], %gather3A_414 : memref<64x128xf32, #tpu.memory_space<vmem>>[vector<16xi32>, vector<16xi32>], vector<16xf32>,
        %add3A_421 = arith.constant 0 : i32
        %add3A_422 = vector.broadcast %add3A_421 : i32 to vector<16xi32>
        %add3A_423 = arith.addi %broadcast_in_dim3A_5, %add3A_422 : vector<16xi32>
        %add3A_424 = arith.constant 7 : i32
        %add3A_425 = vector.broadcast %add3A_424 : i32 to vector<16xi32>
        %add3A_426 = arith.addi %broadcast_in_dim3A_5, %add3A_425 : vector<16xi32>
        %gather3A_427 = tpu.vector_load_idx %arg7[%add3A_250, %add3A_423, %add3A_426, %select_n3A_330] masked %lt3A_320 : memref<2x4x8x1025xf32, #tpu.memory_space<vmem>>[vector<16xi32>, vector<16xi32>, vector<16xi32>, vector<16xi32>], vector<16xf32>, vector<16xi1>
        %add3A_428 = arith.constant 0 : i32
        %add3A_429 = vector.broadcast %add3A_428 : i32 to vector<16xi32>
        %add3A_430 = arith.addi %iota3A, %add3A_429 : vector<16xi32>
        %add3A_431 = arith.constant 7 : i32
        %add3A_432 = vector.broadcast %add3A_431 : i32 to vector<16xi32>
        %add3A_433 = arith.addi %broadcast_in_dim3A_5, %add3A_432 : vector<16xi32>
        tpu.vector_store_idx %arg8[%add3A_430, %add3A_433], %gather3A_427 : memref<64x128xf32, #tpu.memory_space<vmem>>[vector<16xi32>, vector<16xi32>], vector<16xf32>,
        %add3A_434 = arith.constant 1 : i32
        %add3A_435 = vector.broadcast %add3A_434 : i32 to vector<16xi32>
        %add3A_436 = arith.addi %broadcast_in_dim3A_5, %add3A_435 : vector<16xi32>
        %add3A_437 = arith.constant 0 : i32
        %add3A_438 = vector.broadcast %add3A_437 : i32 to vector<16xi32>
        %add3A_439 = arith.addi %broadcast_in_dim3A_5, %add3A_438 : vector<16xi32>
        %gather3A_440 = tpu.vector_load_idx %arg7[%add3A_250, %add3A_436, %add3A_439, %select_n3A_330] masked %lt3A_320 : memref<2x4x8x1025xf32, #tpu.memory_space<vmem>>[vector<16xi32>, vector<16xi32>, vector<16xi32>, vector<16xi32>], vector<16xf32>, vector<16xi1>
        %add3A_441 = arith.constant 0 : i32
        %add3A_442 = vector.broadcast %add3A_441 : i32 to vector<16xi32>
        %add3A_443 = arith.addi %iota3A, %add3A_442 : vector<16xi32>
        %add3A_444 = arith.constant 8 : i32
        %add3A_445 = vector.broadcast %add3A_444 : i32 to vector<16xi32>
        %add3A_446 = arith.addi %broadcast_in_dim3A_5, %add3A_445 : vector<16xi32>
        tpu.vector_store_idx %arg8[%add3A_443, %add3A_446], %gather3A_440 : memref<64x128xf32, #tpu.memory_space<vmem>>[vector<16xi32>, vector<16xi32>], vector<16xf32>,
        %add3A_447 = arith.constant 1 : i32
        %add3A_448 = vector.broadcast %add3A_447 : i32 to vector<16xi32>
        %add3A_449 = arith.addi %broadcast_in_dim3A_5, %add3A_448 : vector<16xi32>
        %add3A_450 = arith.constant 1 : i32
        %add3A_451 = vector.broadcast %add3A_450 : i32 to vector<16xi32>
        %add3A_452 = arith.addi %broadcast_in_dim3A_5, %add3A_451 : vector<16xi32>
        %gather3A_453 = tpu.vector_load_idx %arg7[%add3A_250, %add3A_449, %add3A_452, %select_n3A_330] masked %lt3A_320 : memref<2x4x8x1025xf32, #tpu.memory_space<vmem>>[vector<16xi32>, vector<16xi32>, vector<16xi32>, vector<16xi32>], vector<16xf32>, vector<16xi1>
        %add3A_454 = arith.constant 0 : i32
        %add3A_455 = vector.broadcast %add3A_454 : i32 to vector<16xi32>
        %add3A_456 = arith.addi %iota3A, %add3A_455 : vector<16xi32>
        %add3A_457 = arith.constant 9 : i32
        %add3A_458 = vector.broadcast %add3A_457 : i32 to vector<16xi32>
        %add3A_459 = arith.addi %broadcast_in_dim3A_5, %add3A_458 : vector<16xi32>
        tpu.vector_store_idx %arg8[%add3A_456, %add3A_459], %gather3A_453 : memref<64x128xf32, #tpu.memory_space<vmem>>[vector<16xi32>, vector<16xi32>], vector<16xf32>,
        %add3A_460 = arith.constant 1 : i32
        %add3A_461 = vector.broadcast %add3A_460 : i32 to vector<16xi32>
        %add3A_462 = arith.addi %broadcast_in_dim3A_5, %add3A_461 : vector<16xi32>
        %add3A_463 = arith.constant 2 : i32
        %add3A_464 = vector.broadcast %add3A_463 : i32 to vector<16xi32>
        %add3A_465 = arith.addi %broadcast_in_dim3A_5, %add3A_464 : vector<16xi32>
        %gather3A_466 = tpu.vector_load_idx %arg7[%add3A_250, %add3A_462, %add3A_465, %select_n3A_330] masked %lt3A_320 : memref<2x4x8x1025xf32, #tpu.memory_space<vmem>>[vector<16xi32>, vector<16xi32>, vector<16xi32>, vector<16xi32>], vector<16xf32>, vector<16xi1>
        %add3A_467 = arith.constant 0 : i32
        %add3A_468 = vector.broadcast %add3A_467 : i32 to vector<16xi32>
        %add3A_469 = arith.addi %iota3A, %add3A_468 : vector<16xi32>
        %add3A_470 = arith.constant 10 : i32
        %add3A_471 = vector.broadcast %add3A_470 : i32 to vector<16xi32>
        %add3A_472 = arith.addi %broadcast_in_dim3A_5, %add3A_471 : vector<16xi32>
        tpu.vector_store_idx %arg8[%add3A_469, %add3A_472], %gather3A_466 : memref<64x128xf32, #tpu.memory_space<vmem>>[vector<16xi32>, vector<16xi32>], vector<16xf32>,
        %add3A_473 = arith.constant 1 : i32
        %add3A_474 = vector.broadcast %add3A_473 : i32 to vector<16xi32>
        %add3A_475 = arith.addi %broadcast_in_dim3A_5, %add3A_474 : vector<16xi32>
        %add3A_476 = arith.constant 3 : i32
        %add3A_477 = vector.broadcast %add3A_476 : i32 to vector<16xi32>
        %add3A_478 = arith.addi %broadcast_in_dim3A_5, %add3A_477 : vector<16xi32>
        %gather3A_479 = tpu.vector_load_idx %arg7[%add3A_250, %add3A_475, %add3A_478, %select_n3A_330] masked %lt3A_320 : memref<2x4x8x1025xf32, #tpu.memory_space<vmem>>[vector<16xi32>, vector<16xi32>, vector<16xi32>, vector<16xi32>], vector<16xf32>, vector<16xi1>
        %add3A_480 = arith.constant 0 : i32
        %add3A_481 = vector.broadcast %add3A_480 : i32 to vector<16xi32>
        %add3A_482 = arith.addi %iota3A, %add3A_481 : vector<16xi32>
        %add3A_483 = arith.constant 11 : i32
        %add3A_484 = vector.broadcast %add3A_483 : i32 to vector<16xi32>
        %add3A_485 = arith.addi %broadcast_in_dim3A_5, %add3A_484 : vector<16xi32>
        tpu.vector_store_idx %arg8[%add3A_482, %add3A_485], %gather3A_479 : memref<64x128xf32, #tpu.memory_space<vmem>>[vector<16xi32>, vector<16xi32>], vector<16xf32>,
        %add3A_486 = arith.constant 1 : i32
        %add3A_487 = vector.broadcast %add3A_486 : i32 to vector<16xi32>
        %add3A_488 = arith.addi %broadcast_in_dim3A_5, %add3A_487 : vector<16xi32>
        %add3A_489 = arith.constant 4 : i32
        %add3A_490 = vector.broadcast %add3A_489 : i32 to vector<16xi32>
        %add3A_491 = arith.addi %broadcast_in_dim3A_5, %add3A_490 : vector<16xi32>
        %gather3A_492 = tpu.vector_load_idx %arg7[%add3A_250, %add3A_488, %add3A_491, %select_n3A_330] masked %lt3A_320 : memref<2x4x8x1025xf32, #tpu.memory_space<vmem>>[vector<16xi32>, vector<16xi32>, vector<16xi32>, vector<16xi32>], vector<16xf32>, vector<16xi1>
        %add3A_493 = arith.constant 0 : i32
        %add3A_494 = vector.broadcast %add3A_493 : i32 to vector<16xi32>
        %add3A_495 = arith.addi %iota3A, %add3A_494 : vector<16xi32>
        %add3A_496 = arith.constant 12 : i32
        %add3A_497 = vector.broadcast %add3A_496 : i32 to vector<16xi32>
        %add3A_498 = arith.addi %broadcast_in_dim3A_5, %add3A_497 : vector<16xi32>
        tpu.vector_store_idx %arg8[%add3A_495, %add3A_498], %gather3A_492 : memref<64x128xf32, #tpu.memory_space<vmem>>[vector<16xi32>, vector<16xi32>], vector<16xf32>,
        %add3A_499 = arith.constant 1 : i32
        %add3A_500 = vector.broadcast %add3A_499 : i32 to vector<16xi32>
        %add3A_501 = arith.addi %broadcast_in_dim3A_5, %add3A_500 : vector<16xi32>
        %add3A_502 = arith.constant 5 : i32
        %add3A_503 = vector.broadcast %add3A_502 : i32 to vector<16xi32>
        %add3A_504 = arith.addi %broadcast_in_dim3A_5, %add3A_503 : vector<16xi32>
        %gather3A_505 = tpu.vector_load_idx %arg7[%add3A_250, %add3A_501, %add3A_504, %select_n3A_330] masked %lt3A_320 : memref<2x4x8x1025xf32, #tpu.memory_space<vmem>>[vector<16xi32>, vector<16xi32>, vector<16xi32>, vector<16xi32>], vector<16xf32>, vector<16xi1>
        %add3A_506 = arith.constant 0 : i32
        %add3A_507 = vector.broadcast %add3A_506 : i32 to vector<16xi32>
        %add3A_508 = arith.addi %iota3A, %add3A_507 : vector<16xi32>
        %add3A_509 = arith.constant 13 : i32
        %add3A_510 = vector.broadcast %add3A_509 : i32 to vector<16xi32>
        %add3A_511 = arith.addi %broadcast_in_dim3A_5, %add3A_510 : vector<16xi32>
        tpu.vector_store_idx %arg8[%add3A_508, %add3A_511], %gather3A_505 : memref<64x128xf32, #tpu.memory_space<vmem>>[vector<16xi32>, vector<16xi32>], vector<16xf32>,
        %add3A_512 = arith.constant 1 : i32
        %add3A_513 = vector.broadcast %add3A_512 : i32 to vector<16xi32>
        %add3A_514 = arith.addi %broadcast_in_dim3A_5, %add3A_513 : vector<16xi32>
        %add3A_515 = arith.constant 6 : i32
        %add3A_516 = vector.broadcast %add3A_515 : i32 to vector<16xi32>
        %add3A_517 = arith.addi %broadcast_in_dim3A_5, %add3A_516 : vector<16xi32>
        %gather3A_518 = tpu.vector_load_idx %arg7[%add3A_250, %add3A_514, %add3A_517, %select_n3A_330] masked %lt3A_320 : memref<2x4x8x1025xf32, #tpu.memory_space<vmem>>[vector<16xi32>, vector<16xi32>, vector<16xi32>, vector<16xi32>], vector<16xf32>, vector<16xi1>
        %add3A_519 = arith.constant 0 : i32
        %add3A_520 = vector.broadcast %add3A_519 : i32 to vector<16xi32>
        %add3A_521 = arith.addi %iota3A, %add3A_520 : vector<16xi32>
        %add3A_522 = arith.constant 14 : i32
        %add3A_523 = vector.broadcast %add3A_522 : i32 to vector<16xi32>
        %add3A_524 = arith.addi %broadcast_in_dim3A_5, %add3A_523 : vector<16xi32>
        tpu.vector_store_idx %arg8[%add3A_521, %add3A_524], %gather3A_518 : memref<64x128xf32, #tpu.memory_space<vmem>>[vector<16xi32>, vector<16xi32>], vector<16xf32>,
        %add3A_525 = arith.constant 1 : i32
        %add3A_526 = vector.broadcast %add3A_525 : i32 to vector<16xi32>
        %add3A_527 = arith.addi %broadcast_in_dim3A_5, %add3A_526 : vector<16xi32>
        %add3A_528 = arith.constant 7 : i32
        %add3A_529 = vector.broadcast %add3A_528 : i32 to vector<16xi32>
        %add3A_530 = arith.addi %broadcast_in_dim3A_5, %add3A_529 : vector<16xi32>
        %gather3A_531 = tpu.vector_load_idx %arg7[%add3A_250, %add3A_527, %add3A_530, %select_n3A_330] masked %lt3A_320 : memref<2x4x8x1025xf32, #tpu.memory_space<vmem>>[vector<16xi32>, vector<16xi32>, vector<16xi32>, vector<16xi32>], vector<16xf32>, vector<16xi1>
        %add3A_532 = arith.constant 0 : i32
        %add3A_533 = vector.broadcast %add3A_532 : i32 to vector<16xi32>
        %add3A_534 = arith.addi %iota3A, %add3A_533 : vector<16xi32>
        %add3A_535 = arith.constant 15 : i32
        %add3A_536 = vector.broadcast %add3A_535 : i32 to vector<16xi32>
        %add3A_537 = arith.addi %broadcast_in_dim3A_5, %add3A_536 : vector<16xi32>
        tpu.vector_store_idx %arg8[%add3A_534, %add3A_537], %gather3A_531 : memref<64x128xf32, #tpu.memory_space<vmem>>[vector<16xi32>, vector<16xi32>], vector<16xf32>,
        %add3A_538 = arith.constant 2 : i32
        %add3A_539 = vector.broadcast %add3A_538 : i32 to vector<16xi32>
        %add3A_540 = arith.addi %broadcast_in_dim3A_5, %add3A_539 : vector<16xi32>
        %add3A_541 = arith.constant 0 : i32
        %add3A_542 = vector.broadcast %add3A_541 : i32 to vector<16xi32>
        %add3A_543 = arith.addi %broadcast_in_dim3A_5, %add3A_542 : vector<16xi32>
        %gather3A_544 = tpu.vector_load_idx %arg7[%add3A_250, %add3A_540, %add3A_543, %select_n3A_330] masked %lt3A_320 : memref<2x4x8x1025xf32, #tpu.memory_space<vmem>>[vector<16xi32>, vector<16xi32>, vector<16xi32>, vector<16xi32>], vector<16xf32>, vector<16xi1>
        %add3A_545 = arith.constant 0 : i32
        %add3A_546 = vector.broadcast %add3A_545 : i32 to vector<16xi32>
        %add3A_547 = arith.addi %iota3A, %add3A_546 : vector<16xi32>
        %add3A_548 = arith.constant 16 : i32
        %add3A_549 = vector.broadcast %add3A_548 : i32 to vector<16xi32>
        %add3A_550 = arith.addi %broadcast_in_dim3A_5, %add3A_549 : vector<16xi32>
        tpu.vector_store_idx %arg8[%add3A_547, %add3A_550], %gather3A_544 : memref<64x128xf32, #tpu.memory_space<vmem>>[vector<16xi32>, vector<16xi32>], vector<16xf32>,
        %add3A_551 = arith.constant 2 : i32
        %add3A_552 = vector.broadcast %add3A_551 : i32 to vector<16xi32>
        %add3A_553 = arith.addi %broadcast_in_dim3A_5, %add3A_552 : vector<16xi32>
        %add3A_554 = arith.constant 1 : i32
        %add3A_555 = vector.broadcast %add3A_554 : i32 to vector<16xi32>
        %add3A_556 = arith.addi %broadcast_in_dim3A_5, %add3A_555 : vector<16xi32>
        %gather3A_557 = tpu.vector_load_idx %arg7[%add3A_250, %add3A_553, %add3A_556, %select_n3A_330] masked %lt3A_320 : memref<2x4x8x1025xf32, #tpu.memory_space<vmem>>[vector<16xi32>, vector<16xi32>, vector<16xi32>, vector<16xi32>], vector<16xf32>, vector<16xi1>
        %add3A_558 = arith.constant 0 : i32
        %add3A_559 = vector.broadcast %add3A_558 : i32 to vector<16xi32>
        %add3A_560 = arith.addi %iota3A, %add3A_559 : vector<16xi32>
        %add3A_561 = arith.constant 17 : i32
        %add3A_562 = vector.broadcast %add3A_561 : i32 to vector<16xi32>
        %add3A_563 = arith.addi %broadcast_in_dim3A_5, %add3A_562 : vector<16xi32>
        tpu.vector_store_idx %arg8[%add3A_560, %add3A_563], %gather3A_557 : memref<64x128xf32, #tpu.memory_space<vmem>>[vector<16xi32>, vector<16xi32>], vector<16xf32>,
        %add3A_564 = arith.constant 2 : i32
        %add3A_565 = vector.broadcast %add3A_564 : i32 to vector<16xi32>
        %add3A_566 = arith.addi %broadcast_in_dim3A_5, %add3A_565 : vector<16xi32>
        %add3A_567 = arith.constant 2 : i32
        %add3A_568 = vector.broadcast %add3A_567 : i32 to vector<16xi32>
        %add3A_569 = arith.addi %broadcast_in_dim3A_5, %add3A_568 : vector<16xi32>
        %gather3A_570 = tpu.vector_load_idx %arg7[%add3A_250, %add3A_566, %add3A_569, %select_n3A_330] masked %lt3A_320 : memref<2x4x8x1025xf32, #tpu.memory_space<vmem>>[vector<16xi32>, vector<16xi32>, vector<16xi32>, vector<16xi32>], vector<16xf32>, vector<16xi1>
        %add3A_571 = arith.constant 0 : i32
        %add3A_572 = vector.broadcast %add3A_571 : i32 to vector<16xi32>
        %add3A_573 = arith.addi %iota3A, %add3A_572 : vector<16xi32>
        %add3A_574 = arith.constant 18 : i32
        %add3A_575 = vector.broadcast %add3A_574 : i32 to vector<16xi32>
        %add3A_576 = arith.addi %broadcast_in_dim3A_5, %add3A_575 : vector<16xi32>
        tpu.vector_store_idx %arg8[%add3A_573, %add3A_576], %gather3A_570 : memref<64x128xf32, #tpu.memory_space<vmem>>[vector<16xi32>, vector<16xi32>], vector<16xf32>,
        %add3A_577 = arith.constant 2 : i32
        %add3A_578 = vector.broadcast %add3A_577 : i32 to vector<16xi32>
        %add3A_579 = arith.addi %broadcast_in_dim3A_5, %add3A_578 : vector<16xi32>
        %add3A_580 = arith.constant 3 : i32
        %add3A_581 = vector.broadcast %add3A_580 : i32 to vector<16xi32>
        %add3A_582 = arith.addi %broadcast_in_dim3A_5, %add3A_581 : vector<16xi32>
        %gather3A_583 = tpu.vector_load_idx %arg7[%add3A_250, %add3A_579, %add3A_582, %select_n3A_330] masked %lt3A_320 : memref<2x4x8x1025xf32, #tpu.memory_space<vmem>>[vector<16xi32>, vector<16xi32>, vector<16xi32>, vector<16xi32>], vector<16xf32>, vector<16xi1>
        %add3A_584 = arith.constant 0 : i32
        %add3A_585 = vector.broadcast %add3A_584 : i32 to vector<16xi32>
        %add3A_586 = arith.addi %iota3A, %add3A_585 : vector<16xi32>
        %add3A_587 = arith.constant 19 : i32
        %add3A_588 = vector.broadcast %add3A_587 : i32 to vector<16xi32>
        %add3A_589 = arith.addi %broadcast_in_dim3A_5, %add3A_588 : vector<16xi32>
        tpu.vector_store_idx %arg8[%add3A_586, %add3A_589], %gather3A_583 : memref<64x128xf32, #tpu.memory_space<vmem>>[vector<16xi32>, vector<16xi32>], vector<16xf32>,
        %add3A_590 = arith.constant 2 : i32
        %add3A_591 = vector.broadcast %add3A_590 : i32 to vector<16xi32>
        %add3A_592 = arith.addi %broadcast_in_dim3A_5, %add3A_591 : vector<16xi32>
        %add3A_593 = arith.constant 4 : i32
        %add3A_594 = vector.broadcast %add3A_593 : i32 to vector<16xi32>
        %add3A_595 = arith.addi %broadcast_in_dim3A_5, %add3A_594 : vector<16xi32>
        %gather3A_596 = tpu.vector_load_idx %arg7[%add3A_250, %add3A_592, %add3A_595, %select_n3A_330] masked %lt3A_320 : memref<2x4x8x1025xf32, #tpu.memory_space<vmem>>[vector<16xi32>, vector<16xi32>, vector<16xi32>, vector<16xi32>], vector<16xf32>, vector<16xi1>
        %add3A_597 = arith.constant 0 : i32
        %add3A_598 = vector.broadcast %add3A_597 : i32 to vector<16xi32>
        %add3A_599 = arith.addi %iota3A, %add3A_598 : vector<16xi32>
        %add3A_600 = arith.constant 20 : i32
        %add3A_601 = vector.broadcast %add3A_600 : i32 to vector<16xi32>
        %add3A_602 = arith.addi %broadcast_in_dim3A_5, %add3A_601 : vector<16xi32>
        tpu.vector_store_idx %arg8[%add3A_599, %add3A_602], %gather3A_596 : memref<64x128xf32, #tpu.memory_space<vmem>>[vector<16xi32>, vector<16xi32>], vector<16xf32>,
        %add3A_603 = arith.constant 2 : i32
        %add3A_604 = vector.broadcast %add3A_603 : i32 to vector<16xi32>
        %add3A_605 = arith.addi %broadcast_in_dim3A_5, %add3A_604 : vector<16xi32>
        %add3A_606 = arith.constant 5 : i32
        %add3A_607 = vector.broadcast %add3A_606 : i32 to vector<16xi32>
        %add3A_608 = arith.addi %broadcast_in_dim3A_5, %add3A_607 : vector<16xi32>
        %gather3A_609 = tpu.vector_load_idx %arg7[%add3A_250, %add3A_605, %add3A_608, %select_n3A_330] masked %lt3A_320 : memref<2x4x8x1025xf32, #tpu.memory_space<vmem>>[vector<16xi32>, vector<16xi32>, vector<16xi32>, vector<16xi32>], vector<16xf32>, vector<16xi1>
        %add3A_610 = arith.constant 0 : i32
        %add3A_611 = vector.broadcast %add3A_610 : i32 to vector<16xi32>
        %add3A_612 = arith.addi %iota3A, %add3A_611 : vector<16xi32>
        %add3A_613 = arith.constant 21 : i32
        %add3A_614 = vector.broadcast %add3A_613 : i32 to vector<16xi32>
        %add3A_615 = arith.addi %broadcast_in_dim3A_5, %add3A_614 : vector<16xi32>
        tpu.vector_store_idx %arg8[%add3A_612, %add3A_615], %gather3A_609 : memref<64x128xf32, #tpu.memory_space<vmem>>[vector<16xi32>, vector<16xi32>], vector<16xf32>,
        %add3A_616 = arith.constant 2 : i32
        %add3A_617 = vector.broadcast %add3A_616 : i32 to vector<16xi32>
        %add3A_618 = arith.addi %broadcast_in_dim3A_5, %add3A_617 : vector<16xi32>
        %add3A_619 = arith.constant 6 : i32
        %add3A_620 = vector.broadcast %add3A_619 : i32 to vector<16xi32>
        %add3A_621 = arith.addi %broadcast_in_dim3A_5, %add3A_620 : vector<16xi32>
        %gather3A_622 = tpu.vector_load_idx %arg7[%add3A_250, %add3A_618, %add3A_621, %select_n3A_330] masked %lt3A_320 : memref<2x4x8x1025xf32, #tpu.memory_space<vmem>>[vector<16xi32>, vector<16xi32>, vector<16xi32>, vector<16xi32>], vector<16xf32>, vector<16xi1>
        %add3A_623 = arith.constant 0 : i32
        %add3A_624 = vector.broadcast %add3A_623 : i32 to vector<16xi32>
        %add3A_625 = arith.addi %iota3A, %add3A_624 : vector<16xi32>
        %add3A_626 = arith.constant 22 : i32
        %add3A_627 = vector.broadcast %add3A_626 : i32 to vector<16xi32>
        %add3A_628 = arith.addi %broadcast_in_dim3A_5, %add3A_627 : vector<16xi32>
        tpu.vector_store_idx %arg8[%add3A_625, %add3A_628], %gather3A_622 : memref<64x128xf32, #tpu.memory_space<vmem>>[vector<16xi32>, vector<16xi32>], vector<16xf32>,
        %add3A_629 = arith.constant 2 : i32
        %add3A_630 = vector.broadcast %add3A_629 : i32 to vector<16xi32>
        %add3A_631 = arith.addi %broadcast_in_dim3A_5, %add3A_630 : vector<16xi32>
        %add3A_632 = arith.constant 7 : i32
        %add3A_633 = vector.broadcast %add3A_632 : i32 to vector<16xi32>
        %add3A_634 = arith.addi %broadcast_in_dim3A_5, %add3A_633 : vector<16xi32>
        %gather3A_635 = tpu.vector_load_idx %arg7[%add3A_250, %add3A_631, %add3A_634, %select_n3A_330] masked %lt3A_320 : memref<2x4x8x1025xf32, #tpu.memory_space<vmem>>[vector<16xi32>, vector<16xi32>, vector<16xi32>, vector<16xi32>], vector<16xf32>, vector<16xi1>
        %add3A_636 = arith.constant 0 : i32
        %add3A_637 = vector.broadcast %add3A_636 : i32 to vector<16xi32>
        %add3A_638 = arith.addi %iota3A, %add3A_637 : vector<16xi32>
        %add3A_639 = arith.constant 23 : i32
        %add3A_640 = vector.broadcast %add3A_639 : i32 to vector<16xi32>
        %add3A_641 = arith.addi %broadcast_in_dim3A_5, %add3A_640 : vector<16xi32>
        tpu.vector_store_idx %arg8[%add3A_638, %add3A_641], %gather3A_635 : memref<64x128xf32, #tpu.memory_space<vmem>>[vector<16xi32>, vector<16xi32>], vector<16xf32>,
        %add3A_642 = arith.constant 3 : i32
        %add3A_643 = vector.broadcast %add3A_642 : i32 to vector<16xi32>
        %add3A_644 = arith.addi %broadcast_in_dim3A_5, %add3A_643 : vector<16xi32>
        %add3A_645 = arith.constant 0 : i32
        %add3A_646 = vector.broadcast %add3A_645 : i32 to vector<16xi32>
        %add3A_647 = arith.addi %broadcast_in_dim3A_5, %add3A_646 : vector<16xi32>
        %gather3A_648 = tpu.vector_load_idx %arg7[%add3A_250, %add3A_644, %add3A_647, %select_n3A_330] masked %lt3A_320 : memref<2x4x8x1025xf32, #tpu.memory_space<vmem>>[vector<16xi32>, vector<16xi32>, vector<16xi32>, vector<16xi32>], vector<16xf32>, vector<16xi1>
        %add3A_649 = arith.constant 0 : i32
        %add3A_650 = vector.broadcast %add3A_649 : i32 to vector<16xi32>
        %add3A_651 = arith.addi %iota3A, %add3A_650 : vector<16xi32>
        %add3A_652 = arith.constant 24 : i32
        %add3A_653 = vector.broadcast %add3A_652 : i32 to vector<16xi32>
        %add3A_654 = arith.addi %broadcast_in_dim3A_5, %add3A_653 : vector<16xi32>
        tpu.vector_store_idx %arg8[%add3A_651, %add3A_654], %gather3A_648 : memref<64x128xf32, #tpu.memory_space<vmem>>[vector<16xi32>, vector<16xi32>], vector<16xf32>,
        %add3A_655 = arith.constant 3 : i32
        %add3A_656 = vector.broadcast %add3A_655 : i32 to vector<16xi32>
        %add3A_657 = arith.addi %broadcast_in_dim3A_5, %add3A_656 : vector<16xi32>
        %add3A_658 = arith.constant 1 : i32
        %add3A_659 = vector.broadcast %add3A_658 : i32 to vector<16xi32>
        %add3A_660 = arith.addi %broadcast_in_dim3A_5, %add3A_659 : vector<16xi32>
        %gather3A_661 = tpu.vector_load_idx %arg7[%add3A_250, %add3A_657, %add3A_660, %select_n3A_330] masked %lt3A_320 : memref<2x4x8x1025xf32, #tpu.memory_space<vmem>>[vector<16xi32>, vector<16xi32>, vector<16xi32>, vector<16xi32>], vector<16xf32>, vector<16xi1>
        %add3A_662 = arith.constant 0 : i32
        %add3A_663 = vector.broadcast %add3A_662 : i32 to vector<16xi32>
        %add3A_664 = arith.addi %iota3A, %add3A_663 : vector<16xi32>
        %add3A_665 = arith.constant 25 : i32
        %add3A_666 = vector.broadcast %add3A_665 : i32 to vector<16xi32>
        %add3A_667 = arith.addi %broadcast_in_dim3A_5, %add3A_666 : vector<16xi32>
        tpu.vector_store_idx %arg8[%add3A_664, %add3A_667], %gather3A_661 : memref<64x128xf32, #tpu.memory_space<vmem>>[vector<16xi32>, vector<16xi32>], vector<16xf32>,
        %add3A_668 = arith.constant 3 : i32
        %add3A_669 = vector.broadcast %add3A_668 : i32 to vector<16xi32>
        %add3A_670 = arith.addi %broadcast_in_dim3A_5, %add3A_669 : vector<16xi32>
        %add3A_671 = arith.constant 2 : i32
        %add3A_672 = vector.broadcast %add3A_671 : i32 to vector<16xi32>
        %add3A_673 = arith.addi %broadcast_in_dim3A_5, %add3A_672 : vector<16xi32>
        %gather3A_674 = tpu.vector_load_idx %arg7[%add3A_250, %add3A_670, %add3A_673, %select_n3A_330] masked %lt3A_320 : memref<2x4x8x1025xf32, #tpu.memory_space<vmem>>[vector<16xi32>, vector<16xi32>, vector<16xi32>, vector<16xi32>], vector<16xf32>, vector<16xi1>
        %add3A_675 = arith.constant 0 : i32
        %add3A_676 = vector.broadcast %add3A_675 : i32 to vector<16xi32>
        %add3A_677 = arith.addi %iota3A, %add3A_676 : vector<16xi32>
        %add3A_678 = arith.constant 26 : i32
        %add3A_679 = vector.broadcast %add3A_678 : i32 to vector<16xi32>
        %add3A_680 = arith.addi %broadcast_in_dim3A_5, %add3A_679 : vector<16xi32>
        tpu.vector_store_idx %arg8[%add3A_677, %add3A_680], %gather3A_674 : memref<64x128xf32, #tpu.memory_space<vmem>>[vector<16xi32>, vector<16xi32>], vector<16xf32>,
        %add3A_681 = arith.constant 3 : i32
        %add3A_682 = vector.broadcast %add3A_681 : i32 to vector<16xi32>
        %add3A_683 = arith.addi %broadcast_in_dim3A_5, %add3A_682 : vector<16xi32>
        %add3A_684 = arith.constant 3 : i32
        %add3A_685 = vector.broadcast %add3A_684 : i32 to vector<16xi32>
        %add3A_686 = arith.addi %broadcast_in_dim3A_5, %add3A_685 : vector<16xi32>
        %gather3A_687 = tpu.vector_load_idx %arg7[%add3A_250, %add3A_683, %add3A_686, %select_n3A_330] masked %lt3A_320 : memref<2x4x8x1025xf32, #tpu.memory_space<vmem>>[vector<16xi32>, vector<16xi32>, vector<16xi32>, vector<16xi32>], vector<16xf32>, vector<16xi1>
        %add3A_688 = arith.constant 0 : i32
        %add3A_689 = vector.broadcast %add3A_688 : i32 to vector<16xi32>
        %add3A_690 = arith.addi %iota3A, %add3A_689 : vector<16xi32>
        %add3A_691 = arith.constant 27 : i32
        %add3A_692 = vector.broadcast %add3A_691 : i32 to vector<16xi32>
        %add3A_693 = arith.addi %broadcast_in_dim3A_5, %add3A_692 : vector<16xi32>
        tpu.vector_store_idx %arg8[%add3A_690, %add3A_693], %gather3A_687 : memref<64x128xf32, #tpu.memory_space<vmem>>[vector<16xi32>, vector<16xi32>], vector<16xf32>,
        %add3A_694 = arith.constant 3 : i32
        %add3A_695 = vector.broadcast %add3A_694 : i32 to vector<16xi32>
        %add3A_696 = arith.addi %broadcast_in_dim3A_5, %add3A_695 : vector<16xi32>
        %add3A_697 = arith.constant 4 : i32
        %add3A_698 = vector.broadcast %add3A_697 : i32 to vector<16xi32>
        %add3A_699 = arith.addi %broadcast_in_dim3A_5, %add3A_698 : vector<16xi32>
        %gather3A_700 = tpu.vector_load_idx %arg7[%add3A_250, %add3A_696, %add3A_699, %select_n3A_330] masked %lt3A_320 : memref<2x4x8x1025xf32, #tpu.memory_space<vmem>>[vector<16xi32>, vector<16xi32>, vector<16xi32>, vector<16xi32>], vector<16xf32>, vector<16xi1>
        %add3A_701 = arith.constant 0 : i32
        %add3A_702 = vector.broadcast %add3A_701 : i32 to vector<16xi32>
        %add3A_703 = arith.addi %iota3A, %add3A_702 : vector<16xi32>
        %add3A_704 = arith.constant 28 : i32
        %add3A_705 = vector.broadcast %add3A_704 : i32 to vector<16xi32>
        %add3A_706 = arith.addi %broadcast_in_dim3A_5, %add3A_705 : vector<16xi32>
        tpu.vector_store_idx %arg8[%add3A_703, %add3A_706], %gather3A_700 : memref<64x128xf32, #tpu.memory_space<vmem>>[vector<16xi32>, vector<16xi32>], vector<16xf32>,
        %add3A_707 = arith.constant 3 : i32
        %add3A_708 = vector.broadcast %add3A_707 : i32 to vector<16xi32>
        %add3A_709 = arith.addi %broadcast_in_dim3A_5, %add3A_708 : vector<16xi32>
        %add3A_710 = arith.constant 5 : i32
        %add3A_711 = vector.broadcast %add3A_710 : i32 to vector<16xi32>
        %add3A_712 = arith.addi %broadcast_in_dim3A_5, %add3A_711 : vector<16xi32>
        %gather3A_713 = tpu.vector_load_idx %arg7[%add3A_250, %add3A_709, %add3A_712, %select_n3A_330] masked %lt3A_320 : memref<2x4x8x1025xf32, #tpu.memory_space<vmem>>[vector<16xi32>, vector<16xi32>, vector<16xi32>, vector<16xi32>], vector<16xf32>, vector<16xi1>
        %add3A_714 = arith.constant 0 : i32
        %add3A_715 = vector.broadcast %add3A_714 : i32 to vector<16xi32>
        %add3A_716 = arith.addi %iota3A, %add3A_715 : vector<16xi32>
        %add3A_717 = arith.constant 29 : i32
        %add3A_718 = vector.broadcast %add3A_717 : i32 to vector<16xi32>
        %add3A_719 = arith.addi %broadcast_in_dim3A_5, %add3A_718 : vector<16xi32>
        tpu.vector_store_idx %arg8[%add3A_716, %add3A_719], %gather3A_713 : memref<64x128xf32, #tpu.memory_space<vmem>>[vector<16xi32>, vector<16xi32>], vector<16xf32>,
        %add3A_720 = arith.constant 3 : i32
        %add3A_721 = vector.broadcast %add3A_720 : i32 to vector<16xi32>
        %add3A_722 = arith.addi %broadcast_in_dim3A_5, %add3A_721 : vector<16xi32>
        %add3A_723 = arith.constant 6 : i32
        %add3A_724 = vector.broadcast %add3A_723 : i32 to vector<16xi32>
        %add3A_725 = arith.addi %broadcast_in_dim3A_5, %add3A_724 : vector<16xi32>
        %gather3A_726 = tpu.vector_load_idx %arg7[%add3A_250, %add3A_722, %add3A_725, %select_n3A_330] masked %lt3A_320 : memref<2x4x8x1025xf32, #tpu.memory_space<vmem>>[vector<16xi32>, vector<16xi32>, vector<16xi32>, vector<16xi32>], vector<16xf32>, vector<16xi1>
        %add3A_727 = arith.constant 0 : i32
        %add3A_728 = vector.broadcast %add3A_727 : i32 to vector<16xi32>
        %add3A_729 = arith.addi %iota3A, %add3A_728 : vector<16xi32>
        %add3A_730 = arith.constant 30 : i32
        %add3A_731 = vector.broadcast %add3A_730 : i32 to vector<16xi32>
        %add3A_732 = arith.addi %broadcast_in_dim3A_5, %add3A_731 : vector<16xi32>
        tpu.vector_store_idx %arg8[%add3A_729, %add3A_732], %gather3A_726 : memref<64x128xf32, #tpu.memory_space<vmem>>[vector<16xi32>, vector<16xi32>], vector<16xf32>,
        %add3A_733 = arith.constant 3 : i32
        %add3A_734 = vector.broadcast %add3A_733 : i32 to vector<16xi32>
        %add3A_735 = arith.addi %broadcast_in_dim3A_5, %add3A_734 : vector<16xi32>
        %add3A_736 = arith.constant 7 : i32
        %add3A_737 = vector.broadcast %add3A_736 : i32 to vector<16xi32>
        %add3A_738 = arith.addi %broadcast_in_dim3A_5, %add3A_737 : vector<16xi32>
        %gather3A_739 = tpu.vector_load_idx %arg7[%add3A_250, %add3A_735, %add3A_738, %select_n3A_330] masked %lt3A_320 : memref<2x4x8x1025xf32, #tpu.memory_space<vmem>>[vector<16xi32>, vector<16xi32>, vector<16xi32>, vector<16xi32>], vector<16xf32>, vector<16xi1>
        %add3A_740 = arith.constant 0 : i32
        %add3A_741 = vector.broadcast %add3A_740 : i32 to vector<16xi32>
        %add3A_742 = arith.addi %iota3A, %add3A_741 : vector<16xi32>
        %add3A_743 = arith.constant 31 : i32
        %add3A_744 = vector.broadcast %add3A_743 : i32 to vector<16xi32>
        %add3A_745 = arith.addi %broadcast_in_dim3A_5, %add3A_744 : vector<16xi32>
        tpu.vector_store_idx %arg8[%add3A_742, %add3A_745], %gather3A_739 : memref<64x128xf32, #tpu.memory_space<vmem>>[vector<16xi32>, vector<16xi32>], vector<16xf32>,
        %and3A_746 = arith.constant 16383 : i32
        %and3A_747 = vector.broadcast %and3A_746 : i32 to vector<16xi32>
        %and3A_748 = arith.andi %get3A_323, %and3A_747 : vector<16xi32>
        %add3A_749 = vector.broadcast %add3A_316 : i32 to vector<16xi32>
        %add3A_750 = arith.addi %add3A_749, %iota3A : vector<16xi32>
        %jit3A_751 = arith.constant 64 : i32
        %eq3A_752 = arith.constant 0 : i32
        %eq3A_753 = arith.cmpi eq, %jit3A_751, %eq3A_752 : i32
        %jit3A_754 = arith.constant 1 : i32
        %select_n3A_755 = arith.select %eq3A_753, %jit3A_754, %jit3A_751 : i32
        %rem3A_756 = vector.broadcast %select_n3A_755 : i32 to vector<16xi32>
        %rem3A_757 = arith.remsi %add3A_750, %rem3A_756 : vector<16xi32>
        %ne3A_758 = arith.constant 0 : i32
        %ne3A_759 = vector.broadcast %ne3A_758 : i32 to vector<16xi32>
        %ne3A_760 = arith.cmpi ne, %rem3A_757, %ne3A_759 : vector<16xi32>
        %lt3A_761 = arith.constant 0 : i32
        %lt3A_762 = vector.broadcast %lt3A_761 : i32 to vector<16xi32>
        %lt3A_763 = arith.cmpi slt, %rem3A_757, %lt3A_762 : vector<16xi32>
        %lt3A_764 = arith.constant 0 : i32
        %lt3A_765 = arith.cmpi slt, %select_n3A_755, %lt3A_764 : i32
        %ne3A_766 = vector.broadcast %lt3A_765 : i1 to vector<16xi1>
        %ne3A_767 = vector.broadcast %ne3A_766 : vector<16xi1> to vector<16xi1>
        %ne3A_768 = arith.xori %lt3A_763, %ne3A_767 : vector<16xi1>
        %and3A_769 = arith.andi %ne3A_768, %ne3A_760 : vector<16xi1>
        %add3A_770 = vector.broadcast %select_n3A_755 : i32 to vector<16xi32>
        %add3A_771 = arith.addi %rem3A_757, %add3A_770 : vector<16xi32>
        %select_n3A_772 = arith.select %and3A_769, %add3A_771, %rem3A_757 : vector<16xi1>, vector<16xi32>
        %add3A_773 = arith.constant 16384 : i32
        %add3A_774 = vector.broadcast %add3A_773 : i32 to vector<16xi32>
        %add3A_775 = arith.addi %add3A_774, %select_n3A_772 : vector<16xi32>
        %select_n3A_776 = arith.select %lt3A_320, %and3A_748, %add3A_775 : vector<16xi1>, vector<16xi32>
        %add3A_777 = arith.constant 0 : i32
        %add3A_778 = vector.broadcast %add3A_777 : i32 to vector<16xi32>
        %add3A_779 = arith.addi %iota3A, %add3A_778 : vector<16xi32>
        tpu.vector_store_idx %arg9[%add3A_779], %select_n3A_776 masked %lt3A_320 : memref<64xi32, #tpu.memory_space<vmem>>[vector<16xi32>], vector<16xi32>, vector<16xi1>
        %add3A_780 = arith.constant 16 : i32
        %add3A_781 = arith.addi %mul3A_295, %add3A_780 : i32
        %add3A_782 = vector.broadcast %add3A_781 : i32 to vector<16xi32>
        %add3A_783 = arith.addi %add3A_782, %iota3A : vector<16xi32>
        %lt3A_784 = vector.broadcast %reduce_max3A_174 : i32 to vector<16xi32>
        %lt3A_785 = arith.cmpi slt, %add3A_783, %lt3A_784 : vector<16xi32>
        %add3A_786 = arith.constant 16384 : i32
        %add3A_787 = arith.addi %add3A_786, %add3A_781 : i32
        %get3A_788 = arith.index_cast %add3A_787 : i32 to index
        %get3A_789 = tpu.vector_load %arg6[%get3A_788] {strides = array<i32>} : memref<32768xi32, #tpu.memory_space<vmem>>, vector<16xi32>,
        %shift_right_arithmetic3A_790 = arith.constant 14 : i32
        %shift_right_arithmetic3A_791 = vector.broadcast %shift_right_arithmetic3A_790 : i32 to vector<16xi32>
        %shift_right_arithmetic3A_792 = arith.shrsi %get3A_789, %shift_right_arithmetic3A_791 : vector<16xi32>
        %sub3A_793 = vector.broadcast %sub3A_156 : i32 to vector<16xi32>
        %sub3A_794 = arith.subi %shift_right_arithmetic3A_792, %sub3A_793 : vector<16xi32>
        %jit3A_795 = arith.constant 0 : i32
        %broadcast_in_dim3A_796 = vector.broadcast %jit3A_795 : i32 to vector<16xi32>
        %select_n3A_797 = arith.select %lt3A_785, %sub3A_794, %broadcast_in_dim3A_796 : vector<16xi1>, vector<16xi32>
        %add3A_798 = arith.constant 0 : i32
        %add3A_799 = vector.broadcast %add3A_798 : i32 to vector<16xi32>
        %add3A_800 = arith.addi %broadcast_in_dim3A_5, %add3A_799 : vector<16xi32>
        %add3A_801 = arith.constant 0 : i32
        %add3A_802 = vector.broadcast %add3A_801 : i32 to vector<16xi32>
        %add3A_803 = arith.addi %broadcast_in_dim3A_5, %add3A_802 : vector<16xi32>
        %gather3A_804 = tpu.vector_load_idx %arg7[%add3A_250, %add3A_800, %add3A_803, %select_n3A_797] masked %lt3A_785 : memref<2x4x8x1025xf32, #tpu.memory_space<vmem>>[vector<16xi32>, vector<16xi32>, vector<16xi32>, vector<16xi32>], vector<16xf32>, vector<16xi1>
        %add3A_805 = arith.constant 16 : i32
        %add3A_806 = vector.broadcast %add3A_805 : i32 to vector<16xi32>
        %add3A_807 = arith.addi %iota3A, %add3A_806 : vector<16xi32>
        %add3A_808 = arith.constant 0 : i32
        %add3A_809 = vector.broadcast %add3A_808 : i32 to vector<16xi32>
        %add3A_810 = arith.addi %broadcast_in_dim3A_5, %add3A_809 : vector<16xi32>
        tpu.vector_store_idx %arg8[%add3A_807, %add3A_810], %gather3A_804 : memref<64x128xf32, #tpu.memory_space<vmem>>[vector<16xi32>, vector<16xi32>], vector<16xf32>,
        %add3A_811 = arith.constant 0 : i32
        %add3A_812 = vector.broadcast %add3A_811 : i32 to vector<16xi32>
        %add3A_813 = arith.addi %broadcast_in_dim3A_5, %add3A_812 : vector<16xi32>
        %add3A_814 = arith.constant 1 : i32
        %add3A_815 = vector.broadcast %add3A_814 : i32 to vector<16xi32>
        %add3A_816 = arith.addi %broadcast_in_dim3A_5, %add3A_815 : vector<16xi32>
        %gather3A_817 = tpu.vector_load_idx %arg7[%add3A_250, %add3A_813, %add3A_816, %select_n3A_797] masked %lt3A_785 : memref<2x4x8x1025xf32, #tpu.memory_space<vmem>>[vector<16xi32>, vector<16xi32>, vector<16xi32>, vector<16xi32>], vector<16xf32>, vector<16xi1>
        %add3A_818 = arith.constant 16 : i32
        %add3A_819 = vector.broadcast %add3A_818 : i32 to vector<16xi32>
        %add3A_820 = arith.addi %iota3A, %add3A_819 : vector<16xi32>
        %add3A_821 = arith.constant 1 : i32
        %add3A_822 = vector.broadcast %add3A_821 : i32 to vector<16xi32>
        %add3A_823 = arith.addi %broadcast_in_dim3A_5, %add3A_822 : vector<16xi32>
        tpu.vector_store_idx %arg8[%add3A_820, %add3A_823], %gather3A_817 : memref<64x128xf32, #tpu.memory_space<vmem>>[vector<16xi32>, vector<16xi32>], vector<16xf32>,
        %add3A_824 = arith.constant 0 : i32
        %add3A_825 = vector.broadcast %add3A_824 : i32 to vector<16xi32>
        %add3A_826 = arith.addi %broadcast_in_dim3A_5, %add3A_825 : vector<16xi32>
        %add3A_827 = arith.constant 2 : i32
        %add3A_828 = vector.broadcast %add3A_827 : i32 to vector<16xi32>
        %add3A_829 = arith.addi %broadcast_in_dim3A_5, %add3A_828 : vector<16xi32>
        %gather3A_830 = tpu.vector_load_idx %arg7[%add3A_250, %add3A_826, %add3A_829, %select_n3A_797] masked %lt3A_785 : memref<2x4x8x1025xf32, #tpu.memory_space<vmem>>[vector<16xi32>, vector<16xi32>, vector<16xi32>, vector<16xi32>], vector<16xf32>, vector<16xi1>
        %add3A_831 = arith.constant 16 : i32
        %add3A_832 = vector.broadcast %add3A_831 : i32 to vector<16xi32>
        %add3A_833 = arith.addi %iota3A, %add3A_832 : vector<16xi32>
        %add3A_834 = arith.constant 2 : i32
        %add3A_835 = vector.broadcast %add3A_834 : i32 to vector<16xi32>
        %add3A_836 = arith.addi %broadcast_in_dim3A_5, %add3A_835 : vector<16xi32>
        tpu.vector_store_idx %arg8[%add3A_833, %add3A_836], %gather3A_830 : memref<64x128xf32, #tpu.memory_space<vmem>>[vector<16xi32>, vector<16xi32>], vector<16xf32>,
        %add3A_837 = arith.constant 0 : i32
        %add3A_838 = vector.broadcast %add3A_837 : i32 to vector<16xi32>
        %add3A_839 = arith.addi %broadcast_in_dim3A_5, %add3A_838 : vector<16xi32>
        %add3A_840 = arith.constant 3 : i32
        %add3A_841 = vector.broadcast %add3A_840 : i32 to vector<16xi32>
        %add3A_842 = arith.addi %broadcast_in_dim3A_5, %add3A_841 : vector<16xi32>
        %gather3A_843 = tpu.vector_load_idx %arg7[%add3A_250, %add3A_839, %add3A_842, %select_n3A_797] masked %lt3A_785 : memref<2x4x8x1025xf32, #tpu.memory_space<vmem>>[vector<16xi32>, vector<16xi32>, vector<16xi32>, vector<16xi32>], vector<16xf32>, vector<16xi1>
        %add3A_844 = arith.constant 16 : i32
        %add3A_845 = vector.broadcast %add3A_844 : i32 to vector<16xi32>
        %add3A_846 = arith.addi %iota3A, %add3A_845 : vector<16xi32>
        %add3A_847 = arith.constant 3 : i32
        %add3A_848 = vector.broadcast %add3A_847 : i32 to vector<16xi32>
        %add3A_849 = arith.addi %broadcast_in_dim3A_5, %add3A_848 : vector<16xi32>
        tpu.vector_store_idx %arg8[%add3A_846, %add3A_849], %gather3A_843 : memref<64x128xf32, #tpu.memory_space<vmem>>[vector<16xi32>, vector<16xi32>], vector<16xf32>,
        %add3A_850 = arith.constant 0 : i32
        %add3A_851 = vector.broadcast %add3A_850 : i32 to vector<16xi32>
        %add3A_852 = arith.addi %broadcast_in_dim3A_5, %add3A_851 : vector<16xi32>
        %add3A_853 = arith.constant 4 : i32
        %add3A_854 = vector.broadcast %add3A_853 : i32 to vector<16xi32>
        %add3A_855 = arith.addi %broadcast_in_dim3A_5, %add3A_854 : vector<16xi32>
        %gather3A_856 = tpu.vector_load_idx %arg7[%add3A_250, %add3A_852, %add3A_855, %select_n3A_797] masked %lt3A_785 : memref<2x4x8x1025xf32, #tpu.memory_space<vmem>>[vector<16xi32>, vector<16xi32>, vector<16xi32>, vector<16xi32>], vector<16xf32>, vector<16xi1>
        %add3A_857 = arith.constant 16 : i32
        %add3A_858 = vector.broadcast %add3A_857 : i32 to vector<16xi32>
        %add3A_859 = arith.addi %iota3A, %add3A_858 : vector<16xi32>
        %add3A_860 = arith.constant 4 : i32
        %add3A_861 = vector.broadcast %add3A_860 : i32 to vector<16xi32>
        %add3A_862 = arith.addi %broadcast_in_dim3A_5, %add3A_861 : vector<16xi32>
        tpu.vector_store_idx %arg8[%add3A_859, %add3A_862], %gather3A_856 : memref<64x128xf32, #tpu.memory_space<vmem>>[vector<16xi32>, vector<16xi32>], vector<16xf32>,
        %add3A_863 = arith.constant 0 : i32
        %add3A_864 = vector.broadcast %add3A_863 : i32 to vector<16xi32>
        %add3A_865 = arith.addi %broadcast_in_dim3A_5, %add3A_864 : vector<16xi32>
        %add3A_866 = arith.constant 5 : i32
        %add3A_867 = vector.broadcast %add3A_866 : i32 to vector<16xi32>
        %add3A_868 = arith.addi %broadcast_in_dim3A_5, %add3A_867 : vector<16xi32>
        %gather3A_869 = tpu.vector_load_idx %arg7[%add3A_250, %add3A_865, %add3A_868, %select_n3A_797] masked %lt3A_785 : memref<2x4x8x1025xf32, #tpu.memory_space<vmem>>[vector<16xi32>, vector<16xi32>, vector<16xi32>, vector<16xi32>], vector<16xf32>, vector<16xi1>
        %add3A_870 = arith.constant 16 : i32
        %add3A_871 = vector.broadcast %add3A_870 : i32 to vector<16xi32>
        %add3A_872 = arith.addi %iota3A, %add3A_871 : vector<16xi32>
        %add3A_873 = arith.constant 5 : i32
        %add3A_874 = vector.broadcast %add3A_873 : i32 to vector<16xi32>
        %add3A_875 = arith.addi %broadcast_in_dim3A_5, %add3A_874 : vector<16xi32>
        tpu.vector_store_idx %arg8[%add3A_872, %add3A_875], %gather3A_869 : memref<64x128xf32, #tpu.memory_space<vmem>>[vector<16xi32>, vector<16xi32>], vector<16xf32>,
        %add3A_876 = arith.constant 0 : i32
        %add3A_877 = vector.broadcast %add3A_876 : i32 to vector<16xi32>
        %add3A_878 = arith.addi %broadcast_in_dim3A_5, %add3A_877 : vector<16xi32>
        %add3A_879 = arith.constant 6 : i32
        %add3A_880 = vector.broadcast %add3A_879 : i32 to vector<16xi32>
        %add3A_881 = arith.addi %broadcast_in_dim3A_5, %add3A_880 : vector<16xi32>
        %gather3A_882 = tpu.vector_load_idx %arg7[%add3A_250, %add3A_878, %add3A_881, %select_n3A_797] masked %lt3A_785 : memref<2x4x8x1025xf32, #tpu.memory_space<vmem>>[vector<16xi32>, vector<16xi32>, vector<16xi32>, vector<16xi32>], vector<16xf32>, vector<16xi1>
        %add3A_883 = arith.constant 16 : i32
        %add3A_884 = vector.broadcast %add3A_883 : i32 to vector<16xi32>
        %add3A_885 = arith.addi %iota3A, %add3A_884 : vector<16xi32>
        %add3A_886 = arith.constant 6 : i32
        %add3A_887 = vector.broadcast %add3A_886 : i32 to vector<16xi32>
        %add3A_888 = arith.addi %broadcast_in_dim3A_5, %add3A_887 : vector<16xi32>
        tpu.vector_store_idx %arg8[%add3A_885, %add3A_888], %gather3A_882 : memref<64x128xf32, #tpu.memory_space<vmem>>[vector<16xi32>, vector<16xi32>], vector<16xf32>,
        %add3A_889 = arith.constant 0 : i32
        %add3A_890 = vector.broadcast %add3A_889 : i32 to vector<16xi32>
        %add3A_891 = arith.addi %broadcast_in_dim3A_5, %add3A_890 : vector<16xi32>
        %add3A_892 = arith.constant 7 : i32
        %add3A_893 = vector.broadcast %add3A_892 : i32 to vector<16xi32>
        %add3A_894 = arith.addi %broadcast_in_dim3A_5, %add3A_893 : vector<16xi32>
        %gather3A_895 = tpu.vector_load_idx %arg7[%add3A_250, %add3A_891, %add3A_894, %select_n3A_797] masked %lt3A_785 : memref<2x4x8x1025xf32, #tpu.memory_space<vmem>>[vector<16xi32>, vector<16xi32>, vector<16xi32>, vector<16xi32>], vector<16xf32>, vector<16xi1>
        %add3A_896 = arith.constant 16 : i32
        %add3A_897 = vector.broadcast %add3A_896 : i32 to vector<16xi32>
        %add3A_898 = arith.addi %iota3A, %add3A_897 : vector<16xi32>
        %add3A_899 = arith.constant 7 : i32
        %add3A_900 = vector.broadcast %add3A_899 : i32 to vector<16xi32>
        %add3A_901 = arith.addi %broadcast_in_dim3A_5, %add3A_900 : vector<16xi32>
        tpu.vector_store_idx %arg8[%add3A_898, %add3A_901], %gather3A_895 : memref<64x128xf32, #tpu.memory_space<vmem>>[vector<16xi32>, vector<16xi32>], vector<16xf32>,
        %add3A_902 = arith.constant 1 : i32
        %add3A_903 = vector.broadcast %add3A_902 : i32 to vector<16xi32>
        %add3A_904 = arith.addi %broadcast_in_dim3A_5, %add3A_903 : vector<16xi32>
        %add3A_905 = arith.constant 0 : i32
        %add3A_906 = vector.broadcast %add3A_905 : i32 to vector<16xi32>
        %add3A_907 = arith.addi %broadcast_in_dim3A_5, %add3A_906 : vector<16xi32>
        %gather3A_908 = tpu.vector_load_idx %arg7[%add3A_250, %add3A_904, %add3A_907, %select_n3A_797] masked %lt3A_785 : memref<2x4x8x1025xf32, #tpu.memory_space<vmem>>[vector<16xi32>, vector<16xi32>, vector<16xi32>, vector<16xi32>], vector<16xf32>, vector<16xi1>
        %add3A_909 = arith.constant 16 : i32
        %add3A_910 = vector.broadcast %add3A_909 : i32 to vector<16xi32>
        %add3A_911 = arith.addi %iota3A, %add3A_910 : vector<16xi32>
        %add3A_912 = arith.constant 8 : i32
        %add3A_913 = vector.broadcast %add3A_912 : i32 to vector<16xi32>
        %add3A_914 = arith.addi %broadcast_in_dim3A_5, %add3A_913 : vector<16xi32>
        tpu.vector_store_idx %arg8[%add3A_911, %add3A_914], %gather3A_908 : memref<64x128xf32, #tpu.memory_space<vmem>>[vector<16xi32>, vector<16xi32>], vector<16xf32>,
        %add3A_915 = arith.constant 1 : i32
        %add3A_916 = vector.broadcast %add3A_915 : i32 to vector<16xi32>
        %add3A_917 = arith.addi %broadcast_in_dim3A_5, %add3A_916 : vector<16xi32>
        %add3A_918 = arith.constant 1 : i32
        %add3A_919 = vector.broadcast %add3A_918 : i32 to vector<16xi32>
        %add3A_920 = arith.addi %broadcast_in_dim3A_5, %add3A_919 : vector<16xi32>
        %gather3A_921 = tpu.vector_load_idx %arg7[%add3A_250, %add3A_917, %add3A_920, %select_n3A_797] masked %lt3A_785 : memref<2x4x8x1025xf32, #tpu.memory_space<vmem>>[vector<16xi32>, vector<16xi32>, vector<16xi32>, vector<16xi32>], vector<16xf32>, vector<16xi1>
        %add3A_922 = arith.constant 16 : i32
        %add3A_923 = vector.broadcast %add3A_922 : i32 to vector<16xi32>
        %add3A_924 = arith.addi %iota3A, %add3A_923 : vector<16xi32>
        %add3A_925 = arith.constant 9 : i32
        %add3A_926 = vector.broadcast %add3A_925 : i32 to vector<16xi32>
        %add3A_927 = arith.addi %broadcast_in_dim3A_5, %add3A_926 : vector<16xi32>
        tpu.vector_store_idx %arg8[%add3A_924, %add3A_927], %gather3A_921 : memref<64x128xf32, #tpu.memory_space<vmem>>[vector<16xi32>, vector<16xi32>], vector<16xf32>,
        %add3A_928 = arith.constant 1 : i32
        %add3A_929 = vector.broadcast %add3A_928 : i32 to vector<16xi32>
        %add3A_930 = arith.addi %broadcast_in_dim3A_5, %add3A_929 : vector<16xi32>
        %add3A_931 = arith.constant 2 : i32
        %add3A_932 = vector.broadcast %add3A_931 : i32 to vector<16xi32>
        %add3A_933 = arith.addi %broadcast_in_dim3A_5, %add3A_932 : vector<16xi32>
        %gather3A_934 = tpu.vector_load_idx %arg7[%add3A_250, %add3A_930, %add3A_933, %select_n3A_797] masked %lt3A_785 : memref<2x4x8x1025xf32, #tpu.memory_space<vmem>>[vector<16xi32>, vector<16xi32>, vector<16xi32>, vector<16xi32>], vector<16xf32>, vector<16xi1>
        %add3A_935 = arith.constant 16 : i32
        %add3A_936 = vector.broadcast %add3A_935 : i32 to vector<16xi32>
        %add3A_937 = arith.addi %iota3A, %add3A_936 : vector<16xi32>
        %add3A_938 = arith.constant 10 : i32
        %add3A_939 = vector.broadcast %add3A_938 : i32 to vector<16xi32>
        %add3A_940 = arith.addi %broadcast_in_dim3A_5, %add3A_939 : vector<16xi32>
        tpu.vector_store_idx %arg8[%add3A_937, %add3A_940], %gather3A_934 : memref<64x128xf32, #tpu.memory_space<vmem>>[vector<16xi32>, vector<16xi32>], vector<16xf32>,
        %add3A_941 = arith.constant 1 : i32
        %add3A_942 = vector.broadcast %add3A_941 : i32 to vector<16xi32>
        %add3A_943 = arith.addi %broadcast_in_dim3A_5, %add3A_942 : vector<16xi32>
        %add3A_944 = arith.constant 3 : i32
        %add3A_945 = vector.broadcast %add3A_944 : i32 to vector<16xi32>
        %add3A_946 = arith.addi %broadcast_in_dim3A_5, %add3A_945 : vector<16xi32>
        %gather3A_947 = tpu.vector_load_idx %arg7[%add3A_250, %add3A_943, %add3A_946, %select_n3A_797] masked %lt3A_785 : memref<2x4x8x1025xf32, #tpu.memory_space<vmem>>[vector<16xi32>, vector<16xi32>, vector<16xi32>, vector<16xi32>], vector<16xf32>, vector<16xi1>
        %add3A_948 = arith.constant 16 : i32
        %add3A_949 = vector.broadcast %add3A_948 : i32 to vector<16xi32>
        %add3A_950 = arith.addi %iota3A, %add3A_949 : vector<16xi32>
        %add3A_951 = arith.constant 11 : i32
        %add3A_952 = vector.broadcast %add3A_951 : i32 to vector<16xi32>
        %add3A_953 = arith.addi %broadcast_in_dim3A_5, %add3A_952 : vector<16xi32>
        tpu.vector_store_idx %arg8[%add3A_950, %add3A_953], %gather3A_947 : memref<64x128xf32, #tpu.memory_space<vmem>>[vector<16xi32>, vector<16xi32>], vector<16xf32>,
        %add3A_954 = arith.constant 1 : i32
        %add3A_955 = vector.broadcast %add3A_954 : i32 to vector<16xi32>
        %add3A_956 = arith.addi %broadcast_in_dim3A_5, %add3A_955 : vector<16xi32>
        %add3A_957 = arith.constant 4 : i32
        %add3A_958 = vector.broadcast %add3A_957 : i32 to vector<16xi32>
        %add3A_959 = arith.addi %broadcast_in_dim3A_5, %add3A_958 : vector<16xi32>
        %gather3A_960 = tpu.vector_load_idx %arg7[%add3A_250, %add3A_956, %add3A_959, %select_n3A_797] masked %lt3A_785 : memref<2x4x8x1025xf32, #tpu.memory_space<vmem>>[vector<16xi32>, vector<16xi32>, vector<16xi32>, vector<16xi32>], vector<16xf32>, vector<16xi1>
        %add3A_961 = arith.constant 16 : i32
        %add3A_962 = vector.broadcast %add3A_961 : i32 to vector<16xi32>
        %add3A_963 = arith.addi %iota3A, %add3A_962 : vector<16xi32>
        %add3A_964 = arith.constant 12 : i32
        %add3A_965 = vector.broadcast %add3A_964 : i32 to vector<16xi32>
        %add3A_966 = arith.addi %broadcast_in_dim3A_5, %add3A_965 : vector<16xi32>
        tpu.vector_store_idx %arg8[%add3A_963, %add3A_966], %gather3A_960 : memref<64x128xf32, #tpu.memory_space<vmem>>[vector<16xi32>, vector<16xi32>], vector<16xf32>,
        %add3A_967 = arith.constant 1 : i32
        %add3A_968 = vector.broadcast %add3A_967 : i32 to vector<16xi32>
        %add3A_969 = arith.addi %broadcast_in_dim3A_5, %add3A_968 : vector<16xi32>
        %add3A_970 = arith.constant 5 : i32
        %add3A_971 = vector.broadcast %add3A_970 : i32 to vector<16xi32>
        %add3A_972 = arith.addi %broadcast_in_dim3A_5, %add3A_971 : vector<16xi32>
        %gather3A_973 = tpu.vector_load_idx %arg7[%add3A_250, %add3A_969, %add3A_972, %select_n3A_797] masked %lt3A_785 : memref<2x4x8x1025xf32, #tpu.memory_space<vmem>>[vector<16xi32>, vector<16xi32>, vector<16xi32>, vector<16xi32>], vector<16xf32>, vector<16xi1>
        %add3A_974 = arith.constant 16 : i32
        %add3A_975 = vector.broadcast %add3A_974 : i32 to vector<16xi32>
        %add3A_976 = arith.addi %iota3A, %add3A_975 : vector<16xi32>
        %add3A_977 = arith.constant 13 : i32
        %add3A_978 = vector.broadcast %add3A_977 : i32 to vector<16xi32>
        %add3A_979 = arith.addi %broadcast_in_dim3A_5, %add3A_978 : vector<16xi32>
        tpu.vector_store_idx %arg8[%add3A_976, %add3A_979], %gather3A_973 : memref<64x128xf32, #tpu.memory_space<vmem>>[vector<16xi32>, vector<16xi32>], vector<16xf32>,
        %add3A_980 = arith.constant 1 : i32
        %add3A_981 = vector.broadcast %add3A_980 : i32 to vector<16xi32>
        %add3A_982 = arith.addi %broadcast_in_dim3A_5, %add3A_981 : vector<16xi32>
        %add3A_983 = arith.constant 6 : i32
        %add3A_984 = vector.broadcast %add3A_983 : i32 to vector<16xi32>
        %add3A_985 = arith.addi %broadcast_in_dim3A_5, %add3A_984 : vector<16xi32>
        %gather3A_986 = tpu.vector_load_idx %arg7[%add3A_250, %add3A_982, %add3A_985, %select_n3A_797] masked %lt3A_785 : memref<2x4x8x1025xf32, #tpu.memory_space<vmem>>[vector<16xi32>, vector<16xi32>, vector<16xi32>, vector<16xi32>], vector<16xf32>, vector<16xi1>
        %add3A_987 = arith.constant 16 : i32
        %add3A_988 = vector.broadcast %add3A_987 : i32 to vector<16xi32>
        %add3A_989 = arith.addi %iota3A, %add3A_988 : vector<16xi32>
        %add3A_990 = arith.constant 14 : i32
        %add3A_991 = vector.broadcast %add3A_990 : i32 to vector<16xi32>
        %add3A_992 = arith.addi %broadcast_in_dim3A_5, %add3A_991 : vector<16xi32>
        tpu.vector_store_idx %arg8[%add3A_989, %add3A_992], %gather3A_986 : memref<64x128xf32, #tpu.memory_space<vmem>>[vector<16xi32>, vector<16xi32>], vector<16xf32>,
        %add3A_993 = arith.constant 1 : i32
        %add3A_994 = vector.broadcast %add3A_993 : i32 to vector<16xi32>
        %add3A_995 = arith.addi %broadcast_in_dim3A_5, %add3A_994 : vector<16xi32>
        %add3A_996 = arith.constant 7 : i32
        %add3A_997 = vector.broadcast %add3A_996 : i32 to vector<16xi32>
        %add3A_998 = arith.addi %broadcast_in_dim3A_5, %add3A_997 : vector<16xi32>
        %gather3A_999 = tpu.vector_load_idx %arg7[%add3A_250, %add3A_995, %add3A_998, %select_n3A_797] masked %lt3A_785 : memref<2x4x8x1025xf32, #tpu.memory_space<vmem>>[vector<16xi32>, vector<16xi32>, vector<16xi32>, vector<16xi32>], vector<16xf32>, vector<16xi1>
        %add3A_1000 = arith.constant 16 : i32
        %add3A_1001 = vector.broadcast %add3A_1000 : i32 to vector<16xi32>
        %add3A_1002 = arith.addi %iota3A, %add3A_1001 : vector<16xi32>
        %add3A_1003 = arith.constant 15 : i32
        %add3A_1004 = vector.broadcast %add3A_1003 : i32 to vector<16xi32>
        %add3A_1005 = arith.addi %broadcast_in_dim3A_5, %add3A_1004 : vector<16xi32>
        tpu.vector_store_idx %arg8[%add3A_1002, %add3A_1005], %gather3A_999 : memref<64x128xf32, #tpu.memory_space<vmem>>[vector<16xi32>, vector<16xi32>], vector<16xf32>,
        %add3A_1006 = arith.constant 2 : i32
        %add3A_1007 = vector.broadcast %add3A_1006 : i32 to vector<16xi32>
        %add3A_1008 = arith.addi %broadcast_in_dim3A_5, %add3A_1007 : vector<16xi32>
        %add3A_1009 = arith.constant 0 : i32
        %add3A_1010 = vector.broadcast %add3A_1009 : i32 to vector<16xi32>
        %add3A_1011 = arith.addi %broadcast_in_dim3A_5, %add3A_1010 : vector<16xi32>
        %gather3A_1012 = tpu.vector_load_idx %arg7[%add3A_250, %add3A_1008, %add3A_1011, %select_n3A_797] masked %lt3A_785 : memref<2x4x8x1025xf32, #tpu.memory_space<vmem>>[vector<16xi32>, vector<16xi32>, vector<16xi32>, vector<16xi32>], vector<16xf32>, vector<16xi1>
        %add3A_1013 = arith.constant 16 : i32
        %add3A_1014 = vector.broadcast %add3A_1013 : i32 to vector<16xi32>
        %add3A_1015 = arith.addi %iota3A, %add3A_1014 : vector<16xi32>
        %add3A_1016 = arith.constant 16 : i32
        %add3A_1017 = vector.broadcast %add3A_1016 : i32 to vector<16xi32>
        %add3A_1018 = arith.addi %broadcast_in_dim3A_5, %add3A_1017 : vector<16xi32>
        tpu.vector_store_idx %arg8[%add3A_1015, %add3A_1018], %gather3A_1012 : memref<64x128xf32, #tpu.memory_space<vmem>>[vector<16xi32>, vector<16xi32>], vector<16xf32>,
        %add3A_1019 = arith.constant 2 : i32
        %add3A_1020 = vector.broadcast %add3A_1019 : i32 to vector<16xi32>
        %add3A_1021 = arith.addi %broadcast_in_dim3A_5, %add3A_1020 : vector<16xi32>
        %add3A_1022 = arith.constant 1 : i32
        %add3A_1023 = vector.broadcast %add3A_1022 : i32 to vector<16xi32>
        %add3A_1024 = arith.addi %broadcast_in_dim3A_5, %add3A_1023 : vector<16xi32>
        %gather3A_1025 = tpu.vector_load_idx %arg7[%add3A_250, %add3A_1021, %add3A_1024, %select_n3A_797] masked %lt3A_785 : memref<2x4x8x1025xf32, #tpu.memory_space<vmem>>[vector<16xi32>, vector<16xi32>, vector<16xi32>, vector<16xi32>], vector<16xf32>, vector<16xi1>
        %add3A_1026 = arith.constant 16 : i32
        %add3A_1027 = vector.broadcast %add3A_1026 : i32 to vector<16xi32>
        %add3A_1028 = arith.addi %iota3A, %add3A_1027 : vector<16xi32>
        %add3A_1029 = arith.constant 17 : i32
        %add3A_1030 = vector.broadcast %add3A_1029 : i32 to vector<16xi32>
        %add3A_1031 = arith.addi %broadcast_in_dim3A_5, %add3A_1030 : vector<16xi32>
        tpu.vector_store_idx %arg8[%add3A_1028, %add3A_1031], %gather3A_1025 : memref<64x128xf32, #tpu.memory_space<vmem>>[vector<16xi32>, vector<16xi32>], vector<16xf32>,
        %add3A_1032 = arith.constant 2 : i32
        %add3A_1033 = vector.broadcast %add3A_1032 : i32 to vector<16xi32>
        %add3A_1034 = arith.addi %broadcast_in_dim3A_5, %add3A_1033 : vector<16xi32>
        %add3A_1035 = arith.constant 2 : i32
        %add3A_1036 = vector.broadcast %add3A_1035 : i32 to vector<16xi32>
        %add3A_1037 = arith.addi %broadcast_in_dim3A_5, %add3A_1036 : vector<16xi32>
        %gather3A_1038 = tpu.vector_load_idx %arg7[%add3A_250, %add3A_1034, %add3A_1037, %select_n3A_797] masked %lt3A_785 : memref<2x4x8x1025xf32, #tpu.memory_space<vmem>>[vector<16xi32>, vector<16xi32>, vector<16xi32>, vector<16xi32>], vector<16xf32>, vector<16xi1>
        %add3A_1039 = arith.constant 16 : i32
        %add3A_1040 = vector.broadcast %add3A_1039 : i32 to vector<16xi32>
        %add3A_1041 = arith.addi %iota3A, %add3A_1040 : vector<16xi32>
        %add3A_1042 = arith.constant 18 : i32
        %add3A_1043 = vector.broadcast %add3A_1042 : i32 to vector<16xi32>
        %add3A_1044 = arith.addi %broadcast_in_dim3A_5, %add3A_1043 : vector<16xi32>
        tpu.vector_store_idx %arg8[%add3A_1041, %add3A_1044], %gather3A_1038 : memref<64x128xf32, #tpu.memory_space<vmem>>[vector<16xi32>, vector<16xi32>], vector<16xf32>,
        %add3A_1045 = arith.constant 2 : i32
        %add3A_1046 = vector.broadcast %add3A_1045 : i32 to vector<16xi32>
        %add3A_1047 = arith.addi %broadcast_in_dim3A_5, %add3A_1046 : vector<16xi32>
        %add3A_1048 = arith.constant 3 : i32
        %add3A_1049 = vector.broadcast %add3A_1048 : i32 to vector<16xi32>
        %add3A_1050 = arith.addi %broadcast_in_dim3A_5, %add3A_1049 : vector<16xi32>
        %gather3A_1051 = tpu.vector_load_idx %arg7[%add3A_250, %add3A_1047, %add3A_1050, %select_n3A_797] masked %lt3A_785 : memref<2x4x8x1025xf32, #tpu.memory_space<vmem>>[vector<16xi32>, vector<16xi32>, vector<16xi32>, vector<16xi32>], vector<16xf32>, vector<16xi1>
        %add3A_1052 = arith.constant 16 : i32
        %add3A_1053 = vector.broadcast %add3A_1052 : i32 to vector<16xi32>
        %add3A_1054 = arith.addi %iota3A, %add3A_1053 : vector<16xi32>
        %add3A_1055 = arith.constant 19 : i32
        %add3A_1056 = vector.broadcast %add3A_1055 : i32 to vector<16xi32>
        %add3A_1057 = arith.addi %broadcast_in_dim3A_5, %add3A_1056 : vector<16xi32>
        tpu.vector_store_idx %arg8[%add3A_1054, %add3A_1057], %gather3A_1051 : memref<64x128xf32, #tpu.memory_space<vmem>>[vector<16xi32>, vector<16xi32>], vector<16xf32>,
        %add3A_1058 = arith.constant 2 : i32
        %add3A_1059 = vector.broadcast %add3A_1058 : i32 to vector<16xi32>
        %add3A_1060 = arith.addi %broadcast_in_dim3A_5, %add3A_1059 : vector<16xi32>
        %add3A_1061 = arith.constant 4 : i32
        %add3A_1062 = vector.broadcast %add3A_1061 : i32 to vector<16xi32>
        %add3A_1063 = arith.addi %broadcast_in_dim3A_5, %add3A_1062 : vector<16xi32>
        %gather3A_1064 = tpu.vector_load_idx %arg7[%add3A_250, %add3A_1060, %add3A_1063, %select_n3A_797] masked %lt3A_785 : memref<2x4x8x1025xf32, #tpu.memory_space<vmem>>[vector<16xi32>, vector<16xi32>, vector<16xi32>, vector<16xi32>], vector<16xf32>, vector<16xi1>
        %add3A_1065 = arith.constant 16 : i32
        %add3A_1066 = vector.broadcast %add3A_1065 : i32 to vector<16xi32>
        %add3A_1067 = arith.addi %iota3A, %add3A_1066 : vector<16xi32>
        %add3A_1068 = arith.constant 20 : i32
        %add3A_1069 = vector.broadcast %add3A_1068 : i32 to vector<16xi32>
        %add3A_1070 = arith.addi %broadcast_in_dim3A_5, %add3A_1069 : vector<16xi32>
        tpu.vector_store_idx %arg8[%add3A_1067, %add3A_1070], %gather3A_1064 : memref<64x128xf32, #tpu.memory_space<vmem>>[vector<16xi32>, vector<16xi32>], vector<16xf32>,
        %add3A_1071 = arith.constant 2 : i32
        %add3A_1072 = vector.broadcast %add3A_1071 : i32 to vector<16xi32>
        %add3A_1073 = arith.addi %broadcast_in_dim3A_5, %add3A_1072 : vector<16xi32>
        %add3A_1074 = arith.constant 5 : i32
        %add3A_1075 = vector.broadcast %add3A_1074 : i32 to vector<16xi32>
        %add3A_1076 = arith.addi %broadcast_in_dim3A_5, %add3A_1075 : vector<16xi32>
        %gather3A_1077 = tpu.vector_load_idx %arg7[%add3A_250, %add3A_1073, %add3A_1076, %select_n3A_797] masked %lt3A_785 : memref<2x4x8x1025xf32, #tpu.memory_space<vmem>>[vector<16xi32>, vector<16xi32>, vector<16xi32>, vector<16xi32>], vector<16xf32>, vector<16xi1>
        %add3A_1078 = arith.constant 16 : i32
        %add3A_1079 = vector.broadcast %add3A_1078 : i32 to vector<16xi32>
        %add3A_1080 = arith.addi %iota3A, %add3A_1079 : vector<16xi32>
        %add3A_1081 = arith.constant 21 : i32
        %add3A_1082 = vector.broadcast %add3A_1081 : i32 to vector<16xi32>
        %add3A_1083 = arith.addi %broadcast_in_dim3A_5, %add3A_1082 : vector<16xi32>
        tpu.vector_store_idx %arg8[%add3A_1080, %add3A_1083], %gather3A_1077 : memref<64x128xf32, #tpu.memory_space<vmem>>[vector<16xi32>, vector<16xi32>], vector<16xf32>,
        %add3A_1084 = arith.constant 2 : i32
        %add3A_1085 = vector.broadcast %add3A_1084 : i32 to vector<16xi32>
        %add3A_1086 = arith.addi %broadcast_in_dim3A_5, %add3A_1085 : vector<16xi32>
        %add3A_1087 = arith.constant 6 : i32
        %add3A_1088 = vector.broadcast %add3A_1087 : i32 to vector<16xi32>
        %add3A_1089 = arith.addi %broadcast_in_dim3A_5, %add3A_1088 : vector<16xi32>
        %gather3A_1090 = tpu.vector_load_idx %arg7[%add3A_250, %add3A_1086, %add3A_1089, %select_n3A_797] masked %lt3A_785 : memref<2x4x8x1025xf32, #tpu.memory_space<vmem>>[vector<16xi32>, vector<16xi32>, vector<16xi32>, vector<16xi32>], vector<16xf32>, vector<16xi1>
        %add3A_1091 = arith.constant 16 : i32
        %add3A_1092 = vector.broadcast %add3A_1091 : i32 to vector<16xi32>
        %add3A_1093 = arith.addi %iota3A, %add3A_1092 : vector<16xi32>
        %add3A_1094 = arith.constant 22 : i32
        %add3A_1095 = vector.broadcast %add3A_1094 : i32 to vector<16xi32>
        %add3A_1096 = arith.addi %broadcast_in_dim3A_5, %add3A_1095 : vector<16xi32>
        tpu.vector_store_idx %arg8[%add3A_1093, %add3A_1096], %gather3A_1090 : memref<64x128xf32, #tpu.memory_space<vmem>>[vector<16xi32>, vector<16xi32>], vector<16xf32>,
        %add3A_1097 = arith.constant 2 : i32
        %add3A_1098 = vector.broadcast %add3A_1097 : i32 to vector<16xi32>
        %add3A_1099 = arith.addi %broadcast_in_dim3A_5, %add3A_1098 : vector<16xi32>
        %add3A_1100 = arith.constant 7 : i32
        %add3A_1101 = vector.broadcast %add3A_1100 : i32 to vector<16xi32>
        %add3A_1102 = arith.addi %broadcast_in_dim3A_5, %add3A_1101 : vector<16xi32>
        %gather3A_1103 = tpu.vector_load_idx %arg7[%add3A_250, %add3A_1099, %add3A_1102, %select_n3A_797] masked %lt3A_785 : memref<2x4x8x1025xf32, #tpu.memory_space<vmem>>[vector<16xi32>, vector<16xi32>, vector<16xi32>, vector<16xi32>], vector<16xf32>, vector<16xi1>
        %add3A_1104 = arith.constant 16 : i32
        %add3A_1105 = vector.broadcast %add3A_1104 : i32 to vector<16xi32>
        %add3A_1106 = arith.addi %iota3A, %add3A_1105 : vector<16xi32>
        %add3A_1107 = arith.constant 23 : i32
        %add3A_1108 = vector.broadcast %add3A_1107 : i32 to vector<16xi32>
        %add3A_1109 = arith.addi %broadcast_in_dim3A_5, %add3A_1108 : vector<16xi32>
        tpu.vector_store_idx %arg8[%add3A_1106, %add3A_1109], %gather3A_1103 : memref<64x128xf32, #tpu.memory_space<vmem>>[vector<16xi32>, vector<16xi32>], vector<16xf32>,
        %add3A_1110 = arith.constant 3 : i32
        %add3A_1111 = vector.broadcast %add3A_1110 : i32 to vector<16xi32>
        %add3A_1112 = arith.addi %broadcast_in_dim3A_5, %add3A_1111 : vector<16xi32>
        %add3A_1113 = arith.constant 0 : i32
        %add3A_1114 = vector.broadcast %add3A_1113 : i32 to vector<16xi32>
        %add3A_1115 = arith.addi %broadcast_in_dim3A_5, %add3A_1114 : vector<16xi32>
        %gather3A_1116 = tpu.vector_load_idx %arg7[%add3A_250, %add3A_1112, %add3A_1115, %select_n3A_797] masked %lt3A_785 : memref<2x4x8x1025xf32, #tpu.memory_space<vmem>>[vector<16xi32>, vector<16xi32>, vector<16xi32>, vector<16xi32>], vector<16xf32>, vector<16xi1>
        %add3A_1117 = arith.constant 16 : i32
        %add3A_1118 = vector.broadcast %add3A_1117 : i32 to vector<16xi32>
        %add3A_1119 = arith.addi %iota3A, %add3A_1118 : vector<16xi32>
        %add3A_1120 = arith.constant 24 : i32
        %add3A_1121 = vector.broadcast %add3A_1120 : i32 to vector<16xi32>
        %add3A_1122 = arith.addi %broadcast_in_dim3A_5, %add3A_1121 : vector<16xi32>
        tpu.vector_store_idx %arg8[%add3A_1119, %add3A_1122], %gather3A_1116 : memref<64x128xf32, #tpu.memory_space<vmem>>[vector<16xi32>, vector<16xi32>], vector<16xf32>,
        %add3A_1123 = arith.constant 3 : i32
        %add3A_1124 = vector.broadcast %add3A_1123 : i32 to vector<16xi32>
        %add3A_1125 = arith.addi %broadcast_in_dim3A_5, %add3A_1124 : vector<16xi32>
        %add3A_1126 = arith.constant 1 : i32
        %add3A_1127 = vector.broadcast %add3A_1126 : i32 to vector<16xi32>
        %add3A_1128 = arith.addi %broadcast_in_dim3A_5, %add3A_1127 : vector<16xi32>
        %gather3A_1129 = tpu.vector_load_idx %arg7[%add3A_250, %add3A_1125, %add3A_1128, %select_n3A_797] masked %lt3A_785 : memref<2x4x8x1025xf32, #tpu.memory_space<vmem>>[vector<16xi32>, vector<16xi32>, vector<16xi32>, vector<16xi32>], vector<16xf32>, vector<16xi1>
        %add3A_1130 = arith.constant 16 : i32
        %add3A_1131 = vector.broadcast %add3A_1130 : i32 to vector<16xi32>
        %add3A_1132 = arith.addi %iota3A, %add3A_1131 : vector<16xi32>
        %add3A_1133 = arith.constant 25 : i32
        %add3A_1134 = vector.broadcast %add3A_1133 : i32 to vector<16xi32>
        %add3A_1135 = arith.addi %broadcast_in_dim3A_5, %add3A_1134 : vector<16xi32>
        tpu.vector_store_idx %arg8[%add3A_1132, %add3A_1135], %gather3A_1129 : memref<64x128xf32, #tpu.memory_space<vmem>>[vector<16xi32>, vector<16xi32>], vector<16xf32>,
        %add3A_1136 = arith.constant 3 : i32
        %add3A_1137 = vector.broadcast %add3A_1136 : i32 to vector<16xi32>
        %add3A_1138 = arith.addi %broadcast_in_dim3A_5, %add3A_1137 : vector<16xi32>
        %add3A_1139 = arith.constant 2 : i32
        %add3A_1140 = vector.broadcast %add3A_1139 : i32 to vector<16xi32>
        %add3A_1141 = arith.addi %broadcast_in_dim3A_5, %add3A_1140 : vector<16xi32>
        %gather3A_1142 = tpu.vector_load_idx %arg7[%add3A_250, %add3A_1138, %add3A_1141, %select_n3A_797] masked %lt3A_785 : memref<2x4x8x1025xf32, #tpu.memory_space<vmem>>[vector<16xi32>, vector<16xi32>, vector<16xi32>, vector<16xi32>], vector<16xf32>, vector<16xi1>
        %add3A_1143 = arith.constant 16 : i32
        %add3A_1144 = vector.broadcast %add3A_1143 : i32 to vector<16xi32>
        %add3A_1145 = arith.addi %iota3A, %add3A_1144 : vector<16xi32>
        %add3A_1146 = arith.constant 26 : i32
        %add3A_1147 = vector.broadcast %add3A_1146 : i32 to vector<16xi32>
        %add3A_1148 = arith.addi %broadcast_in_dim3A_5, %add3A_1147 : vector<16xi32>
        tpu.vector_store_idx %arg8[%add3A_1145, %add3A_1148], %gather3A_1142 : memref<64x128xf32, #tpu.memory_space<vmem>>[vector<16xi32>, vector<16xi32>], vector<16xf32>,
        %add3A_1149 = arith.constant 3 : i32
        %add3A_1150 = vector.broadcast %add3A_1149 : i32 to vector<16xi32>
        %add3A_1151 = arith.addi %broadcast_in_dim3A_5, %add3A_1150 : vector<16xi32>
        %add3A_1152 = arith.constant 3 : i32
        %add3A_1153 = vector.broadcast %add3A_1152 : i32 to vector<16xi32>
        %add3A_1154 = arith.addi %broadcast_in_dim3A_5, %add3A_1153 : vector<16xi32>
        %gather3A_1155 = tpu.vector_load_idx %arg7[%add3A_250, %add3A_1151, %add3A_1154, %select_n3A_797] masked %lt3A_785 : memref<2x4x8x1025xf32, #tpu.memory_space<vmem>>[vector<16xi32>, vector<16xi32>, vector<16xi32>, vector<16xi32>], vector<16xf32>, vector<16xi1>
        %add3A_1156 = arith.constant 16 : i32
        %add3A_1157 = vector.broadcast %add3A_1156 : i32 to vector<16xi32>
        %add3A_1158 = arith.addi %iota3A, %add3A_1157 : vector<16xi32>
        %add3A_1159 = arith.constant 27 : i32
        %add3A_1160 = vector.broadcast %add3A_1159 : i32 to vector<16xi32>
        %add3A_1161 = arith.addi %broadcast_in_dim3A_5, %add3A_1160 : vector<16xi32>
        tpu.vector_store_idx %arg8[%add3A_1158, %add3A_1161], %gather3A_1155 : memref<64x128xf32, #tpu.memory_space<vmem>>[vector<16xi32>, vector<16xi32>], vector<16xf32>,
        %add3A_1162 = arith.constant 3 : i32
        %add3A_1163 = vector.broadcast %add3A_1162 : i32 to vector<16xi32>
        %add3A_1164 = arith.addi %broadcast_in_dim3A_5, %add3A_1163 : vector<16xi32>
        %add3A_1165 = arith.constant 4 : i32
        %add3A_1166 = vector.broadcast %add3A_1165 : i32 to vector<16xi32>
        %add3A_1167 = arith.addi %broadcast_in_dim3A_5, %add3A_1166 : vector<16xi32>
        %gather3A_1168 = tpu.vector_load_idx %arg7[%add3A_250, %add3A_1164, %add3A_1167, %select_n3A_797] masked %lt3A_785 : memref<2x4x8x1025xf32, #tpu.memory_space<vmem>>[vector<16xi32>, vector<16xi32>, vector<16xi32>, vector<16xi32>], vector<16xf32>, vector<16xi1>
        %add3A_1169 = arith.constant 16 : i32
        %add3A_1170 = vector.broadcast %add3A_1169 : i32 to vector<16xi32>
        %add3A_1171 = arith.addi %iota3A, %add3A_1170 : vector<16xi32>
        %add3A_1172 = arith.constant 28 : i32
        %add3A_1173 = vector.broadcast %add3A_1172 : i32 to vector<16xi32>
        %add3A_1174 = arith.addi %broadcast_in_dim3A_5, %add3A_1173 : vector<16xi32>
        tpu.vector_store_idx %arg8[%add3A_1171, %add3A_1174], %gather3A_1168 : memref<64x128xf32, #tpu.memory_space<vmem>>[vector<16xi32>, vector<16xi32>], vector<16xf32>,
        %add3A_1175 = arith.constant 3 : i32
        %add3A_1176 = vector.broadcast %add3A_1175 : i32 to vector<16xi32>
        %add3A_1177 = arith.addi %broadcast_in_dim3A_5, %add3A_1176 : vector<16xi32>
        %add3A_1178 = arith.constant 5 : i32
        %add3A_1179 = vector.broadcast %add3A_1178 : i32 to vector<16xi32>
        %add3A_1180 = arith.addi %broadcast_in_dim3A_5, %add3A_1179 : vector<16xi32>
        %gather3A_1181 = tpu.vector_load_idx %arg7[%add3A_250, %add3A_1177, %add3A_1180, %select_n3A_797] masked %lt3A_785 : memref<2x4x8x1025xf32, #tpu.memory_space<vmem>>[vector<16xi32>, vector<16xi32>, vector<16xi32>, vector<16xi32>], vector<16xf32>, vector<16xi1>
        %add3A_1182 = arith.constant 16 : i32
        %add3A_1183 = vector.broadcast %add3A_1182 : i32 to vector<16xi32>
        %add3A_1184 = arith.addi %iota3A, %add3A_1183 : vector<16xi32>
        %add3A_1185 = arith.constant 29 : i32
        %add3A_1186 = vector.broadcast %add3A_1185 : i32 to vector<16xi32>
        %add3A_1187 = arith.addi %broadcast_in_dim3A_5, %add3A_1186 : vector<16xi32>
        tpu.vector_store_idx %arg8[%add3A_1184, %add3A_1187], %gather3A_1181 : memref<64x128xf32, #tpu.memory_space<vmem>>[vector<16xi32>, vector<16xi32>], vector<16xf32>,
        %add3A_1188 = arith.constant 3 : i32
        %add3A_1189 = vector.broadcast %add3A_1188 : i32 to vector<16xi32>
        %add3A_1190 = arith.addi %broadcast_in_dim3A_5, %add3A_1189 : vector<16xi32>
        %add3A_1191 = arith.constant 6 : i32
        %add3A_1192 = vector.broadcast %add3A_1191 : i32 to vector<16xi32>
        %add3A_1193 = arith.addi %broadcast_in_dim3A_5, %add3A_1192 : vector<16xi32>
        %gather3A_1194 = tpu.vector_load_idx %arg7[%add3A_250, %add3A_1190, %add3A_1193, %select_n3A_797] masked %lt3A_785 : memref<2x4x8x1025xf32, #tpu.memory_space<vmem>>[vector<16xi32>, vector<16xi32>, vector<16xi32>, vector<16xi32>], vector<16xf32>, vector<16xi1>
        %add3A_1195 = arith.constant 16 : i32
        %add3A_1196 = vector.broadcast %add3A_1195 : i32 to vector<16xi32>
        %add3A_1197 = arith.addi %iota3A, %add3A_1196 : vector<16xi32>
        %add3A_1198 = arith.constant 30 : i32
        %add3A_1199 = vector.broadcast %add3A_1198 : i32 to vector<16xi32>
        %add3A_1200 = arith.addi %broadcast_in_dim3A_5, %add3A_1199 : vector<16xi32>
        tpu.vector_store_idx %arg8[%add3A_1197, %add3A_1200], %gather3A_1194 : memref<64x128xf32, #tpu.memory_space<vmem>>[vector<16xi32>, vector<16xi32>], vector<16xf32>,
        %add3A_1201 = arith.constant 3 : i32
        %add3A_1202 = vector.broadcast %add3A_1201 : i32 to vector<16xi32>
        %add3A_1203 = arith.addi %broadcast_in_dim3A_5, %add3A_1202 : vector<16xi32>
        %add3A_1204 = arith.constant 7 : i32
        %add3A_1205 = vector.broadcast %add3A_1204 : i32 to vector<16xi32>
        %add3A_1206 = arith.addi %broadcast_in_dim3A_5, %add3A_1205 : vector<16xi32>
        %gather3A_1207 = tpu.vector_load_idx %arg7[%add3A_250, %add3A_1203, %add3A_1206, %select_n3A_797] masked %lt3A_785 : memref<2x4x8x1025xf32, #tpu.memory_space<vmem>>[vector<16xi32>, vector<16xi32>, vector<16xi32>, vector<16xi32>], vector<16xf32>, vector<16xi1>
        %add3A_1208 = arith.constant 16 : i32
        %add3A_1209 = vector.broadcast %add3A_1208 : i32 to vector<16xi32>
        %add3A_1210 = arith.addi %iota3A, %add3A_1209 : vector<16xi32>
        %add3A_1211 = arith.constant 31 : i32
        %add3A_1212 = vector.broadcast %add3A_1211 : i32 to vector<16xi32>
        %add3A_1213 = arith.addi %broadcast_in_dim3A_5, %add3A_1212 : vector<16xi32>
        tpu.vector_store_idx %arg8[%add3A_1210, %add3A_1213], %gather3A_1207 : memref<64x128xf32, #tpu.memory_space<vmem>>[vector<16xi32>, vector<16xi32>], vector<16xf32>,
        %and3A_1214 = arith.constant 16383 : i32
        %and3A_1215 = vector.broadcast %and3A_1214 : i32 to vector<16xi32>
        %and3A_1216 = arith.andi %get3A_789, %and3A_1215 : vector<16xi32>
        %add3A_1217 = vector.broadcast %add3A_781 : i32 to vector<16xi32>
        %add3A_1218 = arith.addi %add3A_1217, %iota3A : vector<16xi32>
        %jit3A_1219 = arith.constant 64 : i32
        %eq3A_1220 = arith.constant 0 : i32
        %eq3A_1221 = arith.cmpi eq, %jit3A_1219, %eq3A_1220 : i32
        %jit3A_1222 = arith.constant 1 : i32
        %select_n3A_1223 = arith.select %eq3A_1221, %jit3A_1222, %jit3A_1219 : i32
        %rem3A_1224 = vector.broadcast %select_n3A_1223 : i32 to vector<16xi32>
        %rem3A_1225 = arith.remsi %add3A_1218, %rem3A_1224 : vector<16xi32>
        %ne3A_1226 = arith.constant 0 : i32
        %ne3A_1227 = vector.broadcast %ne3A_1226 : i32 to vector<16xi32>
        %ne3A_1228 = arith.cmpi ne, %rem3A_1225, %ne3A_1227 : vector<16xi32>
        %lt3A_1229 = arith.constant 0 : i32
        %lt3A_1230 = vector.broadcast %lt3A_1229 : i32 to vector<16xi32>
        %lt3A_1231 = arith.cmpi slt, %rem3A_1225, %lt3A_1230 : vector<16xi32>
        %lt3A_1232 = arith.constant 0 : i32
        %lt3A_1233 = arith.cmpi slt, %select_n3A_1223, %lt3A_1232 : i32
        %ne3A_1234 = vector.broadcast %lt3A_1233 : i1 to vector<16xi1>
        %ne3A_1235 = vector.broadcast %ne3A_1234 : vector<16xi1> to vector<16xi1>
        %ne3A_1236 = arith.xori %lt3A_1231, %ne3A_1235 : vector<16xi1>
        %and3A_1237 = arith.andi %ne3A_1236, %ne3A_1228 : vector<16xi1>
        %add3A_1238 = vector.broadcast %select_n3A_1223 : i32 to vector<16xi32>
        %add3A_1239 = arith.addi %rem3A_1225, %add3A_1238 : vector<16xi32>
        %select_n3A_1240 = arith.select %and3A_1237, %add3A_1239, %rem3A_1225 : vector<16xi1>, vector<16xi32>
        %add3A_1241 = arith.constant 16384 : i32
        %add3A_1242 = vector.broadcast %add3A_1241 : i32 to vector<16xi32>
        %add3A_1243 = arith.addi %add3A_1242, %select_n3A_1240 : vector<16xi32>
        %select_n3A_1244 = arith.select %lt3A_785, %and3A_1216, %add3A_1243 : vector<16xi1>, vector<16xi32>
        %add3A_1245 = arith.constant 16 : i32
        %add3A_1246 = vector.broadcast %add3A_1245 : i32 to vector<16xi32>
        %add3A_1247 = arith.addi %iota3A, %add3A_1246 : vector<16xi32>
        tpu.vector_store_idx %arg9[%add3A_1247], %select_n3A_1244 masked %lt3A_785 : memref<64xi32, #tpu.memory_space<vmem>>[vector<16xi32>], vector<16xi32>, vector<16xi1>
        %add3A_1248 = arith.constant 32 : i32
        %add3A_1249 = arith.addi %mul3A_295, %add3A_1248 : i32
        %add3A_1250 = vector.broadcast %add3A_1249 : i32 to vector<16xi32>
        %add3A_1251 = arith.addi %add3A_1250, %iota3A : vector<16xi32>
        %lt3A_1252 = vector.broadcast %reduce_max3A_174 : i32 to vector<16xi32>
        %lt3A_1253 = arith.cmpi slt, %add3A_1251, %lt3A_1252 : vector<16xi32>
        %add3A_1254 = arith.constant 16384 : i32
        %add3A_1255 = arith.addi %add3A_1254, %add3A_1249 : i32
        %get3A_1256 = arith.index_cast %add3A_1255 : i32 to index
        %get3A_1257 = tpu.vector_load %arg6[%get3A_1256] {strides = array<i32>} : memref<32768xi32, #tpu.memory_space<vmem>>, vector<16xi32>,
        %shift_right_arithmetic3A_1258 = arith.constant 14 : i32
        %shift_right_arithmetic3A_1259 = vector.broadcast %shift_right_arithmetic3A_1258 : i32 to vector<16xi32>
        %shift_right_arithmetic3A_1260 = arith.shrsi %get3A_1257, %shift_right_arithmetic3A_1259 : vector<16xi32>
        %sub3A_1261 = vector.broadcast %sub3A_156 : i32 to vector<16xi32>
        %sub3A_1262 = arith.subi %shift_right_arithmetic3A_1260, %sub3A_1261 : vector<16xi32>
        %jit3A_1263 = arith.constant 0 : i32
        %broadcast_in_dim3A_1264 = vector.broadcast %jit3A_1263 : i32 to vector<16xi32>
        %select_n3A_1265 = arith.select %lt3A_1253, %sub3A_1262, %broadcast_in_dim3A_1264 : vector<16xi1>, vector<16xi32>
        %add3A_1266 = arith.constant 0 : i32
        %add3A_1267 = vector.broadcast %add3A_1266 : i32 to vector<16xi32>
        %add3A_1268 = arith.addi %broadcast_in_dim3A_5, %add3A_1267 : vector<16xi32>
        %add3A_1269 = arith.constant 0 : i32
        %add3A_1270 = vector.broadcast %add3A_1269 : i32 to vector<16xi32>
        %add3A_1271 = arith.addi %broadcast_in_dim3A_5, %add3A_1270 : vector<16xi32>
        %gather3A_1272 = tpu.vector_load_idx %arg7[%add3A_250, %add3A_1268, %add3A_1271, %select_n3A_1265] masked %lt3A_1253 : memref<2x4x8x1025xf32, #tpu.memory_space<vmem>>[vector<16xi32>, vector<16xi32>, vector<16xi32>, vector<16xi32>], vector<16xf32>, vector<16xi1>
        %add3A_1273 = arith.constant 32 : i32
        %add3A_1274 = vector.broadcast %add3A_1273 : i32 to vector<16xi32>
        %add3A_1275 = arith.addi %iota3A, %add3A_1274 : vector<16xi32>
        %add3A_1276 = arith.constant 0 : i32
        %add3A_1277 = vector.broadcast %add3A_1276 : i32 to vector<16xi32>
        %add3A_1278 = arith.addi %broadcast_in_dim3A_5, %add3A_1277 : vector<16xi32>
        tpu.vector_store_idx %arg8[%add3A_1275, %add3A_1278], %gather3A_1272 : memref<64x128xf32, #tpu.memory_space<vmem>>[vector<16xi32>, vector<16xi32>], vector<16xf32>,
        %add3A_1279 = arith.constant 0 : i32
        %add3A_1280 = vector.broadcast %add3A_1279 : i32 to vector<16xi32>
        %add3A_1281 = arith.addi %broadcast_in_dim3A_5, %add3A_1280 : vector<16xi32>
        %add3A_1282 = arith.constant 1 : i32
        %add3A_1283 = vector.broadcast %add3A_1282 : i32 to vector<16xi32>
        %add3A_1284 = arith.addi %broadcast_in_dim3A_5, %add3A_1283 : vector<16xi32>
        %gather3A_1285 = tpu.vector_load_idx %arg7[%add3A_250, %add3A_1281, %add3A_1284, %select_n3A_1265] masked %lt3A_1253 : memref<2x4x8x1025xf32, #tpu.memory_space<vmem>>[vector<16xi32>, vector<16xi32>, vector<16xi32>, vector<16xi32>], vector<16xf32>, vector<16xi1>
        %add3A_1286 = arith.constant 32 : i32
        %add3A_1287 = vector.broadcast %add3A_1286 : i32 to vector<16xi32>
        %add3A_1288 = arith.addi %iota3A, %add3A_1287 : vector<16xi32>
        %add3A_1289 = arith.constant 1 : i32
        %add3A_1290 = vector.broadcast %add3A_1289 : i32 to vector<16xi32>
        %add3A_1291 = arith.addi %broadcast_in_dim3A_5, %add3A_1290 : vector<16xi32>
        tpu.vector_store_idx %arg8[%add3A_1288, %add3A_1291], %gather3A_1285 : memref<64x128xf32, #tpu.memory_space<vmem>>[vector<16xi32>, vector<16xi32>], vector<16xf32>,
        %add3A_1292 = arith.constant 0 : i32
        %add3A_1293 = vector.broadcast %add3A_1292 : i32 to vector<16xi32>
        %add3A_1294 = arith.addi %broadcast_in_dim3A_5, %add3A_1293 : vector<16xi32>
        %add3A_1295 = arith.constant 2 : i32
        %add3A_1296 = vector.broadcast %add3A_1295 : i32 to vector<16xi32>
        %add3A_1297 = arith.addi %broadcast_in_dim3A_5, %add3A_1296 : vector<16xi32>
        %gather3A_1298 = tpu.vector_load_idx %arg7[%add3A_250, %add3A_1294, %add3A_1297, %select_n3A_1265] masked %lt3A_1253 : memref<2x4x8x1025xf32, #tpu.memory_space<vmem>>[vector<16xi32>, vector<16xi32>, vector<16xi32>, vector<16xi32>], vector<16xf32>, vector<16xi1>
        %add3A_1299 = arith.constant 32 : i32
        %add3A_1300 = vector.broadcast %add3A_1299 : i32 to vector<16xi32>
        %add3A_1301 = arith.addi %iota3A, %add3A_1300 : vector<16xi32>
        %add3A_1302 = arith.constant 2 : i32
        %add3A_1303 = vector.broadcast %add3A_1302 : i32 to vector<16xi32>
        %add3A_1304 = arith.addi %broadcast_in_dim3A_5, %add3A_1303 : vector<16xi32>
        tpu.vector_store_idx %arg8[%add3A_1301, %add3A_1304], %gather3A_1298 : memref<64x128xf32, #tpu.memory_space<vmem>>[vector<16xi32>, vector<16xi32>], vector<16xf32>,
        %add3A_1305 = arith.constant 0 : i32
        %add3A_1306 = vector.broadcast %add3A_1305 : i32 to vector<16xi32>
        %add3A_1307 = arith.addi %broadcast_in_dim3A_5, %add3A_1306 : vector<16xi32>
        %add3A_1308 = arith.constant 3 : i32
        %add3A_1309 = vector.broadcast %add3A_1308 : i32 to vector<16xi32>
        %add3A_1310 = arith.addi %broadcast_in_dim3A_5, %add3A_1309 : vector<16xi32>
        %gather3A_1311 = tpu.vector_load_idx %arg7[%add3A_250, %add3A_1307, %add3A_1310, %select_n3A_1265] masked %lt3A_1253 : memref<2x4x8x1025xf32, #tpu.memory_space<vmem>>[vector<16xi32>, vector<16xi32>, vector<16xi32>, vector<16xi32>], vector<16xf32>, vector<16xi1>
        %add3A_1312 = arith.constant 32 : i32
        %add3A_1313 = vector.broadcast %add3A_1312 : i32 to vector<16xi32>
        %add3A_1314 = arith.addi %iota3A, %add3A_1313 : vector<16xi32>
        %add3A_1315 = arith.constant 3 : i32
        %add3A_1316 = vector.broadcast %add3A_1315 : i32 to vector<16xi32>
        %add3A_1317 = arith.addi %broadcast_in_dim3A_5, %add3A_1316 : vector<16xi32>
        tpu.vector_store_idx %arg8[%add3A_1314, %add3A_1317], %gather3A_1311 : memref<64x128xf32, #tpu.memory_space<vmem>>[vector<16xi32>, vector<16xi32>], vector<16xf32>,
        %add3A_1318 = arith.constant 0 : i32
        %add3A_1319 = vector.broadcast %add3A_1318 : i32 to vector<16xi32>
        %add3A_1320 = arith.addi %broadcast_in_dim3A_5, %add3A_1319 : vector<16xi32>
        %add3A_1321 = arith.constant 4 : i32
        %add3A_1322 = vector.broadcast %add3A_1321 : i32 to vector<16xi32>
        %add3A_1323 = arith.addi %broadcast_in_dim3A_5, %add3A_1322 : vector<16xi32>
        %gather3A_1324 = tpu.vector_load_idx %arg7[%add3A_250, %add3A_1320, %add3A_1323, %select_n3A_1265] masked %lt3A_1253 : memref<2x4x8x1025xf32, #tpu.memory_space<vmem>>[vector<16xi32>, vector<16xi32>, vector<16xi32>, vector<16xi32>], vector<16xf32>, vector<16xi1>
        %add3A_1325 = arith.constant 32 : i32
        %add3A_1326 = vector.broadcast %add3A_1325 : i32 to vector<16xi32>
        %add3A_1327 = arith.addi %iota3A, %add3A_1326 : vector<16xi32>
        %add3A_1328 = arith.constant 4 : i32
        %add3A_1329 = vector.broadcast %add3A_1328 : i32 to vector<16xi32>
        %add3A_1330 = arith.addi %broadcast_in_dim3A_5, %add3A_1329 : vector<16xi32>
        tpu.vector_store_idx %arg8[%add3A_1327, %add3A_1330], %gather3A_1324 : memref<64x128xf32, #tpu.memory_space<vmem>>[vector<16xi32>, vector<16xi32>], vector<16xf32>,
        %add3A_1331 = arith.constant 0 : i32
        %add3A_1332 = vector.broadcast %add3A_1331 : i32 to vector<16xi32>
        %add3A_1333 = arith.addi %broadcast_in_dim3A_5, %add3A_1332 : vector<16xi32>
        %add3A_1334 = arith.constant 5 : i32
        %add3A_1335 = vector.broadcast %add3A_1334 : i32 to vector<16xi32>
        %add3A_1336 = arith.addi %broadcast_in_dim3A_5, %add3A_1335 : vector<16xi32>
        %gather3A_1337 = tpu.vector_load_idx %arg7[%add3A_250, %add3A_1333, %add3A_1336, %select_n3A_1265] masked %lt3A_1253 : memref<2x4x8x1025xf32, #tpu.memory_space<vmem>>[vector<16xi32>, vector<16xi32>, vector<16xi32>, vector<16xi32>], vector<16xf32>, vector<16xi1>
        %add3A_1338 = arith.constant 32 : i32
        %add3A_1339 = vector.broadcast %add3A_1338 : i32 to vector<16xi32>
        %add3A_1340 = arith.addi %iota3A, %add3A_1339 : vector<16xi32>
        %add3A_1341 = arith.constant 5 : i32
        %add3A_1342 = vector.broadcast %add3A_1341 : i32 to vector<16xi32>
        %add3A_1343 = arith.addi %broadcast_in_dim3A_5, %add3A_1342 : vector<16xi32>
        tpu.vector_store_idx %arg8[%add3A_1340, %add3A_1343], %gather3A_1337 : memref<64x128xf32, #tpu.memory_space<vmem>>[vector<16xi32>, vector<16xi32>], vector<16xf32>,
        %add3A_1344 = arith.constant 0 : i32
        %add3A_1345 = vector.broadcast %add3A_1344 : i32 to vector<16xi32>
        %add3A_1346 = arith.addi %broadcast_in_dim3A_5, %add3A_1345 : vector<16xi32>
        %add3A_1347 = arith.constant 6 : i32
        %add3A_1348 = vector.broadcast %add3A_1347 : i32 to vector<16xi32>
        %add3A_1349 = arith.addi %broadcast_in_dim3A_5, %add3A_1348 : vector<16xi32>
        %gather3A_1350 = tpu.vector_load_idx %arg7[%add3A_250, %add3A_1346, %add3A_1349, %select_n3A_1265] masked %lt3A_1253 : memref<2x4x8x1025xf32, #tpu.memory_space<vmem>>[vector<16xi32>, vector<16xi32>, vector<16xi32>, vector<16xi32>], vector<16xf32>, vector<16xi1>
        %add3A_1351 = arith.constant 32 : i32
        %add3A_1352 = vector.broadcast %add3A_1351 : i32 to vector<16xi32>
        %add3A_1353 = arith.addi %iota3A, %add3A_1352 : vector<16xi32>
        %add3A_1354 = arith.constant 6 : i32
        %add3A_1355 = vector.broadcast %add3A_1354 : i32 to vector<16xi32>
        %add3A_1356 = arith.addi %broadcast_in_dim3A_5, %add3A_1355 : vector<16xi32>
        tpu.vector_store_idx %arg8[%add3A_1353, %add3A_1356], %gather3A_1350 : memref<64x128xf32, #tpu.memory_space<vmem>>[vector<16xi32>, vector<16xi32>], vector<16xf32>,
        %add3A_1357 = arith.constant 0 : i32
        %add3A_1358 = vector.broadcast %add3A_1357 : i32 to vector<16xi32>
        %add3A_1359 = arith.addi %broadcast_in_dim3A_5, %add3A_1358 : vector<16xi32>
        %add3A_1360 = arith.constant 7 : i32
        %add3A_1361 = vector.broadcast %add3A_1360 : i32 to vector<16xi32>
        %add3A_1362 = arith.addi %broadcast_in_dim3A_5, %add3A_1361 : vector<16xi32>
        %gather3A_1363 = tpu.vector_load_idx %arg7[%add3A_250, %add3A_1359, %add3A_1362, %select_n3A_1265] masked %lt3A_1253 : memref<2x4x8x1025xf32, #tpu.memory_space<vmem>>[vector<16xi32>, vector<16xi32>, vector<16xi32>, vector<16xi32>], vector<16xf32>, vector<16xi1>
        %add3A_1364 = arith.constant 32 : i32
        %add3A_1365 = vector.broadcast %add3A_1364 : i32 to vector<16xi32>
        %add3A_1366 = arith.addi %iota3A, %add3A_1365 : vector<16xi32>
        %add3A_1367 = arith.constant 7 : i32
        %add3A_1368 = vector.broadcast %add3A_1367 : i32 to vector<16xi32>
        %add3A_1369 = arith.addi %broadcast_in_dim3A_5, %add3A_1368 : vector<16xi32>
        tpu.vector_store_idx %arg8[%add3A_1366, %add3A_1369], %gather3A_1363 : memref<64x128xf32, #tpu.memory_space<vmem>>[vector<16xi32>, vector<16xi32>], vector<16xf32>,
        %add3A_1370 = arith.constant 1 : i32
        %add3A_1371 = vector.broadcast %add3A_1370 : i32 to vector<16xi32>
        %add3A_1372 = arith.addi %broadcast_in_dim3A_5, %add3A_1371 : vector<16xi32>
        %add3A_1373 = arith.constant 0 : i32
        %add3A_1374 = vector.broadcast %add3A_1373 : i32 to vector<16xi32>
        %add3A_1375 = arith.addi %broadcast_in_dim3A_5, %add3A_1374 : vector<16xi32>
        %gather3A_1376 = tpu.vector_load_idx %arg7[%add3A_250, %add3A_1372, %add3A_1375, %select_n3A_1265] masked %lt3A_1253 : memref<2x4x8x1025xf32, #tpu.memory_space<vmem>>[vector<16xi32>, vector<16xi32>, vector<16xi32>, vector<16xi32>], vector<16xf32>, vector<16xi1>
        %add3A_1377 = arith.constant 32 : i32
        %add3A_1378 = vector.broadcast %add3A_1377 : i32 to vector<16xi32>
        %add3A_1379 = arith.addi %iota3A, %add3A_1378 : vector<16xi32>
        %add3A_1380 = arith.constant 8 : i32
        %add3A_1381 = vector.broadcast %add3A_1380 : i32 to vector<16xi32>
        %add3A_1382 = arith.addi %broadcast_in_dim3A_5, %add3A_1381 : vector<16xi32>
        tpu.vector_store_idx %arg8[%add3A_1379, %add3A_1382], %gather3A_1376 : memref<64x128xf32, #tpu.memory_space<vmem>>[vector<16xi32>, vector<16xi32>], vector<16xf32>,
        %add3A_1383 = arith.constant 1 : i32
        %add3A_1384 = vector.broadcast %add3A_1383 : i32 to vector<16xi32>
        %add3A_1385 = arith.addi %broadcast_in_dim3A_5, %add3A_1384 : vector<16xi32>
        %add3A_1386 = arith.constant 1 : i32
        %add3A_1387 = vector.broadcast %add3A_1386 : i32 to vector<16xi32>
        %add3A_1388 = arith.addi %broadcast_in_dim3A_5, %add3A_1387 : vector<16xi32>
        %gather3A_1389 = tpu.vector_load_idx %arg7[%add3A_250, %add3A_1385, %add3A_1388, %select_n3A_1265] masked %lt3A_1253 : memref<2x4x8x1025xf32, #tpu.memory_space<vmem>>[vector<16xi32>, vector<16xi32>, vector<16xi32>, vector<16xi32>], vector<16xf32>, vector<16xi1>
        %add3A_1390 = arith.constant 32 : i32
        %add3A_1391 = vector.broadcast %add3A_1390 : i32 to vector<16xi32>
        %add3A_1392 = arith.addi %iota3A, %add3A_1391 : vector<16xi32>
        %add3A_1393 = arith.constant 9 : i32
        %add3A_1394 = vector.broadcast %add3A_1393 : i32 to vector<16xi32>
        %add3A_1395 = arith.addi %broadcast_in_dim3A_5, %add3A_1394 : vector<16xi32>
        tpu.vector_store_idx %arg8[%add3A_1392, %add3A_1395], %gather3A_1389 : memref<64x128xf32, #tpu.memory_space<vmem>>[vector<16xi32>, vector<16xi32>], vector<16xf32>,
        %add3A_1396 = arith.constant 1 : i32
        %add3A_1397 = vector.broadcast %add3A_1396 : i32 to vector<16xi32>
        %add3A_1398 = arith.addi %broadcast_in_dim3A_5, %add3A_1397 : vector<16xi32>
        %add3A_1399 = arith.constant 2 : i32
        %add3A_1400 = vector.broadcast %add3A_1399 : i32 to vector<16xi32>
        %add3A_1401 = arith.addi %broadcast_in_dim3A_5, %add3A_1400 : vector<16xi32>
        %gather3A_1402 = tpu.vector_load_idx %arg7[%add3A_250, %add3A_1398, %add3A_1401, %select_n3A_1265] masked %lt3A_1253 : memref<2x4x8x1025xf32, #tpu.memory_space<vmem>>[vector<16xi32>, vector<16xi32>, vector<16xi32>, vector<16xi32>], vector<16xf32>, vector<16xi1>
        %add3A_1403 = arith.constant 32 : i32
        %add3A_1404 = vector.broadcast %add3A_1403 : i32 to vector<16xi32>
        %add3A_1405 = arith.addi %iota3A, %add3A_1404 : vector<16xi32>
        %add3A_1406 = arith.constant 10 : i32
        %add3A_1407 = vector.broadcast %add3A_1406 : i32 to vector<16xi32>
        %add3A_1408 = arith.addi %broadcast_in_dim3A_5, %add3A_1407 : vector<16xi32>
        tpu.vector_store_idx %arg8[%add3A_1405, %add3A_1408], %gather3A_1402 : memref<64x128xf32, #tpu.memory_space<vmem>>[vector<16xi32>, vector<16xi32>], vector<16xf32>,
        %add3A_1409 = arith.constant 1 : i32
        %add3A_1410 = vector.broadcast %add3A_1409 : i32 to vector<16xi32>
        %add3A_1411 = arith.addi %broadcast_in_dim3A_5, %add3A_1410 : vector<16xi32>
        %add3A_1412 = arith.constant 3 : i32
        %add3A_1413 = vector.broadcast %add3A_1412 : i32 to vector<16xi32>
        %add3A_1414 = arith.addi %broadcast_in_dim3A_5, %add3A_1413 : vector<16xi32>
        %gather3A_1415 = tpu.vector_load_idx %arg7[%add3A_250, %add3A_1411, %add3A_1414, %select_n3A_1265] masked %lt3A_1253 : memref<2x4x8x1025xf32, #tpu.memory_space<vmem>>[vector<16xi32>, vector<16xi32>, vector<16xi32>, vector<16xi32>], vector<16xf32>, vector<16xi1>
        %add3A_1416 = arith.constant 32 : i32
        %add3A_1417 = vector.broadcast %add3A_1416 : i32 to vector<16xi32>
        %add3A_1418 = arith.addi %iota3A, %add3A_1417 : vector<16xi32>
        %add3A_1419 = arith.constant 11 : i32
        %add3A_1420 = vector.broadcast %add3A_1419 : i32 to vector<16xi32>
        %add3A_1421 = arith.addi %broadcast_in_dim3A_5, %add3A_1420 : vector<16xi32>
        tpu.vector_store_idx %arg8[%add3A_1418, %add3A_1421], %gather3A_1415 : memref<64x128xf32, #tpu.memory_space<vmem>>[vector<16xi32>, vector<16xi32>], vector<16xf32>,
        %add3A_1422 = arith.constant 1 : i32
        %add3A_1423 = vector.broadcast %add3A_1422 : i32 to vector<16xi32>
        %add3A_1424 = arith.addi %broadcast_in_dim3A_5, %add3A_1423 : vector<16xi32>
        %add3A_1425 = arith.constant 4 : i32
        %add3A_1426 = vector.broadcast %add3A_1425 : i32 to vector<16xi32>
        %add3A_1427 = arith.addi %broadcast_in_dim3A_5, %add3A_1426 : vector<16xi32>
        %gather3A_1428 = tpu.vector_load_idx %arg7[%add3A_250, %add3A_1424, %add3A_1427, %select_n3A_1265] masked %lt3A_1253 : memref<2x4x8x1025xf32, #tpu.memory_space<vmem>>[vector<16xi32>, vector<16xi32>, vector<16xi32>, vector<16xi32>], vector<16xf32>, vector<16xi1>
        %add3A_1429 = arith.constant 32 : i32
        %add3A_1430 = vector.broadcast %add3A_1429 : i32 to vector<16xi32>
        %add3A_1431 = arith.addi %iota3A, %add3A_1430 : vector<16xi32>
        %add3A_1432 = arith.constant 12 : i32
        %add3A_1433 = vector.broadcast %add3A_1432 : i32 to vector<16xi32>
        %add3A_1434 = arith.addi %broadcast_in_dim3A_5, %add3A_1433 : vector<16xi32>
        tpu.vector_store_idx %arg8[%add3A_1431, %add3A_1434], %gather3A_1428 : memref<64x128xf32, #tpu.memory_space<vmem>>[vector<16xi32>, vector<16xi32>], vector<16xf32>,
        %add3A_1435 = arith.constant 1 : i32
        %add3A_1436 = vector.broadcast %add3A_1435 : i32 to vector<16xi32>
        %add3A_1437 = arith.addi %broadcast_in_dim3A_5, %add3A_1436 : vector<16xi32>
        %add3A_1438 = arith.constant 5 : i32
        %add3A_1439 = vector.broadcast %add3A_1438 : i32 to vector<16xi32>
        %add3A_1440 = arith.addi %broadcast_in_dim3A_5, %add3A_1439 : vector<16xi32>
        %gather3A_1441 = tpu.vector_load_idx %arg7[%add3A_250, %add3A_1437, %add3A_1440, %select_n3A_1265] masked %lt3A_1253 : memref<2x4x8x1025xf32, #tpu.memory_space<vmem>>[vector<16xi32>, vector<16xi32>, vector<16xi32>, vector<16xi32>], vector<16xf32>, vector<16xi1>
        %add3A_1442 = arith.constant 32 : i32
        %add3A_1443 = vector.broadcast %add3A_1442 : i32 to vector<16xi32>
        %add3A_1444 = arith.addi %iota3A, %add3A_1443 : vector<16xi32>
        %add3A_1445 = arith.constant 13 : i32
        %add3A_1446 = vector.broadcast %add3A_1445 : i32 to vector<16xi32>
        %add3A_1447 = arith.addi %broadcast_in_dim3A_5, %add3A_1446 : vector<16xi32>
        tpu.vector_store_idx %arg8[%add3A_1444, %add3A_1447], %gather3A_1441 : memref<64x128xf32, #tpu.memory_space<vmem>>[vector<16xi32>, vector<16xi32>], vector<16xf32>,
        %add3A_1448 = arith.constant 1 : i32
        %add3A_1449 = vector.broadcast %add3A_1448 : i32 to vector<16xi32>
        %add3A_1450 = arith.addi %broadcast_in_dim3A_5, %add3A_1449 : vector<16xi32>
        %add3A_1451 = arith.constant 6 : i32
        %add3A_1452 = vector.broadcast %add3A_1451 : i32 to vector<16xi32>
        %add3A_1453 = arith.addi %broadcast_in_dim3A_5, %add3A_1452 : vector<16xi32>
        %gather3A_1454 = tpu.vector_load_idx %arg7[%add3A_250, %add3A_1450, %add3A_1453, %select_n3A_1265] masked %lt3A_1253 : memref<2x4x8x1025xf32, #tpu.memory_space<vmem>>[vector<16xi32>, vector<16xi32>, vector<16xi32>, vector<16xi32>], vector<16xf32>, vector<16xi1>
        %add3A_1455 = arith.constant 32 : i32
        %add3A_1456 = vector.broadcast %add3A_1455 : i32 to vector<16xi32>
        %add3A_1457 = arith.addi %iota3A, %add3A_1456 : vector<16xi32>
        %add3A_1458 = arith.constant 14 : i32
        %add3A_1459 = vector.broadcast %add3A_1458 : i32 to vector<16xi32>
        %add3A_1460 = arith.addi %broadcast_in_dim3A_5, %add3A_1459 : vector<16xi32>
        tpu.vector_store_idx %arg8[%add3A_1457, %add3A_1460], %gather3A_1454 : memref<64x128xf32, #tpu.memory_space<vmem>>[vector<16xi32>, vector<16xi32>], vector<16xf32>,
        %add3A_1461 = arith.constant 1 : i32
        %add3A_1462 = vector.broadcast %add3A_1461 : i32 to vector<16xi32>
        %add3A_1463 = arith.addi %broadcast_in_dim3A_5, %add3A_1462 : vector<16xi32>
        %add3A_1464 = arith.constant 7 : i32
        %add3A_1465 = vector.broadcast %add3A_1464 : i32 to vector<16xi32>
        %add3A_1466 = arith.addi %broadcast_in_dim3A_5, %add3A_1465 : vector<16xi32>
        %gather3A_1467 = tpu.vector_load_idx %arg7[%add3A_250, %add3A_1463, %add3A_1466, %select_n3A_1265] masked %lt3A_1253 : memref<2x4x8x1025xf32, #tpu.memory_space<vmem>>[vector<16xi32>, vector<16xi32>, vector<16xi32>, vector<16xi32>], vector<16xf32>, vector<16xi1>
        %add3A_1468 = arith.constant 32 : i32
        %add3A_1469 = vector.broadcast %add3A_1468 : i32 to vector<16xi32>
        %add3A_1470 = arith.addi %iota3A, %add3A_1469 : vector<16xi32>
        %add3A_1471 = arith.constant 15 : i32
        %add3A_1472 = vector.broadcast %add3A_1471 : i32 to vector<16xi32>
        %add3A_1473 = arith.addi %broadcast_in_dim3A_5, %add3A_1472 : vector<16xi32>
        tpu.vector_store_idx %arg8[%add3A_1470, %add3A_1473], %gather3A_1467 : memref<64x128xf32, #tpu.memory_space<vmem>>[vector<16xi32>, vector<16xi32>], vector<16xf32>,
        %add3A_1474 = arith.constant 2 : i32
        %add3A_1475 = vector.broadcast %add3A_1474 : i32 to vector<16xi32>
        %add3A_1476 = arith.addi %broadcast_in_dim3A_5, %add3A_1475 : vector<16xi32>
        %add3A_1477 = arith.constant 0 : i32
        %add3A_1478 = vector.broadcast %add3A_1477 : i32 to vector<16xi32>
        %add3A_1479 = arith.addi %broadcast_in_dim3A_5, %add3A_1478 : vector<16xi32>
        %gather3A_1480 = tpu.vector_load_idx %arg7[%add3A_250, %add3A_1476, %add3A_1479, %select_n3A_1265] masked %lt3A_1253 : memref<2x4x8x1025xf32, #tpu.memory_space<vmem>>[vector<16xi32>, vector<16xi32>, vector<16xi32>, vector<16xi32>], vector<16xf32>, vector<16xi1>
        %add3A_1481 = arith.constant 32 : i32
        %add3A_1482 = vector.broadcast %add3A_1481 : i32 to vector<16xi32>
        %add3A_1483 = arith.addi %iota3A, %add3A_1482 : vector<16xi32>
        %add3A_1484 = arith.constant 16 : i32
        %add3A_1485 = vector.broadcast %add3A_1484 : i32 to vector<16xi32>
        %add3A_1486 = arith.addi %broadcast_in_dim3A_5, %add3A_1485 : vector<16xi32>
        tpu.vector_store_idx %arg8[%add3A_1483, %add3A_1486], %gather3A_1480 : memref<64x128xf32, #tpu.memory_space<vmem>>[vector<16xi32>, vector<16xi32>], vector<16xf32>,
        %add3A_1487 = arith.constant 2 : i32
        %add3A_1488 = vector.broadcast %add3A_1487 : i32 to vector<16xi32>
        %add3A_1489 = arith.addi %broadcast_in_dim3A_5, %add3A_1488 : vector<16xi32>
        %add3A_1490 = arith.constant 1 : i32
        %add3A_1491 = vector.broadcast %add3A_1490 : i32 to vector<16xi32>
        %add3A_1492 = arith.addi %broadcast_in_dim3A_5, %add3A_1491 : vector<16xi32>
        %gather3A_1493 = tpu.vector_load_idx %arg7[%add3A_250, %add3A_1489, %add3A_1492, %select_n3A_1265] masked %lt3A_1253 : memref<2x4x8x1025xf32, #tpu.memory_space<vmem>>[vector<16xi32>, vector<16xi32>, vector<16xi32>, vector<16xi32>], vector<16xf32>, vector<16xi1>
        %add3A_1494 = arith.constant 32 : i32
        %add3A_1495 = vector.broadcast %add3A_1494 : i32 to vector<16xi32>
        %add3A_1496 = arith.addi %iota3A, %add3A_1495 : vector<16xi32>
        %add3A_1497 = arith.constant 17 : i32
        %add3A_1498 = vector.broadcast %add3A_1497 : i32 to vector<16xi32>
        %add3A_1499 = arith.addi %broadcast_in_dim3A_5, %add3A_1498 : vector<16xi32>
        tpu.vector_store_idx %arg8[%add3A_1496, %add3A_1499], %gather3A_1493 : memref<64x128xf32, #tpu.memory_space<vmem>>[vector<16xi32>, vector<16xi32>], vector<16xf32>,
        %add3A_1500 = arith.constant 2 : i32
        %add3A_1501 = vector.broadcast %add3A_1500 : i32 to vector<16xi32>
        %add3A_1502 = arith.addi %broadcast_in_dim3A_5, %add3A_1501 : vector<16xi32>
        %add3A_1503 = arith.constant 2 : i32
        %add3A_1504 = vector.broadcast %add3A_1503 : i32 to vector<16xi32>
        %add3A_1505 = arith.addi %broadcast_in_dim3A_5, %add3A_1504 : vector<16xi32>
        %gather3A_1506 = tpu.vector_load_idx %arg7[%add3A_250, %add3A_1502, %add3A_1505, %select_n3A_1265] masked %lt3A_1253 : memref<2x4x8x1025xf32, #tpu.memory_space<vmem>>[vector<16xi32>, vector<16xi32>, vector<16xi32>, vector<16xi32>], vector<16xf32>, vector<16xi1>
        %add3A_1507 = arith.constant 32 : i32
        %add3A_1508 = vector.broadcast %add3A_1507 : i32 to vector<16xi32>
        %add3A_1509 = arith.addi %iota3A, %add3A_1508 : vector<16xi32>
        %add3A_1510 = arith.constant 18 : i32
        %add3A_1511 = vector.broadcast %add3A_1510 : i32 to vector<16xi32>
        %add3A_1512 = arith.addi %broadcast_in_dim3A_5, %add3A_1511 : vector<16xi32>
        tpu.vector_store_idx %arg8[%add3A_1509, %add3A_1512], %gather3A_1506 : memref<64x128xf32, #tpu.memory_space<vmem>>[vector<16xi32>, vector<16xi32>], vector<16xf32>,
        %add3A_1513 = arith.constant 2 : i32
        %add3A_1514 = vector.broadcast %add3A_1513 : i32 to vector<16xi32>
        %add3A_1515 = arith.addi %broadcast_in_dim3A_5, %add3A_1514 : vector<16xi32>
        %add3A_1516 = arith.constant 3 : i32
        %add3A_1517 = vector.broadcast %add3A_1516 : i32 to vector<16xi32>
        %add3A_1518 = arith.addi %broadcast_in_dim3A_5, %add3A_1517 : vector<16xi32>
        %gather3A_1519 = tpu.vector_load_idx %arg7[%add3A_250, %add3A_1515, %add3A_1518, %select_n3A_1265] masked %lt3A_1253 : memref<2x4x8x1025xf32, #tpu.memory_space<vmem>>[vector<16xi32>, vector<16xi32>, vector<16xi32>, vector<16xi32>], vector<16xf32>, vector<16xi1>
        %add3A_1520 = arith.constant 32 : i32
        %add3A_1521 = vector.broadcast %add3A_1520 : i32 to vector<16xi32>
        %add3A_1522 = arith.addi %iota3A, %add3A_1521 : vector<16xi32>
        %add3A_1523 = arith.constant 19 : i32
        %add3A_1524 = vector.broadcast %add3A_1523 : i32 to vector<16xi32>
        %add3A_1525 = arith.addi %broadcast_in_dim3A_5, %add3A_1524 : vector<16xi32>
        tpu.vector_store_idx %arg8[%add3A_1522, %add3A_1525], %gather3A_1519 : memref<64x128xf32, #tpu.memory_space<vmem>>[vector<16xi32>, vector<16xi32>], vector<16xf32>,
        %add3A_1526 = arith.constant 2 : i32
        %add3A_1527 = vector.broadcast %add3A_1526 : i32 to vector<16xi32>
        %add3A_1528 = arith.addi %broadcast_in_dim3A_5, %add3A_1527 : vector<16xi32>
        %add3A_1529 = arith.constant 4 : i32
        %add3A_1530 = vector.broadcast %add3A_1529 : i32 to vector<16xi32>
        %add3A_1531 = arith.addi %broadcast_in_dim3A_5, %add3A_1530 : vector<16xi32>
        %gather3A_1532 = tpu.vector_load_idx %arg7[%add3A_250, %add3A_1528, %add3A_1531, %select_n3A_1265] masked %lt3A_1253 : memref<2x4x8x1025xf32, #tpu.memory_space<vmem>>[vector<16xi32>, vector<16xi32>, vector<16xi32>, vector<16xi32>], vector<16xf32>, vector<16xi1>
        %add3A_1533 = arith.constant 32 : i32
        %add3A_1534 = vector.broadcast %add3A_1533 : i32 to vector<16xi32>
        %add3A_1535 = arith.addi %iota3A, %add3A_1534 : vector<16xi32>
        %add3A_1536 = arith.constant 20 : i32
        %add3A_1537 = vector.broadcast %add3A_1536 : i32 to vector<16xi32>
        %add3A_1538 = arith.addi %broadcast_in_dim3A_5, %add3A_1537 : vector<16xi32>
        tpu.vector_store_idx %arg8[%add3A_1535, %add3A_1538], %gather3A_1532 : memref<64x128xf32, #tpu.memory_space<vmem>>[vector<16xi32>, vector<16xi32>], vector<16xf32>,
        %add3A_1539 = arith.constant 2 : i32
        %add3A_1540 = vector.broadcast %add3A_1539 : i32 to vector<16xi32>
        %add3A_1541 = arith.addi %broadcast_in_dim3A_5, %add3A_1540 : vector<16xi32>
        %add3A_1542 = arith.constant 5 : i32
        %add3A_1543 = vector.broadcast %add3A_1542 : i32 to vector<16xi32>
        %add3A_1544 = arith.addi %broadcast_in_dim3A_5, %add3A_1543 : vector<16xi32>
        %gather3A_1545 = tpu.vector_load_idx %arg7[%add3A_250, %add3A_1541, %add3A_1544, %select_n3A_1265] masked %lt3A_1253 : memref<2x4x8x1025xf32, #tpu.memory_space<vmem>>[vector<16xi32>, vector<16xi32>, vector<16xi32>, vector<16xi32>], vector<16xf32>, vector<16xi1>
        %add3A_1546 = arith.constant 32 : i32
        %add3A_1547 = vector.broadcast %add3A_1546 : i32 to vector<16xi32>
        %add3A_1548 = arith.addi %iota3A, %add3A_1547 : vector<16xi32>
        %add3A_1549 = arith.constant 21 : i32
        %add3A_1550 = vector.broadcast %add3A_1549 : i32 to vector<16xi32>
        %add3A_1551 = arith.addi %broadcast_in_dim3A_5, %add3A_1550 : vector<16xi32>
        tpu.vector_store_idx %arg8[%add3A_1548, %add3A_1551], %gather3A_1545 : memref<64x128xf32, #tpu.memory_space<vmem>>[vector<16xi32>, vector<16xi32>], vector<16xf32>,
        %add3A_1552 = arith.constant 2 : i32
        %add3A_1553 = vector.broadcast %add3A_1552 : i32 to vector<16xi32>
        %add3A_1554 = arith.addi %broadcast_in_dim3A_5, %add3A_1553 : vector<16xi32>
        %add3A_1555 = arith.constant 6 : i32
        %add3A_1556 = vector.broadcast %add3A_1555 : i32 to vector<16xi32>
        %add3A_1557 = arith.addi %broadcast_in_dim3A_5, %add3A_1556 : vector<16xi32>
        %gather3A_1558 = tpu.vector_load_idx %arg7[%add3A_250, %add3A_1554, %add3A_1557, %select_n3A_1265] masked %lt3A_1253 : memref<2x4x8x1025xf32, #tpu.memory_space<vmem>>[vector<16xi32>, vector<16xi32>, vector<16xi32>, vector<16xi32>], vector<16xf32>, vector<16xi1>
        %add3A_1559 = arith.constant 32 : i32
        %add3A_1560 = vector.broadcast %add3A_1559 : i32 to vector<16xi32>
        %add3A_1561 = arith.addi %iota3A, %add3A_1560 : vector<16xi32>
        %add3A_1562 = arith.constant 22 : i32
        %add3A_1563 = vector.broadcast %add3A_1562 : i32 to vector<16xi32>
        %add3A_1564 = arith.addi %broadcast_in_dim3A_5, %add3A_1563 : vector<16xi32>
        tpu.vector_store_idx %arg8[%add3A_1561, %add3A_1564], %gather3A_1558 : memref<64x128xf32, #tpu.memory_space<vmem>>[vector<16xi32>, vector<16xi32>], vector<16xf32>,
        %add3A_1565 = arith.constant 2 : i32
        %add3A_1566 = vector.broadcast %add3A_1565 : i32 to vector<16xi32>
        %add3A_1567 = arith.addi %broadcast_in_dim3A_5, %add3A_1566 : vector<16xi32>
        %add3A_1568 = arith.constant 7 : i32
        %add3A_1569 = vector.broadcast %add3A_1568 : i32 to vector<16xi32>
        %add3A_1570 = arith.addi %broadcast_in_dim3A_5, %add3A_1569 : vector<16xi32>
        %gather3A_1571 = tpu.vector_load_idx %arg7[%add3A_250, %add3A_1567, %add3A_1570, %select_n3A_1265] masked %lt3A_1253 : memref<2x4x8x1025xf32, #tpu.memory_space<vmem>>[vector<16xi32>, vector<16xi32>, vector<16xi32>, vector<16xi32>], vector<16xf32>, vector<16xi1>
        %add3A_1572 = arith.constant 32 : i32
        %add3A_1573 = vector.broadcast %add3A_1572 : i32 to vector<16xi32>
        %add3A_1574 = arith.addi %iota3A, %add3A_1573 : vector<16xi32>
        %add3A_1575 = arith.constant 23 : i32
        %add3A_1576 = vector.broadcast %add3A_1575 : i32 to vector<16xi32>
        %add3A_1577 = arith.addi %broadcast_in_dim3A_5, %add3A_1576 : vector<16xi32>
        tpu.vector_store_idx %arg8[%add3A_1574, %add3A_1577], %gather3A_1571 : memref<64x128xf32, #tpu.memory_space<vmem>>[vector<16xi32>, vector<16xi32>], vector<16xf32>,
        %add3A_1578 = arith.constant 3 : i32
        %add3A_1579 = vector.broadcast %add3A_1578 : i32 to vector<16xi32>
        %add3A_1580 = arith.addi %broadcast_in_dim3A_5, %add3A_1579 : vector<16xi32>
        %add3A_1581 = arith.constant 0 : i32
        %add3A_1582 = vector.broadcast %add3A_1581 : i32 to vector<16xi32>
        %add3A_1583 = arith.addi %broadcast_in_dim3A_5, %add3A_1582 : vector<16xi32>
        %gather3A_1584 = tpu.vector_load_idx %arg7[%add3A_250, %add3A_1580, %add3A_1583, %select_n3A_1265] masked %lt3A_1253 : memref<2x4x8x1025xf32, #tpu.memory_space<vmem>>[vector<16xi32>, vector<16xi32>, vector<16xi32>, vector<16xi32>], vector<16xf32>, vector<16xi1>
        %add3A_1585 = arith.constant 32 : i32
        %add3A_1586 = vector.broadcast %add3A_1585 : i32 to vector<16xi32>
        %add3A_1587 = arith.addi %iota3A, %add3A_1586 : vector<16xi32>
        %add3A_1588 = arith.constant 24 : i32
        %add3A_1589 = vector.broadcast %add3A_1588 : i32 to vector<16xi32>
        %add3A_1590 = arith.addi %broadcast_in_dim3A_5, %add3A_1589 : vector<16xi32>
        tpu.vector_store_idx %arg8[%add3A_1587, %add3A_1590], %gather3A_1584 : memref<64x128xf32, #tpu.memory_space<vmem>>[vector<16xi32>, vector<16xi32>], vector<16xf32>,
        %add3A_1591 = arith.constant 3 : i32
        %add3A_1592 = vector.broadcast %add3A_1591 : i32 to vector<16xi32>
        %add3A_1593 = arith.addi %broadcast_in_dim3A_5, %add3A_1592 : vector<16xi32>
        %add3A_1594 = arith.constant 1 : i32
        %add3A_1595 = vector.broadcast %add3A_1594 : i32 to vector<16xi32>
        %add3A_1596 = arith.addi %broadcast_in_dim3A_5, %add3A_1595 : vector<16xi32>
        %gather3A_1597 = tpu.vector_load_idx %arg7[%add3A_250, %add3A_1593, %add3A_1596, %select_n3A_1265] masked %lt3A_1253 : memref<2x4x8x1025xf32, #tpu.memory_space<vmem>>[vector<16xi32>, vector<16xi32>, vector<16xi32>, vector<16xi32>], vector<16xf32>, vector<16xi1>
        %add3A_1598 = arith.constant 32 : i32
        %add3A_1599 = vector.broadcast %add3A_1598 : i32 to vector<16xi32>
        %add3A_1600 = arith.addi %iota3A, %add3A_1599 : vector<16xi32>
        %add3A_1601 = arith.constant 25 : i32
        %add3A_1602 = vector.broadcast %add3A_1601 : i32 to vector<16xi32>
        %add3A_1603 = arith.addi %broadcast_in_dim3A_5, %add3A_1602 : vector<16xi32>
        tpu.vector_store_idx %arg8[%add3A_1600, %add3A_1603], %gather3A_1597 : memref<64x128xf32, #tpu.memory_space<vmem>>[vector<16xi32>, vector<16xi32>], vector<16xf32>,
        %add3A_1604 = arith.constant 3 : i32
        %add3A_1605 = vector.broadcast %add3A_1604 : i32 to vector<16xi32>
        %add3A_1606 = arith.addi %broadcast_in_dim3A_5, %add3A_1605 : vector<16xi32>
        %add3A_1607 = arith.constant 2 : i32
        %add3A_1608 = vector.broadcast %add3A_1607 : i32 to vector<16xi32>
        %add3A_1609 = arith.addi %broadcast_in_dim3A_5, %add3A_1608 : vector<16xi32>
        %gather3A_1610 = tpu.vector_load_idx %arg7[%add3A_250, %add3A_1606, %add3A_1609, %select_n3A_1265] masked %lt3A_1253 : memref<2x4x8x1025xf32, #tpu.memory_space<vmem>>[vector<16xi32>, vector<16xi32>, vector<16xi32>, vector<16xi32>], vector<16xf32>, vector<16xi1>
        %add3A_1611 = arith.constant 32 : i32
        %add3A_1612 = vector.broadcast %add3A_1611 : i32 to vector<16xi32>
        %add3A_1613 = arith.addi %iota3A, %add3A_1612 : vector<16xi32>
        %add3A_1614 = arith.constant 26 : i32
        %add3A_1615 = vector.broadcast %add3A_1614 : i32 to vector<16xi32>
        %add3A_1616 = arith.addi %broadcast_in_dim3A_5, %add3A_1615 : vector<16xi32>
        tpu.vector_store_idx %arg8[%add3A_1613, %add3A_1616], %gather3A_1610 : memref<64x128xf32, #tpu.memory_space<vmem>>[vector<16xi32>, vector<16xi32>], vector<16xf32>,
        %add3A_1617 = arith.constant 3 : i32
        %add3A_1618 = vector.broadcast %add3A_1617 : i32 to vector<16xi32>
        %add3A_1619 = arith.addi %broadcast_in_dim3A_5, %add3A_1618 : vector<16xi32>
        %add3A_1620 = arith.constant 3 : i32
        %add3A_1621 = vector.broadcast %add3A_1620 : i32 to vector<16xi32>
        %add3A_1622 = arith.addi %broadcast_in_dim3A_5, %add3A_1621 : vector<16xi32>
        %gather3A_1623 = tpu.vector_load_idx %arg7[%add3A_250, %add3A_1619, %add3A_1622, %select_n3A_1265] masked %lt3A_1253 : memref<2x4x8x1025xf32, #tpu.memory_space<vmem>>[vector<16xi32>, vector<16xi32>, vector<16xi32>, vector<16xi32>], vector<16xf32>, vector<16xi1>
        %add3A_1624 = arith.constant 32 : i32
        %add3A_1625 = vector.broadcast %add3A_1624 : i32 to vector<16xi32>
        %add3A_1626 = arith.addi %iota3A, %add3A_1625 : vector<16xi32>
        %add3A_1627 = arith.constant 27 : i32
        %add3A_1628 = vector.broadcast %add3A_1627 : i32 to vector<16xi32>
        %add3A_1629 = arith.addi %broadcast_in_dim3A_5, %add3A_1628 : vector<16xi32>
        tpu.vector_store_idx %arg8[%add3A_1626, %add3A_1629], %gather3A_1623 : memref<64x128xf32, #tpu.memory_space<vmem>>[vector<16xi32>, vector<16xi32>], vector<16xf32>,
        %add3A_1630 = arith.constant 3 : i32
        %add3A_1631 = vector.broadcast %add3A_1630 : i32 to vector<16xi32>
        %add3A_1632 = arith.addi %broadcast_in_dim3A_5, %add3A_1631 : vector<16xi32>
        %add3A_1633 = arith.constant 4 : i32
        %add3A_1634 = vector.broadcast %add3A_1633 : i32 to vector<16xi32>
        %add3A_1635 = arith.addi %broadcast_in_dim3A_5, %add3A_1634 : vector<16xi32>
        %gather3A_1636 = tpu.vector_load_idx %arg7[%add3A_250, %add3A_1632, %add3A_1635, %select_n3A_1265] masked %lt3A_1253 : memref<2x4x8x1025xf32, #tpu.memory_space<vmem>>[vector<16xi32>, vector<16xi32>, vector<16xi32>, vector<16xi32>], vector<16xf32>, vector<16xi1>
        %add3A_1637 = arith.constant 32 : i32
        %add3A_1638 = vector.broadcast %add3A_1637 : i32 to vector<16xi32>
        %add3A_1639 = arith.addi %iota3A, %add3A_1638 : vector<16xi32>
        %add3A_1640 = arith.constant 28 : i32
        %add3A_1641 = vector.broadcast %add3A_1640 : i32 to vector<16xi32>
        %add3A_1642 = arith.addi %broadcast_in_dim3A_5, %add3A_1641 : vector<16xi32>
        tpu.vector_store_idx %arg8[%add3A_1639, %add3A_1642], %gather3A_1636 : memref<64x128xf32, #tpu.memory_space<vmem>>[vector<16xi32>, vector<16xi32>], vector<16xf32>,
        %add3A_1643 = arith.constant 3 : i32
        %add3A_1644 = vector.broadcast %add3A_1643 : i32 to vector<16xi32>
        %add3A_1645 = arith.addi %broadcast_in_dim3A_5, %add3A_1644 : vector<16xi32>
        %add3A_1646 = arith.constant 5 : i32
        %add3A_1647 = vector.broadcast %add3A_1646 : i32 to vector<16xi32>
        %add3A_1648 = arith.addi %broadcast_in_dim3A_5, %add3A_1647 : vector<16xi32>
        %gather3A_1649 = tpu.vector_load_idx %arg7[%add3A_250, %add3A_1645, %add3A_1648, %select_n3A_1265] masked %lt3A_1253 : memref<2x4x8x1025xf32, #tpu.memory_space<vmem>>[vector<16xi32>, vector<16xi32>, vector<16xi32>, vector<16xi32>], vector<16xf32>, vector<16xi1>
        %add3A_1650 = arith.constant 32 : i32
        %add3A_1651 = vector.broadcast %add3A_1650 : i32 to vector<16xi32>
        %add3A_1652 = arith.addi %iota3A, %add3A_1651 : vector<16xi32>
        %add3A_1653 = arith.constant 29 : i32
        %add3A_1654 = vector.broadcast %add3A_1653 : i32 to vector<16xi32>
        %add3A_1655 = arith.addi %broadcast_in_dim3A_5, %add3A_1654 : vector<16xi32>
        tpu.vector_store_idx %arg8[%add3A_1652, %add3A_1655], %gather3A_1649 : memref<64x128xf32, #tpu.memory_space<vmem>>[vector<16xi32>, vector<16xi32>], vector<16xf32>,
        %add3A_1656 = arith.constant 3 : i32
        %add3A_1657 = vector.broadcast %add3A_1656 : i32 to vector<16xi32>
        %add3A_1658 = arith.addi %broadcast_in_dim3A_5, %add3A_1657 : vector<16xi32>
        %add3A_1659 = arith.constant 6 : i32
        %add3A_1660 = vector.broadcast %add3A_1659 : i32 to vector<16xi32>
        %add3A_1661 = arith.addi %broadcast_in_dim3A_5, %add3A_1660 : vector<16xi32>
        %gather3A_1662 = tpu.vector_load_idx %arg7[%add3A_250, %add3A_1658, %add3A_1661, %select_n3A_1265] masked %lt3A_1253 : memref<2x4x8x1025xf32, #tpu.memory_space<vmem>>[vector<16xi32>, vector<16xi32>, vector<16xi32>, vector<16xi32>], vector<16xf32>, vector<16xi1>
        %add3A_1663 = arith.constant 32 : i32
        %add3A_1664 = vector.broadcast %add3A_1663 : i32 to vector<16xi32>
        %add3A_1665 = arith.addi %iota3A, %add3A_1664 : vector<16xi32>
        %add3A_1666 = arith.constant 30 : i32
        %add3A_1667 = vector.broadcast %add3A_1666 : i32 to vector<16xi32>
        %add3A_1668 = arith.addi %broadcast_in_dim3A_5, %add3A_1667 : vector<16xi32>
        tpu.vector_store_idx %arg8[%add3A_1665, %add3A_1668], %gather3A_1662 : memref<64x128xf32, #tpu.memory_space<vmem>>[vector<16xi32>, vector<16xi32>], vector<16xf32>,
        %add3A_1669 = arith.constant 3 : i32
        %add3A_1670 = vector.broadcast %add3A_1669 : i32 to vector<16xi32>
        %add3A_1671 = arith.addi %broadcast_in_dim3A_5, %add3A_1670 : vector<16xi32>
        %add3A_1672 = arith.constant 7 : i32
        %add3A_1673 = vector.broadcast %add3A_1672 : i32 to vector<16xi32>
        %add3A_1674 = arith.addi %broadcast_in_dim3A_5, %add3A_1673 : vector<16xi32>
        %gather3A_1675 = tpu.vector_load_idx %arg7[%add3A_250, %add3A_1671, %add3A_1674, %select_n3A_1265] masked %lt3A_1253 : memref<2x4x8x1025xf32, #tpu.memory_space<vmem>>[vector<16xi32>, vector<16xi32>, vector<16xi32>, vector<16xi32>], vector<16xf32>, vector<16xi1>
        %add3A_1676 = arith.constant 32 : i32
        %add3A_1677 = vector.broadcast %add3A_1676 : i32 to vector<16xi32>
        %add3A_1678 = arith.addi %iota3A, %add3A_1677 : vector<16xi32>
        %add3A_1679 = arith.constant 31 : i32
        %add3A_1680 = vector.broadcast %add3A_1679 : i32 to vector<16xi32>
        %add3A_1681 = arith.addi %broadcast_in_dim3A_5, %add3A_1680 : vector<16xi32>
        tpu.vector_store_idx %arg8[%add3A_1678, %add3A_1681], %gather3A_1675 : memref<64x128xf32, #tpu.memory_space<vmem>>[vector<16xi32>, vector<16xi32>], vector<16xf32>,
        %and3A_1682 = arith.constant 16383 : i32
        %and3A_1683 = vector.broadcast %and3A_1682 : i32 to vector<16xi32>
        %and3A_1684 = arith.andi %get3A_1257, %and3A_1683 : vector<16xi32>
        %add3A_1685 = vector.broadcast %add3A_1249 : i32 to vector<16xi32>
        %add3A_1686 = arith.addi %add3A_1685, %iota3A : vector<16xi32>
        %jit3A_1687 = arith.constant 64 : i32
        %eq3A_1688 = arith.constant 0 : i32
        %eq3A_1689 = arith.cmpi eq, %jit3A_1687, %eq3A_1688 : i32
        %jit3A_1690 = arith.constant 1 : i32
        %select_n3A_1691 = arith.select %eq3A_1689, %jit3A_1690, %jit3A_1687 : i32
        %rem3A_1692 = vector.broadcast %select_n3A_1691 : i32 to vector<16xi32>
        %rem3A_1693 = arith.remsi %add3A_1686, %rem3A_1692 : vector<16xi32>
        %ne3A_1694 = arith.constant 0 : i32
        %ne3A_1695 = vector.broadcast %ne3A_1694 : i32 to vector<16xi32>
        %ne3A_1696 = arith.cmpi ne, %rem3A_1693, %ne3A_1695 : vector<16xi32>
        %lt3A_1697 = arith.constant 0 : i32
        %lt3A_1698 = vector.broadcast %lt3A_1697 : i32 to vector<16xi32>
        %lt3A_1699 = arith.cmpi slt, %rem3A_1693, %lt3A_1698 : vector<16xi32>
        %lt3A_1700 = arith.constant 0 : i32
        %lt3A_1701 = arith.cmpi slt, %select_n3A_1691, %lt3A_1700 : i32
        %ne3A_1702 = vector.broadcast %lt3A_1701 : i1 to vector<16xi1>
        %ne3A_1703 = vector.broadcast %ne3A_1702 : vector<16xi1> to vector<16xi1>
        %ne3A_1704 = arith.xori %lt3A_1699, %ne3A_1703 : vector<16xi1>
        %and3A_1705 = arith.andi %ne3A_1704, %ne3A_1696 : vector<16xi1>
        %add3A_1706 = vector.broadcast %select_n3A_1691 : i32 to vector<16xi32>
        %add3A_1707 = arith.addi %rem3A_1693, %add3A_1706 : vector<16xi32>
        %select_n3A_1708 = arith.select %and3A_1705, %add3A_1707, %rem3A_1693 : vector<16xi1>, vector<16xi32>
        %add3A_1709 = arith.constant 16384 : i32
        %add3A_1710 = vector.broadcast %add3A_1709 : i32 to vector<16xi32>
        %add3A_1711 = arith.addi %add3A_1710, %select_n3A_1708 : vector<16xi32>
        %select_n3A_1712 = arith.select %lt3A_1253, %and3A_1684, %add3A_1711 : vector<16xi1>, vector<16xi32>
        %add3A_1713 = arith.constant 32 : i32
        %add3A_1714 = vector.broadcast %add3A_1713 : i32 to vector<16xi32>
        %add3A_1715 = arith.addi %iota3A, %add3A_1714 : vector<16xi32>
        tpu.vector_store_idx %arg9[%add3A_1715], %select_n3A_1712 masked %lt3A_1253 : memref<64xi32, #tpu.memory_space<vmem>>[vector<16xi32>], vector<16xi32>, vector<16xi1>
        %add3A_1716 = arith.constant 48 : i32
        %add3A_1717 = arith.addi %mul3A_295, %add3A_1716 : i32
        %add3A_1718 = vector.broadcast %add3A_1717 : i32 to vector<16xi32>
        %add3A_1719 = arith.addi %add3A_1718, %iota3A : vector<16xi32>
        %lt3A_1720 = vector.broadcast %reduce_max3A_174 : i32 to vector<16xi32>
        %lt3A_1721 = arith.cmpi slt, %add3A_1719, %lt3A_1720 : vector<16xi32>
        %add3A_1722 = arith.constant 16384 : i32
        %add3A_1723 = arith.addi %add3A_1722, %add3A_1717 : i32
        %get3A_1724 = arith.index_cast %add3A_1723 : i32 to index
        %get3A_1725 = tpu.vector_load %arg6[%get3A_1724] {strides = array<i32>} : memref<32768xi32, #tpu.memory_space<vmem>>, vector<16xi32>,
        %shift_right_arithmetic3A_1726 = arith.constant 14 : i32
        %shift_right_arithmetic3A_1727 = vector.broadcast %shift_right_arithmetic3A_1726 : i32 to vector<16xi32>
        %shift_right_arithmetic3A_1728 = arith.shrsi %get3A_1725, %shift_right_arithmetic3A_1727 : vector<16xi32>
        %sub3A_1729 = vector.broadcast %sub3A_156 : i32 to vector<16xi32>
        %sub3A_1730 = arith.subi %shift_right_arithmetic3A_1728, %sub3A_1729 : vector<16xi32>
        %jit3A_1731 = arith.constant 0 : i32
        %broadcast_in_dim3A_1732 = vector.broadcast %jit3A_1731 : i32 to vector<16xi32>
        %select_n3A_1733 = arith.select %lt3A_1721, %sub3A_1730, %broadcast_in_dim3A_1732 : vector<16xi1>, vector<16xi32>
        %add3A_1734 = arith.constant 0 : i32
        %add3A_1735 = vector.broadcast %add3A_1734 : i32 to vector<16xi32>
        %add3A_1736 = arith.addi %broadcast_in_dim3A_5, %add3A_1735 : vector<16xi32>
        %add3A_1737 = arith.constant 0 : i32
        %add3A_1738 = vector.broadcast %add3A_1737 : i32 to vector<16xi32>
        %add3A_1739 = arith.addi %broadcast_in_dim3A_5, %add3A_1738 : vector<16xi32>
        %gather3A_1740 = tpu.vector_load_idx %arg7[%add3A_250, %add3A_1736, %add3A_1739, %select_n3A_1733] masked %lt3A_1721 : memref<2x4x8x1025xf32, #tpu.memory_space<vmem>>[vector<16xi32>, vector<16xi32>, vector<16xi32>, vector<16xi32>], vector<16xf32>, vector<16xi1>
        %add3A_1741 = arith.constant 48 : i32
        %add3A_1742 = vector.broadcast %add3A_1741 : i32 to vector<16xi32>
        %add3A_1743 = arith.addi %iota3A, %add3A_1742 : vector<16xi32>
        %add3A_1744 = arith.constant 0 : i32
        %add3A_1745 = vector.broadcast %add3A_1744 : i32 to vector<16xi32>
        %add3A_1746 = arith.addi %broadcast_in_dim3A_5, %add3A_1745 : vector<16xi32>
        tpu.vector_store_idx %arg8[%add3A_1743, %add3A_1746], %gather3A_1740 : memref<64x128xf32, #tpu.memory_space<vmem>>[vector<16xi32>, vector<16xi32>], vector<16xf32>,
        %add3A_1747 = arith.constant 0 : i32
        %add3A_1748 = vector.broadcast %add3A_1747 : i32 to vector<16xi32>
        %add3A_1749 = arith.addi %broadcast_in_dim3A_5, %add3A_1748 : vector<16xi32>
        %add3A_1750 = arith.constant 1 : i32
        %add3A_1751 = vector.broadcast %add3A_1750 : i32 to vector<16xi32>
        %add3A_1752 = arith.addi %broadcast_in_dim3A_5, %add3A_1751 : vector<16xi32>
        %gather3A_1753 = tpu.vector_load_idx %arg7[%add3A_250, %add3A_1749, %add3A_1752, %select_n3A_1733] masked %lt3A_1721 : memref<2x4x8x1025xf32, #tpu.memory_space<vmem>>[vector<16xi32>, vector<16xi32>, vector<16xi32>, vector<16xi32>], vector<16xf32>, vector<16xi1>
        %add3A_1754 = arith.constant 48 : i32
        %add3A_1755 = vector.broadcast %add3A_1754 : i32 to vector<16xi32>
        %add3A_1756 = arith.addi %iota3A, %add3A_1755 : vector<16xi32>
        %add3A_1757 = arith.constant 1 : i32
        %add3A_1758 = vector.broadcast %add3A_1757 : i32 to vector<16xi32>
        %add3A_1759 = arith.addi %broadcast_in_dim3A_5, %add3A_1758 : vector<16xi32>
        tpu.vector_store_idx %arg8[%add3A_1756, %add3A_1759], %gather3A_1753 : memref<64x128xf32, #tpu.memory_space<vmem>>[vector<16xi32>, vector<16xi32>], vector<16xf32>,
        %add3A_1760 = arith.constant 0 : i32
        %add3A_1761 = vector.broadcast %add3A_1760 : i32 to vector<16xi32>
        %add3A_1762 = arith.addi %broadcast_in_dim3A_5, %add3A_1761 : vector<16xi32>
        %add3A_1763 = arith.constant 2 : i32
        %add3A_1764 = vector.broadcast %add3A_1763 : i32 to vector<16xi32>
        %add3A_1765 = arith.addi %broadcast_in_dim3A_5, %add3A_1764 : vector<16xi32>
        %gather3A_1766 = tpu.vector_load_idx %arg7[%add3A_250, %add3A_1762, %add3A_1765, %select_n3A_1733] masked %lt3A_1721 : memref<2x4x8x1025xf32, #tpu.memory_space<vmem>>[vector<16xi32>, vector<16xi32>, vector<16xi32>, vector<16xi32>], vector<16xf32>, vector<16xi1>
        %add3A_1767 = arith.constant 48 : i32
        %add3A_1768 = vector.broadcast %add3A_1767 : i32 to vector<16xi32>
        %add3A_1769 = arith.addi %iota3A, %add3A_1768 : vector<16xi32>
        %add3A_1770 = arith.constant 2 : i32
        %add3A_1771 = vector.broadcast %add3A_1770 : i32 to vector<16xi32>
        %add3A_1772 = arith.addi %broadcast_in_dim3A_5, %add3A_1771 : vector<16xi32>
        tpu.vector_store_idx %arg8[%add3A_1769, %add3A_1772], %gather3A_1766 : memref<64x128xf32, #tpu.memory_space<vmem>>[vector<16xi32>, vector<16xi32>], vector<16xf32>,
        %add3A_1773 = arith.constant 0 : i32
        %add3A_1774 = vector.broadcast %add3A_1773 : i32 to vector<16xi32>
        %add3A_1775 = arith.addi %broadcast_in_dim3A_5, %add3A_1774 : vector<16xi32>
        %add3A_1776 = arith.constant 3 : i32
        %add3A_1777 = vector.broadcast %add3A_1776 : i32 to vector<16xi32>
        %add3A_1778 = arith.addi %broadcast_in_dim3A_5, %add3A_1777 : vector<16xi32>
        %gather3A_1779 = tpu.vector_load_idx %arg7[%add3A_250, %add3A_1775, %add3A_1778, %select_n3A_1733] masked %lt3A_1721 : memref<2x4x8x1025xf32, #tpu.memory_space<vmem>>[vector<16xi32>, vector<16xi32>, vector<16xi32>, vector<16xi32>], vector<16xf32>, vector<16xi1>
        %add3A_1780 = arith.constant 48 : i32
        %add3A_1781 = vector.broadcast %add3A_1780 : i32 to vector<16xi32>
        %add3A_1782 = arith.addi %iota3A, %add3A_1781 : vector<16xi32>
        %add3A_1783 = arith.constant 3 : i32
        %add3A_1784 = vector.broadcast %add3A_1783 : i32 to vector<16xi32>
        %add3A_1785 = arith.addi %broadcast_in_dim3A_5, %add3A_1784 : vector<16xi32>
        tpu.vector_store_idx %arg8[%add3A_1782, %add3A_1785], %gather3A_1779 : memref<64x128xf32, #tpu.memory_space<vmem>>[vector<16xi32>, vector<16xi32>], vector<16xf32>,
        %add3A_1786 = arith.constant 0 : i32
        %add3A_1787 = vector.broadcast %add3A_1786 : i32 to vector<16xi32>
        %add3A_1788 = arith.addi %broadcast_in_dim3A_5, %add3A_1787 : vector<16xi32>
        %add3A_1789 = arith.constant 4 : i32
        %add3A_1790 = vector.broadcast %add3A_1789 : i32 to vector<16xi32>
        %add3A_1791 = arith.addi %broadcast_in_dim3A_5, %add3A_1790 : vector<16xi32>
        %gather3A_1792 = tpu.vector_load_idx %arg7[%add3A_250, %add3A_1788, %add3A_1791, %select_n3A_1733] masked %lt3A_1721 : memref<2x4x8x1025xf32, #tpu.memory_space<vmem>>[vector<16xi32>, vector<16xi32>, vector<16xi32>, vector<16xi32>], vector<16xf32>, vector<16xi1>
        %add3A_1793 = arith.constant 48 : i32
        %add3A_1794 = vector.broadcast %add3A_1793 : i32 to vector<16xi32>
        %add3A_1795 = arith.addi %iota3A, %add3A_1794 : vector<16xi32>
        %add3A_1796 = arith.constant 4 : i32
        %add3A_1797 = vector.broadcast %add3A_1796 : i32 to vector<16xi32>
        %add3A_1798 = arith.addi %broadcast_in_dim3A_5, %add3A_1797 : vector<16xi32>
        tpu.vector_store_idx %arg8[%add3A_1795, %add3A_1798], %gather3A_1792 : memref<64x128xf32, #tpu.memory_space<vmem>>[vector<16xi32>, vector<16xi32>], vector<16xf32>,
        %add3A_1799 = arith.constant 0 : i32
        %add3A_1800 = vector.broadcast %add3A_1799 : i32 to vector<16xi32>
        %add3A_1801 = arith.addi %broadcast_in_dim3A_5, %add3A_1800 : vector<16xi32>
        %add3A_1802 = arith.constant 5 : i32
        %add3A_1803 = vector.broadcast %add3A_1802 : i32 to vector<16xi32>
        %add3A_1804 = arith.addi %broadcast_in_dim3A_5, %add3A_1803 : vector<16xi32>
        %gather3A_1805 = tpu.vector_load_idx %arg7[%add3A_250, %add3A_1801, %add3A_1804, %select_n3A_1733] masked %lt3A_1721 : memref<2x4x8x1025xf32, #tpu.memory_space<vmem>>[vector<16xi32>, vector<16xi32>, vector<16xi32>, vector<16xi32>], vector<16xf32>, vector<16xi1>
        %add3A_1806 = arith.constant 48 : i32
        %add3A_1807 = vector.broadcast %add3A_1806 : i32 to vector<16xi32>
        %add3A_1808 = arith.addi %iota3A, %add3A_1807 : vector<16xi32>
        %add3A_1809 = arith.constant 5 : i32
        %add3A_1810 = vector.broadcast %add3A_1809 : i32 to vector<16xi32>
        %add3A_1811 = arith.addi %broadcast_in_dim3A_5, %add3A_1810 : vector<16xi32>
        tpu.vector_store_idx %arg8[%add3A_1808, %add3A_1811], %gather3A_1805 : memref<64x128xf32, #tpu.memory_space<vmem>>[vector<16xi32>, vector<16xi32>], vector<16xf32>,
        %add3A_1812 = arith.constant 0 : i32
        %add3A_1813 = vector.broadcast %add3A_1812 : i32 to vector<16xi32>
        %add3A_1814 = arith.addi %broadcast_in_dim3A_5, %add3A_1813 : vector<16xi32>
        %add3A_1815 = arith.constant 6 : i32
        %add3A_1816 = vector.broadcast %add3A_1815 : i32 to vector<16xi32>
        %add3A_1817 = arith.addi %broadcast_in_dim3A_5, %add3A_1816 : vector<16xi32>
        %gather3A_1818 = tpu.vector_load_idx %arg7[%add3A_250, %add3A_1814, %add3A_1817, %select_n3A_1733] masked %lt3A_1721 : memref<2x4x8x1025xf32, #tpu.memory_space<vmem>>[vector<16xi32>, vector<16xi32>, vector<16xi32>, vector<16xi32>], vector<16xf32>, vector<16xi1>
        %add3A_1819 = arith.constant 48 : i32
        %add3A_1820 = vector.broadcast %add3A_1819 : i32 to vector<16xi32>
        %add3A_1821 = arith.addi %iota3A, %add3A_1820 : vector<16xi32>
        %add3A_1822 = arith.constant 6 : i32
        %add3A_1823 = vector.broadcast %add3A_1822 : i32 to vector<16xi32>
        %add3A_1824 = arith.addi %broadcast_in_dim3A_5, %add3A_1823 : vector<16xi32>
        tpu.vector_store_idx %arg8[%add3A_1821, %add3A_1824], %gather3A_1818 : memref<64x128xf32, #tpu.memory_space<vmem>>[vector<16xi32>, vector<16xi32>], vector<16xf32>,
        %add3A_1825 = arith.constant 0 : i32
        %add3A_1826 = vector.broadcast %add3A_1825 : i32 to vector<16xi32>
        %add3A_1827 = arith.addi %broadcast_in_dim3A_5, %add3A_1826 : vector<16xi32>
        %add3A_1828 = arith.constant 7 : i32
        %add3A_1829 = vector.broadcast %add3A_1828 : i32 to vector<16xi32>
        %add3A_1830 = arith.addi %broadcast_in_dim3A_5, %add3A_1829 : vector<16xi32>
        %gather3A_1831 = tpu.vector_load_idx %arg7[%add3A_250, %add3A_1827, %add3A_1830, %select_n3A_1733] masked %lt3A_1721 : memref<2x4x8x1025xf32, #tpu.memory_space<vmem>>[vector<16xi32>, vector<16xi32>, vector<16xi32>, vector<16xi32>], vector<16xf32>, vector<16xi1>
        %add3A_1832 = arith.constant 48 : i32
        %add3A_1833 = vector.broadcast %add3A_1832 : i32 to vector<16xi32>
        %add3A_1834 = arith.addi %iota3A, %add3A_1833 : vector<16xi32>
        %add3A_1835 = arith.constant 7 : i32
        %add3A_1836 = vector.broadcast %add3A_1835 : i32 to vector<16xi32>
        %add3A_1837 = arith.addi %broadcast_in_dim3A_5, %add3A_1836 : vector<16xi32>
        tpu.vector_store_idx %arg8[%add3A_1834, %add3A_1837], %gather3A_1831 : memref<64x128xf32, #tpu.memory_space<vmem>>[vector<16xi32>, vector<16xi32>], vector<16xf32>,
        %add3A_1838 = arith.constant 1 : i32
        %add3A_1839 = vector.broadcast %add3A_1838 : i32 to vector<16xi32>
        %add3A_1840 = arith.addi %broadcast_in_dim3A_5, %add3A_1839 : vector<16xi32>
        %add3A_1841 = arith.constant 0 : i32
        %add3A_1842 = vector.broadcast %add3A_1841 : i32 to vector<16xi32>
        %add3A_1843 = arith.addi %broadcast_in_dim3A_5, %add3A_1842 : vector<16xi32>
        %gather3A_1844 = tpu.vector_load_idx %arg7[%add3A_250, %add3A_1840, %add3A_1843, %select_n3A_1733] masked %lt3A_1721 : memref<2x4x8x1025xf32, #tpu.memory_space<vmem>>[vector<16xi32>, vector<16xi32>, vector<16xi32>, vector<16xi32>], vector<16xf32>, vector<16xi1>
        %add3A_1845 = arith.constant 48 : i32
        %add3A_1846 = vector.broadcast %add3A_1845 : i32 to vector<16xi32>
        %add3A_1847 = arith.addi %iota3A, %add3A_1846 : vector<16xi32>
        %add3A_1848 = arith.constant 8 : i32
        %add3A_1849 = vector.broadcast %add3A_1848 : i32 to vector<16xi32>
        %add3A_1850 = arith.addi %broadcast_in_dim3A_5, %add3A_1849 : vector<16xi32>
        tpu.vector_store_idx %arg8[%add3A_1847, %add3A_1850], %gather3A_1844 : memref<64x128xf32, #tpu.memory_space<vmem>>[vector<16xi32>, vector<16xi32>], vector<16xf32>,
        %add3A_1851 = arith.constant 1 : i32
        %add3A_1852 = vector.broadcast %add3A_1851 : i32 to vector<16xi32>
        %add3A_1853 = arith.addi %broadcast_in_dim3A_5, %add3A_1852 : vector<16xi32>
        %add3A_1854 = arith.constant 1 : i32
        %add3A_1855 = vector.broadcast %add3A_1854 : i32 to vector<16xi32>
        %add3A_1856 = arith.addi %broadcast_in_dim3A_5, %add3A_1855 : vector<16xi32>
        %gather3A_1857 = tpu.vector_load_idx %arg7[%add3A_250, %add3A_1853, %add3A_1856, %select_n3A_1733] masked %lt3A_1721 : memref<2x4x8x1025xf32, #tpu.memory_space<vmem>>[vector<16xi32>, vector<16xi32>, vector<16xi32>, vector<16xi32>], vector<16xf32>, vector<16xi1>
        %add3A_1858 = arith.constant 48 : i32
        %add3A_1859 = vector.broadcast %add3A_1858 : i32 to vector<16xi32>
        %add3A_1860 = arith.addi %iota3A, %add3A_1859 : vector<16xi32>
        %add3A_1861 = arith.constant 9 : i32
        %add3A_1862 = vector.broadcast %add3A_1861 : i32 to vector<16xi32>
        %add3A_1863 = arith.addi %broadcast_in_dim3A_5, %add3A_1862 : vector<16xi32>
        tpu.vector_store_idx %arg8[%add3A_1860, %add3A_1863], %gather3A_1857 : memref<64x128xf32, #tpu.memory_space<vmem>>[vector<16xi32>, vector<16xi32>], vector<16xf32>,
        %add3A_1864 = arith.constant 1 : i32
        %add3A_1865 = vector.broadcast %add3A_1864 : i32 to vector<16xi32>
        %add3A_1866 = arith.addi %broadcast_in_dim3A_5, %add3A_1865 : vector<16xi32>
        %add3A_1867 = arith.constant 2 : i32
        %add3A_1868 = vector.broadcast %add3A_1867 : i32 to vector<16xi32>
        %add3A_1869 = arith.addi %broadcast_in_dim3A_5, %add3A_1868 : vector<16xi32>
        %gather3A_1870 = tpu.vector_load_idx %arg7[%add3A_250, %add3A_1866, %add3A_1869, %select_n3A_1733] masked %lt3A_1721 : memref<2x4x8x1025xf32, #tpu.memory_space<vmem>>[vector<16xi32>, vector<16xi32>, vector<16xi32>, vector<16xi32>], vector<16xf32>, vector<16xi1>
        %add3A_1871 = arith.constant 48 : i32
        %add3A_1872 = vector.broadcast %add3A_1871 : i32 to vector<16xi32>
        %add3A_1873 = arith.addi %iota3A, %add3A_1872 : vector<16xi32>
        %add3A_1874 = arith.constant 10 : i32
        %add3A_1875 = vector.broadcast %add3A_1874 : i32 to vector<16xi32>
        %add3A_1876 = arith.addi %broadcast_in_dim3A_5, %add3A_1875 : vector<16xi32>
        tpu.vector_store_idx %arg8[%add3A_1873, %add3A_1876], %gather3A_1870 : memref<64x128xf32, #tpu.memory_space<vmem>>[vector<16xi32>, vector<16xi32>], vector<16xf32>,
        %add3A_1877 = arith.constant 1 : i32
        %add3A_1878 = vector.broadcast %add3A_1877 : i32 to vector<16xi32>
        %add3A_1879 = arith.addi %broadcast_in_dim3A_5, %add3A_1878 : vector<16xi32>
        %add3A_1880 = arith.constant 3 : i32
        %add3A_1881 = vector.broadcast %add3A_1880 : i32 to vector<16xi32>
        %add3A_1882 = arith.addi %broadcast_in_dim3A_5, %add3A_1881 : vector<16xi32>
        %gather3A_1883 = tpu.vector_load_idx %arg7[%add3A_250, %add3A_1879, %add3A_1882, %select_n3A_1733] masked %lt3A_1721 : memref<2x4x8x1025xf32, #tpu.memory_space<vmem>>[vector<16xi32>, vector<16xi32>, vector<16xi32>, vector<16xi32>], vector<16xf32>, vector<16xi1>
        %add3A_1884 = arith.constant 48 : i32
        %add3A_1885 = vector.broadcast %add3A_1884 : i32 to vector<16xi32>
        %add3A_1886 = arith.addi %iota3A, %add3A_1885 : vector<16xi32>
        %add3A_1887 = arith.constant 11 : i32
        %add3A_1888 = vector.broadcast %add3A_1887 : i32 to vector<16xi32>
        %add3A_1889 = arith.addi %broadcast_in_dim3A_5, %add3A_1888 : vector<16xi32>
        tpu.vector_store_idx %arg8[%add3A_1886, %add3A_1889], %gather3A_1883 : memref<64x128xf32, #tpu.memory_space<vmem>>[vector<16xi32>, vector<16xi32>], vector<16xf32>,
        %add3A_1890 = arith.constant 1 : i32
        %add3A_1891 = vector.broadcast %add3A_1890 : i32 to vector<16xi32>
        %add3A_1892 = arith.addi %broadcast_in_dim3A_5, %add3A_1891 : vector<16xi32>
        %add3A_1893 = arith.constant 4 : i32
        %add3A_1894 = vector.broadcast %add3A_1893 : i32 to vector<16xi32>
        %add3A_1895 = arith.addi %broadcast_in_dim3A_5, %add3A_1894 : vector<16xi32>
        %gather3A_1896 = tpu.vector_load_idx %arg7[%add3A_250, %add3A_1892, %add3A_1895, %select_n3A_1733] masked %lt3A_1721 : memref<2x4x8x1025xf32, #tpu.memory_space<vmem>>[vector<16xi32>, vector<16xi32>, vector<16xi32>, vector<16xi32>], vector<16xf32>, vector<16xi1>
        %add3A_1897 = arith.constant 48 : i32
        %add3A_1898 = vector.broadcast %add3A_1897 : i32 to vector<16xi32>
        %add3A_1899 = arith.addi %iota3A, %add3A_1898 : vector<16xi32>
        %add3A_1900 = arith.constant 12 : i32
        %add3A_1901 = vector.broadcast %add3A_1900 : i32 to vector<16xi32>
        %add3A_1902 = arith.addi %broadcast_in_dim3A_5, %add3A_1901 : vector<16xi32>
        tpu.vector_store_idx %arg8[%add3A_1899, %add3A_1902], %gather3A_1896 : memref<64x128xf32, #tpu.memory_space<vmem>>[vector<16xi32>, vector<16xi32>], vector<16xf32>,
        %add3A_1903 = arith.constant 1 : i32
        %add3A_1904 = vector.broadcast %add3A_1903 : i32 to vector<16xi32>
        %add3A_1905 = arith.addi %broadcast_in_dim3A_5, %add3A_1904 : vector<16xi32>
        %add3A_1906 = arith.constant 5 : i32
        %add3A_1907 = vector.broadcast %add3A_1906 : i32 to vector<16xi32>
        %add3A_1908 = arith.addi %broadcast_in_dim3A_5, %add3A_1907 : vector<16xi32>
        %gather3A_1909 = tpu.vector_load_idx %arg7[%add3A_250, %add3A_1905, %add3A_1908, %select_n3A_1733] masked %lt3A_1721 : memref<2x4x8x1025xf32, #tpu.memory_space<vmem>>[vector<16xi32>, vector<16xi32>, vector<16xi32>, vector<16xi32>], vector<16xf32>, vector<16xi1>
        %add3A_1910 = arith.constant 48 : i32
        %add3A_1911 = vector.broadcast %add3A_1910 : i32 to vector<16xi32>
        %add3A_1912 = arith.addi %iota3A, %add3A_1911 : vector<16xi32>
        %add3A_1913 = arith.constant 13 : i32
        %add3A_1914 = vector.broadcast %add3A_1913 : i32 to vector<16xi32>
        %add3A_1915 = arith.addi %broadcast_in_dim3A_5, %add3A_1914 : vector<16xi32>
        tpu.vector_store_idx %arg8[%add3A_1912, %add3A_1915], %gather3A_1909 : memref<64x128xf32, #tpu.memory_space<vmem>>[vector<16xi32>, vector<16xi32>], vector<16xf32>,
        %add3A_1916 = arith.constant 1 : i32
        %add3A_1917 = vector.broadcast %add3A_1916 : i32 to vector<16xi32>
        %add3A_1918 = arith.addi %broadcast_in_dim3A_5, %add3A_1917 : vector<16xi32>
        %add3A_1919 = arith.constant 6 : i32
        %add3A_1920 = vector.broadcast %add3A_1919 : i32 to vector<16xi32>
        %add3A_1921 = arith.addi %broadcast_in_dim3A_5, %add3A_1920 : vector<16xi32>
        %gather3A_1922 = tpu.vector_load_idx %arg7[%add3A_250, %add3A_1918, %add3A_1921, %select_n3A_1733] masked %lt3A_1721 : memref<2x4x8x1025xf32, #tpu.memory_space<vmem>>[vector<16xi32>, vector<16xi32>, vector<16xi32>, vector<16xi32>], vector<16xf32>, vector<16xi1>
        %add3A_1923 = arith.constant 48 : i32
        %add3A_1924 = vector.broadcast %add3A_1923 : i32 to vector<16xi32>
        %add3A_1925 = arith.addi %iota3A, %add3A_1924 : vector<16xi32>
        %add3A_1926 = arith.constant 14 : i32
        %add3A_1927 = vector.broadcast %add3A_1926 : i32 to vector<16xi32>
        %add3A_1928 = arith.addi %broadcast_in_dim3A_5, %add3A_1927 : vector<16xi32>
        tpu.vector_store_idx %arg8[%add3A_1925, %add3A_1928], %gather3A_1922 : memref<64x128xf32, #tpu.memory_space<vmem>>[vector<16xi32>, vector<16xi32>], vector<16xf32>,
        %add3A_1929 = arith.constant 1 : i32
        %add3A_1930 = vector.broadcast %add3A_1929 : i32 to vector<16xi32>
        %add3A_1931 = arith.addi %broadcast_in_dim3A_5, %add3A_1930 : vector<16xi32>
        %add3A_1932 = arith.constant 7 : i32
        %add3A_1933 = vector.broadcast %add3A_1932 : i32 to vector<16xi32>
        %add3A_1934 = arith.addi %broadcast_in_dim3A_5, %add3A_1933 : vector<16xi32>
        %gather3A_1935 = tpu.vector_load_idx %arg7[%add3A_250, %add3A_1931, %add3A_1934, %select_n3A_1733] masked %lt3A_1721 : memref<2x4x8x1025xf32, #tpu.memory_space<vmem>>[vector<16xi32>, vector<16xi32>, vector<16xi32>, vector<16xi32>], vector<16xf32>, vector<16xi1>
        %add3A_1936 = arith.constant 48 : i32
        %add3A_1937 = vector.broadcast %add3A_1936 : i32 to vector<16xi32>
        %add3A_1938 = arith.addi %iota3A, %add3A_1937 : vector<16xi32>
        %add3A_1939 = arith.constant 15 : i32
        %add3A_1940 = vector.broadcast %add3A_1939 : i32 to vector<16xi32>
        %add3A_1941 = arith.addi %broadcast_in_dim3A_5, %add3A_1940 : vector<16xi32>
        tpu.vector_store_idx %arg8[%add3A_1938, %add3A_1941], %gather3A_1935 : memref<64x128xf32, #tpu.memory_space<vmem>>[vector<16xi32>, vector<16xi32>], vector<16xf32>,
        %add3A_1942 = arith.constant 2 : i32
        %add3A_1943 = vector.broadcast %add3A_1942 : i32 to vector<16xi32>
        %add3A_1944 = arith.addi %broadcast_in_dim3A_5, %add3A_1943 : vector<16xi32>
        %add3A_1945 = arith.constant 0 : i32
        %add3A_1946 = vector.broadcast %add3A_1945 : i32 to vector<16xi32>
        %add3A_1947 = arith.addi %broadcast_in_dim3A_5, %add3A_1946 : vector<16xi32>
        %gather3A_1948 = tpu.vector_load_idx %arg7[%add3A_250, %add3A_1944, %add3A_1947, %select_n3A_1733] masked %lt3A_1721 : memref<2x4x8x1025xf32, #tpu.memory_space<vmem>>[vector<16xi32>, vector<16xi32>, vector<16xi32>, vector<16xi32>], vector<16xf32>, vector<16xi1>
        %add3A_1949 = arith.constant 48 : i32
        %add3A_1950 = vector.broadcast %add3A_1949 : i32 to vector<16xi32>
        %add3A_1951 = arith.addi %iota3A, %add3A_1950 : vector<16xi32>
        %add3A_1952 = arith.constant 16 : i32
        %add3A_1953 = vector.broadcast %add3A_1952 : i32 to vector<16xi32>
        %add3A_1954 = arith.addi %broadcast_in_dim3A_5, %add3A_1953 : vector<16xi32>
        tpu.vector_store_idx %arg8[%add3A_1951, %add3A_1954], %gather3A_1948 : memref<64x128xf32, #tpu.memory_space<vmem>>[vector<16xi32>, vector<16xi32>], vector<16xf32>,
        %add3A_1955 = arith.constant 2 : i32
        %add3A_1956 = vector.broadcast %add3A_1955 : i32 to vector<16xi32>
        %add3A_1957 = arith.addi %broadcast_in_dim3A_5, %add3A_1956 : vector<16xi32>
        %add3A_1958 = arith.constant 1 : i32
        %add3A_1959 = vector.broadcast %add3A_1958 : i32 to vector<16xi32>
        %add3A_1960 = arith.addi %broadcast_in_dim3A_5, %add3A_1959 : vector<16xi32>
        %gather3A_1961 = tpu.vector_load_idx %arg7[%add3A_250, %add3A_1957, %add3A_1960, %select_n3A_1733] masked %lt3A_1721 : memref<2x4x8x1025xf32, #tpu.memory_space<vmem>>[vector<16xi32>, vector<16xi32>, vector<16xi32>, vector<16xi32>], vector<16xf32>, vector<16xi1>
        %add3A_1962 = arith.constant 48 : i32
        %add3A_1963 = vector.broadcast %add3A_1962 : i32 to vector<16xi32>
        %add3A_1964 = arith.addi %iota3A, %add3A_1963 : vector<16xi32>
        %add3A_1965 = arith.constant 17 : i32
        %add3A_1966 = vector.broadcast %add3A_1965 : i32 to vector<16xi32>
        %add3A_1967 = arith.addi %broadcast_in_dim3A_5, %add3A_1966 : vector<16xi32>
        tpu.vector_store_idx %arg8[%add3A_1964, %add3A_1967], %gather3A_1961 : memref<64x128xf32, #tpu.memory_space<vmem>>[vector<16xi32>, vector<16xi32>], vector<16xf32>,
        %add3A_1968 = arith.constant 2 : i32
        %add3A_1969 = vector.broadcast %add3A_1968 : i32 to vector<16xi32>
        %add3A_1970 = arith.addi %broadcast_in_dim3A_5, %add3A_1969 : vector<16xi32>
        %add3A_1971 = arith.constant 2 : i32
        %add3A_1972 = vector.broadcast %add3A_1971 : i32 to vector<16xi32>
        %add3A_1973 = arith.addi %broadcast_in_dim3A_5, %add3A_1972 : vector<16xi32>
        %gather3A_1974 = tpu.vector_load_idx %arg7[%add3A_250, %add3A_1970, %add3A_1973, %select_n3A_1733] masked %lt3A_1721 : memref<2x4x8x1025xf32, #tpu.memory_space<vmem>>[vector<16xi32>, vector<16xi32>, vector<16xi32>, vector<16xi32>], vector<16xf32>, vector<16xi1>
        %add3A_1975 = arith.constant 48 : i32
        %add3A_1976 = vector.broadcast %add3A_1975 : i32 to vector<16xi32>
        %add3A_1977 = arith.addi %iota3A, %add3A_1976 : vector<16xi32>
        %add3A_1978 = arith.constant 18 : i32
        %add3A_1979 = vector.broadcast %add3A_1978 : i32 to vector<16xi32>
        %add3A_1980 = arith.addi %broadcast_in_dim3A_5, %add3A_1979 : vector<16xi32>
        tpu.vector_store_idx %arg8[%add3A_1977, %add3A_1980], %gather3A_1974 : memref<64x128xf32, #tpu.memory_space<vmem>>[vector<16xi32>, vector<16xi32>], vector<16xf32>,
        %add3A_1981 = arith.constant 2 : i32
        %add3A_1982 = vector.broadcast %add3A_1981 : i32 to vector<16xi32>
        %add3A_1983 = arith.addi %broadcast_in_dim3A_5, %add3A_1982 : vector<16xi32>
        %add3A_1984 = arith.constant 3 : i32
        %add3A_1985 = vector.broadcast %add3A_1984 : i32 to vector<16xi32>
        %add3A_1986 = arith.addi %broadcast_in_dim3A_5, %add3A_1985 : vector<16xi32>
        %gather3A_1987 = tpu.vector_load_idx %arg7[%add3A_250, %add3A_1983, %add3A_1986, %select_n3A_1733] masked %lt3A_1721 : memref<2x4x8x1025xf32, #tpu.memory_space<vmem>>[vector<16xi32>, vector<16xi32>, vector<16xi32>, vector<16xi32>], vector<16xf32>, vector<16xi1>
        %add3A_1988 = arith.constant 48 : i32
        %add3A_1989 = vector.broadcast %add3A_1988 : i32 to vector<16xi32>
        %add3A_1990 = arith.addi %iota3A, %add3A_1989 : vector<16xi32>
        %add3A_1991 = arith.constant 19 : i32
        %add3A_1992 = vector.broadcast %add3A_1991 : i32 to vector<16xi32>
        %add3A_1993 = arith.addi %broadcast_in_dim3A_5, %add3A_1992 : vector<16xi32>
        tpu.vector_store_idx %arg8[%add3A_1990, %add3A_1993], %gather3A_1987 : memref<64x128xf32, #tpu.memory_space<vmem>>[vector<16xi32>, vector<16xi32>], vector<16xf32>,
        %add3A_1994 = arith.constant 2 : i32
        %add3A_1995 = vector.broadcast %add3A_1994 : i32 to vector<16xi32>
        %add3A_1996 = arith.addi %broadcast_in_dim3A_5, %add3A_1995 : vector<16xi32>
        %add3A_1997 = arith.constant 4 : i32
        %add3A_1998 = vector.broadcast %add3A_1997 : i32 to vector<16xi32>
        %add3A_1999 = arith.addi %broadcast_in_dim3A_5, %add3A_1998 : vector<16xi32>
        %gather3A_2000 = tpu.vector_load_idx %arg7[%add3A_250, %add3A_1996, %add3A_1999, %select_n3A_1733] masked %lt3A_1721 : memref<2x4x8x1025xf32, #tpu.memory_space<vmem>>[vector<16xi32>, vector<16xi32>, vector<16xi32>, vector<16xi32>], vector<16xf32>, vector<16xi1>
        %add3A_2001 = arith.constant 48 : i32
        %add3A_2002 = vector.broadcast %add3A_2001 : i32 to vector<16xi32>
        %add3A_2003 = arith.addi %iota3A, %add3A_2002 : vector<16xi32>
        %add3A_2004 = arith.constant 20 : i32
        %add3A_2005 = vector.broadcast %add3A_2004 : i32 to vector<16xi32>
        %add3A_2006 = arith.addi %broadcast_in_dim3A_5, %add3A_2005 : vector<16xi32>
        tpu.vector_store_idx %arg8[%add3A_2003, %add3A_2006], %gather3A_2000 : memref<64x128xf32, #tpu.memory_space<vmem>>[vector<16xi32>, vector<16xi32>], vector<16xf32>,
        %add3A_2007 = arith.constant 2 : i32
        %add3A_2008 = vector.broadcast %add3A_2007 : i32 to vector<16xi32>
        %add3A_2009 = arith.addi %broadcast_in_dim3A_5, %add3A_2008 : vector<16xi32>
        %add3A_2010 = arith.constant 5 : i32
        %add3A_2011 = vector.broadcast %add3A_2010 : i32 to vector<16xi32>
        %add3A_2012 = arith.addi %broadcast_in_dim3A_5, %add3A_2011 : vector<16xi32>
        %gather3A_2013 = tpu.vector_load_idx %arg7[%add3A_250, %add3A_2009, %add3A_2012, %select_n3A_1733] masked %lt3A_1721 : memref<2x4x8x1025xf32, #tpu.memory_space<vmem>>[vector<16xi32>, vector<16xi32>, vector<16xi32>, vector<16xi32>], vector<16xf32>, vector<16xi1>
        %add3A_2014 = arith.constant 48 : i32
        %add3A_2015 = vector.broadcast %add3A_2014 : i32 to vector<16xi32>
        %add3A_2016 = arith.addi %iota3A, %add3A_2015 : vector<16xi32>
        %add3A_2017 = arith.constant 21 : i32
        %add3A_2018 = vector.broadcast %add3A_2017 : i32 to vector<16xi32>
        %add3A_2019 = arith.addi %broadcast_in_dim3A_5, %add3A_2018 : vector<16xi32>
        tpu.vector_store_idx %arg8[%add3A_2016, %add3A_2019], %gather3A_2013 : memref<64x128xf32, #tpu.memory_space<vmem>>[vector<16xi32>, vector<16xi32>], vector<16xf32>,
        %add3A_2020 = arith.constant 2 : i32
        %add3A_2021 = vector.broadcast %add3A_2020 : i32 to vector<16xi32>
        %add3A_2022 = arith.addi %broadcast_in_dim3A_5, %add3A_2021 : vector<16xi32>
        %add3A_2023 = arith.constant 6 : i32
        %add3A_2024 = vector.broadcast %add3A_2023 : i32 to vector<16xi32>
        %add3A_2025 = arith.addi %broadcast_in_dim3A_5, %add3A_2024 : vector<16xi32>
        %gather3A_2026 = tpu.vector_load_idx %arg7[%add3A_250, %add3A_2022, %add3A_2025, %select_n3A_1733] masked %lt3A_1721 : memref<2x4x8x1025xf32, #tpu.memory_space<vmem>>[vector<16xi32>, vector<16xi32>, vector<16xi32>, vector<16xi32>], vector<16xf32>, vector<16xi1>
        %add3A_2027 = arith.constant 48 : i32
        %add3A_2028 = vector.broadcast %add3A_2027 : i32 to vector<16xi32>
        %add3A_2029 = arith.addi %iota3A, %add3A_2028 : vector<16xi32>
        %add3A_2030 = arith.constant 22 : i32
        %add3A_2031 = vector.broadcast %add3A_2030 : i32 to vector<16xi32>
        %add3A_2032 = arith.addi %broadcast_in_dim3A_5, %add3A_2031 : vector<16xi32>
        tpu.vector_store_idx %arg8[%add3A_2029, %add3A_2032], %gather3A_2026 : memref<64x128xf32, #tpu.memory_space<vmem>>[vector<16xi32>, vector<16xi32>], vector<16xf32>,
        %add3A_2033 = arith.constant 2 : i32
        %add3A_2034 = vector.broadcast %add3A_2033 : i32 to vector<16xi32>
        %add3A_2035 = arith.addi %broadcast_in_dim3A_5, %add3A_2034 : vector<16xi32>
        %add3A_2036 = arith.constant 7 : i32
        %add3A_2037 = vector.broadcast %add3A_2036 : i32 to vector<16xi32>
        %add3A_2038 = arith.addi %broadcast_in_dim3A_5, %add3A_2037 : vector<16xi32>
        %gather3A_2039 = tpu.vector_load_idx %arg7[%add3A_250, %add3A_2035, %add3A_2038, %select_n3A_1733] masked %lt3A_1721 : memref<2x4x8x1025xf32, #tpu.memory_space<vmem>>[vector<16xi32>, vector<16xi32>, vector<16xi32>, vector<16xi32>], vector<16xf32>, vector<16xi1>
        %add3A_2040 = arith.constant 48 : i32
        %add3A_2041 = vector.broadcast %add3A_2040 : i32 to vector<16xi32>
        %add3A_2042 = arith.addi %iota3A, %add3A_2041 : vector<16xi32>
        %add3A_2043 = arith.constant 23 : i32
        %add3A_2044 = vector.broadcast %add3A_2043 : i32 to vector<16xi32>
        %add3A_2045 = arith.addi %broadcast_in_dim3A_5, %add3A_2044 : vector<16xi32>
        tpu.vector_store_idx %arg8[%add3A_2042, %add3A_2045], %gather3A_2039 : memref<64x128xf32, #tpu.memory_space<vmem>>[vector<16xi32>, vector<16xi32>], vector<16xf32>,
        %add3A_2046 = arith.constant 3 : i32
        %add3A_2047 = vector.broadcast %add3A_2046 : i32 to vector<16xi32>
        %add3A_2048 = arith.addi %broadcast_in_dim3A_5, %add3A_2047 : vector<16xi32>
        %add3A_2049 = arith.constant 0 : i32
        %add3A_2050 = vector.broadcast %add3A_2049 : i32 to vector<16xi32>
        %add3A_2051 = arith.addi %broadcast_in_dim3A_5, %add3A_2050 : vector<16xi32>
        %gather3A_2052 = tpu.vector_load_idx %arg7[%add3A_250, %add3A_2048, %add3A_2051, %select_n3A_1733] masked %lt3A_1721 : memref<2x4x8x1025xf32, #tpu.memory_space<vmem>>[vector<16xi32>, vector<16xi32>, vector<16xi32>, vector<16xi32>], vector<16xf32>, vector<16xi1>
        %add3A_2053 = arith.constant 48 : i32
        %add3A_2054 = vector.broadcast %add3A_2053 : i32 to vector<16xi32>
        %add3A_2055 = arith.addi %iota3A, %add3A_2054 : vector<16xi32>
        %add3A_2056 = arith.constant 24 : i32
        %add3A_2057 = vector.broadcast %add3A_2056 : i32 to vector<16xi32>
        %add3A_2058 = arith.addi %broadcast_in_dim3A_5, %add3A_2057 : vector<16xi32>
        tpu.vector_store_idx %arg8[%add3A_2055, %add3A_2058], %gather3A_2052 : memref<64x128xf32, #tpu.memory_space<vmem>>[vector<16xi32>, vector<16xi32>], vector<16xf32>,
        %add3A_2059 = arith.constant 3 : i32
        %add3A_2060 = vector.broadcast %add3A_2059 : i32 to vector<16xi32>
        %add3A_2061 = arith.addi %broadcast_in_dim3A_5, %add3A_2060 : vector<16xi32>
        %add3A_2062 = arith.constant 1 : i32
        %add3A_2063 = vector.broadcast %add3A_2062 : i32 to vector<16xi32>
        %add3A_2064 = arith.addi %broadcast_in_dim3A_5, %add3A_2063 : vector<16xi32>
        %gather3A_2065 = tpu.vector_load_idx %arg7[%add3A_250, %add3A_2061, %add3A_2064, %select_n3A_1733] masked %lt3A_1721 : memref<2x4x8x1025xf32, #tpu.memory_space<vmem>>[vector<16xi32>, vector<16xi32>, vector<16xi32>, vector<16xi32>], vector<16xf32>, vector<16xi1>
        %add3A_2066 = arith.constant 48 : i32
        %add3A_2067 = vector.broadcast %add3A_2066 : i32 to vector<16xi32>
        %add3A_2068 = arith.addi %iota3A, %add3A_2067 : vector<16xi32>
        %add3A_2069 = arith.constant 25 : i32
        %add3A_2070 = vector.broadcast %add3A_2069 : i32 to vector<16xi32>
        %add3A_2071 = arith.addi %broadcast_in_dim3A_5, %add3A_2070 : vector<16xi32>
        tpu.vector_store_idx %arg8[%add3A_2068, %add3A_2071], %gather3A_2065 : memref<64x128xf32, #tpu.memory_space<vmem>>[vector<16xi32>, vector<16xi32>], vector<16xf32>,
        %add3A_2072 = arith.constant 3 : i32
        %add3A_2073 = vector.broadcast %add3A_2072 : i32 to vector<16xi32>
        %add3A_2074 = arith.addi %broadcast_in_dim3A_5, %add3A_2073 : vector<16xi32>
        %add3A_2075 = arith.constant 2 : i32
        %add3A_2076 = vector.broadcast %add3A_2075 : i32 to vector<16xi32>
        %add3A_2077 = arith.addi %broadcast_in_dim3A_5, %add3A_2076 : vector<16xi32>
        %gather3A_2078 = tpu.vector_load_idx %arg7[%add3A_250, %add3A_2074, %add3A_2077, %select_n3A_1733] masked %lt3A_1721 : memref<2x4x8x1025xf32, #tpu.memory_space<vmem>>[vector<16xi32>, vector<16xi32>, vector<16xi32>, vector<16xi32>], vector<16xf32>, vector<16xi1>
        %add3A_2079 = arith.constant 48 : i32
        %add3A_2080 = vector.broadcast %add3A_2079 : i32 to vector<16xi32>
        %add3A_2081 = arith.addi %iota3A, %add3A_2080 : vector<16xi32>
        %add3A_2082 = arith.constant 26 : i32
        %add3A_2083 = vector.broadcast %add3A_2082 : i32 to vector<16xi32>
        %add3A_2084 = arith.addi %broadcast_in_dim3A_5, %add3A_2083 : vector<16xi32>
        tpu.vector_store_idx %arg8[%add3A_2081, %add3A_2084], %gather3A_2078 : memref<64x128xf32, #tpu.memory_space<vmem>>[vector<16xi32>, vector<16xi32>], vector<16xf32>,
        %add3A_2085 = arith.constant 3 : i32
        %add3A_2086 = vector.broadcast %add3A_2085 : i32 to vector<16xi32>
        %add3A_2087 = arith.addi %broadcast_in_dim3A_5, %add3A_2086 : vector<16xi32>
        %add3A_2088 = arith.constant 3 : i32
        %add3A_2089 = vector.broadcast %add3A_2088 : i32 to vector<16xi32>
        %add3A_2090 = arith.addi %broadcast_in_dim3A_5, %add3A_2089 : vector<16xi32>
        %gather3A_2091 = tpu.vector_load_idx %arg7[%add3A_250, %add3A_2087, %add3A_2090, %select_n3A_1733] masked %lt3A_1721 : memref<2x4x8x1025xf32, #tpu.memory_space<vmem>>[vector<16xi32>, vector<16xi32>, vector<16xi32>, vector<16xi32>], vector<16xf32>, vector<16xi1>
        %add3A_2092 = arith.constant 48 : i32
        %add3A_2093 = vector.broadcast %add3A_2092 : i32 to vector<16xi32>
        %add3A_2094 = arith.addi %iota3A, %add3A_2093 : vector<16xi32>
        %add3A_2095 = arith.constant 27 : i32
        %add3A_2096 = vector.broadcast %add3A_2095 : i32 to vector<16xi32>
        %add3A_2097 = arith.addi %broadcast_in_dim3A_5, %add3A_2096 : vector<16xi32>
        tpu.vector_store_idx %arg8[%add3A_2094, %add3A_2097], %gather3A_2091 : memref<64x128xf32, #tpu.memory_space<vmem>>[vector<16xi32>, vector<16xi32>], vector<16xf32>,
        %add3A_2098 = arith.constant 3 : i32
        %add3A_2099 = vector.broadcast %add3A_2098 : i32 to vector<16xi32>
        %add3A_2100 = arith.addi %broadcast_in_dim3A_5, %add3A_2099 : vector<16xi32>
        %add3A_2101 = arith.constant 4 : i32
        %add3A_2102 = vector.broadcast %add3A_2101 : i32 to vector<16xi32>
        %add3A_2103 = arith.addi %broadcast_in_dim3A_5, %add3A_2102 : vector<16xi32>
        %gather3A_2104 = tpu.vector_load_idx %arg7[%add3A_250, %add3A_2100, %add3A_2103, %select_n3A_1733] masked %lt3A_1721 : memref<2x4x8x1025xf32, #tpu.memory_space<vmem>>[vector<16xi32>, vector<16xi32>, vector<16xi32>, vector<16xi32>], vector<16xf32>, vector<16xi1>
        %add3A_2105 = arith.constant 48 : i32
        %add3A_2106 = vector.broadcast %add3A_2105 : i32 to vector<16xi32>
        %add3A_2107 = arith.addi %iota3A, %add3A_2106 : vector<16xi32>
        %add3A_2108 = arith.constant 28 : i32
        %add3A_2109 = vector.broadcast %add3A_2108 : i32 to vector<16xi32>
        %add3A_2110 = arith.addi %broadcast_in_dim3A_5, %add3A_2109 : vector<16xi32>
        tpu.vector_store_idx %arg8[%add3A_2107, %add3A_2110], %gather3A_2104 : memref<64x128xf32, #tpu.memory_space<vmem>>[vector<16xi32>, vector<16xi32>], vector<16xf32>,
        %add3A_2111 = arith.constant 3 : i32
        %add3A_2112 = vector.broadcast %add3A_2111 : i32 to vector<16xi32>
        %add3A_2113 = arith.addi %broadcast_in_dim3A_5, %add3A_2112 : vector<16xi32>
        %add3A_2114 = arith.constant 5 : i32
        %add3A_2115 = vector.broadcast %add3A_2114 : i32 to vector<16xi32>
        %add3A_2116 = arith.addi %broadcast_in_dim3A_5, %add3A_2115 : vector<16xi32>
        %gather3A_2117 = tpu.vector_load_idx %arg7[%add3A_250, %add3A_2113, %add3A_2116, %select_n3A_1733] masked %lt3A_1721 : memref<2x4x8x1025xf32, #tpu.memory_space<vmem>>[vector<16xi32>, vector<16xi32>, vector<16xi32>, vector<16xi32>], vector<16xf32>, vector<16xi1>
        %add3A_2118 = arith.constant 48 : i32
        %add3A_2119 = vector.broadcast %add3A_2118 : i32 to vector<16xi32>
        %add3A_2120 = arith.addi %iota3A, %add3A_2119 : vector<16xi32>
        %add3A_2121 = arith.constant 29 : i32
        %add3A_2122 = vector.broadcast %add3A_2121 : i32 to vector<16xi32>
        %add3A_2123 = arith.addi %broadcast_in_dim3A_5, %add3A_2122 : vector<16xi32>
        tpu.vector_store_idx %arg8[%add3A_2120, %add3A_2123], %gather3A_2117 : memref<64x128xf32, #tpu.memory_space<vmem>>[vector<16xi32>, vector<16xi32>], vector<16xf32>,
        %add3A_2124 = arith.constant 3 : i32
        %add3A_2125 = vector.broadcast %add3A_2124 : i32 to vector<16xi32>
        %add3A_2126 = arith.addi %broadcast_in_dim3A_5, %add3A_2125 : vector<16xi32>
        %add3A_2127 = arith.constant 6 : i32
        %add3A_2128 = vector.broadcast %add3A_2127 : i32 to vector<16xi32>
        %add3A_2129 = arith.addi %broadcast_in_dim3A_5, %add3A_2128 : vector<16xi32>
        %gather3A_2130 = tpu.vector_load_idx %arg7[%add3A_250, %add3A_2126, %add3A_2129, %select_n3A_1733] masked %lt3A_1721 : memref<2x4x8x1025xf32, #tpu.memory_space<vmem>>[vector<16xi32>, vector<16xi32>, vector<16xi32>, vector<16xi32>], vector<16xf32>, vector<16xi1>
        %add3A_2131 = arith.constant 48 : i32
        %add3A_2132 = vector.broadcast %add3A_2131 : i32 to vector<16xi32>
        %add3A_2133 = arith.addi %iota3A, %add3A_2132 : vector<16xi32>
        %add3A_2134 = arith.constant 30 : i32
        %add3A_2135 = vector.broadcast %add3A_2134 : i32 to vector<16xi32>
        %add3A_2136 = arith.addi %broadcast_in_dim3A_5, %add3A_2135 : vector<16xi32>
        tpu.vector_store_idx %arg8[%add3A_2133, %add3A_2136], %gather3A_2130 : memref<64x128xf32, #tpu.memory_space<vmem>>[vector<16xi32>, vector<16xi32>], vector<16xf32>,
        %add3A_2137 = arith.constant 3 : i32
        %add3A_2138 = vector.broadcast %add3A_2137 : i32 to vector<16xi32>
        %add3A_2139 = arith.addi %broadcast_in_dim3A_5, %add3A_2138 : vector<16xi32>
        %add3A_2140 = arith.constant 7 : i32
        %add3A_2141 = vector.broadcast %add3A_2140 : i32 to vector<16xi32>
        %add3A_2142 = arith.addi %broadcast_in_dim3A_5, %add3A_2141 : vector<16xi32>
        %gather3A_2143 = tpu.vector_load_idx %arg7[%add3A_250, %add3A_2139, %add3A_2142, %select_n3A_1733] masked %lt3A_1721 : memref<2x4x8x1025xf32, #tpu.memory_space<vmem>>[vector<16xi32>, vector<16xi32>, vector<16xi32>, vector<16xi32>], vector<16xf32>, vector<16xi1>
        %add3A_2144 = arith.constant 48 : i32
        %add3A_2145 = vector.broadcast %add3A_2144 : i32 to vector<16xi32>
        %add3A_2146 = arith.addi %iota3A, %add3A_2145 : vector<16xi32>
        %add3A_2147 = arith.constant 31 : i32
        %add3A_2148 = vector.broadcast %add3A_2147 : i32 to vector<16xi32>
        %add3A_2149 = arith.addi %broadcast_in_dim3A_5, %add3A_2148 : vector<16xi32>
        tpu.vector_store_idx %arg8[%add3A_2146, %add3A_2149], %gather3A_2143 : memref<64x128xf32, #tpu.memory_space<vmem>>[vector<16xi32>, vector<16xi32>], vector<16xf32>,
        %and3A_2150 = arith.constant 16383 : i32
        %and3A_2151 = vector.broadcast %and3A_2150 : i32 to vector<16xi32>
        %and3A_2152 = arith.andi %get3A_1725, %and3A_2151 : vector<16xi32>
        %add3A_2153 = vector.broadcast %add3A_1717 : i32 to vector<16xi32>
        %add3A_2154 = arith.addi %add3A_2153, %iota3A : vector<16xi32>
        %jit3A_2155 = arith.constant 64 : i32
        %eq3A_2156 = arith.constant 0 : i32
        %eq3A_2157 = arith.cmpi eq, %jit3A_2155, %eq3A_2156 : i32
        %jit3A_2158 = arith.constant 1 : i32
        %select_n3A_2159 = arith.select %eq3A_2157, %jit3A_2158, %jit3A_2155 : i32
        %rem3A_2160 = vector.broadcast %select_n3A_2159 : i32 to vector<16xi32>
        %rem3A_2161 = arith.remsi %add3A_2154, %rem3A_2160 : vector<16xi32>
        %ne3A_2162 = arith.constant 0 : i32
        %ne3A_2163 = vector.broadcast %ne3A_2162 : i32 to vector<16xi32>
        %ne3A_2164 = arith.cmpi ne, %rem3A_2161, %ne3A_2163 : vector<16xi32>
        %lt3A_2165 = arith.constant 0 : i32
        %lt3A_2166 = vector.broadcast %lt3A_2165 : i32 to vector<16xi32>
        %lt3A_2167 = arith.cmpi slt, %rem3A_2161, %lt3A_2166 : vector<16xi32>
        %lt3A_2168 = arith.constant 0 : i32
        %lt3A_2169 = arith.cmpi slt, %select_n3A_2159, %lt3A_2168 : i32
        %ne3A_2170 = vector.broadcast %lt3A_2169 : i1 to vector<16xi1>
        %ne3A_2171 = vector.broadcast %ne3A_2170 : vector<16xi1> to vector<16xi1>
        %ne3A_2172 = arith.xori %lt3A_2167, %ne3A_2171 : vector<16xi1>
        %and3A_2173 = arith.andi %ne3A_2172, %ne3A_2164 : vector<16xi1>
        %add3A_2174 = vector.broadcast %select_n3A_2159 : i32 to vector<16xi32>
        %add3A_2175 = arith.addi %rem3A_2161, %add3A_2174 : vector<16xi32>
        %select_n3A_2176 = arith.select %and3A_2173, %add3A_2175, %rem3A_2161 : vector<16xi1>, vector<16xi32>
        %add3A_2177 = arith.constant 16384 : i32
        %add3A_2178 = vector.broadcast %add3A_2177 : i32 to vector<16xi32>
        %add3A_2179 = arith.addi %add3A_2178, %select_n3A_2176 : vector<16xi32>
        %select_n3A_2180 = arith.select %lt3A_1721, %and3A_2152, %add3A_2179 : vector<16xi1>, vector<16xi32>
        %add3A_2181 = arith.constant 48 : i32
        %add3A_2182 = vector.broadcast %add3A_2181 : i32 to vector<16xi32>
        %add3A_2183 = arith.addi %iota3A, %add3A_2182 : vector<16xi32>
        tpu.vector_store_idx %arg9[%add3A_2183], %select_n3A_2180 masked %lt3A_1721 : memref<64xi32, #tpu.memory_space<vmem>>[vector<16xi32>], vector<16xi32>, vector<16xi1>
        %dma_start3A_2184 = arith.constant 0 : i32
        %dma_start3A_2185 = arith.constant 0 : i32
        %dma_start3A_2186 = tpu.memref_slice %arg8[%dma_start3A_2184, %dma_start3A_2185] : memref<64x128xf32, #tpu.memory_space<vmem>> -> memref<64x128xf32, #tpu.memory_space<vmem>>
        %dma_start3A_2187 = arith.constant 0 : i32
        %dma_start3A_2188 = arith.constant 0 : i32
        %dma_start3A_2189 = tpu.memref_slice %arg4[%dma_start3A_2187, %dma_start3A_2188] : memref<16448x128xf32, #tpu.memory_space<hbm>> -> memref<16448x128xf32, #tpu.memory_space<hbm>>
        tpu.enqueue_indirect_dma source(%dma_start3A_2186 : memref<64x128xf32, #tpu.memory_space<vmem>>) target(%dma_start3A_2189 : memref<16448x128xf32, #tpu.memory_space<hbm>>) offsets(%arg9 : memref<64xi32, #tpu.memory_space<vmem>>) semaphore(%arg12 : memref<!tpu.dma_semaphore, #tpu.memory_space<semaphore_mem>>)
        %dma_wait3A_2190 = arith.constant 0 : i32
        %dma_wait3A_2191 = arith.constant 0 : i32
        %dma_wait3A_2192 = tpu.memref_slice %arg8[%dma_wait3A_2190, %dma_wait3A_2191] : memref<64x128xf32, #tpu.memory_space<vmem>> -> memref<64x128xf32, #tpu.memory_space<vmem>>
        %dma_wait3A_2193 = arith.constant 0 : i32
        %dma_wait3A_2194 = arith.constant 0 : i32
        %dma_wait3A_2195 = tpu.memref_slice %arg4[%dma_wait3A_2193, %dma_wait3A_2194] : memref<16448x128xf32, #tpu.memory_space<hbm>> -> memref<16448x128xf32, #tpu.memory_space<hbm>>
        tpu.wait_indirect_dma semaphore(%arg12 : memref<!tpu.dma_semaphore, #tpu.memory_space<semaphore_mem>>) src(%dma_wait3A_2192 : memref<64x128xf32, #tpu.memory_space<vmem>>) dst(%dma_wait3A_2195 : memref<16448x128xf32, #tpu.memory_space<hbm>>)
        %while3A_2196 = arith.constant 0 : i32
        scf.yield %while3A_2196 : i32
      }
      %while3A_289 = arith.constant 1 : i32
      %while3A_290 = scf.for %while3A_292 = %while3A_286 to %while3A_282 step %while3A_289 iter_args(%while3A_293 = %while3A_288) -> (i32)  : i32 {
        %mul3A_294 = arith.constant 64 : i32
        %mul3A_295 = arith.muli %while3A_292, %mul3A_294 : i32
        %add3A_296 = arith.constant 16384 : i32
        %add3A_297 = vector.broadcast %add3A_296 : i32 to vector<16xi32>
        %add3A_298 = arith.addi %add3A_297, %iota3A : vector<16xi32>
        %swap3A = arith.constant 0 : index
        %swap3A_299 = tpu.vector_load %arg9[%swap3A] {strides = array<i32>} : memref<64xi32, #tpu.memory_space<vmem>>, vector<16xi32>,
        tpu.vector_store %arg9[%swap3A], %add3A_298 {strides = array<i32>} : memref<64xi32, #tpu.memory_space<vmem>>, vector<16xi32>,
        %add3A_300 = arith.constant 16400 : i32
        %add3A_301 = vector.broadcast %add3A_300 : i32 to vector<16xi32>
        %add3A_302 = arith.addi %add3A_301, %iota3A : vector<16xi32>
        %swap3A_303 = arith.constant 16 : index
        %swap3A_304 = tpu.vector_load %arg9[%swap3A_303] {strides = array<i32>} : memref<64xi32, #tpu.memory_space<vmem>>, vector<16xi32>,
        tpu.vector_store %arg9[%swap3A_303], %add3A_302 {strides = array<i32>} : memref<64xi32, #tpu.memory_space<vmem>>, vector<16xi32>,
        %add3A_305 = arith.constant 16416 : i32
        %add3A_306 = vector.broadcast %add3A_305 : i32 to vector<16xi32>
        %add3A_307 = arith.addi %add3A_306, %iota3A : vector<16xi32>
        %swap3A_308 = arith.constant 32 : index
        %swap3A_309 = tpu.vector_load %arg9[%swap3A_308] {strides = array<i32>} : memref<64xi32, #tpu.memory_space<vmem>>, vector<16xi32>,
        tpu.vector_store %arg9[%swap3A_308], %add3A_307 {strides = array<i32>} : memref<64xi32, #tpu.memory_space<vmem>>, vector<16xi32>,
        %add3A_310 = arith.constant 16432 : i32
        %add3A_311 = vector.broadcast %add3A_310 : i32 to vector<16xi32>
        %add3A_312 = arith.addi %add3A_311, %iota3A : vector<16xi32>
        %swap3A_313 = arith.constant 48 : index
        %swap3A_314 = tpu.vector_load %arg9[%swap3A_313] {strides = array<i32>} : memref<64xi32, #tpu.memory_space<vmem>>, vector<16xi32>,
        tpu.vector_store %arg9[%swap3A_313], %add3A_312 {strides = array<i32>} : memref<64xi32, #tpu.memory_space<vmem>>, vector<16xi32>,
        %add3A_315 = arith.constant 0 : i32
        %add3A_316 = arith.addi %mul3A_295, %add3A_315 : i32
        %add3A_317 = vector.broadcast %add3A_316 : i32 to vector<16xi32>
        %add3A_318 = arith.addi %add3A_317, %iota3A : vector<16xi32>
        %lt3A_319 = vector.broadcast %reduce_max3A_174 : i32 to vector<16xi32>
        %lt3A_320 = arith.cmpi slt, %add3A_318, %lt3A_319 : vector<16xi32>
        %add3A_321 = arith.constant 16384 : i32
        %add3A_322 = arith.addi %add3A_321, %add3A_316 : i32
        %get3A = arith.index_cast %add3A_322 : i32 to index
        %get3A_323 = tpu.vector_load %arg6[%get3A] {strides = array<i32>} : memref<32768xi32, #tpu.memory_space<vmem>>, vector<16xi32>,
        %shift_right_arithmetic3A = arith.constant 14 : i32
        %shift_right_arithmetic3A_324 = vector.broadcast %shift_right_arithmetic3A : i32 to vector<16xi32>
        %shift_right_arithmetic3A_325 = arith.shrsi %get3A_323, %shift_right_arithmetic3A_324 : vector<16xi32>
        %sub3A_326 = vector.broadcast %sub3A_156 : i32 to vector<16xi32>
        %sub3A_327 = arith.subi %shift_right_arithmetic3A_325, %sub3A_326 : vector<16xi32>
        %jit3A_328 = arith.constant 0 : i32
        %broadcast_in_dim3A_329 = vector.broadcast %jit3A_328 : i32 to vector<16xi32>
        %select_n3A_330 = arith.select %lt3A_320, %sub3A_327, %broadcast_in_dim3A_329 : vector<16xi1>, vector<16xi32>
        %add3A_331 = arith.constant 0 : i32
        %add3A_332 = vector.broadcast %add3A_331 : i32 to vector<16xi32>
        %add3A_333 = arith.addi %broadcast_in_dim3A_5, %add3A_332 : vector<16xi32>
        %add3A_334 = arith.constant 0 : i32
        %add3A_335 = vector.broadcast %add3A_334 : i32 to vector<16xi32>
        %add3A_336 = arith.addi %broadcast_in_dim3A_5, %add3A_335 : vector<16xi32>
        %gather3A = tpu.vector_load_idx %arg7[%add3A_250, %add3A_333, %add3A_336, %select_n3A_330] masked %lt3A_320 : memref<2x4x8x1025xf32, #tpu.memory_space<vmem>>[vector<16xi32>, vector<16xi32>, vector<16xi32>, vector<16xi32>], vector<16xf32>, vector<16xi1>
        %add3A_337 = arith.constant 0 : i32
        %add3A_338 = vector.broadcast %add3A_337 : i32 to vector<16xi32>
        %add3A_339 = arith.addi %iota3A, %add3A_338 : vector<16xi32>
        %add3A_340 = arith.constant 0 : i32
        %add3A_341 = vector.broadcast %add3A_340 : i32 to vector<16xi32>
        %add3A_342 = arith.addi %broadcast_in_dim3A_5, %add3A_341 : vector<16xi32>
        tpu.vector_store_idx %arg8[%add3A_339, %add3A_342], %gather3A : memref<64x128xf32, #tpu.memory_space<vmem>>[vector<16xi32>, vector<16xi32>], vector<16xf32>,
        %add3A_343 = arith.constant 0 : i32
        %add3A_344 = vector.broadcast %add3A_343 : i32 to vector<16xi32>
        %add3A_345 = arith.addi %broadcast_in_dim3A_5, %add3A_344 : vector<16xi32>
        %add3A_346 = arith.constant 1 : i32
        %add3A_347 = vector.broadcast %add3A_346 : i32 to vector<16xi32>
        %add3A_348 = arith.addi %broadcast_in_dim3A_5, %add3A_347 : vector<16xi32>
        %gather3A_349 = tpu.vector_load_idx %arg7[%add3A_250, %add3A_345, %add3A_348, %select_n3A_330] masked %lt3A_320 : memref<2x4x8x1025xf32, #tpu.memory_space<vmem>>[vector<16xi32>, vector<16xi32>, vector<16xi32>, vector<16xi32>], vector<16xf32>, vector<16xi1>
        %add3A_350 = arith.constant 0 : i32
        %add3A_351 = vector.broadcast %add3A_350 : i32 to vector<16xi32>
        %add3A_352 = arith.addi %iota3A, %add3A_351 : vector<16xi32>
        %add3A_353 = arith.constant 1 : i32
        %add3A_354 = vector.broadcast %add3A_353 : i32 to vector<16xi32>
        %add3A_355 = arith.addi %broadcast_in_dim3A_5, %add3A_354 : vector<16xi32>
        tpu.vector_store_idx %arg8[%add3A_352, %add3A_355], %gather3A_349 : memref<64x128xf32, #tpu.memory_space<vmem>>[vector<16xi32>, vector<16xi32>], vector<16xf32>,
        %add3A_356 = arith.constant 0 : i32
        %add3A_357 = vector.broadcast %add3A_356 : i32 to vector<16xi32>
        %add3A_358 = arith.addi %broadcast_in_dim3A_5, %add3A_357 : vector<16xi32>
        %add3A_359 = arith.constant 2 : i32
        %add3A_360 = vector.broadcast %add3A_359 : i32 to vector<16xi32>
        %add3A_361 = arith.addi %broadcast_in_dim3A_5, %add3A_360 : vector<16xi32>
        %gather3A_362 = tpu.vector_load_idx %arg7[%add3A_250, %add3A_358, %add3A_361, %select_n3A_330] masked %lt3A_320 : memref<2x4x8x1025xf32, #tpu.memory_space<vmem>>[vector<16xi32>, vector<16xi32>, vector<16xi32>, vector<16xi32>], vector<16xf32>, vector<16xi1>
        %add3A_363 = arith.constant 0 : i32
        %add3A_364 = vector.broadcast %add3A_363 : i32 to vector<16xi32>
        %add3A_365 = arith.addi %iota3A, %add3A_364 : vector<16xi32>
        %add3A_366 = arith.constant 2 : i32
        %add3A_367 = vector.broadcast %add3A_366 : i32 to vector<16xi32>
        %add3A_368 = arith.addi %broadcast_in_dim3A_5, %add3A_367 : vector<16xi32>
        tpu.vector_store_idx %arg8[%add3A_365, %add3A_368], %gather3A_362 : memref<64x128xf32, #tpu.memory_space<vmem>>[vector<16xi32>, vector<16xi32>], vector<16xf32>,
        %add3A_369 = arith.constant 0 : i32
        %add3A_370 = vector.broadcast %add3A_369 : i32 to vector<16xi32>
        %add3A_371 = arith.addi %broadcast_in_dim3A_5, %add3A_370 : vector<16xi32>
        %add3A_372 = arith.constant 3 : i32
        %add3A_373 = vector.broadcast %add3A_372 : i32 to vector<16xi32>
        %add3A_374 = arith.addi %broadcast_in_dim3A_5, %add3A_373 : vector<16xi32>
        %gather3A_375 = tpu.vector_load_idx %arg7[%add3A_250, %add3A_371, %add3A_374, %select_n3A_330] masked %lt3A_320 : memref<2x4x8x1025xf32, #tpu.memory_space<vmem>>[vector<16xi32>, vector<16xi32>, vector<16xi32>, vector<16xi32>], vector<16xf32>, vector<16xi1>
        %add3A_376 = arith.constant 0 : i32
        %add3A_377 = vector.broadcast %add3A_376 : i32 to vector<16xi32>
        %add3A_378 = arith.addi %iota3A, %add3A_377 : vector<16xi32>
        %add3A_379 = arith.constant 3 : i32
        %add3A_380 = vector.broadcast %add3A_379 : i32 to vector<16xi32>
        %add3A_381 = arith.addi %broadcast_in_dim3A_5, %add3A_380 : vector<16xi32>
        tpu.vector_store_idx %arg8[%add3A_378, %add3A_381], %gather3A_375 : memref<64x128xf32, #tpu.memory_space<vmem>>[vector<16xi32>, vector<16xi32>], vector<16xf32>,
        %add3A_382 = arith.constant 0 : i32
        %add3A_383 = vector.broadcast %add3A_382 : i32 to vector<16xi32>
        %add3A_384 = arith.addi %broadcast_in_dim3A_5, %add3A_383 : vector<16xi32>
        %add3A_385 = arith.constant 4 : i32
        %add3A_386 = vector.broadcast %add3A_385 : i32 to vector<16xi32>
        %add3A_387 = arith.addi %broadcast_in_dim3A_5, %add3A_386 : vector<16xi32>
        %gather3A_388 = tpu.vector_load_idx %arg7[%add3A_250, %add3A_384, %add3A_387, %select_n3A_330] masked %lt3A_320 : memref<2x4x8x1025xf32, #tpu.memory_space<vmem>>[vector<16xi32>, vector<16xi32>, vector<16xi32>, vector<16xi32>], vector<16xf32>, vector<16xi1>
        %add3A_389 = arith.constant 0 : i32
        %add3A_390 = vector.broadcast %add3A_389 : i32 to vector<16xi32>
        %add3A_391 = arith.addi %iota3A, %add3A_390 : vector<16xi32>
        %add3A_392 = arith.constant 4 : i32
        %add3A_393 = vector.broadcast %add3A_392 : i32 to vector<16xi32>
        %add3A_394 = arith.addi %broadcast_in_dim3A_5, %add3A_393 : vector<16xi32>
        tpu.vector_store_idx %arg8[%add3A_391, %add3A_394], %gather3A_388 : memref<64x128xf32, #tpu.memory_space<vmem>>[vector<16xi32>, vector<16xi32>], vector<16xf32>,
        %add3A_395 = arith.constant 0 : i32
        %add3A_396 = vector.broadcast %add3A_395 : i32 to vector<16xi32>
        %add3A_397 = arith.addi %broadcast_in_dim3A_5, %add3A_396 : vector<16xi32>
        %add3A_398 = arith.constant 5 : i32
        %add3A_399 = vector.broadcast %add3A_398 : i32 to vector<16xi32>
        %add3A_400 = arith.addi %broadcast_in_dim3A_5, %add3A_399 : vector<16xi32>
        %gather3A_401 = tpu.vector_load_idx %arg7[%add3A_250, %add3A_397, %add3A_400, %select_n3A_330] masked %lt3A_320 : memref<2x4x8x1025xf32, #tpu.memory_space<vmem>>[vector<16xi32>, vector<16xi32>, vector<16xi32>, vector<16xi32>], vector<16xf32>, vector<16xi1>
        %add3A_402 = arith.constant 0 : i32
        %add3A_403 = vector.broadcast %add3A_402 : i32 to vector<16xi32>
        %add3A_404 = arith.addi %iota3A, %add3A_403 : vector<16xi32>
        %add3A_405 = arith.constant 5 : i32
        %add3A_406 = vector.broadcast %add3A_405 : i32 to vector<16xi32>
        %add3A_407 = arith.addi %broadcast_in_dim3A_5, %add3A_406 : vector<16xi32>
        tpu.vector_store_idx %arg8[%add3A_404, %add3A_407], %gather3A_401 : memref<64x128xf32, #tpu.memory_space<vmem>>[vector<16xi32>, vector<16xi32>], vector<16xf32>,
        %add3A_408 = arith.constant 0 : i32
        %add3A_409 = vector.broadcast %add3A_408 : i32 to vector<16xi32>
        %add3A_410 = arith.addi %broadcast_in_dim3A_5, %add3A_409 : vector<16xi32>
        %add3A_411 = arith.constant 6 : i32
        %add3A_412 = vector.broadcast %add3A_411 : i32 to vector<16xi32>
        %add3A_413 = arith.addi %broadcast_in_dim3A_5, %add3A_412 : vector<16xi32>
        %gather3A_414 = tpu.vector_load_idx %arg7[%add3A_250, %add3A_410, %add3A_413, %select_n3A_330] masked %lt3A_320 : memref<2x4x8x1025xf32, #tpu.memory_space<vmem>>[vector<16xi32>, vector<16xi32>, vector<16xi32>, vector<16xi32>], vector<16xf32>, vector<16xi1>
        %add3A_415 = arith.constant 0 : i32
        %add3A_416 = vector.broadcast %add3A_415 : i32 to vector<16xi32>
        %add3A_417 = arith.addi %iota3A, %add3A_416 : vector<16xi32>
        %add3A_418 = arith.constant 6 : i32
        %add3A_419 = vector.broadcast %add3A_418 : i32 to vector<16xi32>
        %add3A_420 = arith.addi %broadcast_in_dim3A_5, %add3A_419 : vector<16xi32>
        tpu.vector_store_idx %arg8[%add3A_417, %add3A_420], %gather3A_414 : memref<64x128xf32, #tpu.memory_space<vmem>>[vector<16xi32>, vector<16xi32>], vector<16xf32>,
        %add3A_421 = arith.constant 0 : i32
        %add3A_422 = vector.broadcast %add3A_421 : i32 to vector<16xi32>
        %add3A_423 = arith.addi %broadcast_in_dim3A_5, %add3A_422 : vector<16xi32>
        %add3A_424 = arith.constant 7 : i32
        %add3A_425 = vector.broadcast %add3A_424 : i32 to vector<16xi32>
        %add3A_426 = arith.addi %broadcast_in_dim3A_5, %add3A_425 : vector<16xi32>
        %gather3A_427 = tpu.vector_load_idx %arg7[%add3A_250, %add3A_423, %add3A_426, %select_n3A_330] masked %lt3A_320 : memref<2x4x8x1025xf32, #tpu.memory_space<vmem>>[vector<16xi32>, vector<16xi32>, vector<16xi32>, vector<16xi32>], vector<16xf32>, vector<16xi1>
        %add3A_428 = arith.constant 0 : i32
        %add3A_429 = vector.broadcast %add3A_428 : i32 to vector<16xi32>
        %add3A_430 = arith.addi %iota3A, %add3A_429 : vector<16xi32>
        %add3A_431 = arith.constant 7 : i32
        %add3A_432 = vector.broadcast %add3A_431 : i32 to vector<16xi32>
        %add3A_433 = arith.addi %broadcast_in_dim3A_5, %add3A_432 : vector<16xi32>
        tpu.vector_store_idx %arg8[%add3A_430, %add3A_433], %gather3A_427 : memref<64x128xf32, #tpu.memory_space<vmem>>[vector<16xi32>, vector<16xi32>], vector<16xf32>,
        %add3A_434 = arith.constant 1 : i32
        %add3A_435 = vector.broadcast %add3A_434 : i32 to vector<16xi32>
        %add3A_436 = arith.addi %broadcast_in_dim3A_5, %add3A_435 : vector<16xi32>
        %add3A_437 = arith.constant 0 : i32
        %add3A_438 = vector.broadcast %add3A_437 : i32 to vector<16xi32>
        %add3A_439 = arith.addi %broadcast_in_dim3A_5, %add3A_438 : vector<16xi32>
        %gather3A_440 = tpu.vector_load_idx %arg7[%add3A_250, %add3A_436, %add3A_439, %select_n3A_330] masked %lt3A_320 : memref<2x4x8x1025xf32, #tpu.memory_space<vmem>>[vector<16xi32>, vector<16xi32>, vector<16xi32>, vector<16xi32>], vector<16xf32>, vector<16xi1>
        %add3A_441 = arith.constant 0 : i32
        %add3A_442 = vector.broadcast %add3A_441 : i32 to vector<16xi32>
        %add3A_443 = arith.addi %iota3A, %add3A_442 : vector<16xi32>
        %add3A_444 = arith.constant 8 : i32
        %add3A_445 = vector.broadcast %add3A_444 : i32 to vector<16xi32>
        %add3A_446 = arith.addi %broadcast_in_dim3A_5, %add3A_445 : vector<16xi32>
        tpu.vector_store_idx %arg8[%add3A_443, %add3A_446], %gather3A_440 : memref<64x128xf32, #tpu.memory_space<vmem>>[vector<16xi32>, vector<16xi32>], vector<16xf32>,
        %add3A_447 = arith.constant 1 : i32
        %add3A_448 = vector.broadcast %add3A_447 : i32 to vector<16xi32>
        %add3A_449 = arith.addi %broadcast_in_dim3A_5, %add3A_448 : vector<16xi32>
        %add3A_450 = arith.constant 1 : i32
        %add3A_451 = vector.broadcast %add3A_450 : i32 to vector<16xi32>
        %add3A_452 = arith.addi %broadcast_in_dim3A_5, %add3A_451 : vector<16xi32>
        %gather3A_453 = tpu.vector_load_idx %arg7[%add3A_250, %add3A_449, %add3A_452, %select_n3A_330] masked %lt3A_320 : memref<2x4x8x1025xf32, #tpu.memory_space<vmem>>[vector<16xi32>, vector<16xi32>, vector<16xi32>, vector<16xi32>], vector<16xf32>, vector<16xi1>
        %add3A_454 = arith.constant 0 : i32
        %add3A_455 = vector.broadcast %add3A_454 : i32 to vector<16xi32>
        %add3A_456 = arith.addi %iota3A, %add3A_455 : vector<16xi32>
        %add3A_457 = arith.constant 9 : i32
        %add3A_458 = vector.broadcast %add3A_457 : i32 to vector<16xi32>
        %add3A_459 = arith.addi %broadcast_in_dim3A_5, %add3A_458 : vector<16xi32>
        tpu.vector_store_idx %arg8[%add3A_456, %add3A_459], %gather3A_453 : memref<64x128xf32, #tpu.memory_space<vmem>>[vector<16xi32>, vector<16xi32>], vector<16xf32>,
        %add3A_460 = arith.constant 1 : i32
        %add3A_461 = vector.broadcast %add3A_460 : i32 to vector<16xi32>
        %add3A_462 = arith.addi %broadcast_in_dim3A_5, %add3A_461 : vector<16xi32>
        %add3A_463 = arith.constant 2 : i32
        %add3A_464 = vector.broadcast %add3A_463 : i32 to vector<16xi32>
        %add3A_465 = arith.addi %broadcast_in_dim3A_5, %add3A_464 : vector<16xi32>
        %gather3A_466 = tpu.vector_load_idx %arg7[%add3A_250, %add3A_462, %add3A_465, %select_n3A_330] masked %lt3A_320 : memref<2x4x8x1025xf32, #tpu.memory_space<vmem>>[vector<16xi32>, vector<16xi32>, vector<16xi32>, vector<16xi32>], vector<16xf32>, vector<16xi1>
        %add3A_467 = arith.constant 0 : i32
        %add3A_468 = vector.broadcast %add3A_467 : i32 to vector<16xi32>
        %add3A_469 = arith.addi %iota3A, %add3A_468 : vector<16xi32>
        %add3A_470 = arith.constant 10 : i32
        %add3A_471 = vector.broadcast %add3A_470 : i32 to vector<16xi32>
        %add3A_472 = arith.addi %broadcast_in_dim3A_5, %add3A_471 : vector<16xi32>
        tpu.vector_store_idx %arg8[%add3A_469, %add3A_472], %gather3A_466 : memref<64x128xf32, #tpu.memory_space<vmem>>[vector<16xi32>, vector<16xi32>], vector<16xf32>,
        %add3A_473 = arith.constant 1 : i32
        %add3A_474 = vector.broadcast %add3A_473 : i32 to vector<16xi32>
        %add3A_475 = arith.addi %broadcast_in_dim3A_5, %add3A_474 : vector<16xi32>
        %add3A_476 = arith.constant 3 : i32
        %add3A_477 = vector.broadcast %add3A_476 : i32 to vector<16xi32>
        %add3A_478 = arith.addi %broadcast_in_dim3A_5, %add3A_477 : vector<16xi32>
        %gather3A_479 = tpu.vector_load_idx %arg7[%add3A_250, %add3A_475, %add3A_478, %select_n3A_330] masked %lt3A_320 : memref<2x4x8x1025xf32, #tpu.memory_space<vmem>>[vector<16xi32>, vector<16xi32>, vector<16xi32>, vector<16xi32>], vector<16xf32>, vector<16xi1>
        %add3A_480 = arith.constant 0 : i32
        %add3A_481 = vector.broadcast %add3A_480 : i32 to vector<16xi32>
        %add3A_482 = arith.addi %iota3A, %add3A_481 : vector<16xi32>
        %add3A_483 = arith.constant 11 : i32
        %add3A_484 = vector.broadcast %add3A_483 : i32 to vector<16xi32>
        %add3A_485 = arith.addi %broadcast_in_dim3A_5, %add3A_484 : vector<16xi32>
        tpu.vector_store_idx %arg8[%add3A_482, %add3A_485], %gather3A_479 : memref<64x128xf32, #tpu.memory_space<vmem>>[vector<16xi32>, vector<16xi32>], vector<16xf32>,
        %add3A_486 = arith.constant 1 : i32
        %add3A_487 = vector.broadcast %add3A_486 : i32 to vector<16xi32>
        %add3A_488 = arith.addi %broadcast_in_dim3A_5, %add3A_487 : vector<16xi32>
        %add3A_489 = arith.constant 4 : i32
        %add3A_490 = vector.broadcast %add3A_489 : i32 to vector<16xi32>
        %add3A_491 = arith.addi %broadcast_in_dim3A_5, %add3A_490 : vector<16xi32>
        %gather3A_492 = tpu.vector_load_idx %arg7[%add3A_250, %add3A_488, %add3A_491, %select_n3A_330] masked %lt3A_320 : memref<2x4x8x1025xf32, #tpu.memory_space<vmem>>[vector<16xi32>, vector<16xi32>, vector<16xi32>, vector<16xi32>], vector<16xf32>, vector<16xi1>
        %add3A_493 = arith.constant 0 : i32
        %add3A_494 = vector.broadcast %add3A_493 : i32 to vector<16xi32>
        %add3A_495 = arith.addi %iota3A, %add3A_494 : vector<16xi32>
        %add3A_496 = arith.constant 12 : i32
        %add3A_497 = vector.broadcast %add3A_496 : i32 to vector<16xi32>
        %add3A_498 = arith.addi %broadcast_in_dim3A_5, %add3A_497 : vector<16xi32>
        tpu.vector_store_idx %arg8[%add3A_495, %add3A_498], %gather3A_492 : memref<64x128xf32, #tpu.memory_space<vmem>>[vector<16xi32>, vector<16xi32>], vector<16xf32>,
        %add3A_499 = arith.constant 1 : i32
        %add3A_500 = vector.broadcast %add3A_499 : i32 to vector<16xi32>
        %add3A_501 = arith.addi %broadcast_in_dim3A_5, %add3A_500 : vector<16xi32>
        %add3A_502 = arith.constant 5 : i32
        %add3A_503 = vector.broadcast %add3A_502 : i32 to vector<16xi32>
        %add3A_504 = arith.addi %broadcast_in_dim3A_5, %add3A_503 : vector<16xi32>
        %gather3A_505 = tpu.vector_load_idx %arg7[%add3A_250, %add3A_501, %add3A_504, %select_n3A_330] masked %lt3A_320 : memref<2x4x8x1025xf32, #tpu.memory_space<vmem>>[vector<16xi32>, vector<16xi32>, vector<16xi32>, vector<16xi32>], vector<16xf32>, vector<16xi1>
        %add3A_506 = arith.constant 0 : i32
        %add3A_507 = vector.broadcast %add3A_506 : i32 to vector<16xi32>
        %add3A_508 = arith.addi %iota3A, %add3A_507 : vector<16xi32>
        %add3A_509 = arith.constant 13 : i32
        %add3A_510 = vector.broadcast %add3A_509 : i32 to vector<16xi32>
        %add3A_511 = arith.addi %broadcast_in_dim3A_5, %add3A_510 : vector<16xi32>
        tpu.vector_store_idx %arg8[%add3A_508, %add3A_511], %gather3A_505 : memref<64x128xf32, #tpu.memory_space<vmem>>[vector<16xi32>, vector<16xi32>], vector<16xf32>,
        %add3A_512 = arith.constant 1 : i32
        %add3A_513 = vector.broadcast %add3A_512 : i32 to vector<16xi32>
        %add3A_514 = arith.addi %broadcast_in_dim3A_5, %add3A_513 : vector<16xi32>
        %add3A_515 = arith.constant 6 : i32
        %add3A_516 = vector.broadcast %add3A_515 : i32 to vector<16xi32>
        %add3A_517 = arith.addi %broadcast_in_dim3A_5, %add3A_516 : vector<16xi32>
        %gather3A_518 = tpu.vector_load_idx %arg7[%add3A_250, %add3A_514, %add3A_517, %select_n3A_330] masked %lt3A_320 : memref<2x4x8x1025xf32, #tpu.memory_space<vmem>>[vector<16xi32>, vector<16xi32>, vector<16xi32>, vector<16xi32>], vector<16xf32>, vector<16xi1>
        %add3A_519 = arith.constant 0 : i32
        %add3A_520 = vector.broadcast %add3A_519 : i32 to vector<16xi32>
        %add3A_521 = arith.addi %iota3A, %add3A_520 : vector<16xi32>
        %add3A_522 = arith.constant 14 : i32
        %add3A_523 = vector.broadcast %add3A_522 : i32 to vector<16xi32>
        %add3A_524 = arith.addi %broadcast_in_dim3A_5, %add3A_523 : vector<16xi32>
        tpu.vector_store_idx %arg8[%add3A_521, %add3A_524], %gather3A_518 : memref<64x128xf32, #tpu.memory_space<vmem>>[vector<16xi32>, vector<16xi32>], vector<16xf32>,
        %add3A_525 = arith.constant 1 : i32
        %add3A_526 = vector.broadcast %add3A_525 : i32 to vector<16xi32>
        %add3A_527 = arith.addi %broadcast_in_dim3A_5, %add3A_526 : vector<16xi32>
        %add3A_528 = arith.constant 7 : i32
        %add3A_529 = vector.broadcast %add3A_528 : i32 to vector<16xi32>
        %add3A_530 = arith.addi %broadcast_in_dim3A_5, %add3A_529 : vector<16xi32>
        %gather3A_531 = tpu.vector_load_idx %arg7[%add3A_250, %add3A_527, %add3A_530, %select_n3A_330] masked %lt3A_320 : memref<2x4x8x1025xf32, #tpu.memory_space<vmem>>[vector<16xi32>, vector<16xi32>, vector<16xi32>, vector<16xi32>], vector<16xf32>, vector<16xi1>
        %add3A_532 = arith.constant 0 : i32
        %add3A_533 = vector.broadcast %add3A_532 : i32 to vector<16xi32>
        %add3A_534 = arith.addi %iota3A, %add3A_533 : vector<16xi32>
        %add3A_535 = arith.constant 15 : i32
        %add3A_536 = vector.broadcast %add3A_535 : i32 to vector<16xi32>
        %add3A_537 = arith.addi %broadcast_in_dim3A_5, %add3A_536 : vector<16xi32>
        tpu.vector_store_idx %arg8[%add3A_534, %add3A_537], %gather3A_531 : memref<64x128xf32, #tpu.memory_space<vmem>>[vector<16xi32>, vector<16xi32>], vector<16xf32>,
        %add3A_538 = arith.constant 2 : i32
        %add3A_539 = vector.broadcast %add3A_538 : i32 to vector<16xi32>
        %add3A_540 = arith.addi %broadcast_in_dim3A_5, %add3A_539 : vector<16xi32>
        %add3A_541 = arith.constant 0 : i32
        %add3A_542 = vector.broadcast %add3A_541 : i32 to vector<16xi32>
        %add3A_543 = arith.addi %broadcast_in_dim3A_5, %add3A_542 : vector<16xi32>
        %gather3A_544 = tpu.vector_load_idx %arg7[%add3A_250, %add3A_540, %add3A_543, %select_n3A_330] masked %lt3A_320 : memref<2x4x8x1025xf32, #tpu.memory_space<vmem>>[vector<16xi32>, vector<16xi32>, vector<16xi32>, vector<16xi32>], vector<16xf32>, vector<16xi1>
        %add3A_545 = arith.constant 0 : i32
        %add3A_546 = vector.broadcast %add3A_545 : i32 to vector<16xi32>
        %add3A_547 = arith.addi %iota3A, %add3A_546 : vector<16xi32>
        %add3A_548 = arith.constant 16 : i32
        %add3A_549 = vector.broadcast %add3A_548 : i32 to vector<16xi32>
        %add3A_550 = arith.addi %broadcast_in_dim3A_5, %add3A_549 : vector<16xi32>
        tpu.vector_store_idx %arg8[%add3A_547, %add3A_550], %gather3A_544 : memref<64x128xf32, #tpu.memory_space<vmem>>[vector<16xi32>, vector<16xi32>], vector<16xf32>,
        %add3A_551 = arith.constant 2 : i32
        %add3A_552 = vector.broadcast %add3A_551 : i32 to vector<16xi32>
        %add3A_553 = arith.addi %broadcast_in_dim3A_5, %add3A_552 : vector<16xi32>
        %add3A_554 = arith.constant 1 : i32
        %add3A_555 = vector.broadcast %add3A_554 : i32 to vector<16xi32>
        %add3A_556 = arith.addi %broadcast_in_dim3A_5, %add3A_555 : vector<16xi32>
        %gather3A_557 = tpu.vector_load_idx %arg7[%add3A_250, %add3A_553, %add3A_556, %select_n3A_330] masked %lt3A_320 : memref<2x4x8x1025xf32, #tpu.memory_space<vmem>>[vector<16xi32>, vector<16xi32>, vector<16xi32>, vector<16xi32>], vector<16xf32>, vector<16xi1>
        %add3A_558 = arith.constant 0 : i32
        %add3A_559 = vector.broadcast %add3A_558 : i32 to vector<16xi32>
        %add3A_560 = arith.addi %iota3A, %add3A_559 : vector<16xi32>
        %add3A_561 = arith.constant 17 : i32
        %add3A_562 = vector.broadcast %add3A_561 : i32 to vector<16xi32>
        %add3A_563 = arith.addi %broadcast_in_dim3A_5, %add3A_562 : vector<16xi32>
        tpu.vector_store_idx %arg8[%add3A_560, %add3A_563], %gather3A_557 : memref<64x128xf32, #tpu.memory_space<vmem>>[vector<16xi32>, vector<16xi32>], vector<16xf32>,
        %add3A_564 = arith.constant 2 : i32
        %add3A_565 = vector.broadcast %add3A_564 : i32 to vector<16xi32>
        %add3A_566 = arith.addi %broadcast_in_dim3A_5, %add3A_565 : vector<16xi32>
        %add3A_567 = arith.constant 2 : i32
        %add3A_568 = vector.broadcast %add3A_567 : i32 to vector<16xi32>
        %add3A_569 = arith.addi %broadcast_in_dim3A_5, %add3A_568 : vector<16xi32>
        %gather3A_570 = tpu.vector_load_idx %arg7[%add3A_250, %add3A_566, %add3A_569, %select_n3A_330] masked %lt3A_320 : memref<2x4x8x1025xf32, #tpu.memory_space<vmem>>[vector<16xi32>, vector<16xi32>, vector<16xi32>, vector<16xi32>], vector<16xf32>, vector<16xi1>
        %add3A_571 = arith.constant 0 : i32
        %add3A_572 = vector.broadcast %add3A_571 : i32 to vector<16xi32>
        %add3A_573 = arith.addi %iota3A, %add3A_572 : vector<16xi32>
        %add3A_574 = arith.constant 18 : i32
        %add3A_575 = vector.broadcast %add3A_574 : i32 to vector<16xi32>
        %add3A_576 = arith.addi %broadcast_in_dim3A_5, %add3A_575 : vector<16xi32>
        tpu.vector_store_idx %arg8[%add3A_573, %add3A_576], %gather3A_570 : memref<64x128xf32, #tpu.memory_space<vmem>>[vector<16xi32>, vector<16xi32>], vector<16xf32>,
        %add3A_577 = arith.constant 2 : i32
        %add3A_578 = vector.broadcast %add3A_577 : i32 to vector<16xi32>
        %add3A_579 = arith.addi %broadcast_in_dim3A_5, %add3A_578 : vector<16xi32>
        %add3A_580 = arith.constant 3 : i32
        %add3A_581 = vector.broadcast %add3A_580 : i32 to vector<16xi32>
        %add3A_582 = arith.addi %broadcast_in_dim3A_5, %add3A_581 : vector<16xi32>
        %gather3A_583 = tpu.vector_load_idx %arg7[%add3A_250, %add3A_579, %add3A_582, %select_n3A_330] masked %lt3A_320 : memref<2x4x8x1025xf32, #tpu.memory_space<vmem>>[vector<16xi32>, vector<16xi32>, vector<16xi32>, vector<16xi32>], vector<16xf32>, vector<16xi1>
        %add3A_584 = arith.constant 0 : i32
        %add3A_585 = vector.broadcast %add3A_584 : i32 to vector<16xi32>
        %add3A_586 = arith.addi %iota3A, %add3A_585 : vector<16xi32>
        %add3A_587 = arith.constant 19 : i32
        %add3A_588 = vector.broadcast %add3A_587 : i32 to vector<16xi32>
        %add3A_589 = arith.addi %broadcast_in_dim3A_5, %add3A_588 : vector<16xi32>
        tpu.vector_store_idx %arg8[%add3A_586, %add3A_589], %gather3A_583 : memref<64x128xf32, #tpu.memory_space<vmem>>[vector<16xi32>, vector<16xi32>], vector<16xf32>,
        %add3A_590 = arith.constant 2 : i32
        %add3A_591 = vector.broadcast %add3A_590 : i32 to vector<16xi32>
        %add3A_592 = arith.addi %broadcast_in_dim3A_5, %add3A_591 : vector<16xi32>
        %add3A_593 = arith.constant 4 : i32
        %add3A_594 = vector.broadcast %add3A_593 : i32 to vector<16xi32>
        %add3A_595 = arith.addi %broadcast_in_dim3A_5, %add3A_594 : vector<16xi32>
        %gather3A_596 = tpu.vector_load_idx %arg7[%add3A_250, %add3A_592, %add3A_595, %select_n3A_330] masked %lt3A_320 : memref<2x4x8x1025xf32, #tpu.memory_space<vmem>>[vector<16xi32>, vector<16xi32>, vector<16xi32>, vector<16xi32>], vector<16xf32>, vector<16xi1>
        %add3A_597 = arith.constant 0 : i32
        %add3A_598 = vector.broadcast %add3A_597 : i32 to vector<16xi32>
        %add3A_599 = arith.addi %iota3A, %add3A_598 : vector<16xi32>
        %add3A_600 = arith.constant 20 : i32
        %add3A_601 = vector.broadcast %add3A_600 : i32 to vector<16xi32>
        %add3A_602 = arith.addi %broadcast_in_dim3A_5, %add3A_601 : vector<16xi32>
        tpu.vector_store_idx %arg8[%add3A_599, %add3A_602], %gather3A_596 : memref<64x128xf32, #tpu.memory_space<vmem>>[vector<16xi32>, vector<16xi32>], vector<16xf32>,
        %add3A_603 = arith.constant 2 : i32
        %add3A_604 = vector.broadcast %add3A_603 : i32 to vector<16xi32>
        %add3A_605 = arith.addi %broadcast_in_dim3A_5, %add3A_604 : vector<16xi32>
        %add3A_606 = arith.constant 5 : i32
        %add3A_607 = vector.broadcast %add3A_606 : i32 to vector<16xi32>
        %add3A_608 = arith.addi %broadcast_in_dim3A_5, %add3A_607 : vector<16xi32>
        %gather3A_609 = tpu.vector_load_idx %arg7[%add3A_250, %add3A_605, %add3A_608, %select_n3A_330] masked %lt3A_320 : memref<2x4x8x1025xf32, #tpu.memory_space<vmem>>[vector<16xi32>, vector<16xi32>, vector<16xi32>, vector<16xi32>], vector<16xf32>, vector<16xi1>
        %add3A_610 = arith.constant 0 : i32
        %add3A_611 = vector.broadcast %add3A_610 : i32 to vector<16xi32>
        %add3A_612 = arith.addi %iota3A, %add3A_611 : vector<16xi32>
        %add3A_613 = arith.constant 21 : i32
        %add3A_614 = vector.broadcast %add3A_613 : i32 to vector<16xi32>
        %add3A_615 = arith.addi %broadcast_in_dim3A_5, %add3A_614 : vector<16xi32>
        tpu.vector_store_idx %arg8[%add3A_612, %add3A_615], %gather3A_609 : memref<64x128xf32, #tpu.memory_space<vmem>>[vector<16xi32>, vector<16xi32>], vector<16xf32>,
        %add3A_616 = arith.constant 2 : i32
        %add3A_617 = vector.broadcast %add3A_616 : i32 to vector<16xi32>
        %add3A_618 = arith.addi %broadcast_in_dim3A_5, %add3A_617 : vector<16xi32>
        %add3A_619 = arith.constant 6 : i32
        %add3A_620 = vector.broadcast %add3A_619 : i32 to vector<16xi32>
        %add3A_621 = arith.addi %broadcast_in_dim3A_5, %add3A_620 : vector<16xi32>
        %gather3A_622 = tpu.vector_load_idx %arg7[%add3A_250, %add3A_618, %add3A_621, %select_n3A_330] masked %lt3A_320 : memref<2x4x8x1025xf32, #tpu.memory_space<vmem>>[vector<16xi32>, vector<16xi32>, vector<16xi32>, vector<16xi32>], vector<16xf32>, vector<16xi1>
        %add3A_623 = arith.constant 0 : i32
        %add3A_624 = vector.broadcast %add3A_623 : i32 to vector<16xi32>
        %add3A_625 = arith.addi %iota3A, %add3A_624 : vector<16xi32>
        %add3A_626 = arith.constant 22 : i32
        %add3A_627 = vector.broadcast %add3A_626 : i32 to vector<16xi32>
        %add3A_628 = arith.addi %broadcast_in_dim3A_5, %add3A_627 : vector<16xi32>
        tpu.vector_store_idx %arg8[%add3A_625, %add3A_628], %gather3A_622 : memref<64x128xf32, #tpu.memory_space<vmem>>[vector<16xi32>, vector<16xi32>], vector<16xf32>,
        %add3A_629 = arith.constant 2 : i32
        %add3A_630 = vector.broadcast %add3A_629 : i32 to vector<16xi32>
        %add3A_631 = arith.addi %broadcast_in_dim3A_5, %add3A_630 : vector<16xi32>
        %add3A_632 = arith.constant 7 : i32
        %add3A_633 = vector.broadcast %add3A_632 : i32 to vector<16xi32>
        %add3A_634 = arith.addi %broadcast_in_dim3A_5, %add3A_633 : vector<16xi32>
        %gather3A_635 = tpu.vector_load_idx %arg7[%add3A_250, %add3A_631, %add3A_634, %select_n3A_330] masked %lt3A_320 : memref<2x4x8x1025xf32, #tpu.memory_space<vmem>>[vector<16xi32>, vector<16xi32>, vector<16xi32>, vector<16xi32>], vector<16xf32>, vector<16xi1>
        %add3A_636 = arith.constant 0 : i32
        %add3A_637 = vector.broadcast %add3A_636 : i32 to vector<16xi32>
        %add3A_638 = arith.addi %iota3A, %add3A_637 : vector<16xi32>
        %add3A_639 = arith.constant 23 : i32
        %add3A_640 = vector.broadcast %add3A_639 : i32 to vector<16xi32>
        %add3A_641 = arith.addi %broadcast_in_dim3A_5, %add3A_640 : vector<16xi32>
        tpu.vector_store_idx %arg8[%add3A_638, %add3A_641], %gather3A_635 : memref<64x128xf32, #tpu.memory_space<vmem>>[vector<16xi32>, vector<16xi32>], vector<16xf32>,
        %add3A_642 = arith.constant 3 : i32
        %add3A_643 = vector.broadcast %add3A_642 : i32 to vector<16xi32>
        %add3A_644 = arith.addi %broadcast_in_dim3A_5, %add3A_643 : vector<16xi32>
        %add3A_645 = arith.constant 0 : i32
        %add3A_646 = vector.broadcast %add3A_645 : i32 to vector<16xi32>
        %add3A_647 = arith.addi %broadcast_in_dim3A_5, %add3A_646 : vector<16xi32>
        %gather3A_648 = tpu.vector_load_idx %arg7[%add3A_250, %add3A_644, %add3A_647, %select_n3A_330] masked %lt3A_320 : memref<2x4x8x1025xf32, #tpu.memory_space<vmem>>[vector<16xi32>, vector<16xi32>, vector<16xi32>, vector<16xi32>], vector<16xf32>, vector<16xi1>
        %add3A_649 = arith.constant 0 : i32
        %add3A_650 = vector.broadcast %add3A_649 : i32 to vector<16xi32>
        %add3A_651 = arith.addi %iota3A, %add3A_650 : vector<16xi32>
        %add3A_652 = arith.constant 24 : i32
        %add3A_653 = vector.broadcast %add3A_652 : i32 to vector<16xi32>
        %add3A_654 = arith.addi %broadcast_in_dim3A_5, %add3A_653 : vector<16xi32>
        tpu.vector_store_idx %arg8[%add3A_651, %add3A_654], %gather3A_648 : memref<64x128xf32, #tpu.memory_space<vmem>>[vector<16xi32>, vector<16xi32>], vector<16xf32>,
        %add3A_655 = arith.constant 3 : i32
        %add3A_656 = vector.broadcast %add3A_655 : i32 to vector<16xi32>
        %add3A_657 = arith.addi %broadcast_in_dim3A_5, %add3A_656 : vector<16xi32>
        %add3A_658 = arith.constant 1 : i32
        %add3A_659 = vector.broadcast %add3A_658 : i32 to vector<16xi32>
        %add3A_660 = arith.addi %broadcast_in_dim3A_5, %add3A_659 : vector<16xi32>
        %gather3A_661 = tpu.vector_load_idx %arg7[%add3A_250, %add3A_657, %add3A_660, %select_n3A_330] masked %lt3A_320 : memref<2x4x8x1025xf32, #tpu.memory_space<vmem>>[vector<16xi32>, vector<16xi32>, vector<16xi32>, vector<16xi32>], vector<16xf32>, vector<16xi1>
        %add3A_662 = arith.constant 0 : i32
        %add3A_663 = vector.broadcast %add3A_662 : i32 to vector<16xi32>
        %add3A_664 = arith.addi %iota3A, %add3A_663 : vector<16xi32>
        %add3A_665 = arith.constant 25 : i32
        %add3A_666 = vector.broadcast %add3A_665 : i32 to vector<16xi32>
        %add3A_667 = arith.addi %broadcast_in_dim3A_5, %add3A_666 : vector<16xi32>
        tpu.vector_store_idx %arg8[%add3A_664, %add3A_667], %gather3A_661 : memref<64x128xf32, #tpu.memory_space<vmem>>[vector<16xi32>, vector<16xi32>], vector<16xf32>,
        %add3A_668 = arith.constant 3 : i32
        %add3A_669 = vector.broadcast %add3A_668 : i32 to vector<16xi32>
        %add3A_670 = arith.addi %broadcast_in_dim3A_5, %add3A_669 : vector<16xi32>
        %add3A_671 = arith.constant 2 : i32
        %add3A_672 = vector.broadcast %add3A_671 : i32 to vector<16xi32>
        %add3A_673 = arith.addi %broadcast_in_dim3A_5, %add3A_672 : vector<16xi32>
        %gather3A_674 = tpu.vector_load_idx %arg7[%add3A_250, %add3A_670, %add3A_673, %select_n3A_330] masked %lt3A_320 : memref<2x4x8x1025xf32, #tpu.memory_space<vmem>>[vector<16xi32>, vector<16xi32>, vector<16xi32>, vector<16xi32>], vector<16xf32>, vector<16xi1>
        %add3A_675 = arith.constant 0 : i32
        %add3A_676 = vector.broadcast %add3A_675 : i32 to vector<16xi32>
        %add3A_677 = arith.addi %iota3A, %add3A_676 : vector<16xi32>
        %add3A_678 = arith.constant 26 : i32
        %add3A_679 = vector.broadcast %add3A_678 : i32 to vector<16xi32>
        %add3A_680 = arith.addi %broadcast_in_dim3A_5, %add3A_679 : vector<16xi32>
        tpu.vector_store_idx %arg8[%add3A_677, %add3A_680], %gather3A_674 : memref<64x128xf32, #tpu.memory_space<vmem>>[vector<16xi32>, vector<16xi32>], vector<16xf32>,
        %add3A_681 = arith.constant 3 : i32
        %add3A_682 = vector.broadcast %add3A_681 : i32 to vector<16xi32>
        %add3A_683 = arith.addi %broadcast_in_dim3A_5, %add3A_682 : vector<16xi32>
        %add3A_684 = arith.constant 3 : i32
        %add3A_685 = vector.broadcast %add3A_684 : i32 to vector<16xi32>
        %add3A_686 = arith.addi %broadcast_in_dim3A_5, %add3A_685 : vector<16xi32>
        %gather3A_687 = tpu.vector_load_idx %arg7[%add3A_250, %add3A_683, %add3A_686, %select_n3A_330] masked %lt3A_320 : memref<2x4x8x1025xf32, #tpu.memory_space<vmem>>[vector<16xi32>, vector<16xi32>, vector<16xi32>, vector<16xi32>], vector<16xf32>, vector<16xi1>
        %add3A_688 = arith.constant 0 : i32
        %add3A_689 = vector.broadcast %add3A_688 : i32 to vector<16xi32>
        %add3A_690 = arith.addi %iota3A, %add3A_689 : vector<16xi32>
        %add3A_691 = arith.constant 27 : i32
        %add3A_692 = vector.broadcast %add3A_691 : i32 to vector<16xi32>
        %add3A_693 = arith.addi %broadcast_in_dim3A_5, %add3A_692 : vector<16xi32>
        tpu.vector_store_idx %arg8[%add3A_690, %add3A_693], %gather3A_687 : memref<64x128xf32, #tpu.memory_space<vmem>>[vector<16xi32>, vector<16xi32>], vector<16xf32>,
        %add3A_694 = arith.constant 3 : i32
        %add3A_695 = vector.broadcast %add3A_694 : i32 to vector<16xi32>
        %add3A_696 = arith.addi %broadcast_in_dim3A_5, %add3A_695 : vector<16xi32>
        %add3A_697 = arith.constant 4 : i32
        %add3A_698 = vector.broadcast %add3A_697 : i32 to vector<16xi32>
        %add3A_699 = arith.addi %broadcast_in_dim3A_5, %add3A_698 : vector<16xi32>
        %gather3A_700 = tpu.vector_load_idx %arg7[%add3A_250, %add3A_696, %add3A_699, %select_n3A_330] masked %lt3A_320 : memref<2x4x8x1025xf32, #tpu.memory_space<vmem>>[vector<16xi32>, vector<16xi32>, vector<16xi32>, vector<16xi32>], vector<16xf32>, vector<16xi1>
        %add3A_701 = arith.constant 0 : i32
        %add3A_702 = vector.broadcast %add3A_701 : i32 to vector<16xi32>
        %add3A_703 = arith.addi %iota3A, %add3A_702 : vector<16xi32>
        %add3A_704 = arith.constant 28 : i32
        %add3A_705 = vector.broadcast %add3A_704 : i32 to vector<16xi32>
        %add3A_706 = arith.addi %broadcast_in_dim3A_5, %add3A_705 : vector<16xi32>
        tpu.vector_store_idx %arg8[%add3A_703, %add3A_706], %gather3A_700 : memref<64x128xf32, #tpu.memory_space<vmem>>[vector<16xi32>, vector<16xi32>], vector<16xf32>,
        %add3A_707 = arith.constant 3 : i32
        %add3A_708 = vector.broadcast %add3A_707 : i32 to vector<16xi32>
        %add3A_709 = arith.addi %broadcast_in_dim3A_5, %add3A_708 : vector<16xi32>
        %add3A_710 = arith.constant 5 : i32
        %add3A_711 = vector.broadcast %add3A_710 : i32 to vector<16xi32>
        %add3A_712 = arith.addi %broadcast_in_dim3A_5, %add3A_711 : vector<16xi32>
        %gather3A_713 = tpu.vector_load_idx %arg7[%add3A_250, %add3A_709, %add3A_712, %select_n3A_330] masked %lt3A_320 : memref<2x4x8x1025xf32, #tpu.memory_space<vmem>>[vector<16xi32>, vector<16xi32>, vector<16xi32>, vector<16xi32>], vector<16xf32>, vector<16xi1>
        %add3A_714 = arith.constant 0 : i32
        %add3A_715 = vector.broadcast %add3A_714 : i32 to vector<16xi32>
        %add3A_716 = arith.addi %iota3A, %add3A_715 : vector<16xi32>
        %add3A_717 = arith.constant 29 : i32
        %add3A_718 = vector.broadcast %add3A_717 : i32 to vector<16xi32>
        %add3A_719 = arith.addi %broadcast_in_dim3A_5, %add3A_718 : vector<16xi32>
        tpu.vector_store_idx %arg8[%add3A_716, %add3A_719], %gather3A_713 : memref<64x128xf32, #tpu.memory_space<vmem>>[vector<16xi32>, vector<16xi32>], vector<16xf32>,
        %add3A_720 = arith.constant 3 : i32
        %add3A_721 = vector.broadcast %add3A_720 : i32 to vector<16xi32>
        %add3A_722 = arith.addi %broadcast_in_dim3A_5, %add3A_721 : vector<16xi32>
        %add3A_723 = arith.constant 6 : i32
        %add3A_724 = vector.broadcast %add3A_723 : i32 to vector<16xi32>
        %add3A_725 = arith.addi %broadcast_in_dim3A_5, %add3A_724 : vector<16xi32>
        %gather3A_726 = tpu.vector_load_idx %arg7[%add3A_250, %add3A_722, %add3A_725, %select_n3A_330] masked %lt3A_320 : memref<2x4x8x1025xf32, #tpu.memory_space<vmem>>[vector<16xi32>, vector<16xi32>, vector<16xi32>, vector<16xi32>], vector<16xf32>, vector<16xi1>
        %add3A_727 = arith.constant 0 : i32
        %add3A_728 = vector.broadcast %add3A_727 : i32 to vector<16xi32>
        %add3A_729 = arith.addi %iota3A, %add3A_728 : vector<16xi32>
        %add3A_730 = arith.constant 30 : i32
        %add3A_731 = vector.broadcast %add3A_730 : i32 to vector<16xi32>
        %add3A_732 = arith.addi %broadcast_in_dim3A_5, %add3A_731 : vector<16xi32>
        tpu.vector_store_idx %arg8[%add3A_729, %add3A_732], %gather3A_726 : memref<64x128xf32, #tpu.memory_space<vmem>>[vector<16xi32>, vector<16xi32>], vector<16xf32>,
        %add3A_733 = arith.constant 3 : i32
        %add3A_734 = vector.broadcast %add3A_733 : i32 to vector<16xi32>
        %add3A_735 = arith.addi %broadcast_in_dim3A_5, %add3A_734 : vector<16xi32>
        %add3A_736 = arith.constant 7 : i32
        %add3A_737 = vector.broadcast %add3A_736 : i32 to vector<16xi32>
        %add3A_738 = arith.addi %broadcast_in_dim3A_5, %add3A_737 : vector<16xi32>
        %gather3A_739 = tpu.vector_load_idx %arg7[%add3A_250, %add3A_735, %add3A_738, %select_n3A_330] masked %lt3A_320 : memref<2x4x8x1025xf32, #tpu.memory_space<vmem>>[vector<16xi32>, vector<16xi32>, vector<16xi32>, vector<16xi32>], vector<16xf32>, vector<16xi1>
        %add3A_740 = arith.constant 0 : i32
        %add3A_741 = vector.broadcast %add3A_740 : i32 to vector<16xi32>
        %add3A_742 = arith.addi %iota3A, %add3A_741 : vector<16xi32>
        %add3A_743 = arith.constant 31 : i32
        %add3A_744 = vector.broadcast %add3A_743 : i32 to vector<16xi32>
        %add3A_745 = arith.addi %broadcast_in_dim3A_5, %add3A_744 : vector<16xi32>
        tpu.vector_store_idx %arg8[%add3A_742, %add3A_745], %gather3A_739 : memref<64x128xf32, #tpu.memory_space<vmem>>[vector<16xi32>, vector<16xi32>], vector<16xf32>,
        %and3A_746 = arith.constant 16383 : i32
        %and3A_747 = vector.broadcast %and3A_746 : i32 to vector<16xi32>
        %and3A_748 = arith.andi %get3A_323, %and3A_747 : vector<16xi32>
        %add3A_749 = vector.broadcast %add3A_316 : i32 to vector<16xi32>
        %add3A_750 = arith.addi %add3A_749, %iota3A : vector<16xi32>
        %jit3A_751 = arith.constant 64 : i32
        %eq3A_752 = arith.constant 0 : i32
        %eq3A_753 = arith.cmpi eq, %jit3A_751, %eq3A_752 : i32
        %jit3A_754 = arith.constant 1 : i32
        %select_n3A_755 = arith.select %eq3A_753, %jit3A_754, %jit3A_751 : i32
        %rem3A_756 = vector.broadcast %select_n3A_755 : i32 to vector<16xi32>
        %rem3A_757 = arith.remsi %add3A_750, %rem3A_756 : vector<16xi32>
        %ne3A_758 = arith.constant 0 : i32
        %ne3A_759 = vector.broadcast %ne3A_758 : i32 to vector<16xi32>
        %ne3A_760 = arith.cmpi ne, %rem3A_757, %ne3A_759 : vector<16xi32>
        %lt3A_761 = arith.constant 0 : i32
        %lt3A_762 = vector.broadcast %lt3A_761 : i32 to vector<16xi32>
        %lt3A_763 = arith.cmpi slt, %rem3A_757, %lt3A_762 : vector<16xi32>
        %lt3A_764 = arith.constant 0 : i32
        %lt3A_765 = arith.cmpi slt, %select_n3A_755, %lt3A_764 : i32
        %ne3A_766 = vector.broadcast %lt3A_765 : i1 to vector<16xi1>
        %ne3A_767 = vector.broadcast %ne3A_766 : vector<16xi1> to vector<16xi1>
        %ne3A_768 = arith.xori %lt3A_763, %ne3A_767 : vector<16xi1>
        %and3A_769 = arith.andi %ne3A_768, %ne3A_760 : vector<16xi1>
        %add3A_770 = vector.broadcast %select_n3A_755 : i32 to vector<16xi32>
        %add3A_771 = arith.addi %rem3A_757, %add3A_770 : vector<16xi32>
        %select_n3A_772 = arith.select %and3A_769, %add3A_771, %rem3A_757 : vector<16xi1>, vector<16xi32>
        %add3A_773 = arith.constant 16384 : i32
        %add3A_774 = vector.broadcast %add3A_773 : i32 to vector<16xi32>
        %add3A_775 = arith.addi %add3A_774, %select_n3A_772 : vector<16xi32>
        %select_n3A_776 = arith.select %lt3A_320, %and3A_748, %add3A_775 : vector<16xi1>, vector<16xi32>
        %add3A_777 = arith.constant 0 : i32
        %add3A_778 = vector.broadcast %add3A_777 : i32 to vector<16xi32>
        %add3A_779 = arith.addi %iota3A, %add3A_778 : vector<16xi32>
        tpu.vector_store_idx %arg9[%add3A_779], %select_n3A_776 masked %lt3A_320 : memref<64xi32, #tpu.memory_space<vmem>>[vector<16xi32>], vector<16xi32>, vector<16xi1>
        %add3A_780 = arith.constant 16 : i32
        %add3A_781 = arith.addi %mul3A_295, %add3A_780 : i32
        %add3A_782 = vector.broadcast %add3A_781 : i32 to vector<16xi32>
        %add3A_783 = arith.addi %add3A_782, %iota3A : vector<16xi32>
        %lt3A_784 = vector.broadcast %reduce_max3A_174 : i32 to vector<16xi32>
        %lt3A_785 = arith.cmpi slt, %add3A_783, %lt3A_784 : vector<16xi32>
        %add3A_786 = arith.constant 16384 : i32
        %add3A_787 = arith.addi %add3A_786, %add3A_781 : i32
        %get3A_788 = arith.index_cast %add3A_787 : i32 to index
        %get3A_789 = tpu.vector_load %arg6[%get3A_788] {strides = array<i32>} : memref<32768xi32, #tpu.memory_space<vmem>>, vector<16xi32>,
        %shift_right_arithmetic3A_790 = arith.constant 14 : i32
        %shift_right_arithmetic3A_791 = vector.broadcast %shift_right_arithmetic3A_790 : i32 to vector<16xi32>
        %shift_right_arithmetic3A_792 = arith.shrsi %get3A_789, %shift_right_arithmetic3A_791 : vector<16xi32>
        %sub3A_793 = vector.broadcast %sub3A_156 : i32 to vector<16xi32>
        %sub3A_794 = arith.subi %shift_right_arithmetic3A_792, %sub3A_793 : vector<16xi32>
        %jit3A_795 = arith.constant 0 : i32
        %broadcast_in_dim3A_796 = vector.broadcast %jit3A_795 : i32 to vector<16xi32>
        %select_n3A_797 = arith.select %lt3A_785, %sub3A_794, %broadcast_in_dim3A_796 : vector<16xi1>, vector<16xi32>
        %add3A_798 = arith.constant 0 : i32
        %add3A_799 = vector.broadcast %add3A_798 : i32 to vector<16xi32>
        %add3A_800 = arith.addi %broadcast_in_dim3A_5, %add3A_799 : vector<16xi32>
        %add3A_801 = arith.constant 0 : i32
        %add3A_802 = vector.broadcast %add3A_801 : i32 to vector<16xi32>
        %add3A_803 = arith.addi %broadcast_in_dim3A_5, %add3A_802 : vector<16xi32>
        %gather3A_804 = tpu.vector_load_idx %arg7[%add3A_250, %add3A_800, %add3A_803, %select_n3A_797] masked %lt3A_785 : memref<2x4x8x1025xf32, #tpu.memory_space<vmem>>[vector<16xi32>, vector<16xi32>, vector<16xi32>, vector<16xi32>], vector<16xf32>, vector<16xi1>
        %add3A_805 = arith.constant 16 : i32
        %add3A_806 = vector.broadcast %add3A_805 : i32 to vector<16xi32>
        %add3A_807 = arith.addi %iota3A, %add3A_806 : vector<16xi32>
        %add3A_808 = arith.constant 0 : i32
        %add3A_809 = vector.broadcast %add3A_808 : i32 to vector<16xi32>
        %add3A_810 = arith.addi %broadcast_in_dim3A_5, %add3A_809 : vector<16xi32>
        tpu.vector_store_idx %arg8[%add3A_807, %add3A_810], %gather3A_804 : memref<64x128xf32, #tpu.memory_space<vmem>>[vector<16xi32>, vector<16xi32>], vector<16xf32>,
        %add3A_811 = arith.constant 0 : i32
        %add3A_812 = vector.broadcast %add3A_811 : i32 to vector<16xi32>
        %add3A_813 = arith.addi %broadcast_in_dim3A_5, %add3A_812 : vector<16xi32>
        %add3A_814 = arith.constant 1 : i32
        %add3A_815 = vector.broadcast %add3A_814 : i32 to vector<16xi32>
        %add3A_816 = arith.addi %broadcast_in_dim3A_5, %add3A_815 : vector<16xi32>
        %gather3A_817 = tpu.vector_load_idx %arg7[%add3A_250, %add3A_813, %add3A_816, %select_n3A_797] masked %lt3A_785 : memref<2x4x8x1025xf32, #tpu.memory_space<vmem>>[vector<16xi32>, vector<16xi32>, vector<16xi32>, vector<16xi32>], vector<16xf32>, vector<16xi1>
        %add3A_818 = arith.constant 16 : i32
        %add3A_819 = vector.broadcast %add3A_818 : i32 to vector<16xi32>
        %add3A_820 = arith.addi %iota3A, %add3A_819 : vector<16xi32>
        %add3A_821 = arith.constant 1 : i32
        %add3A_822 = vector.broadcast %add3A_821 : i32 to vector<16xi32>
        %add3A_823 = arith.addi %broadcast_in_dim3A_5, %add3A_822 : vector<16xi32>
        tpu.vector_store_idx %arg8[%add3A_820, %add3A_823], %gather3A_817 : memref<64x128xf32, #tpu.memory_space<vmem>>[vector<16xi32>, vector<16xi32>], vector<16xf32>,
        %add3A_824 = arith.constant 0 : i32
        %add3A_825 = vector.broadcast %add3A_824 : i32 to vector<16xi32>
        %add3A_826 = arith.addi %broadcast_in_dim3A_5, %add3A_825 : vector<16xi32>
        %add3A_827 = arith.constant 2 : i32
        %add3A_828 = vector.broadcast %add3A_827 : i32 to vector<16xi32>
        %add3A_829 = arith.addi %broadcast_in_dim3A_5, %add3A_828 : vector<16xi32>
        %gather3A_830 = tpu.vector_load_idx %arg7[%add3A_250, %add3A_826, %add3A_829, %select_n3A_797] masked %lt3A_785 : memref<2x4x8x1025xf32, #tpu.memory_space<vmem>>[vector<16xi32>, vector<16xi32>, vector<16xi32>, vector<16xi32>], vector<16xf32>, vector<16xi1>
        %add3A_831 = arith.constant 16 : i32
        %add3A_832 = vector.broadcast %add3A_831 : i32 to vector<16xi32>
        %add3A_833 = arith.addi %iota3A, %add3A_832 : vector<16xi32>
        %add3A_834 = arith.constant 2 : i32
        %add3A_835 = vector.broadcast %add3A_834 : i32 to vector<16xi32>
        %add3A_836 = arith.addi %broadcast_in_dim3A_5, %add3A_835 : vector<16xi32>
        tpu.vector_store_idx %arg8[%add3A_833, %add3A_836], %gather3A_830 : memref<64x128xf32, #tpu.memory_space<vmem>>[vector<16xi32>, vector<16xi32>], vector<16xf32>,
        %add3A_837 = arith.constant 0 : i32
        %add3A_838 = vector.broadcast %add3A_837 : i32 to vector<16xi32>
        %add3A_839 = arith.addi %broadcast_in_dim3A_5, %add3A_838 : vector<16xi32>
        %add3A_840 = arith.constant 3 : i32
        %add3A_841 = vector.broadcast %add3A_840 : i32 to vector<16xi32>
        %add3A_842 = arith.addi %broadcast_in_dim3A_5, %add3A_841 : vector<16xi32>
        %gather3A_843 = tpu.vector_load_idx %arg7[%add3A_250, %add3A_839, %add3A_842, %select_n3A_797] masked %lt3A_785 : memref<2x4x8x1025xf32, #tpu.memory_space<vmem>>[vector<16xi32>, vector<16xi32>, vector<16xi32>, vector<16xi32>], vector<16xf32>, vector<16xi1>
        %add3A_844 = arith.constant 16 : i32
        %add3A_845 = vector.broadcast %add3A_844 : i32 to vector<16xi32>
        %add3A_846 = arith.addi %iota3A, %add3A_845 : vector<16xi32>
        %add3A_847 = arith.constant 3 : i32
        %add3A_848 = vector.broadcast %add3A_847 : i32 to vector<16xi32>
        %add3A_849 = arith.addi %broadcast_in_dim3A_5, %add3A_848 : vector<16xi32>
        tpu.vector_store_idx %arg8[%add3A_846, %add3A_849], %gather3A_843 : memref<64x128xf32, #tpu.memory_space<vmem>>[vector<16xi32>, vector<16xi32>], vector<16xf32>,
        %add3A_850 = arith.constant 0 : i32
        %add3A_851 = vector.broadcast %add3A_850 : i32 to vector<16xi32>
        %add3A_852 = arith.addi %broadcast_in_dim3A_5, %add3A_851 : vector<16xi32>
        %add3A_853 = arith.constant 4 : i32
        %add3A_854 = vector.broadcast %add3A_853 : i32 to vector<16xi32>
        %add3A_855 = arith.addi %broadcast_in_dim3A_5, %add3A_854 : vector<16xi32>
        %gather3A_856 = tpu.vector_load_idx %arg7[%add3A_250, %add3A_852, %add3A_855, %select_n3A_797] masked %lt3A_785 : memref<2x4x8x1025xf32, #tpu.memory_space<vmem>>[vector<16xi32>, vector<16xi32>, vector<16xi32>, vector<16xi32>], vector<16xf32>, vector<16xi1>
        %add3A_857 = arith.constant 16 : i32
        %add3A_858 = vector.broadcast %add3A_857 : i32 to vector<16xi32>
        %add3A_859 = arith.addi %iota3A, %add3A_858 : vector<16xi32>
        %add3A_860 = arith.constant 4 : i32
        %add3A_861 = vector.broadcast %add3A_860 : i32 to vector<16xi32>
        %add3A_862 = arith.addi %broadcast_in_dim3A_5, %add3A_861 : vector<16xi32>
        tpu.vector_store_idx %arg8[%add3A_859, %add3A_862], %gather3A_856 : memref<64x128xf32, #tpu.memory_space<vmem>>[vector<16xi32>, vector<16xi32>], vector<16xf32>,
        %add3A_863 = arith.constant 0 : i32
        %add3A_864 = vector.broadcast %add3A_863 : i32 to vector<16xi32>
        %add3A_865 = arith.addi %broadcast_in_dim3A_5, %add3A_864 : vector<16xi32>
        %add3A_866 = arith.constant 5 : i32
        %add3A_867 = vector.broadcast %add3A_866 : i32 to vector<16xi32>
        %add3A_868 = arith.addi %broadcast_in_dim3A_5, %add3A_867 : vector<16xi32>
        %gather3A_869 = tpu.vector_load_idx %arg7[%add3A_250, %add3A_865, %add3A_868, %select_n3A_797] masked %lt3A_785 : memref<2x4x8x1025xf32, #tpu.memory_space<vmem>>[vector<16xi32>, vector<16xi32>, vector<16xi32>, vector<16xi32>], vector<16xf32>, vector<16xi1>
        %add3A_870 = arith.constant 16 : i32
        %add3A_871 = vector.broadcast %add3A_870 : i32 to vector<16xi32>
        %add3A_872 = arith.addi %iota3A, %add3A_871 : vector<16xi32>
        %add3A_873 = arith.constant 5 : i32
        %add3A_874 = vector.broadcast %add3A_873 : i32 to vector<16xi32>
        %add3A_875 = arith.addi %broadcast_in_dim3A_5, %add3A_874 : vector<16xi32>
        tpu.vector_store_idx %arg8[%add3A_872, %add3A_875], %gather3A_869 : memref<64x128xf32, #tpu.memory_space<vmem>>[vector<16xi32>, vector<16xi32>], vector<16xf32>,
        %add3A_876 = arith.constant 0 : i32
        %add3A_877 = vector.broadcast %add3A_876 : i32 to vector<16xi32>
        %add3A_878 = arith.addi %broadcast_in_dim3A_5, %add3A_877 : vector<16xi32>
        %add3A_879 = arith.constant 6 : i32
        %add3A_880 = vector.broadcast %add3A_879 : i32 to vector<16xi32>
        %add3A_881 = arith.addi %broadcast_in_dim3A_5, %add3A_880 : vector<16xi32>
        %gather3A_882 = tpu.vector_load_idx %arg7[%add3A_250, %add3A_878, %add3A_881, %select_n3A_797] masked %lt3A_785 : memref<2x4x8x1025xf32, #tpu.memory_space<vmem>>[vector<16xi32>, vector<16xi32>, vector<16xi32>, vector<16xi32>], vector<16xf32>, vector<16xi1>
        %add3A_883 = arith.constant 16 : i32
        %add3A_884 = vector.broadcast %add3A_883 : i32 to vector<16xi32>
        %add3A_885 = arith.addi %iota3A, %add3A_884 : vector<16xi32>
        %add3A_886 = arith.constant 6 : i32
        %add3A_887 = vector.broadcast %add3A_886 : i32 to vector<16xi32>
        %add3A_888 = arith.addi %broadcast_in_dim3A_5, %add3A_887 : vector<16xi32>
        tpu.vector_store_idx %arg8[%add3A_885, %add3A_888], %gather3A_882 : memref<64x128xf32, #tpu.memory_space<vmem>>[vector<16xi32>, vector<16xi32>], vector<16xf32>,
        %add3A_889 = arith.constant 0 : i32
        %add3A_890 = vector.broadcast %add3A_889 : i32 to vector<16xi32>
        %add3A_891 = arith.addi %broadcast_in_dim3A_5, %add3A_890 : vector<16xi32>
        %add3A_892 = arith.constant 7 : i32
        %add3A_893 = vector.broadcast %add3A_892 : i32 to vector<16xi32>
        %add3A_894 = arith.addi %broadcast_in_dim3A_5, %add3A_893 : vector<16xi32>
        %gather3A_895 = tpu.vector_load_idx %arg7[%add3A_250, %add3A_891, %add3A_894, %select_n3A_797] masked %lt3A_785 : memref<2x4x8x1025xf32, #tpu.memory_space<vmem>>[vector<16xi32>, vector<16xi32>, vector<16xi32>, vector<16xi32>], vector<16xf32>, vector<16xi1>
        %add3A_896 = arith.constant 16 : i32
        %add3A_897 = vector.broadcast %add3A_896 : i32 to vector<16xi32>
        %add3A_898 = arith.addi %iota3A, %add3A_897 : vector<16xi32>
        %add3A_899 = arith.constant 7 : i32
        %add3A_900 = vector.broadcast %add3A_899 : i32 to vector<16xi32>
        %add3A_901 = arith.addi %broadcast_in_dim3A_5, %add3A_900 : vector<16xi32>
        tpu.vector_store_idx %arg8[%add3A_898, %add3A_901], %gather3A_895 : memref<64x128xf32, #tpu.memory_space<vmem>>[vector<16xi32>, vector<16xi32>], vector<16xf32>,
        %add3A_902 = arith.constant 1 : i32
        %add3A_903 = vector.broadcast %add3A_902 : i32 to vector<16xi32>
        %add3A_904 = arith.addi %broadcast_in_dim3A_5, %add3A_903 : vector<16xi32>
        %add3A_905 = arith.constant 0 : i32
        %add3A_906 = vector.broadcast %add3A_905 : i32 to vector<16xi32>
        %add3A_907 = arith.addi %broadcast_in_dim3A_5, %add3A_906 : vector<16xi32>
        %gather3A_908 = tpu.vector_load_idx %arg7[%add3A_250, %add3A_904, %add3A_907, %select_n3A_797] masked %lt3A_785 : memref<2x4x8x1025xf32, #tpu.memory_space<vmem>>[vector<16xi32>, vector<16xi32>, vector<16xi32>, vector<16xi32>], vector<16xf32>, vector<16xi1>
        %add3A_909 = arith.constant 16 : i32
        %add3A_910 = vector.broadcast %add3A_909 : i32 to vector<16xi32>
        %add3A_911 = arith.addi %iota3A, %add3A_910 : vector<16xi32>
        %add3A_912 = arith.constant 8 : i32
        %add3A_913 = vector.broadcast %add3A_912 : i32 to vector<16xi32>
        %add3A_914 = arith.addi %broadcast_in_dim3A_5, %add3A_913 : vector<16xi32>
        tpu.vector_store_idx %arg8[%add3A_911, %add3A_914], %gather3A_908 : memref<64x128xf32, #tpu.memory_space<vmem>>[vector<16xi32>, vector<16xi32>], vector<16xf32>,
        %add3A_915 = arith.constant 1 : i32
        %add3A_916 = vector.broadcast %add3A_915 : i32 to vector<16xi32>
        %add3A_917 = arith.addi %broadcast_in_dim3A_5, %add3A_916 : vector<16xi32>
        %add3A_918 = arith.constant 1 : i32
        %add3A_919 = vector.broadcast %add3A_918 : i32 to vector<16xi32>
        %add3A_920 = arith.addi %broadcast_in_dim3A_5, %add3A_919 : vector<16xi32>
        %gather3A_921 = tpu.vector_load_idx %arg7[%add3A_250, %add3A_917, %add3A_920, %select_n3A_797] masked %lt3A_785 : memref<2x4x8x1025xf32, #tpu.memory_space<vmem>>[vector<16xi32>, vector<16xi32>, vector<16xi32>, vector<16xi32>], vector<16xf32>, vector<16xi1>
        %add3A_922 = arith.constant 16 : i32
        %add3A_923 = vector.broadcast %add3A_922 : i32 to vector<16xi32>
        %add3A_924 = arith.addi %iota3A, %add3A_923 : vector<16xi32>
        %add3A_925 = arith.constant 9 : i32
        %add3A_926 = vector.broadcast %add3A_925 : i32 to vector<16xi32>
        %add3A_927 = arith.addi %broadcast_in_dim3A_5, %add3A_926 : vector<16xi32>
        tpu.vector_store_idx %arg8[%add3A_924, %add3A_927], %gather3A_921 : memref<64x128xf32, #tpu.memory_space<vmem>>[vector<16xi32>, vector<16xi32>], vector<16xf32>,
        %add3A_928 = arith.constant 1 : i32
        %add3A_929 = vector.broadcast %add3A_928 : i32 to vector<16xi32>
        %add3A_930 = arith.addi %broadcast_in_dim3A_5, %add3A_929 : vector<16xi32>
        %add3A_931 = arith.constant 2 : i32
        %add3A_932 = vector.broadcast %add3A_931 : i32 to vector<16xi32>
        %add3A_933 = arith.addi %broadcast_in_dim3A_5, %add3A_932 : vector<16xi32>
        %gather3A_934 = tpu.vector_load_idx %arg7[%add3A_250, %add3A_930, %add3A_933, %select_n3A_797] masked %lt3A_785 : memref<2x4x8x1025xf32, #tpu.memory_space<vmem>>[vector<16xi32>, vector<16xi32>, vector<16xi32>, vector<16xi32>], vector<16xf32>, vector<16xi1>
        %add3A_935 = arith.constant 16 : i32
        %add3A_936 = vector.broadcast %add3A_935 : i32 to vector<16xi32>
        %add3A_937 = arith.addi %iota3A, %add3A_936 : vector<16xi32>
        %add3A_938 = arith.constant 10 : i32
        %add3A_939 = vector.broadcast %add3A_938 : i32 to vector<16xi32>
        %add3A_940 = arith.addi %broadcast_in_dim3A_5, %add3A_939 : vector<16xi32>
        tpu.vector_store_idx %arg8[%add3A_937, %add3A_940], %gather3A_934 : memref<64x128xf32, #tpu.memory_space<vmem>>[vector<16xi32>, vector<16xi32>], vector<16xf32>,
        %add3A_941 = arith.constant 1 : i32
        %add3A_942 = vector.broadcast %add3A_941 : i32 to vector<16xi32>
        %add3A_943 = arith.addi %broadcast_in_dim3A_5, %add3A_942 : vector<16xi32>
        %add3A_944 = arith.constant 3 : i32
        %add3A_945 = vector.broadcast %add3A_944 : i32 to vector<16xi32>
        %add3A_946 = arith.addi %broadcast_in_dim3A_5, %add3A_945 : vector<16xi32>
        %gather3A_947 = tpu.vector_load_idx %arg7[%add3A_250, %add3A_943, %add3A_946, %select_n3A_797] masked %lt3A_785 : memref<2x4x8x1025xf32, #tpu.memory_space<vmem>>[vector<16xi32>, vector<16xi32>, vector<16xi32>, vector<16xi32>], vector<16xf32>, vector<16xi1>
        %add3A_948 = arith.constant 16 : i32
        %add3A_949 = vector.broadcast %add3A_948 : i32 to vector<16xi32>
        %add3A_950 = arith.addi %iota3A, %add3A_949 : vector<16xi32>
        %add3A_951 = arith.constant 11 : i32
        %add3A_952 = vector.broadcast %add3A_951 : i32 to vector<16xi32>
        %add3A_953 = arith.addi %broadcast_in_dim3A_5, %add3A_952 : vector<16xi32>
        tpu.vector_store_idx %arg8[%add3A_950, %add3A_953], %gather3A_947 : memref<64x128xf32, #tpu.memory_space<vmem>>[vector<16xi32>, vector<16xi32>], vector<16xf32>,
        %add3A_954 = arith.constant 1 : i32
        %add3A_955 = vector.broadcast %add3A_954 : i32 to vector<16xi32>
        %add3A_956 = arith.addi %broadcast_in_dim3A_5, %add3A_955 : vector<16xi32>
        %add3A_957 = arith.constant 4 : i32
        %add3A_958 = vector.broadcast %add3A_957 : i32 to vector<16xi32>
        %add3A_959 = arith.addi %broadcast_in_dim3A_5, %add3A_958 : vector<16xi32>
        %gather3A_960 = tpu.vector_load_idx %arg7[%add3A_250, %add3A_956, %add3A_959, %select_n3A_797] masked %lt3A_785 : memref<2x4x8x1025xf32, #tpu.memory_space<vmem>>[vector<16xi32>, vector<16xi32>, vector<16xi32>, vector<16xi32>], vector<16xf32>, vector<16xi1>
        %add3A_961 = arith.constant 16 : i32
        %add3A_962 = vector.broadcast %add3A_961 : i32 to vector<16xi32>
        %add3A_963 = arith.addi %iota3A, %add3A_962 : vector<16xi32>
        %add3A_964 = arith.constant 12 : i32
        %add3A_965 = vector.broadcast %add3A_964 : i32 to vector<16xi32>
        %add3A_966 = arith.addi %broadcast_in_dim3A_5, %add3A_965 : vector<16xi32>
        tpu.vector_store_idx %arg8[%add3A_963, %add3A_966], %gather3A_960 : memref<64x128xf32, #tpu.memory_space<vmem>>[vector<16xi32>, vector<16xi32>], vector<16xf32>,
        %add3A_967 = arith.constant 1 : i32
        %add3A_968 = vector.broadcast %add3A_967 : i32 to vector<16xi32>
        %add3A_969 = arith.addi %broadcast_in_dim3A_5, %add3A_968 : vector<16xi32>
        %add3A_970 = arith.constant 5 : i32
        %add3A_971 = vector.broadcast %add3A_970 : i32 to vector<16xi32>
        %add3A_972 = arith.addi %broadcast_in_dim3A_5, %add3A_971 : vector<16xi32>
        %gather3A_973 = tpu.vector_load_idx %arg7[%add3A_250, %add3A_969, %add3A_972, %select_n3A_797] masked %lt3A_785 : memref<2x4x8x1025xf32, #tpu.memory_space<vmem>>[vector<16xi32>, vector<16xi32>, vector<16xi32>, vector<16xi32>], vector<16xf32>, vector<16xi1>
        %add3A_974 = arith.constant 16 : i32
        %add3A_975 = vector.broadcast %add3A_974 : i32 to vector<16xi32>
        %add3A_976 = arith.addi %iota3A, %add3A_975 : vector<16xi32>
        %add3A_977 = arith.constant 13 : i32
        %add3A_978 = vector.broadcast %add3A_977 : i32 to vector<16xi32>
        %add3A_979 = arith.addi %broadcast_in_dim3A_5, %add3A_978 : vector<16xi32>
        tpu.vector_store_idx %arg8[%add3A_976, %add3A_979], %gather3A_973 : memref<64x128xf32, #tpu.memory_space<vmem>>[vector<16xi32>, vector<16xi32>], vector<16xf32>,
        %add3A_980 = arith.constant 1 : i32
        %add3A_981 = vector.broadcast %add3A_980 : i32 to vector<16xi32>
        %add3A_982 = arith.addi %broadcast_in_dim3A_5, %add3A_981 : vector<16xi32>
        %add3A_983 = arith.constant 6 : i32
        %add3A_984 = vector.broadcast %add3A_983 : i32 to vector<16xi32>
        %add3A_985 = arith.addi %broadcast_in_dim3A_5, %add3A_984 : vector<16xi32>
        %gather3A_986 = tpu.vector_load_idx %arg7[%add3A_250, %add3A_982, %add3A_985, %select_n3A_797] masked %lt3A_785 : memref<2x4x8x1025xf32, #tpu.memory_space<vmem>>[vector<16xi32>, vector<16xi32>, vector<16xi32>, vector<16xi32>], vector<16xf32>, vector<16xi1>
        %add3A_987 = arith.constant 16 : i32
        %add3A_988 = vector.broadcast %add3A_987 : i32 to vector<16xi32>
        %add3A_989 = arith.addi %iota3A, %add3A_988 : vector<16xi32>
        %add3A_990 = arith.constant 14 : i32
        %add3A_991 = vector.broadcast %add3A_990 : i32 to vector<16xi32>
        %add3A_992 = arith.addi %broadcast_in_dim3A_5, %add3A_991 : vector<16xi32>
        tpu.vector_store_idx %arg8[%add3A_989, %add3A_992], %gather3A_986 : memref<64x128xf32, #tpu.memory_space<vmem>>[vector<16xi32>, vector<16xi32>], vector<16xf32>,
        %add3A_993 = arith.constant 1 : i32
        %add3A_994 = vector.broadcast %add3A_993 : i32 to vector<16xi32>
        %add3A_995 = arith.addi %broadcast_in_dim3A_5, %add3A_994 : vector<16xi32>
        %add3A_996 = arith.constant 7 : i32
        %add3A_997 = vector.broadcast %add3A_996 : i32 to vector<16xi32>
        %add3A_998 = arith.addi %broadcast_in_dim3A_5, %add3A_997 : vector<16xi32>
        %gather3A_999 = tpu.vector_load_idx %arg7[%add3A_250, %add3A_995, %add3A_998, %select_n3A_797] masked %lt3A_785 : memref<2x4x8x1025xf32, #tpu.memory_space<vmem>>[vector<16xi32>, vector<16xi32>, vector<16xi32>, vector<16xi32>], vector<16xf32>, vector<16xi1>
        %add3A_1000 = arith.constant 16 : i32
        %add3A_1001 = vector.broadcast %add3A_1000 : i32 to vector<16xi32>
        %add3A_1002 = arith.addi %iota3A, %add3A_1001 : vector<16xi32>
        %add3A_1003 = arith.constant 15 : i32
        %add3A_1004 = vector.broadcast %add3A_1003 : i32 to vector<16xi32>
        %add3A_1005 = arith.addi %broadcast_in_dim3A_5, %add3A_1004 : vector<16xi32>
        tpu.vector_store_idx %arg8[%add3A_1002, %add3A_1005], %gather3A_999 : memref<64x128xf32, #tpu.memory_space<vmem>>[vector<16xi32>, vector<16xi32>], vector<16xf32>,
        %add3A_1006 = arith.constant 2 : i32
        %add3A_1007 = vector.broadcast %add3A_1006 : i32 to vector<16xi32>
        %add3A_1008 = arith.addi %broadcast_in_dim3A_5, %add3A_1007 : vector<16xi32>
        %add3A_1009 = arith.constant 0 : i32
        %add3A_1010 = vector.broadcast %add3A_1009 : i32 to vector<16xi32>
        %add3A_1011 = arith.addi %broadcast_in_dim3A_5, %add3A_1010 : vector<16xi32>
        %gather3A_1012 = tpu.vector_load_idx %arg7[%add3A_250, %add3A_1008, %add3A_1011, %select_n3A_797] masked %lt3A_785 : memref<2x4x8x1025xf32, #tpu.memory_space<vmem>>[vector<16xi32>, vector<16xi32>, vector<16xi32>, vector<16xi32>], vector<16xf32>, vector<16xi1>
        %add3A_1013 = arith.constant 16 : i32
        %add3A_1014 = vector.broadcast %add3A_1013 : i32 to vector<16xi32>
        %add3A_1015 = arith.addi %iota3A, %add3A_1014 : vector<16xi32>
        %add3A_1016 = arith.constant 16 : i32
        %add3A_1017 = vector.broadcast %add3A_1016 : i32 to vector<16xi32>
        %add3A_1018 = arith.addi %broadcast_in_dim3A_5, %add3A_1017 : vector<16xi32>
        tpu.vector_store_idx %arg8[%add3A_1015, %add3A_1018], %gather3A_1012 : memref<64x128xf32, #tpu.memory_space<vmem>>[vector<16xi32>, vector<16xi32>], vector<16xf32>,
        %add3A_1019 = arith.constant 2 : i32
        %add3A_1020 = vector.broadcast %add3A_1019 : i32 to vector<16xi32>
        %add3A_1021 = arith.addi %broadcast_in_dim3A_5, %add3A_1020 : vector<16xi32>
        %add3A_1022 = arith.constant 1 : i32
        %add3A_1023 = vector.broadcast %add3A_1022 : i32 to vector<16xi32>
        %add3A_1024 = arith.addi %broadcast_in_dim3A_5, %add3A_1023 : vector<16xi32>
        %gather3A_1025 = tpu.vector_load_idx %arg7[%add3A_250, %add3A_1021, %add3A_1024, %select_n3A_797] masked %lt3A_785 : memref<2x4x8x1025xf32, #tpu.memory_space<vmem>>[vector<16xi32>, vector<16xi32>, vector<16xi32>, vector<16xi32>], vector<16xf32>, vector<16xi1>
        %add3A_1026 = arith.constant 16 : i32
        %add3A_1027 = vector.broadcast %add3A_1026 : i32 to vector<16xi32>
        %add3A_1028 = arith.addi %iota3A, %add3A_1027 : vector<16xi32>
        %add3A_1029 = arith.constant 17 : i32
        %add3A_1030 = vector.broadcast %add3A_1029 : i32 to vector<16xi32>
        %add3A_1031 = arith.addi %broadcast_in_dim3A_5, %add3A_1030 : vector<16xi32>
        tpu.vector_store_idx %arg8[%add3A_1028, %add3A_1031], %gather3A_1025 : memref<64x128xf32, #tpu.memory_space<vmem>>[vector<16xi32>, vector<16xi32>], vector<16xf32>,
        %add3A_1032 = arith.constant 2 : i32
        %add3A_1033 = vector.broadcast %add3A_1032 : i32 to vector<16xi32>
        %add3A_1034 = arith.addi %broadcast_in_dim3A_5, %add3A_1033 : vector<16xi32>
        %add3A_1035 = arith.constant 2 : i32
        %add3A_1036 = vector.broadcast %add3A_1035 : i32 to vector<16xi32>
        %add3A_1037 = arith.addi %broadcast_in_dim3A_5, %add3A_1036 : vector<16xi32>
        %gather3A_1038 = tpu.vector_load_idx %arg7[%add3A_250, %add3A_1034, %add3A_1037, %select_n3A_797] masked %lt3A_785 : memref<2x4x8x1025xf32, #tpu.memory_space<vmem>>[vector<16xi32>, vector<16xi32>, vector<16xi32>, vector<16xi32>], vector<16xf32>, vector<16xi1>
        %add3A_1039 = arith.constant 16 : i32
        %add3A_1040 = vector.broadcast %add3A_1039 : i32 to vector<16xi32>
        %add3A_1041 = arith.addi %iota3A, %add3A_1040 : vector<16xi32>
        %add3A_1042 = arith.constant 18 : i32
        %add3A_1043 = vector.broadcast %add3A_1042 : i32 to vector<16xi32>
        %add3A_1044 = arith.addi %broadcast_in_dim3A_5, %add3A_1043 : vector<16xi32>
        tpu.vector_store_idx %arg8[%add3A_1041, %add3A_1044], %gather3A_1038 : memref<64x128xf32, #tpu.memory_space<vmem>>[vector<16xi32>, vector<16xi32>], vector<16xf32>,
        %add3A_1045 = arith.constant 2 : i32
        %add3A_1046 = vector.broadcast %add3A_1045 : i32 to vector<16xi32>
        %add3A_1047 = arith.addi %broadcast_in_dim3A_5, %add3A_1046 : vector<16xi32>
        %add3A_1048 = arith.constant 3 : i32
        %add3A_1049 = vector.broadcast %add3A_1048 : i32 to vector<16xi32>
        %add3A_1050 = arith.addi %broadcast_in_dim3A_5, %add3A_1049 : vector<16xi32>
        %gather3A_1051 = tpu.vector_load_idx %arg7[%add3A_250, %add3A_1047, %add3A_1050, %select_n3A_797] masked %lt3A_785 : memref<2x4x8x1025xf32, #tpu.memory_space<vmem>>[vector<16xi32>, vector<16xi32>, vector<16xi32>, vector<16xi32>], vector<16xf32>, vector<16xi1>
        %add3A_1052 = arith.constant 16 : i32
        %add3A_1053 = vector.broadcast %add3A_1052 : i32 to vector<16xi32>
        %add3A_1054 = arith.addi %iota3A, %add3A_1053 : vector<16xi32>
        %add3A_1055 = arith.constant 19 : i32
        %add3A_1056 = vector.broadcast %add3A_1055 : i32 to vector<16xi32>
        %add3A_1057 = arith.addi %broadcast_in_dim3A_5, %add3A_1056 : vector<16xi32>
        tpu.vector_store_idx %arg8[%add3A_1054, %add3A_1057], %gather3A_1051 : memref<64x128xf32, #tpu.memory_space<vmem>>[vector<16xi32>, vector<16xi32>], vector<16xf32>,
        %add3A_1058 = arith.constant 2 : i32
        %add3A_1059 = vector.broadcast %add3A_1058 : i32 to vector<16xi32>
        %add3A_1060 = arith.addi %broadcast_in_dim3A_5, %add3A_1059 : vector<16xi32>
        %add3A_1061 = arith.constant 4 : i32
        %add3A_1062 = vector.broadcast %add3A_1061 : i32 to vector<16xi32>
        %add3A_1063 = arith.addi %broadcast_in_dim3A_5, %add3A_1062 : vector<16xi32>
        %gather3A_1064 = tpu.vector_load_idx %arg7[%add3A_250, %add3A_1060, %add3A_1063, %select_n3A_797] masked %lt3A_785 : memref<2x4x8x1025xf32, #tpu.memory_space<vmem>>[vector<16xi32>, vector<16xi32>, vector<16xi32>, vector<16xi32>], vector<16xf32>, vector<16xi1>
        %add3A_1065 = arith.constant 16 : i32
        %add3A_1066 = vector.broadcast %add3A_1065 : i32 to vector<16xi32>
        %add3A_1067 = arith.addi %iota3A, %add3A_1066 : vector<16xi32>
        %add3A_1068 = arith.constant 20 : i32
        %add3A_1069 = vector.broadcast %add3A_1068 : i32 to vector<16xi32>
        %add3A_1070 = arith.addi %broadcast_in_dim3A_5, %add3A_1069 : vector<16xi32>
        tpu.vector_store_idx %arg8[%add3A_1067, %add3A_1070], %gather3A_1064 : memref<64x128xf32, #tpu.memory_space<vmem>>[vector<16xi32>, vector<16xi32>], vector<16xf32>,
        %add3A_1071 = arith.constant 2 : i32
        %add3A_1072 = vector.broadcast %add3A_1071 : i32 to vector<16xi32>
        %add3A_1073 = arith.addi %broadcast_in_dim3A_5, %add3A_1072 : vector<16xi32>
        %add3A_1074 = arith.constant 5 : i32
        %add3A_1075 = vector.broadcast %add3A_1074 : i32 to vector<16xi32>
        %add3A_1076 = arith.addi %broadcast_in_dim3A_5, %add3A_1075 : vector<16xi32>
        %gather3A_1077 = tpu.vector_load_idx %arg7[%add3A_250, %add3A_1073, %add3A_1076, %select_n3A_797] masked %lt3A_785 : memref<2x4x8x1025xf32, #tpu.memory_space<vmem>>[vector<16xi32>, vector<16xi32>, vector<16xi32>, vector<16xi32>], vector<16xf32>, vector<16xi1>
        %add3A_1078 = arith.constant 16 : i32
        %add3A_1079 = vector.broadcast %add3A_1078 : i32 to vector<16xi32>
        %add3A_1080 = arith.addi %iota3A, %add3A_1079 : vector<16xi32>
        %add3A_1081 = arith.constant 21 : i32
        %add3A_1082 = vector.broadcast %add3A_1081 : i32 to vector<16xi32>
        %add3A_1083 = arith.addi %broadcast_in_dim3A_5, %add3A_1082 : vector<16xi32>
        tpu.vector_store_idx %arg8[%add3A_1080, %add3A_1083], %gather3A_1077 : memref<64x128xf32, #tpu.memory_space<vmem>>[vector<16xi32>, vector<16xi32>], vector<16xf32>,
        %add3A_1084 = arith.constant 2 : i32
        %add3A_1085 = vector.broadcast %add3A_1084 : i32 to vector<16xi32>
        %add3A_1086 = arith.addi %broadcast_in_dim3A_5, %add3A_1085 : vector<16xi32>
        %add3A_1087 = arith.constant 6 : i32
        %add3A_1088 = vector.broadcast %add3A_1087 : i32 to vector<16xi32>
        %add3A_1089 = arith.addi %broadcast_in_dim3A_5, %add3A_1088 : vector<16xi32>
        %gather3A_1090 = tpu.vector_load_idx %arg7[%add3A_250, %add3A_1086, %add3A_1089, %select_n3A_797] masked %lt3A_785 : memref<2x4x8x1025xf32, #tpu.memory_space<vmem>>[vector<16xi32>, vector<16xi32>, vector<16xi32>, vector<16xi32>], vector<16xf32>, vector<16xi1>
        %add3A_1091 = arith.constant 16 : i32
        %add3A_1092 = vector.broadcast %add3A_1091 : i32 to vector<16xi32>
        %add3A_1093 = arith.addi %iota3A, %add3A_1092 : vector<16xi32>
        %add3A_1094 = arith.constant 22 : i32
        %add3A_1095 = vector.broadcast %add3A_1094 : i32 to vector<16xi32>
        %add3A_1096 = arith.addi %broadcast_in_dim3A_5, %add3A_1095 : vector<16xi32>
        tpu.vector_store_idx %arg8[%add3A_1093, %add3A_1096], %gather3A_1090 : memref<64x128xf32, #tpu.memory_space<vmem>>[vector<16xi32>, vector<16xi32>], vector<16xf32>,
        %add3A_1097 = arith.constant 2 : i32
        %add3A_1098 = vector.broadcast %add3A_1097 : i32 to vector<16xi32>
        %add3A_1099 = arith.addi %broadcast_in_dim3A_5, %add3A_1098 : vector<16xi32>
        %add3A_1100 = arith.constant 7 : i32
        %add3A_1101 = vector.broadcast %add3A_1100 : i32 to vector<16xi32>
        %add3A_1102 = arith.addi %broadcast_in_dim3A_5, %add3A_1101 : vector<16xi32>
        %gather3A_1103 = tpu.vector_load_idx %arg7[%add3A_250, %add3A_1099, %add3A_1102, %select_n3A_797] masked %lt3A_785 : memref<2x4x8x1025xf32, #tpu.memory_space<vmem>>[vector<16xi32>, vector<16xi32>, vector<16xi32>, vector<16xi32>], vector<16xf32>, vector<16xi1>
        %add3A_1104 = arith.constant 16 : i32
        %add3A_1105 = vector.broadcast %add3A_1104 : i32 to vector<16xi32>
        %add3A_1106 = arith.addi %iota3A, %add3A_1105 : vector<16xi32>
        %add3A_1107 = arith.constant 23 : i32
        %add3A_1108 = vector.broadcast %add3A_1107 : i32 to vector<16xi32>
        %add3A_1109 = arith.addi %broadcast_in_dim3A_5, %add3A_1108 : vector<16xi32>
        tpu.vector_store_idx %arg8[%add3A_1106, %add3A_1109], %gather3A_1103 : memref<64x128xf32, #tpu.memory_space<vmem>>[vector<16xi32>, vector<16xi32>], vector<16xf32>,
        %add3A_1110 = arith.constant 3 : i32
        %add3A_1111 = vector.broadcast %add3A_1110 : i32 to vector<16xi32>
        %add3A_1112 = arith.addi %broadcast_in_dim3A_5, %add3A_1111 : vector<16xi32>
        %add3A_1113 = arith.constant 0 : i32
        %add3A_1114 = vector.broadcast %add3A_1113 : i32 to vector<16xi32>
        %add3A_1115 = arith.addi %broadcast_in_dim3A_5, %add3A_1114 : vector<16xi32>
        %gather3A_1116 = tpu.vector_load_idx %arg7[%add3A_250, %add3A_1112, %add3A_1115, %select_n3A_797] masked %lt3A_785 : memref<2x4x8x1025xf32, #tpu.memory_space<vmem>>[vector<16xi32>, vector<16xi32>, vector<16xi32>, vector<16xi32>], vector<16xf32>, vector<16xi1>
        %add3A_1117 = arith.constant 16 : i32
        %add3A_1118 = vector.broadcast %add3A_1117 : i32 to vector<16xi32>
        %add3A_1119 = arith.addi %iota3A, %add3A_1118 : vector<16xi32>
        %add3A_1120 = arith.constant 24 : i32
        %add3A_1121 = vector.broadcast %add3A_1120 : i32 to vector<16xi32>
        %add3A_1122 = arith.addi %broadcast_in_dim3A_5, %add3A_1121 : vector<16xi32>
        tpu.vector_store_idx %arg8[%add3A_1119, %add3A_1122], %gather3A_1116 : memref<64x128xf32, #tpu.memory_space<vmem>>[vector<16xi32>, vector<16xi32>], vector<16xf32>,
        %add3A_1123 = arith.constant 3 : i32
        %add3A_1124 = vector.broadcast %add3A_1123 : i32 to vector<16xi32>
        %add3A_1125 = arith.addi %broadcast_in_dim3A_5, %add3A_1124 : vector<16xi32>
        %add3A_1126 = arith.constant 1 : i32
        %add3A_1127 = vector.broadcast %add3A_1126 : i32 to vector<16xi32>
        %add3A_1128 = arith.addi %broadcast_in_dim3A_5, %add3A_1127 : vector<16xi32>
        %gather3A_1129 = tpu.vector_load_idx %arg7[%add3A_250, %add3A_1125, %add3A_1128, %select_n3A_797] masked %lt3A_785 : memref<2x4x8x1025xf32, #tpu.memory_space<vmem>>[vector<16xi32>, vector<16xi32>, vector<16xi32>, vector<16xi32>], vector<16xf32>, vector<16xi1>
        %add3A_1130 = arith.constant 16 : i32
        %add3A_1131 = vector.broadcast %add3A_1130 : i32 to vector<16xi32>
        %add3A_1132 = arith.addi %iota3A, %add3A_1131 : vector<16xi32>
        %add3A_1133 = arith.constant 25 : i32
        %add3A_1134 = vector.broadcast %add3A_1133 : i32 to vector<16xi32>
        %add3A_1135 = arith.addi %broadcast_in_dim3A_5, %add3A_1134 : vector<16xi32>
        tpu.vector_store_idx %arg8[%add3A_1132, %add3A_1135], %gather3A_1129 : memref<64x128xf32, #tpu.memory_space<vmem>>[vector<16xi32>, vector<16xi32>], vector<16xf32>,
        %add3A_1136 = arith.constant 3 : i32
        %add3A_1137 = vector.broadcast %add3A_1136 : i32 to vector<16xi32>
        %add3A_1138 = arith.addi %broadcast_in_dim3A_5, %add3A_1137 : vector<16xi32>
        %add3A_1139 = arith.constant 2 : i32
        %add3A_1140 = vector.broadcast %add3A_1139 : i32 to vector<16xi32>
        %add3A_1141 = arith.addi %broadcast_in_dim3A_5, %add3A_1140 : vector<16xi32>
        %gather3A_1142 = tpu.vector_load_idx %arg7[%add3A_250, %add3A_1138, %add3A_1141, %select_n3A_797] masked %lt3A_785 : memref<2x4x8x1025xf32, #tpu.memory_space<vmem>>[vector<16xi32>, vector<16xi32>, vector<16xi32>, vector<16xi32>], vector<16xf32>, vector<16xi1>
        %add3A_1143 = arith.constant 16 : i32
        %add3A_1144 = vector.broadcast %add3A_1143 : i32 to vector<16xi32>
        %add3A_1145 = arith.addi %iota3A, %add3A_1144 : vector<16xi32>
        %add3A_1146 = arith.constant 26 : i32
        %add3A_1147 = vector.broadcast %add3A_1146 : i32 to vector<16xi32>
        %add3A_1148 = arith.addi %broadcast_in_dim3A_5, %add3A_1147 : vector<16xi32>
        tpu.vector_store_idx %arg8[%add3A_1145, %add3A_1148], %gather3A_1142 : memref<64x128xf32, #tpu.memory_space<vmem>>[vector<16xi32>, vector<16xi32>], vector<16xf32>,
        %add3A_1149 = arith.constant 3 : i32
        %add3A_1150 = vector.broadcast %add3A_1149 : i32 to vector<16xi32>
        %add3A_1151 = arith.addi %broadcast_in_dim3A_5, %add3A_1150 : vector<16xi32>
        %add3A_1152 = arith.constant 3 : i32
        %add3A_1153 = vector.broadcast %add3A_1152 : i32 to vector<16xi32>
        %add3A_1154 = arith.addi %broadcast_in_dim3A_5, %add3A_1153 : vector<16xi32>
        %gather3A_1155 = tpu.vector_load_idx %arg7[%add3A_250, %add3A_1151, %add3A_1154, %select_n3A_797] masked %lt3A_785 : memref<2x4x8x1025xf32, #tpu.memory_space<vmem>>[vector<16xi32>, vector<16xi32>, vector<16xi32>, vector<16xi32>], vector<16xf32>, vector<16xi1>
        %add3A_1156 = arith.constant 16 : i32
        %add3A_1157 = vector.broadcast %add3A_1156 : i32 to vector<16xi32>
        %add3A_1158 = arith.addi %iota3A, %add3A_1157 : vector<16xi32>
        %add3A_1159 = arith.constant 27 : i32
        %add3A_1160 = vector.broadcast %add3A_1159 : i32 to vector<16xi32>
        %add3A_1161 = arith.addi %broadcast_in_dim3A_5, %add3A_1160 : vector<16xi32>
        tpu.vector_store_idx %arg8[%add3A_1158, %add3A_1161], %gather3A_1155 : memref<64x128xf32, #tpu.memory_space<vmem>>[vector<16xi32>, vector<16xi32>], vector<16xf32>,
        %add3A_1162 = arith.constant 3 : i32
        %add3A_1163 = vector.broadcast %add3A_1162 : i32 to vector<16xi32>
        %add3A_1164 = arith.addi %broadcast_in_dim3A_5, %add3A_1163 : vector<16xi32>
        %add3A_1165 = arith.constant 4 : i32
        %add3A_1166 = vector.broadcast %add3A_1165 : i32 to vector<16xi32>
        %add3A_1167 = arith.addi %broadcast_in_dim3A_5, %add3A_1166 : vector<16xi32>
        %gather3A_1168 = tpu.vector_load_idx %arg7[%add3A_250, %add3A_1164, %add3A_1167, %select_n3A_797] masked %lt3A_785 : memref<2x4x8x1025xf32, #tpu.memory_space<vmem>>[vector<16xi32>, vector<16xi32>, vector<16xi32>, vector<16xi32>], vector<16xf32>, vector<16xi1>
        %add3A_1169 = arith.constant 16 : i32
        %add3A_1170 = vector.broadcast %add3A_1169 : i32 to vector<16xi32>
        %add3A_1171 = arith.addi %iota3A, %add3A_1170 : vector<16xi32>
        %add3A_1172 = arith.constant 28 : i32
        %add3A_1173 = vector.broadcast %add3A_1172 : i32 to vector<16xi32>
        %add3A_1174 = arith.addi %broadcast_in_dim3A_5, %add3A_1173 : vector<16xi32>
        tpu.vector_store_idx %arg8[%add3A_1171, %add3A_1174], %gather3A_1168 : memref<64x128xf32, #tpu.memory_space<vmem>>[vector<16xi32>, vector<16xi32>], vector<16xf32>,
        %add3A_1175 = arith.constant 3 : i32
        %add3A_1176 = vector.broadcast %add3A_1175 : i32 to vector<16xi32>
        %add3A_1177 = arith.addi %broadcast_in_dim3A_5, %add3A_1176 : vector<16xi32>
        %add3A_1178 = arith.constant 5 : i32
        %add3A_1179 = vector.broadcast %add3A_1178 : i32 to vector<16xi32>
        %add3A_1180 = arith.addi %broadcast_in_dim3A_5, %add3A_1179 : vector<16xi32>
        %gather3A_1181 = tpu.vector_load_idx %arg7[%add3A_250, %add3A_1177, %add3A_1180, %select_n3A_797] masked %lt3A_785 : memref<2x4x8x1025xf32, #tpu.memory_space<vmem>>[vector<16xi32>, vector<16xi32>, vector<16xi32>, vector<16xi32>], vector<16xf32>, vector<16xi1>
        %add3A_1182 = arith.constant 16 : i32
        %add3A_1183 = vector.broadcast %add3A_1182 : i32 to vector<16xi32>
        %add3A_1184 = arith.addi %iota3A, %add3A_1183 : vector<16xi32>
        %add3A_1185 = arith.constant 29 : i32
        %add3A_1186 = vector.broadcast %add3A_1185 : i32 to vector<16xi32>
        %add3A_1187 = arith.addi %broadcast_in_dim3A_5, %add3A_1186 : vector<16xi32>
        tpu.vector_store_idx %arg8[%add3A_1184, %add3A_1187], %gather3A_1181 : memref<64x128xf32, #tpu.memory_space<vmem>>[vector<16xi32>, vector<16xi32>], vector<16xf32>,
        %add3A_1188 = arith.constant 3 : i32
        %add3A_1189 = vector.broadcast %add3A_1188 : i32 to vector<16xi32>
        %add3A_1190 = arith.addi %broadcast_in_dim3A_5, %add3A_1189 : vector<16xi32>
        %add3A_1191 = arith.constant 6 : i32
        %add3A_1192 = vector.broadcast %add3A_1191 : i32 to vector<16xi32>
        %add3A_1193 = arith.addi %broadcast_in_dim3A_5, %add3A_1192 : vector<16xi32>
        %gather3A_1194 = tpu.vector_load_idx %arg7[%add3A_250, %add3A_1190, %add3A_1193, %select_n3A_797] masked %lt3A_785 : memref<2x4x8x1025xf32, #tpu.memory_space<vmem>>[vector<16xi32>, vector<16xi32>, vector<16xi32>, vector<16xi32>], vector<16xf32>, vector<16xi1>
        %add3A_1195 = arith.constant 16 : i32
        %add3A_1196 = vector.broadcast %add3A_1195 : i32 to vector<16xi32>
        %add3A_1197 = arith.addi %iota3A, %add3A_1196 : vector<16xi32>
        %add3A_1198 = arith.constant 30 : i32
        %add3A_1199 = vector.broadcast %add3A_1198 : i32 to vector<16xi32>
        %add3A_1200 = arith.addi %broadcast_in_dim3A_5, %add3A_1199 : vector<16xi32>
        tpu.vector_store_idx %arg8[%add3A_1197, %add3A_1200], %gather3A_1194 : memref<64x128xf32, #tpu.memory_space<vmem>>[vector<16xi32>, vector<16xi32>], vector<16xf32>,
        %add3A_1201 = arith.constant 3 : i32
        %add3A_1202 = vector.broadcast %add3A_1201 : i32 to vector<16xi32>
        %add3A_1203 = arith.addi %broadcast_in_dim3A_5, %add3A_1202 : vector<16xi32>
        %add3A_1204 = arith.constant 7 : i32
        %add3A_1205 = vector.broadcast %add3A_1204 : i32 to vector<16xi32>
        %add3A_1206 = arith.addi %broadcast_in_dim3A_5, %add3A_1205 : vector<16xi32>
        %gather3A_1207 = tpu.vector_load_idx %arg7[%add3A_250, %add3A_1203, %add3A_1206, %select_n3A_797] masked %lt3A_785 : memref<2x4x8x1025xf32, #tpu.memory_space<vmem>>[vector<16xi32>, vector<16xi32>, vector<16xi32>, vector<16xi32>], vector<16xf32>, vector<16xi1>
        %add3A_1208 = arith.constant 16 : i32
        %add3A_1209 = vector.broadcast %add3A_1208 : i32 to vector<16xi32>
        %add3A_1210 = arith.addi %iota3A, %add3A_1209 : vector<16xi32>
        %add3A_1211 = arith.constant 31 : i32
        %add3A_1212 = vector.broadcast %add3A_1211 : i32 to vector<16xi32>
        %add3A_1213 = arith.addi %broadcast_in_dim3A_5, %add3A_1212 : vector<16xi32>
        tpu.vector_store_idx %arg8[%add3A_1210, %add3A_1213], %gather3A_1207 : memref<64x128xf32, #tpu.memory_space<vmem>>[vector<16xi32>, vector<16xi32>], vector<16xf32>,
        %and3A_1214 = arith.constant 16383 : i32
        %and3A_1215 = vector.broadcast %and3A_1214 : i32 to vector<16xi32>
        %and3A_1216 = arith.andi %get3A_789, %and3A_1215 : vector<16xi32>
        %add3A_1217 = vector.broadcast %add3A_781 : i32 to vector<16xi32>
        %add3A_1218 = arith.addi %add3A_1217, %iota3A : vector<16xi32>
        %jit3A_1219 = arith.constant 64 : i32
        %eq3A_1220 = arith.constant 0 : i32
        %eq3A_1221 = arith.cmpi eq, %jit3A_1219, %eq3A_1220 : i32
        %jit3A_1222 = arith.constant 1 : i32
        %select_n3A_1223 = arith.select %eq3A_1221, %jit3A_1222, %jit3A_1219 : i32
        %rem3A_1224 = vector.broadcast %select_n3A_1223 : i32 to vector<16xi32>
        %rem3A_1225 = arith.remsi %add3A_1218, %rem3A_1224 : vector<16xi32>
        %ne3A_1226 = arith.constant 0 : i32
        %ne3A_1227 = vector.broadcast %ne3A_1226 : i32 to vector<16xi32>
        %ne3A_1228 = arith.cmpi ne, %rem3A_1225, %ne3A_1227 : vector<16xi32>
        %lt3A_1229 = arith.constant 0 : i32
        %lt3A_1230 = vector.broadcast %lt3A_1229 : i32 to vector<16xi32>
        %lt3A_1231 = arith.cmpi slt, %rem3A_1225, %lt3A_1230 : vector<16xi32>
        %lt3A_1232 = arith.constant 0 : i32
        %lt3A_1233 = arith.cmpi slt, %select_n3A_1223, %lt3A_1232 : i32
        %ne3A_1234 = vector.broadcast %lt3A_1233 : i1 to vector<16xi1>
        %ne3A_1235 = vector.broadcast %ne3A_1234 : vector<16xi1> to vector<16xi1>
        %ne3A_1236 = arith.xori %lt3A_1231, %ne3A_1235 : vector<16xi1>
        %and3A_1237 = arith.andi %ne3A_1236, %ne3A_1228 : vector<16xi1>
        %add3A_1238 = vector.broadcast %select_n3A_1223 : i32 to vector<16xi32>
        %add3A_1239 = arith.addi %rem3A_1225, %add3A_1238 : vector<16xi32>
        %select_n3A_1240 = arith.select %and3A_1237, %add3A_1239, %rem3A_1225 : vector<16xi1>, vector<16xi32>
        %add3A_1241 = arith.constant 16384 : i32
        %add3A_1242 = vector.broadcast %add3A_1241 : i32 to vector<16xi32>
        %add3A_1243 = arith.addi %add3A_1242, %select_n3A_1240 : vector<16xi32>
        %select_n3A_1244 = arith.select %lt3A_785, %and3A_1216, %add3A_1243 : vector<16xi1>, vector<16xi32>
        %add3A_1245 = arith.constant 16 : i32
        %add3A_1246 = vector.broadcast %add3A_1245 : i32 to vector<16xi32>
        %add3A_1247 = arith.addi %iota3A, %add3A_1246 : vector<16xi32>
        tpu.vector_store_idx %arg9[%add3A_1247], %select_n3A_1244 masked %lt3A_785 : memref<64xi32, #tpu.memory_space<vmem>>[vector<16xi32>], vector<16xi32>, vector<16xi1>
        %add3A_1248 = arith.constant 32 : i32
        %add3A_1249 = arith.addi %mul3A_295, %add3A_1248 : i32
        %add3A_1250 = vector.broadcast %add3A_1249 : i32 to vector<16xi32>
        %add3A_1251 = arith.addi %add3A_1250, %iota3A : vector<16xi32>
        %lt3A_1252 = vector.broadcast %reduce_max3A_174 : i32 to vector<16xi32>
        %lt3A_1253 = arith.cmpi slt, %add3A_1251, %lt3A_1252 : vector<16xi32>
        %add3A_1254 = arith.constant 16384 : i32
        %add3A_1255 = arith.addi %add3A_1254, %add3A_1249 : i32
        %get3A_1256 = arith.index_cast %add3A_1255 : i32 to index
        %get3A_1257 = tpu.vector_load %arg6[%get3A_1256] {strides = array<i32>} : memref<32768xi32, #tpu.memory_space<vmem>>, vector<16xi32>,
        %shift_right_arithmetic3A_1258 = arith.constant 14 : i32
        %shift_right_arithmetic3A_1259 = vector.broadcast %shift_right_arithmetic3A_1258 : i32 to vector<16xi32>
        %shift_right_arithmetic3A_1260 = arith.shrsi %get3A_1257, %shift_right_arithmetic3A_1259 : vector<16xi32>
        %sub3A_1261 = vector.broadcast %sub3A_156 : i32 to vector<16xi32>
        %sub3A_1262 = arith.subi %shift_right_arithmetic3A_1260, %sub3A_1261 : vector<16xi32>
        %jit3A_1263 = arith.constant 0 : i32
        %broadcast_in_dim3A_1264 = vector.broadcast %jit3A_1263 : i32 to vector<16xi32>
        %select_n3A_1265 = arith.select %lt3A_1253, %sub3A_1262, %broadcast_in_dim3A_1264 : vector<16xi1>, vector<16xi32>
        %add3A_1266 = arith.constant 0 : i32
        %add3A_1267 = vector.broadcast %add3A_1266 : i32 to vector<16xi32>
        %add3A_1268 = arith.addi %broadcast_in_dim3A_5, %add3A_1267 : vector<16xi32>
        %add3A_1269 = arith.constant 0 : i32
        %add3A_1270 = vector.broadcast %add3A_1269 : i32 to vector<16xi32>
        %add3A_1271 = arith.addi %broadcast_in_dim3A_5, %add3A_1270 : vector<16xi32>
        %gather3A_1272 = tpu.vector_load_idx %arg7[%add3A_250, %add3A_1268, %add3A_1271, %select_n3A_1265] masked %lt3A_1253 : memref<2x4x8x1025xf32, #tpu.memory_space<vmem>>[vector<16xi32>, vector<16xi32>, vector<16xi32>, vector<16xi32>], vector<16xf32>, vector<16xi1>
        %add3A_1273 = arith.constant 32 : i32
        %add3A_1274 = vector.broadcast %add3A_1273 : i32 to vector<16xi32>
        %add3A_1275 = arith.addi %iota3A, %add3A_1274 : vector<16xi32>
        %add3A_1276 = arith.constant 0 : i32
        %add3A_1277 = vector.broadcast %add3A_1276 : i32 to vector<16xi32>
        %add3A_1278 = arith.addi %broadcast_in_dim3A_5, %add3A_1277 : vector<16xi32>
        tpu.vector_store_idx %arg8[%add3A_1275, %add3A_1278], %gather3A_1272 : memref<64x128xf32, #tpu.memory_space<vmem>>[vector<16xi32>, vector<16xi32>], vector<16xf32>,
        %add3A_1279 = arith.constant 0 : i32
        %add3A_1280 = vector.broadcast %add3A_1279 : i32 to vector<16xi32>
        %add3A_1281 = arith.addi %broadcast_in_dim3A_5, %add3A_1280 : vector<16xi32>
        %add3A_1282 = arith.constant 1 : i32
        %add3A_1283 = vector.broadcast %add3A_1282 : i32 to vector<16xi32>
        %add3A_1284 = arith.addi %broadcast_in_dim3A_5, %add3A_1283 : vector<16xi32>
        %gather3A_1285 = tpu.vector_load_idx %arg7[%add3A_250, %add3A_1281, %add3A_1284, %select_n3A_1265] masked %lt3A_1253 : memref<2x4x8x1025xf32, #tpu.memory_space<vmem>>[vector<16xi32>, vector<16xi32>, vector<16xi32>, vector<16xi32>], vector<16xf32>, vector<16xi1>
        %add3A_1286 = arith.constant 32 : i32
        %add3A_1287 = vector.broadcast %add3A_1286 : i32 to vector<16xi32>
        %add3A_1288 = arith.addi %iota3A, %add3A_1287 : vector<16xi32>
        %add3A_1289 = arith.constant 1 : i32
        %add3A_1290 = vector.broadcast %add3A_1289 : i32 to vector<16xi32>
        %add3A_1291 = arith.addi %broadcast_in_dim3A_5, %add3A_1290 : vector<16xi32>
        tpu.vector_store_idx %arg8[%add3A_1288, %add3A_1291], %gather3A_1285 : memref<64x128xf32, #tpu.memory_space<vmem>>[vector<16xi32>, vector<16xi32>], vector<16xf32>,
        %add3A_1292 = arith.constant 0 : i32
        %add3A_1293 = vector.broadcast %add3A_1292 : i32 to vector<16xi32>
        %add3A_1294 = arith.addi %broadcast_in_dim3A_5, %add3A_1293 : vector<16xi32>
        %add3A_1295 = arith.constant 2 : i32
        %add3A_1296 = vector.broadcast %add3A_1295 : i32 to vector<16xi32>
        %add3A_1297 = arith.addi %broadcast_in_dim3A_5, %add3A_1296 : vector<16xi32>
        %gather3A_1298 = tpu.vector_load_idx %arg7[%add3A_250, %add3A_1294, %add3A_1297, %select_n3A_1265] masked %lt3A_1253 : memref<2x4x8x1025xf32, #tpu.memory_space<vmem>>[vector<16xi32>, vector<16xi32>, vector<16xi32>, vector<16xi32>], vector<16xf32>, vector<16xi1>
        %add3A_1299 = arith.constant 32 : i32
        %add3A_1300 = vector.broadcast %add3A_1299 : i32 to vector<16xi32>
        %add3A_1301 = arith.addi %iota3A, %add3A_1300 : vector<16xi32>
        %add3A_1302 = arith.constant 2 : i32
        %add3A_1303 = vector.broadcast %add3A_1302 : i32 to vector<16xi32>
        %add3A_1304 = arith.addi %broadcast_in_dim3A_5, %add3A_1303 : vector<16xi32>
        tpu.vector_store_idx %arg8[%add3A_1301, %add3A_1304], %gather3A_1298 : memref<64x128xf32, #tpu.memory_space<vmem>>[vector<16xi32>, vector<16xi32>], vector<16xf32>,
        %add3A_1305 = arith.constant 0 : i32
        %add3A_1306 = vector.broadcast %add3A_1305 : i32 to vector<16xi32>
        %add3A_1307 = arith.addi %broadcast_in_dim3A_5, %add3A_1306 : vector<16xi32>
        %add3A_1308 = arith.constant 3 : i32
        %add3A_1309 = vector.broadcast %add3A_1308 : i32 to vector<16xi32>
        %add3A_1310 = arith.addi %broadcast_in_dim3A_5, %add3A_1309 : vector<16xi32>
        %gather3A_1311 = tpu.vector_load_idx %arg7[%add3A_250, %add3A_1307, %add3A_1310, %select_n3A_1265] masked %lt3A_1253 : memref<2x4x8x1025xf32, #tpu.memory_space<vmem>>[vector<16xi32>, vector<16xi32>, vector<16xi32>, vector<16xi32>], vector<16xf32>, vector<16xi1>
        %add3A_1312 = arith.constant 32 : i32
        %add3A_1313 = vector.broadcast %add3A_1312 : i32 to vector<16xi32>
        %add3A_1314 = arith.addi %iota3A, %add3A_1313 : vector<16xi32>
        %add3A_1315 = arith.constant 3 : i32
        %add3A_1316 = vector.broadcast %add3A_1315 : i32 to vector<16xi32>
        %add3A_1317 = arith.addi %broadcast_in_dim3A_5, %add3A_1316 : vector<16xi32>
        tpu.vector_store_idx %arg8[%add3A_1314, %add3A_1317], %gather3A_1311 : memref<64x128xf32, #tpu.memory_space<vmem>>[vector<16xi32>, vector<16xi32>], vector<16xf32>,
        %add3A_1318 = arith.constant 0 : i32
        %add3A_1319 = vector.broadcast %add3A_1318 : i32 to vector<16xi32>
        %add3A_1320 = arith.addi %broadcast_in_dim3A_5, %add3A_1319 : vector<16xi32>
        %add3A_1321 = arith.constant 4 : i32
        %add3A_1322 = vector.broadcast %add3A_1321 : i32 to vector<16xi32>
        %add3A_1323 = arith.addi %broadcast_in_dim3A_5, %add3A_1322 : vector<16xi32>
        %gather3A_1324 = tpu.vector_load_idx %arg7[%add3A_250, %add3A_1320, %add3A_1323, %select_n3A_1265] masked %lt3A_1253 : memref<2x4x8x1025xf32, #tpu.memory_space<vmem>>[vector<16xi32>, vector<16xi32>, vector<16xi32>, vector<16xi32>], vector<16xf32>, vector<16xi1>
        %add3A_1325 = arith.constant 32 : i32
        %add3A_1326 = vector.broadcast %add3A_1325 : i32 to vector<16xi32>
        %add3A_1327 = arith.addi %iota3A, %add3A_1326 : vector<16xi32>
        %add3A_1328 = arith.constant 4 : i32
        %add3A_1329 = vector.broadcast %add3A_1328 : i32 to vector<16xi32>
        %add3A_1330 = arith.addi %broadcast_in_dim3A_5, %add3A_1329 : vector<16xi32>
        tpu.vector_store_idx %arg8[%add3A_1327, %add3A_1330], %gather3A_1324 : memref<64x128xf32, #tpu.memory_space<vmem>>[vector<16xi32>, vector<16xi32>], vector<16xf32>,
        %add3A_1331 = arith.constant 0 : i32
        %add3A_1332 = vector.broadcast %add3A_1331 : i32 to vector<16xi32>
        %add3A_1333 = arith.addi %broadcast_in_dim3A_5, %add3A_1332 : vector<16xi32>
        %add3A_1334 = arith.constant 5 : i32
        %add3A_1335 = vector.broadcast %add3A_1334 : i32 to vector<16xi32>
        %add3A_1336 = arith.addi %broadcast_in_dim3A_5, %add3A_1335 : vector<16xi32>
        %gather3A_1337 = tpu.vector_load_idx %arg7[%add3A_250, %add3A_1333, %add3A_1336, %select_n3A_1265] masked %lt3A_1253 : memref<2x4x8x1025xf32, #tpu.memory_space<vmem>>[vector<16xi32>, vector<16xi32>, vector<16xi32>, vector<16xi32>], vector<16xf32>, vector<16xi1>
        %add3A_1338 = arith.constant 32 : i32
        %add3A_1339 = vector.broadcast %add3A_1338 : i32 to vector<16xi32>
        %add3A_1340 = arith.addi %iota3A, %add3A_1339 : vector<16xi32>
        %add3A_1341 = arith.constant 5 : i32
        %add3A_1342 = vector.broadcast %add3A_1341 : i32 to vector<16xi32>
        %add3A_1343 = arith.addi %broadcast_in_dim3A_5, %add3A_1342 : vector<16xi32>
        tpu.vector_store_idx %arg8[%add3A_1340, %add3A_1343], %gather3A_1337 : memref<64x128xf32, #tpu.memory_space<vmem>>[vector<16xi32>, vector<16xi32>], vector<16xf32>,
        %add3A_1344 = arith.constant 0 : i32
        %add3A_1345 = vector.broadcast %add3A_1344 : i32 to vector<16xi32>
        %add3A_1346 = arith.addi %broadcast_in_dim3A_5, %add3A_1345 : vector<16xi32>
        %add3A_1347 = arith.constant 6 : i32
        %add3A_1348 = vector.broadcast %add3A_1347 : i32 to vector<16xi32>
        %add3A_1349 = arith.addi %broadcast_in_dim3A_5, %add3A_1348 : vector<16xi32>
        %gather3A_1350 = tpu.vector_load_idx %arg7[%add3A_250, %add3A_1346, %add3A_1349, %select_n3A_1265] masked %lt3A_1253 : memref<2x4x8x1025xf32, #tpu.memory_space<vmem>>[vector<16xi32>, vector<16xi32>, vector<16xi32>, vector<16xi32>], vector<16xf32>, vector<16xi1>
        %add3A_1351 = arith.constant 32 : i32
        %add3A_1352 = vector.broadcast %add3A_1351 : i32 to vector<16xi32>
        %add3A_1353 = arith.addi %iota3A, %add3A_1352 : vector<16xi32>
        %add3A_1354 = arith.constant 6 : i32
        %add3A_1355 = vector.broadcast %add3A_1354 : i32 to vector<16xi32>
        %add3A_1356 = arith.addi %broadcast_in_dim3A_5, %add3A_1355 : vector<16xi32>
        tpu.vector_store_idx %arg8[%add3A_1353, %add3A_1356], %gather3A_1350 : memref<64x128xf32, #tpu.memory_space<vmem>>[vector<16xi32>, vector<16xi32>], vector<16xf32>,
        %add3A_1357 = arith.constant 0 : i32
        %add3A_1358 = vector.broadcast %add3A_1357 : i32 to vector<16xi32>
        %add3A_1359 = arith.addi %broadcast_in_dim3A_5, %add3A_1358 : vector<16xi32>
        %add3A_1360 = arith.constant 7 : i32
        %add3A_1361 = vector.broadcast %add3A_1360 : i32 to vector<16xi32>
        %add3A_1362 = arith.addi %broadcast_in_dim3A_5, %add3A_1361 : vector<16xi32>
        %gather3A_1363 = tpu.vector_load_idx %arg7[%add3A_250, %add3A_1359, %add3A_1362, %select_n3A_1265] masked %lt3A_1253 : memref<2x4x8x1025xf32, #tpu.memory_space<vmem>>[vector<16xi32>, vector<16xi32>, vector<16xi32>, vector<16xi32>], vector<16xf32>, vector<16xi1>
        %add3A_1364 = arith.constant 32 : i32
        %add3A_1365 = vector.broadcast %add3A_1364 : i32 to vector<16xi32>
        %add3A_1366 = arith.addi %iota3A, %add3A_1365 : vector<16xi32>
        %add3A_1367 = arith.constant 7 : i32
        %add3A_1368 = vector.broadcast %add3A_1367 : i32 to vector<16xi32>
        %add3A_1369 = arith.addi %broadcast_in_dim3A_5, %add3A_1368 : vector<16xi32>
        tpu.vector_store_idx %arg8[%add3A_1366, %add3A_1369], %gather3A_1363 : memref<64x128xf32, #tpu.memory_space<vmem>>[vector<16xi32>, vector<16xi32>], vector<16xf32>,
        %add3A_1370 = arith.constant 1 : i32
        %add3A_1371 = vector.broadcast %add3A_1370 : i32 to vector<16xi32>
        %add3A_1372 = arith.addi %broadcast_in_dim3A_5, %add3A_1371 : vector<16xi32>
        %add3A_1373 = arith.constant 0 : i32
        %add3A_1374 = vector.broadcast %add3A_1373 : i32 to vector<16xi32>
        %add3A_1375 = arith.addi %broadcast_in_dim3A_5, %add3A_1374 : vector<16xi32>
        %gather3A_1376 = tpu.vector_load_idx %arg7[%add3A_250, %add3A_1372, %add3A_1375, %select_n3A_1265] masked %lt3A_1253 : memref<2x4x8x1025xf32, #tpu.memory_space<vmem>>[vector<16xi32>, vector<16xi32>, vector<16xi32>, vector<16xi32>], vector<16xf32>, vector<16xi1>
        %add3A_1377 = arith.constant 32 : i32
        %add3A_1378 = vector.broadcast %add3A_1377 : i32 to vector<16xi32>
        %add3A_1379 = arith.addi %iota3A, %add3A_1378 : vector<16xi32>
        %add3A_1380 = arith.constant 8 : i32
        %add3A_1381 = vector.broadcast %add3A_1380 : i32 to vector<16xi32>
        %add3A_1382 = arith.addi %broadcast_in_dim3A_5, %add3A_1381 : vector<16xi32>
        tpu.vector_store_idx %arg8[%add3A_1379, %add3A_1382], %gather3A_1376 : memref<64x128xf32, #tpu.memory_space<vmem>>[vector<16xi32>, vector<16xi32>], vector<16xf32>,
        %add3A_1383 = arith.constant 1 : i32
        %add3A_1384 = vector.broadcast %add3A_1383 : i32 to vector<16xi32>
        %add3A_1385 = arith.addi %broadcast_in_dim3A_5, %add3A_1384 : vector<16xi32>
        %add3A_1386 = arith.constant 1 : i32
        %add3A_1387 = vector.broadcast %add3A_1386 : i32 to vector<16xi32>
        %add3A_1388 = arith.addi %broadcast_in_dim3A_5, %add3A_1387 : vector<16xi32>
        %gather3A_1389 = tpu.vector_load_idx %arg7[%add3A_250, %add3A_1385, %add3A_1388, %select_n3A_1265] masked %lt3A_1253 : memref<2x4x8x1025xf32, #tpu.memory_space<vmem>>[vector<16xi32>, vector<16xi32>, vector<16xi32>, vector<16xi32>], vector<16xf32>, vector<16xi1>
        %add3A_1390 = arith.constant 32 : i32
        %add3A_1391 = vector.broadcast %add3A_1390 : i32 to vector<16xi32>
        %add3A_1392 = arith.addi %iota3A, %add3A_1391 : vector<16xi32>
        %add3A_1393 = arith.constant 9 : i32
        %add3A_1394 = vector.broadcast %add3A_1393 : i32 to vector<16xi32>
        %add3A_1395 = arith.addi %broadcast_in_dim3A_5, %add3A_1394 : vector<16xi32>
        tpu.vector_store_idx %arg8[%add3A_1392, %add3A_1395], %gather3A_1389 : memref<64x128xf32, #tpu.memory_space<vmem>>[vector<16xi32>, vector<16xi32>], vector<16xf32>,
        %add3A_1396 = arith.constant 1 : i32
        %add3A_1397 = vector.broadcast %add3A_1396 : i32 to vector<16xi32>
        %add3A_1398 = arith.addi %broadcast_in_dim3A_5, %add3A_1397 : vector<16xi32>
        %add3A_1399 = arith.constant 2 : i32
        %add3A_1400 = vector.broadcast %add3A_1399 : i32 to vector<16xi32>
        %add3A_1401 = arith.addi %broadcast_in_dim3A_5, %add3A_1400 : vector<16xi32>
        %gather3A_1402 = tpu.vector_load_idx %arg7[%add3A_250, %add3A_1398, %add3A_1401, %select_n3A_1265] masked %lt3A_1253 : memref<2x4x8x1025xf32, #tpu.memory_space<vmem>>[vector<16xi32>, vector<16xi32>, vector<16xi32>, vector<16xi32>], vector<16xf32>, vector<16xi1>
        %add3A_1403 = arith.constant 32 : i32
        %add3A_1404 = vector.broadcast %add3A_1403 : i32 to vector<16xi32>
        %add3A_1405 = arith.addi %iota3A, %add3A_1404 : vector<16xi32>
        %add3A_1406 = arith.constant 10 : i32
        %add3A_1407 = vector.broadcast %add3A_1406 : i32 to vector<16xi32>
        %add3A_1408 = arith.addi %broadcast_in_dim3A_5, %add3A_1407 : vector<16xi32>
        tpu.vector_store_idx %arg8[%add3A_1405, %add3A_1408], %gather3A_1402 : memref<64x128xf32, #tpu.memory_space<vmem>>[vector<16xi32>, vector<16xi32>], vector<16xf32>,
        %add3A_1409 = arith.constant 1 : i32
        %add3A_1410 = vector.broadcast %add3A_1409 : i32 to vector<16xi32>
        %add3A_1411 = arith.addi %broadcast_in_dim3A_5, %add3A_1410 : vector<16xi32>
        %add3A_1412 = arith.constant 3 : i32
        %add3A_1413 = vector.broadcast %add3A_1412 : i32 to vector<16xi32>
        %add3A_1414 = arith.addi %broadcast_in_dim3A_5, %add3A_1413 : vector<16xi32>
        %gather3A_1415 = tpu.vector_load_idx %arg7[%add3A_250, %add3A_1411, %add3A_1414, %select_n3A_1265] masked %lt3A_1253 : memref<2x4x8x1025xf32, #tpu.memory_space<vmem>>[vector<16xi32>, vector<16xi32>, vector<16xi32>, vector<16xi32>], vector<16xf32>, vector<16xi1>
        %add3A_1416 = arith.constant 32 : i32
        %add3A_1417 = vector.broadcast %add3A_1416 : i32 to vector<16xi32>
        %add3A_1418 = arith.addi %iota3A, %add3A_1417 : vector<16xi32>
        %add3A_1419 = arith.constant 11 : i32
        %add3A_1420 = vector.broadcast %add3A_1419 : i32 to vector<16xi32>
        %add3A_1421 = arith.addi %broadcast_in_dim3A_5, %add3A_1420 : vector<16xi32>
        tpu.vector_store_idx %arg8[%add3A_1418, %add3A_1421], %gather3A_1415 : memref<64x128xf32, #tpu.memory_space<vmem>>[vector<16xi32>, vector<16xi32>], vector<16xf32>,
        %add3A_1422 = arith.constant 1 : i32
        %add3A_1423 = vector.broadcast %add3A_1422 : i32 to vector<16xi32>
        %add3A_1424 = arith.addi %broadcast_in_dim3A_5, %add3A_1423 : vector<16xi32>
        %add3A_1425 = arith.constant 4 : i32
        %add3A_1426 = vector.broadcast %add3A_1425 : i32 to vector<16xi32>
        %add3A_1427 = arith.addi %broadcast_in_dim3A_5, %add3A_1426 : vector<16xi32>
        %gather3A_1428 = tpu.vector_load_idx %arg7[%add3A_250, %add3A_1424, %add3A_1427, %select_n3A_1265] masked %lt3A_1253 : memref<2x4x8x1025xf32, #tpu.memory_space<vmem>>[vector<16xi32>, vector<16xi32>, vector<16xi32>, vector<16xi32>], vector<16xf32>, vector<16xi1>
        %add3A_1429 = arith.constant 32 : i32
        %add3A_1430 = vector.broadcast %add3A_1429 : i32 to vector<16xi32>
        %add3A_1431 = arith.addi %iota3A, %add3A_1430 : vector<16xi32>
        %add3A_1432 = arith.constant 12 : i32
        %add3A_1433 = vector.broadcast %add3A_1432 : i32 to vector<16xi32>
        %add3A_1434 = arith.addi %broadcast_in_dim3A_5, %add3A_1433 : vector<16xi32>
        tpu.vector_store_idx %arg8[%add3A_1431, %add3A_1434], %gather3A_1428 : memref<64x128xf32, #tpu.memory_space<vmem>>[vector<16xi32>, vector<16xi32>], vector<16xf32>,
        %add3A_1435 = arith.constant 1 : i32
        %add3A_1436 = vector.broadcast %add3A_1435 : i32 to vector<16xi32>
        %add3A_1437 = arith.addi %broadcast_in_dim3A_5, %add3A_1436 : vector<16xi32>
        %add3A_1438 = arith.constant 5 : i32
        %add3A_1439 = vector.broadcast %add3A_1438 : i32 to vector<16xi32>
        %add3A_1440 = arith.addi %broadcast_in_dim3A_5, %add3A_1439 : vector<16xi32>
        %gather3A_1441 = tpu.vector_load_idx %arg7[%add3A_250, %add3A_1437, %add3A_1440, %select_n3A_1265] masked %lt3A_1253 : memref<2x4x8x1025xf32, #tpu.memory_space<vmem>>[vector<16xi32>, vector<16xi32>, vector<16xi32>, vector<16xi32>], vector<16xf32>, vector<16xi1>
        %add3A_1442 = arith.constant 32 : i32
        %add3A_1443 = vector.broadcast %add3A_1442 : i32 to vector<16xi32>
        %add3A_1444 = arith.addi %iota3A, %add3A_1443 : vector<16xi32>
        %add3A_1445 = arith.constant 13 : i32
        %add3A_1446 = vector.broadcast %add3A_1445 : i32 to vector<16xi32>
        %add3A_1447 = arith.addi %broadcast_in_dim3A_5, %add3A_1446 : vector<16xi32>
        tpu.vector_store_idx %arg8[%add3A_1444, %add3A_1447], %gather3A_1441 : memref<64x128xf32, #tpu.memory_space<vmem>>[vector<16xi32>, vector<16xi32>], vector<16xf32>,
        %add3A_1448 = arith.constant 1 : i32
        %add3A_1449 = vector.broadcast %add3A_1448 : i32 to vector<16xi32>
        %add3A_1450 = arith.addi %broadcast_in_dim3A_5, %add3A_1449 : vector<16xi32>
        %add3A_1451 = arith.constant 6 : i32
        %add3A_1452 = vector.broadcast %add3A_1451 : i32 to vector<16xi32>
        %add3A_1453 = arith.addi %broadcast_in_dim3A_5, %add3A_1452 : vector<16xi32>
        %gather3A_1454 = tpu.vector_load_idx %arg7[%add3A_250, %add3A_1450, %add3A_1453, %select_n3A_1265] masked %lt3A_1253 : memref<2x4x8x1025xf32, #tpu.memory_space<vmem>>[vector<16xi32>, vector<16xi32>, vector<16xi32>, vector<16xi32>], vector<16xf32>, vector<16xi1>
        %add3A_1455 = arith.constant 32 : i32
        %add3A_1456 = vector.broadcast %add3A_1455 : i32 to vector<16xi32>
        %add3A_1457 = arith.addi %iota3A, %add3A_1456 : vector<16xi32>
        %add3A_1458 = arith.constant 14 : i32
        %add3A_1459 = vector.broadcast %add3A_1458 : i32 to vector<16xi32>
        %add3A_1460 = arith.addi %broadcast_in_dim3A_5, %add3A_1459 : vector<16xi32>
        tpu.vector_store_idx %arg8[%add3A_1457, %add3A_1460], %gather3A_1454 : memref<64x128xf32, #tpu.memory_space<vmem>>[vector<16xi32>, vector<16xi32>], vector<16xf32>,
        %add3A_1461 = arith.constant 1 : i32
        %add3A_1462 = vector.broadcast %add3A_1461 : i32 to vector<16xi32>
        %add3A_1463 = arith.addi %broadcast_in_dim3A_5, %add3A_1462 : vector<16xi32>
        %add3A_1464 = arith.constant 7 : i32
        %add3A_1465 = vector.broadcast %add3A_1464 : i32 to vector<16xi32>
        %add3A_1466 = arith.addi %broadcast_in_dim3A_5, %add3A_1465 : vector<16xi32>
        %gather3A_1467 = tpu.vector_load_idx %arg7[%add3A_250, %add3A_1463, %add3A_1466, %select_n3A_1265] masked %lt3A_1253 : memref<2x4x8x1025xf32, #tpu.memory_space<vmem>>[vector<16xi32>, vector<16xi32>, vector<16xi32>, vector<16xi32>], vector<16xf32>, vector<16xi1>
        %add3A_1468 = arith.constant 32 : i32
        %add3A_1469 = vector.broadcast %add3A_1468 : i32 to vector<16xi32>
        %add3A_1470 = arith.addi %iota3A, %add3A_1469 : vector<16xi32>
        %add3A_1471 = arith.constant 15 : i32
        %add3A_1472 = vector.broadcast %add3A_1471 : i32 to vector<16xi32>
        %add3A_1473 = arith.addi %broadcast_in_dim3A_5, %add3A_1472 : vector<16xi32>
        tpu.vector_store_idx %arg8[%add3A_1470, %add3A_1473], %gather3A_1467 : memref<64x128xf32, #tpu.memory_space<vmem>>[vector<16xi32>, vector<16xi32>], vector<16xf32>,
        %add3A_1474 = arith.constant 2 : i32
        %add3A_1475 = vector.broadcast %add3A_1474 : i32 to vector<16xi32>
        %add3A_1476 = arith.addi %broadcast_in_dim3A_5, %add3A_1475 : vector<16xi32>
        %add3A_1477 = arith.constant 0 : i32
        %add3A_1478 = vector.broadcast %add3A_1477 : i32 to vector<16xi32>
        %add3A_1479 = arith.addi %broadcast_in_dim3A_5, %add3A_1478 : vector<16xi32>
        %gather3A_1480 = tpu.vector_load_idx %arg7[%add3A_250, %add3A_1476, %add3A_1479, %select_n3A_1265] masked %lt3A_1253 : memref<2x4x8x1025xf32, #tpu.memory_space<vmem>>[vector<16xi32>, vector<16xi32>, vector<16xi32>, vector<16xi32>], vector<16xf32>, vector<16xi1>
        %add3A_1481 = arith.constant 32 : i32
        %add3A_1482 = vector.broadcast %add3A_1481 : i32 to vector<16xi32>
        %add3A_1483 = arith.addi %iota3A, %add3A_1482 : vector<16xi32>
        %add3A_1484 = arith.constant 16 : i32
        %add3A_1485 = vector.broadcast %add3A_1484 : i32 to vector<16xi32>
        %add3A_1486 = arith.addi %broadcast_in_dim3A_5, %add3A_1485 : vector<16xi32>
        tpu.vector_store_idx %arg8[%add3A_1483, %add3A_1486], %gather3A_1480 : memref<64x128xf32, #tpu.memory_space<vmem>>[vector<16xi32>, vector<16xi32>], vector<16xf32>,
        %add3A_1487 = arith.constant 2 : i32
        %add3A_1488 = vector.broadcast %add3A_1487 : i32 to vector<16xi32>
        %add3A_1489 = arith.addi %broadcast_in_dim3A_5, %add3A_1488 : vector<16xi32>
        %add3A_1490 = arith.constant 1 : i32
        %add3A_1491 = vector.broadcast %add3A_1490 : i32 to vector<16xi32>
        %add3A_1492 = arith.addi %broadcast_in_dim3A_5, %add3A_1491 : vector<16xi32>
        %gather3A_1493 = tpu.vector_load_idx %arg7[%add3A_250, %add3A_1489, %add3A_1492, %select_n3A_1265] masked %lt3A_1253 : memref<2x4x8x1025xf32, #tpu.memory_space<vmem>>[vector<16xi32>, vector<16xi32>, vector<16xi32>, vector<16xi32>], vector<16xf32>, vector<16xi1>
        %add3A_1494 = arith.constant 32 : i32
        %add3A_1495 = vector.broadcast %add3A_1494 : i32 to vector<16xi32>
        %add3A_1496 = arith.addi %iota3A, %add3A_1495 : vector<16xi32>
        %add3A_1497 = arith.constant 17 : i32
        %add3A_1498 = vector.broadcast %add3A_1497 : i32 to vector<16xi32>
        %add3A_1499 = arith.addi %broadcast_in_dim3A_5, %add3A_1498 : vector<16xi32>
        tpu.vector_store_idx %arg8[%add3A_1496, %add3A_1499], %gather3A_1493 : memref<64x128xf32, #tpu.memory_space<vmem>>[vector<16xi32>, vector<16xi32>], vector<16xf32>,
        %add3A_1500 = arith.constant 2 : i32
        %add3A_1501 = vector.broadcast %add3A_1500 : i32 to vector<16xi32>
        %add3A_1502 = arith.addi %broadcast_in_dim3A_5, %add3A_1501 : vector<16xi32>
        %add3A_1503 = arith.constant 2 : i32
        %add3A_1504 = vector.broadcast %add3A_1503 : i32 to vector<16xi32>
        %add3A_1505 = arith.addi %broadcast_in_dim3A_5, %add3A_1504 : vector<16xi32>
        %gather3A_1506 = tpu.vector_load_idx %arg7[%add3A_250, %add3A_1502, %add3A_1505, %select_n3A_1265] masked %lt3A_1253 : memref<2x4x8x1025xf32, #tpu.memory_space<vmem>>[vector<16xi32>, vector<16xi32>, vector<16xi32>, vector<16xi32>], vector<16xf32>, vector<16xi1>
        %add3A_1507 = arith.constant 32 : i32
        %add3A_1508 = vector.broadcast %add3A_1507 : i32 to vector<16xi32>
        %add3A_1509 = arith.addi %iota3A, %add3A_1508 : vector<16xi32>
        %add3A_1510 = arith.constant 18 : i32
        %add3A_1511 = vector.broadcast %add3A_1510 : i32 to vector<16xi32>
        %add3A_1512 = arith.addi %broadcast_in_dim3A_5, %add3A_1511 : vector<16xi32>
        tpu.vector_store_idx %arg8[%add3A_1509, %add3A_1512], %gather3A_1506 : memref<64x128xf32, #tpu.memory_space<vmem>>[vector<16xi32>, vector<16xi32>], vector<16xf32>,
        %add3A_1513 = arith.constant 2 : i32
        %add3A_1514 = vector.broadcast %add3A_1513 : i32 to vector<16xi32>
        %add3A_1515 = arith.addi %broadcast_in_dim3A_5, %add3A_1514 : vector<16xi32>
        %add3A_1516 = arith.constant 3 : i32
        %add3A_1517 = vector.broadcast %add3A_1516 : i32 to vector<16xi32>
        %add3A_1518 = arith.addi %broadcast_in_dim3A_5, %add3A_1517 : vector<16xi32>
        %gather3A_1519 = tpu.vector_load_idx %arg7[%add3A_250, %add3A_1515, %add3A_1518, %select_n3A_1265] masked %lt3A_1253 : memref<2x4x8x1025xf32, #tpu.memory_space<vmem>>[vector<16xi32>, vector<16xi32>, vector<16xi32>, vector<16xi32>], vector<16xf32>, vector<16xi1>
        %add3A_1520 = arith.constant 32 : i32
        %add3A_1521 = vector.broadcast %add3A_1520 : i32 to vector<16xi32>
        %add3A_1522 = arith.addi %iota3A, %add3A_1521 : vector<16xi32>
        %add3A_1523 = arith.constant 19 : i32
        %add3A_1524 = vector.broadcast %add3A_1523 : i32 to vector<16xi32>
        %add3A_1525 = arith.addi %broadcast_in_dim3A_5, %add3A_1524 : vector<16xi32>
        tpu.vector_store_idx %arg8[%add3A_1522, %add3A_1525], %gather3A_1519 : memref<64x128xf32, #tpu.memory_space<vmem>>[vector<16xi32>, vector<16xi32>], vector<16xf32>,
        %add3A_1526 = arith.constant 2 : i32
        %add3A_1527 = vector.broadcast %add3A_1526 : i32 to vector<16xi32>
        %add3A_1528 = arith.addi %broadcast_in_dim3A_5, %add3A_1527 : vector<16xi32>
        %add3A_1529 = arith.constant 4 : i32
        %add3A_1530 = vector.broadcast %add3A_1529 : i32 to vector<16xi32>
        %add3A_1531 = arith.addi %broadcast_in_dim3A_5, %add3A_1530 : vector<16xi32>
        %gather3A_1532 = tpu.vector_load_idx %arg7[%add3A_250, %add3A_1528, %add3A_1531, %select_n3A_1265] masked %lt3A_1253 : memref<2x4x8x1025xf32, #tpu.memory_space<vmem>>[vector<16xi32>, vector<16xi32>, vector<16xi32>, vector<16xi32>], vector<16xf32>, vector<16xi1>
        %add3A_1533 = arith.constant 32 : i32
        %add3A_1534 = vector.broadcast %add3A_1533 : i32 to vector<16xi32>
        %add3A_1535 = arith.addi %iota3A, %add3A_1534 : vector<16xi32>
        %add3A_1536 = arith.constant 20 : i32
        %add3A_1537 = vector.broadcast %add3A_1536 : i32 to vector<16xi32>
        %add3A_1538 = arith.addi %broadcast_in_dim3A_5, %add3A_1537 : vector<16xi32>
        tpu.vector_store_idx %arg8[%add3A_1535, %add3A_1538], %gather3A_1532 : memref<64x128xf32, #tpu.memory_space<vmem>>[vector<16xi32>, vector<16xi32>], vector<16xf32>,
        %add3A_1539 = arith.constant 2 : i32
        %add3A_1540 = vector.broadcast %add3A_1539 : i32 to vector<16xi32>
        %add3A_1541 = arith.addi %broadcast_in_dim3A_5, %add3A_1540 : vector<16xi32>
        %add3A_1542 = arith.constant 5 : i32
        %add3A_1543 = vector.broadcast %add3A_1542 : i32 to vector<16xi32>
        %add3A_1544 = arith.addi %broadcast_in_dim3A_5, %add3A_1543 : vector<16xi32>
        %gather3A_1545 = tpu.vector_load_idx %arg7[%add3A_250, %add3A_1541, %add3A_1544, %select_n3A_1265] masked %lt3A_1253 : memref<2x4x8x1025xf32, #tpu.memory_space<vmem>>[vector<16xi32>, vector<16xi32>, vector<16xi32>, vector<16xi32>], vector<16xf32>, vector<16xi1>
        %add3A_1546 = arith.constant 32 : i32
        %add3A_1547 = vector.broadcast %add3A_1546 : i32 to vector<16xi32>
        %add3A_1548 = arith.addi %iota3A, %add3A_1547 : vector<16xi32>
        %add3A_1549 = arith.constant 21 : i32
        %add3A_1550 = vector.broadcast %add3A_1549 : i32 to vector<16xi32>
        %add3A_1551 = arith.addi %broadcast_in_dim3A_5, %add3A_1550 : vector<16xi32>
        tpu.vector_store_idx %arg8[%add3A_1548, %add3A_1551], %gather3A_1545 : memref<64x128xf32, #tpu.memory_space<vmem>>[vector<16xi32>, vector<16xi32>], vector<16xf32>,
        %add3A_1552 = arith.constant 2 : i32
        %add3A_1553 = vector.broadcast %add3A_1552 : i32 to vector<16xi32>
        %add3A_1554 = arith.addi %broadcast_in_dim3A_5, %add3A_1553 : vector<16xi32>
        %add3A_1555 = arith.constant 6 : i32
        %add3A_1556 = vector.broadcast %add3A_1555 : i32 to vector<16xi32>
        %add3A_1557 = arith.addi %broadcast_in_dim3A_5, %add3A_1556 : vector<16xi32>
        %gather3A_1558 = tpu.vector_load_idx %arg7[%add3A_250, %add3A_1554, %add3A_1557, %select_n3A_1265] masked %lt3A_1253 : memref<2x4x8x1025xf32, #tpu.memory_space<vmem>>[vector<16xi32>, vector<16xi32>, vector<16xi32>, vector<16xi32>], vector<16xf32>, vector<16xi1>
        %add3A_1559 = arith.constant 32 : i32
        %add3A_1560 = vector.broadcast %add3A_1559 : i32 to vector<16xi32>
        %add3A_1561 = arith.addi %iota3A, %add3A_1560 : vector<16xi32>
        %add3A_1562 = arith.constant 22 : i32
        %add3A_1563 = vector.broadcast %add3A_1562 : i32 to vector<16xi32>
        %add3A_1564 = arith.addi %broadcast_in_dim3A_5, %add3A_1563 : vector<16xi32>
        tpu.vector_store_idx %arg8[%add3A_1561, %add3A_1564], %gather3A_1558 : memref<64x128xf32, #tpu.memory_space<vmem>>[vector<16xi32>, vector<16xi32>], vector<16xf32>,
        %add3A_1565 = arith.constant 2 : i32
        %add3A_1566 = vector.broadcast %add3A_1565 : i32 to vector<16xi32>
        %add3A_1567 = arith.addi %broadcast_in_dim3A_5, %add3A_1566 : vector<16xi32>
        %add3A_1568 = arith.constant 7 : i32
        %add3A_1569 = vector.broadcast %add3A_1568 : i32 to vector<16xi32>
        %add3A_1570 = arith.addi %broadcast_in_dim3A_5, %add3A_1569 : vector<16xi32>
        %gather3A_1571 = tpu.vector_load_idx %arg7[%add3A_250, %add3A_1567, %add3A_1570, %select_n3A_1265] masked %lt3A_1253 : memref<2x4x8x1025xf32, #tpu.memory_space<vmem>>[vector<16xi32>, vector<16xi32>, vector<16xi32>, vector<16xi32>], vector<16xf32>, vector<16xi1>
        %add3A_1572 = arith.constant 32 : i32
        %add3A_1573 = vector.broadcast %add3A_1572 : i32 to vector<16xi32>
        %add3A_1574 = arith.addi %iota3A, %add3A_1573 : vector<16xi32>
        %add3A_1575 = arith.constant 23 : i32
        %add3A_1576 = vector.broadcast %add3A_1575 : i32 to vector<16xi32>
        %add3A_1577 = arith.addi %broadcast_in_dim3A_5, %add3A_1576 : vector<16xi32>
        tpu.vector_store_idx %arg8[%add3A_1574, %add3A_1577], %gather3A_1571 : memref<64x128xf32, #tpu.memory_space<vmem>>[vector<16xi32>, vector<16xi32>], vector<16xf32>,
        %add3A_1578 = arith.constant 3 : i32
        %add3A_1579 = vector.broadcast %add3A_1578 : i32 to vector<16xi32>
        %add3A_1580 = arith.addi %broadcast_in_dim3A_5, %add3A_1579 : vector<16xi32>
        %add3A_1581 = arith.constant 0 : i32
        %add3A_1582 = vector.broadcast %add3A_1581 : i32 to vector<16xi32>
        %add3A_1583 = arith.addi %broadcast_in_dim3A_5, %add3A_1582 : vector<16xi32>
        %gather3A_1584 = tpu.vector_load_idx %arg7[%add3A_250, %add3A_1580, %add3A_1583, %select_n3A_1265] masked %lt3A_1253 : memref<2x4x8x1025xf32, #tpu.memory_space<vmem>>[vector<16xi32>, vector<16xi32>, vector<16xi32>, vector<16xi32>], vector<16xf32>, vector<16xi1>
        %add3A_1585 = arith.constant 32 : i32
        %add3A_1586 = vector.broadcast %add3A_1585 : i32 to vector<16xi32>
        %add3A_1587 = arith.addi %iota3A, %add3A_1586 : vector<16xi32>
        %add3A_1588 = arith.constant 24 : i32
        %add3A_1589 = vector.broadcast %add3A_1588 : i32 to vector<16xi32>
        %add3A_1590 = arith.addi %broadcast_in_dim3A_5, %add3A_1589 : vector<16xi32>
        tpu.vector_store_idx %arg8[%add3A_1587, %add3A_1590], %gather3A_1584 : memref<64x128xf32, #tpu.memory_space<vmem>>[vector<16xi32>, vector<16xi32>], vector<16xf32>,
        %add3A_1591 = arith.constant 3 : i32
        %add3A_1592 = vector.broadcast %add3A_1591 : i32 to vector<16xi32>
        %add3A_1593 = arith.addi %broadcast_in_dim3A_5, %add3A_1592 : vector<16xi32>
        %add3A_1594 = arith.constant 1 : i32
        %add3A_1595 = vector.broadcast %add3A_1594 : i32 to vector<16xi32>
        %add3A_1596 = arith.addi %broadcast_in_dim3A_5, %add3A_1595 : vector<16xi32>
        %gather3A_1597 = tpu.vector_load_idx %arg7[%add3A_250, %add3A_1593, %add3A_1596, %select_n3A_1265] masked %lt3A_1253 : memref<2x4x8x1025xf32, #tpu.memory_space<vmem>>[vector<16xi32>, vector<16xi32>, vector<16xi32>, vector<16xi32>], vector<16xf32>, vector<16xi1>
        %add3A_1598 = arith.constant 32 : i32
        %add3A_1599 = vector.broadcast %add3A_1598 : i32 to vector<16xi32>
        %add3A_1600 = arith.addi %iota3A, %add3A_1599 : vector<16xi32>
        %add3A_1601 = arith.constant 25 : i32
        %add3A_1602 = vector.broadcast %add3A_1601 : i32 to vector<16xi32>
        %add3A_1603 = arith.addi %broadcast_in_dim3A_5, %add3A_1602 : vector<16xi32>
        tpu.vector_store_idx %arg8[%add3A_1600, %add3A_1603], %gather3A_1597 : memref<64x128xf32, #tpu.memory_space<vmem>>[vector<16xi32>, vector<16xi32>], vector<16xf32>,
        %add3A_1604 = arith.constant 3 : i32
        %add3A_1605 = vector.broadcast %add3A_1604 : i32 to vector<16xi32>
        %add3A_1606 = arith.addi %broadcast_in_dim3A_5, %add3A_1605 : vector<16xi32>
        %add3A_1607 = arith.constant 2 : i32
        %add3A_1608 = vector.broadcast %add3A_1607 : i32 to vector<16xi32>
        %add3A_1609 = arith.addi %broadcast_in_dim3A_5, %add3A_1608 : vector<16xi32>
        %gather3A_1610 = tpu.vector_load_idx %arg7[%add3A_250, %add3A_1606, %add3A_1609, %select_n3A_1265] masked %lt3A_1253 : memref<2x4x8x1025xf32, #tpu.memory_space<vmem>>[vector<16xi32>, vector<16xi32>, vector<16xi32>, vector<16xi32>], vector<16xf32>, vector<16xi1>
        %add3A_1611 = arith.constant 32 : i32
        %add3A_1612 = vector.broadcast %add3A_1611 : i32 to vector<16xi32>
        %add3A_1613 = arith.addi %iota3A, %add3A_1612 : vector<16xi32>
        %add3A_1614 = arith.constant 26 : i32
        %add3A_1615 = vector.broadcast %add3A_1614 : i32 to vector<16xi32>
        %add3A_1616 = arith.addi %broadcast_in_dim3A_5, %add3A_1615 : vector<16xi32>
        tpu.vector_store_idx %arg8[%add3A_1613, %add3A_1616], %gather3A_1610 : memref<64x128xf32, #tpu.memory_space<vmem>>[vector<16xi32>, vector<16xi32>], vector<16xf32>,
        %add3A_1617 = arith.constant 3 : i32
        %add3A_1618 = vector.broadcast %add3A_1617 : i32 to vector<16xi32>
        %add3A_1619 = arith.addi %broadcast_in_dim3A_5, %add3A_1618 : vector<16xi32>
        %add3A_1620 = arith.constant 3 : i32
        %add3A_1621 = vector.broadcast %add3A_1620 : i32 to vector<16xi32>
        %add3A_1622 = arith.addi %broadcast_in_dim3A_5, %add3A_1621 : vector<16xi32>
        %gather3A_1623 = tpu.vector_load_idx %arg7[%add3A_250, %add3A_1619, %add3A_1622, %select_n3A_1265] masked %lt3A_1253 : memref<2x4x8x1025xf32, #tpu.memory_space<vmem>>[vector<16xi32>, vector<16xi32>, vector<16xi32>, vector<16xi32>], vector<16xf32>, vector<16xi1>
        %add3A_1624 = arith.constant 32 : i32
        %add3A_1625 = vector.broadcast %add3A_1624 : i32 to vector<16xi32>
        %add3A_1626 = arith.addi %iota3A, %add3A_1625 : vector<16xi32>
        %add3A_1627 = arith.constant 27 : i32
        %add3A_1628 = vector.broadcast %add3A_1627 : i32 to vector<16xi32>
        %add3A_1629 = arith.addi %broadcast_in_dim3A_5, %add3A_1628 : vector<16xi32>
        tpu.vector_store_idx %arg8[%add3A_1626, %add3A_1629], %gather3A_1623 : memref<64x128xf32, #tpu.memory_space<vmem>>[vector<16xi32>, vector<16xi32>], vector<16xf32>,
        %add3A_1630 = arith.constant 3 : i32
        %add3A_1631 = vector.broadcast %add3A_1630 : i32 to vector<16xi32>
        %add3A_1632 = arith.addi %broadcast_in_dim3A_5, %add3A_1631 : vector<16xi32>
        %add3A_1633 = arith.constant 4 : i32
        %add3A_1634 = vector.broadcast %add3A_1633 : i32 to vector<16xi32>
        %add3A_1635 = arith.addi %broadcast_in_dim3A_5, %add3A_1634 : vector<16xi32>
        %gather3A_1636 = tpu.vector_load_idx %arg7[%add3A_250, %add3A_1632, %add3A_1635, %select_n3A_1265] masked %lt3A_1253 : memref<2x4x8x1025xf32, #tpu.memory_space<vmem>>[vector<16xi32>, vector<16xi32>, vector<16xi32>, vector<16xi32>], vector<16xf32>, vector<16xi1>
        %add3A_1637 = arith.constant 32 : i32
        %add3A_1638 = vector.broadcast %add3A_1637 : i32 to vector<16xi32>
        %add3A_1639 = arith.addi %iota3A, %add3A_1638 : vector<16xi32>
        %add3A_1640 = arith.constant 28 : i32
        %add3A_1641 = vector.broadcast %add3A_1640 : i32 to vector<16xi32>
        %add3A_1642 = arith.addi %broadcast_in_dim3A_5, %add3A_1641 : vector<16xi32>
        tpu.vector_store_idx %arg8[%add3A_1639, %add3A_1642], %gather3A_1636 : memref<64x128xf32, #tpu.memory_space<vmem>>[vector<16xi32>, vector<16xi32>], vector<16xf32>,
        %add3A_1643 = arith.constant 3 : i32
        %add3A_1644 = vector.broadcast %add3A_1643 : i32 to vector<16xi32>
        %add3A_1645 = arith.addi %broadcast_in_dim3A_5, %add3A_1644 : vector<16xi32>
        %add3A_1646 = arith.constant 5 : i32
        %add3A_1647 = vector.broadcast %add3A_1646 : i32 to vector<16xi32>
        %add3A_1648 = arith.addi %broadcast_in_dim3A_5, %add3A_1647 : vector<16xi32>
        %gather3A_1649 = tpu.vector_load_idx %arg7[%add3A_250, %add3A_1645, %add3A_1648, %select_n3A_1265] masked %lt3A_1253 : memref<2x4x8x1025xf32, #tpu.memory_space<vmem>>[vector<16xi32>, vector<16xi32>, vector<16xi32>, vector<16xi32>], vector<16xf32>, vector<16xi1>
        %add3A_1650 = arith.constant 32 : i32
        %add3A_1651 = vector.broadcast %add3A_1650 : i32 to vector<16xi32>
        %add3A_1652 = arith.addi %iota3A, %add3A_1651 : vector<16xi32>
        %add3A_1653 = arith.constant 29 : i32
        %add3A_1654 = vector.broadcast %add3A_1653 : i32 to vector<16xi32>
        %add3A_1655 = arith.addi %broadcast_in_dim3A_5, %add3A_1654 : vector<16xi32>
        tpu.vector_store_idx %arg8[%add3A_1652, %add3A_1655], %gather3A_1649 : memref<64x128xf32, #tpu.memory_space<vmem>>[vector<16xi32>, vector<16xi32>], vector<16xf32>,
        %add3A_1656 = arith.constant 3 : i32
        %add3A_1657 = vector.broadcast %add3A_1656 : i32 to vector<16xi32>
        %add3A_1658 = arith.addi %broadcast_in_dim3A_5, %add3A_1657 : vector<16xi32>
        %add3A_1659 = arith.constant 6 : i32
        %add3A_1660 = vector.broadcast %add3A_1659 : i32 to vector<16xi32>
        %add3A_1661 = arith.addi %broadcast_in_dim3A_5, %add3A_1660 : vector<16xi32>
        %gather3A_1662 = tpu.vector_load_idx %arg7[%add3A_250, %add3A_1658, %add3A_1661, %select_n3A_1265] masked %lt3A_1253 : memref<2x4x8x1025xf32, #tpu.memory_space<vmem>>[vector<16xi32>, vector<16xi32>, vector<16xi32>, vector<16xi32>], vector<16xf32>, vector<16xi1>
        %add3A_1663 = arith.constant 32 : i32
        %add3A_1664 = vector.broadcast %add3A_1663 : i32 to vector<16xi32>
        %add3A_1665 = arith.addi %iota3A, %add3A_1664 : vector<16xi32>
        %add3A_1666 = arith.constant 30 : i32
        %add3A_1667 = vector.broadcast %add3A_1666 : i32 to vector<16xi32>
        %add3A_1668 = arith.addi %broadcast_in_dim3A_5, %add3A_1667 : vector<16xi32>
        tpu.vector_store_idx %arg8[%add3A_1665, %add3A_1668], %gather3A_1662 : memref<64x128xf32, #tpu.memory_space<vmem>>[vector<16xi32>, vector<16xi32>], vector<16xf32>,
        %add3A_1669 = arith.constant 3 : i32
        %add3A_1670 = vector.broadcast %add3A_1669 : i32 to vector<16xi32>
        %add3A_1671 = arith.addi %broadcast_in_dim3A_5, %add3A_1670 : vector<16xi32>
        %add3A_1672 = arith.constant 7 : i32
        %add3A_1673 = vector.broadcast %add3A_1672 : i32 to vector<16xi32>
        %add3A_1674 = arith.addi %broadcast_in_dim3A_5, %add3A_1673 : vector<16xi32>
        %gather3A_1675 = tpu.vector_load_idx %arg7[%add3A_250, %add3A_1671, %add3A_1674, %select_n3A_1265] masked %lt3A_1253 : memref<2x4x8x1025xf32, #tpu.memory_space<vmem>>[vector<16xi32>, vector<16xi32>, vector<16xi32>, vector<16xi32>], vector<16xf32>, vector<16xi1>
        %add3A_1676 = arith.constant 32 : i32
        %add3A_1677 = vector.broadcast %add3A_1676 : i32 to vector<16xi32>
        %add3A_1678 = arith.addi %iota3A, %add3A_1677 : vector<16xi32>
        %add3A_1679 = arith.constant 31 : i32
        %add3A_1680 = vector.broadcast %add3A_1679 : i32 to vector<16xi32>
        %add3A_1681 = arith.addi %broadcast_in_dim3A_5, %add3A_1680 : vector<16xi32>
        tpu.vector_store_idx %arg8[%add3A_1678, %add3A_1681], %gather3A_1675 : memref<64x128xf32, #tpu.memory_space<vmem>>[vector<16xi32>, vector<16xi32>], vector<16xf32>,
        %and3A_1682 = arith.constant 16383 : i32
        %and3A_1683 = vector.broadcast %and3A_1682 : i32 to vector<16xi32>
        %and3A_1684 = arith.andi %get3A_1257, %and3A_1683 : vector<16xi32>
        %add3A_1685 = vector.broadcast %add3A_1249 : i32 to vector<16xi32>
        %add3A_1686 = arith.addi %add3A_1685, %iota3A : vector<16xi32>
        %jit3A_1687 = arith.constant 64 : i32
        %eq3A_1688 = arith.constant 0 : i32
        %eq3A_1689 = arith.cmpi eq, %jit3A_1687, %eq3A_1688 : i32
        %jit3A_1690 = arith.constant 1 : i32
        %select_n3A_1691 = arith.select %eq3A_1689, %jit3A_1690, %jit3A_1687 : i32
        %rem3A_1692 = vector.broadcast %select_n3A_1691 : i32 to vector<16xi32>
        %rem3A_1693 = arith.remsi %add3A_1686, %rem3A_1692 : vector<16xi32>
        %ne3A_1694 = arith.constant 0 : i32
        %ne3A_1695 = vector.broadcast %ne3A_1694 : i32 to vector<16xi32>
        %ne3A_1696 = arith.cmpi ne, %rem3A_1693, %ne3A_1695 : vector<16xi32>
        %lt3A_1697 = arith.constant 0 : i32
        %lt3A_1698 = vector.broadcast %lt3A_1697 : i32 to vector<16xi32>
        %lt3A_1699 = arith.cmpi slt, %rem3A_1693, %lt3A_1698 : vector<16xi32>
        %lt3A_1700 = arith.constant 0 : i32
        %lt3A_1701 = arith.cmpi slt, %select_n3A_1691, %lt3A_1700 : i32
        %ne3A_1702 = vector.broadcast %lt3A_1701 : i1 to vector<16xi1>
        %ne3A_1703 = vector.broadcast %ne3A_1702 : vector<16xi1> to vector<16xi1>
        %ne3A_1704 = arith.xori %lt3A_1699, %ne3A_1703 : vector<16xi1>
        %and3A_1705 = arith.andi %ne3A_1704, %ne3A_1696 : vector<16xi1>
        %add3A_1706 = vector.broadcast %select_n3A_1691 : i32 to vector<16xi32>
        %add3A_1707 = arith.addi %rem3A_1693, %add3A_1706 : vector<16xi32>
        %select_n3A_1708 = arith.select %and3A_1705, %add3A_1707, %rem3A_1693 : vector<16xi1>, vector<16xi32>
        %add3A_1709 = arith.constant 16384 : i32
        %add3A_1710 = vector.broadcast %add3A_1709 : i32 to vector<16xi32>
        %add3A_1711 = arith.addi %add3A_1710, %select_n3A_1708 : vector<16xi32>
        %select_n3A_1712 = arith.select %lt3A_1253, %and3A_1684, %add3A_1711 : vector<16xi1>, vector<16xi32>
        %add3A_1713 = arith.constant 32 : i32
        %add3A_1714 = vector.broadcast %add3A_1713 : i32 to vector<16xi32>
        %add3A_1715 = arith.addi %iota3A, %add3A_1714 : vector<16xi32>
        tpu.vector_store_idx %arg9[%add3A_1715], %select_n3A_1712 masked %lt3A_1253 : memref<64xi32, #tpu.memory_space<vmem>>[vector<16xi32>], vector<16xi32>, vector<16xi1>
        %add3A_1716 = arith.constant 48 : i32
        %add3A_1717 = arith.addi %mul3A_295, %add3A_1716 : i32
        %add3A_1718 = vector.broadcast %add3A_1717 : i32 to vector<16xi32>
        %add3A_1719 = arith.addi %add3A_1718, %iota3A : vector<16xi32>
        %lt3A_1720 = vector.broadcast %reduce_max3A_174 : i32 to vector<16xi32>
        %lt3A_1721 = arith.cmpi slt, %add3A_1719, %lt3A_1720 : vector<16xi32>
        %add3A_1722 = arith.constant 16384 : i32
        %add3A_1723 = arith.addi %add3A_1722, %add3A_1717 : i32
        %get3A_1724 = arith.index_cast %add3A_1723 : i32 to index
        %get3A_1725 = tpu.vector_load %arg6[%get3A_1724] {strides = array<i32>} : memref<32768xi32, #tpu.memory_space<vmem>>, vector<16xi32>,
        %shift_right_arithmetic3A_1726 = arith.constant 14 : i32
        %shift_right_arithmetic3A_1727 = vector.broadcast %shift_right_arithmetic3A_1726 : i32 to vector<16xi32>
        %shift_right_arithmetic3A_1728 = arith.shrsi %get3A_1725, %shift_right_arithmetic3A_1727 : vector<16xi32>
        %sub3A_1729 = vector.broadcast %sub3A_156 : i32 to vector<16xi32>
        %sub3A_1730 = arith.subi %shift_right_arithmetic3A_1728, %sub3A_1729 : vector<16xi32>
        %jit3A_1731 = arith.constant 0 : i32
        %broadcast_in_dim3A_1732 = vector.broadcast %jit3A_1731 : i32 to vector<16xi32>
        %select_n3A_1733 = arith.select %lt3A_1721, %sub3A_1730, %broadcast_in_dim3A_1732 : vector<16xi1>, vector<16xi32>
        %add3A_1734 = arith.constant 0 : i32
        %add3A_1735 = vector.broadcast %add3A_1734 : i32 to vector<16xi32>
        %add3A_1736 = arith.addi %broadcast_in_dim3A_5, %add3A_1735 : vector<16xi32>
        %add3A_1737 = arith.constant 0 : i32
        %add3A_1738 = vector.broadcast %add3A_1737 : i32 to vector<16xi32>
        %add3A_1739 = arith.addi %broadcast_in_dim3A_5, %add3A_1738 : vector<16xi32>
        %gather3A_1740 = tpu.vector_load_idx %arg7[%add3A_250, %add3A_1736, %add3A_1739, %select_n3A_1733] masked %lt3A_1721 : memref<2x4x8x1025xf32, #tpu.memory_space<vmem>>[vector<16xi32>, vector<16xi32>, vector<16xi32>, vector<16xi32>], vector<16xf32>, vector<16xi1>
        %add3A_1741 = arith.constant 48 : i32
        %add3A_1742 = vector.broadcast %add3A_1741 : i32 to vector<16xi32>
        %add3A_1743 = arith.addi %iota3A, %add3A_1742 : vector<16xi32>
        %add3A_1744 = arith.constant 0 : i32
        %add3A_1745 = vector.broadcast %add3A_1744 : i32 to vector<16xi32>
        %add3A_1746 = arith.addi %broadcast_in_dim3A_5, %add3A_1745 : vector<16xi32>
        tpu.vector_store_idx %arg8[%add3A_1743, %add3A_1746], %gather3A_1740 : memref<64x128xf32, #tpu.memory_space<vmem>>[vector<16xi32>, vector<16xi32>], vector<16xf32>,
        %add3A_1747 = arith.constant 0 : i32
        %add3A_1748 = vector.broadcast %add3A_1747 : i32 to vector<16xi32>
        %add3A_1749 = arith.addi %broadcast_in_dim3A_5, %add3A_1748 : vector<16xi32>
        %add3A_1750 = arith.constant 1 : i32
        %add3A_1751 = vector.broadcast %add3A_1750 : i32 to vector<16xi32>
        %add3A_1752 = arith.addi %broadcast_in_dim3A_5, %add3A_1751 : vector<16xi32>
        %gather3A_1753 = tpu.vector_load_idx %arg7[%add3A_250, %add3A_1749, %add3A_1752, %select_n3A_1733] masked %lt3A_1721 : memref<2x4x8x1025xf32, #tpu.memory_space<vmem>>[vector<16xi32>, vector<16xi32>, vector<16xi32>, vector<16xi32>], vector<16xf32>, vector<16xi1>
        %add3A_1754 = arith.constant 48 : i32
        %add3A_1755 = vector.broadcast %add3A_1754 : i32 to vector<16xi32>
        %add3A_1756 = arith.addi %iota3A, %add3A_1755 : vector<16xi32>
        %add3A_1757 = arith.constant 1 : i32
        %add3A_1758 = vector.broadcast %add3A_1757 : i32 to vector<16xi32>
        %add3A_1759 = arith.addi %broadcast_in_dim3A_5, %add3A_1758 : vector<16xi32>
        tpu.vector_store_idx %arg8[%add3A_1756, %add3A_1759], %gather3A_1753 : memref<64x128xf32, #tpu.memory_space<vmem>>[vector<16xi32>, vector<16xi32>], vector<16xf32>,
        %add3A_1760 = arith.constant 0 : i32
        %add3A_1761 = vector.broadcast %add3A_1760 : i32 to vector<16xi32>
        %add3A_1762 = arith.addi %broadcast_in_dim3A_5, %add3A_1761 : vector<16xi32>
        %add3A_1763 = arith.constant 2 : i32
        %add3A_1764 = vector.broadcast %add3A_1763 : i32 to vector<16xi32>
        %add3A_1765 = arith.addi %broadcast_in_dim3A_5, %add3A_1764 : vector<16xi32>
        %gather3A_1766 = tpu.vector_load_idx %arg7[%add3A_250, %add3A_1762, %add3A_1765, %select_n3A_1733] masked %lt3A_1721 : memref<2x4x8x1025xf32, #tpu.memory_space<vmem>>[vector<16xi32>, vector<16xi32>, vector<16xi32>, vector<16xi32>], vector<16xf32>, vector<16xi1>
        %add3A_1767 = arith.constant 48 : i32
        %add3A_1768 = vector.broadcast %add3A_1767 : i32 to vector<16xi32>
        %add3A_1769 = arith.addi %iota3A, %add3A_1768 : vector<16xi32>
        %add3A_1770 = arith.constant 2 : i32
        %add3A_1771 = vector.broadcast %add3A_1770 : i32 to vector<16xi32>
        %add3A_1772 = arith.addi %broadcast_in_dim3A_5, %add3A_1771 : vector<16xi32>
        tpu.vector_store_idx %arg8[%add3A_1769, %add3A_1772], %gather3A_1766 : memref<64x128xf32, #tpu.memory_space<vmem>>[vector<16xi32>, vector<16xi32>], vector<16xf32>,
        %add3A_1773 = arith.constant 0 : i32
        %add3A_1774 = vector.broadcast %add3A_1773 : i32 to vector<16xi32>
        %add3A_1775 = arith.addi %broadcast_in_dim3A_5, %add3A_1774 : vector<16xi32>
        %add3A_1776 = arith.constant 3 : i32
        %add3A_1777 = vector.broadcast %add3A_1776 : i32 to vector<16xi32>
        %add3A_1778 = arith.addi %broadcast_in_dim3A_5, %add3A_1777 : vector<16xi32>
        %gather3A_1779 = tpu.vector_load_idx %arg7[%add3A_250, %add3A_1775, %add3A_1778, %select_n3A_1733] masked %lt3A_1721 : memref<2x4x8x1025xf32, #tpu.memory_space<vmem>>[vector<16xi32>, vector<16xi32>, vector<16xi32>, vector<16xi32>], vector<16xf32>, vector<16xi1>
        %add3A_1780 = arith.constant 48 : i32
        %add3A_1781 = vector.broadcast %add3A_1780 : i32 to vector<16xi32>
        %add3A_1782 = arith.addi %iota3A, %add3A_1781 : vector<16xi32>
        %add3A_1783 = arith.constant 3 : i32
        %add3A_1784 = vector.broadcast %add3A_1783 : i32 to vector<16xi32>
        %add3A_1785 = arith.addi %broadcast_in_dim3A_5, %add3A_1784 : vector<16xi32>
        tpu.vector_store_idx %arg8[%add3A_1782, %add3A_1785], %gather3A_1779 : memref<64x128xf32, #tpu.memory_space<vmem>>[vector<16xi32>, vector<16xi32>], vector<16xf32>,
        %add3A_1786 = arith.constant 0 : i32
        %add3A_1787 = vector.broadcast %add3A_1786 : i32 to vector<16xi32>
        %add3A_1788 = arith.addi %broadcast_in_dim3A_5, %add3A_1787 : vector<16xi32>
        %add3A_1789 = arith.constant 4 : i32
        %add3A_1790 = vector.broadcast %add3A_1789 : i32 to vector<16xi32>
        %add3A_1791 = arith.addi %broadcast_in_dim3A_5, %add3A_1790 : vector<16xi32>
        %gather3A_1792 = tpu.vector_load_idx %arg7[%add3A_250, %add3A_1788, %add3A_1791, %select_n3A_1733] masked %lt3A_1721 : memref<2x4x8x1025xf32, #tpu.memory_space<vmem>>[vector<16xi32>, vector<16xi32>, vector<16xi32>, vector<16xi32>], vector<16xf32>, vector<16xi1>
        %add3A_1793 = arith.constant 48 : i32
        %add3A_1794 = vector.broadcast %add3A_1793 : i32 to vector<16xi32>
        %add3A_1795 = arith.addi %iota3A, %add3A_1794 : vector<16xi32>
        %add3A_1796 = arith.constant 4 : i32
        %add3A_1797 = vector.broadcast %add3A_1796 : i32 to vector<16xi32>
        %add3A_1798 = arith.addi %broadcast_in_dim3A_5, %add3A_1797 : vector<16xi32>
        tpu.vector_store_idx %arg8[%add3A_1795, %add3A_1798], %gather3A_1792 : memref<64x128xf32, #tpu.memory_space<vmem>>[vector<16xi32>, vector<16xi32>], vector<16xf32>,
        %add3A_1799 = arith.constant 0 : i32
        %add3A_1800 = vector.broadcast %add3A_1799 : i32 to vector<16xi32>
        %add3A_1801 = arith.addi %broadcast_in_dim3A_5, %add3A_1800 : vector<16xi32>
        %add3A_1802 = arith.constant 5 : i32
        %add3A_1803 = vector.broadcast %add3A_1802 : i32 to vector<16xi32>
        %add3A_1804 = arith.addi %broadcast_in_dim3A_5, %add3A_1803 : vector<16xi32>
        %gather3A_1805 = tpu.vector_load_idx %arg7[%add3A_250, %add3A_1801, %add3A_1804, %select_n3A_1733] masked %lt3A_1721 : memref<2x4x8x1025xf32, #tpu.memory_space<vmem>>[vector<16xi32>, vector<16xi32>, vector<16xi32>, vector<16xi32>], vector<16xf32>, vector<16xi1>
        %add3A_1806 = arith.constant 48 : i32
        %add3A_1807 = vector.broadcast %add3A_1806 : i32 to vector<16xi32>
        %add3A_1808 = arith.addi %iota3A, %add3A_1807 : vector<16xi32>
        %add3A_1809 = arith.constant 5 : i32
        %add3A_1810 = vector.broadcast %add3A_1809 : i32 to vector<16xi32>
        %add3A_1811 = arith.addi %broadcast_in_dim3A_5, %add3A_1810 : vector<16xi32>
        tpu.vector_store_idx %arg8[%add3A_1808, %add3A_1811], %gather3A_1805 : memref<64x128xf32, #tpu.memory_space<vmem>>[vector<16xi32>, vector<16xi32>], vector<16xf32>,
        %add3A_1812 = arith.constant 0 : i32
        %add3A_1813 = vector.broadcast %add3A_1812 : i32 to vector<16xi32>
        %add3A_1814 = arith.addi %broadcast_in_dim3A_5, %add3A_1813 : vector<16xi32>
        %add3A_1815 = arith.constant 6 : i32
        %add3A_1816 = vector.broadcast %add3A_1815 : i32 to vector<16xi32>
        %add3A_1817 = arith.addi %broadcast_in_dim3A_5, %add3A_1816 : vector<16xi32>
        %gather3A_1818 = tpu.vector_load_idx %arg7[%add3A_250, %add3A_1814, %add3A_1817, %select_n3A_1733] masked %lt3A_1721 : memref<2x4x8x1025xf32, #tpu.memory_space<vmem>>[vector<16xi32>, vector<16xi32>, vector<16xi32>, vector<16xi32>], vector<16xf32>, vector<16xi1>
        %add3A_1819 = arith.constant 48 : i32
        %add3A_1820 = vector.broadcast %add3A_1819 : i32 to vector<16xi32>
        %add3A_1821 = arith.addi %iota3A, %add3A_1820 : vector<16xi32>
        %add3A_1822 = arith.constant 6 : i32
        %add3A_1823 = vector.broadcast %add3A_1822 : i32 to vector<16xi32>
        %add3A_1824 = arith.addi %broadcast_in_dim3A_5, %add3A_1823 : vector<16xi32>
        tpu.vector_store_idx %arg8[%add3A_1821, %add3A_1824], %gather3A_1818 : memref<64x128xf32, #tpu.memory_space<vmem>>[vector<16xi32>, vector<16xi32>], vector<16xf32>,
        %add3A_1825 = arith.constant 0 : i32
        %add3A_1826 = vector.broadcast %add3A_1825 : i32 to vector<16xi32>
        %add3A_1827 = arith.addi %broadcast_in_dim3A_5, %add3A_1826 : vector<16xi32>
        %add3A_1828 = arith.constant 7 : i32
        %add3A_1829 = vector.broadcast %add3A_1828 : i32 to vector<16xi32>
        %add3A_1830 = arith.addi %broadcast_in_dim3A_5, %add3A_1829 : vector<16xi32>
        %gather3A_1831 = tpu.vector_load_idx %arg7[%add3A_250, %add3A_1827, %add3A_1830, %select_n3A_1733] masked %lt3A_1721 : memref<2x4x8x1025xf32, #tpu.memory_space<vmem>>[vector<16xi32>, vector<16xi32>, vector<16xi32>, vector<16xi32>], vector<16xf32>, vector<16xi1>
        %add3A_1832 = arith.constant 48 : i32
        %add3A_1833 = vector.broadcast %add3A_1832 : i32 to vector<16xi32>
        %add3A_1834 = arith.addi %iota3A, %add3A_1833 : vector<16xi32>
        %add3A_1835 = arith.constant 7 : i32
        %add3A_1836 = vector.broadcast %add3A_1835 : i32 to vector<16xi32>
        %add3A_1837 = arith.addi %broadcast_in_dim3A_5, %add3A_1836 : vector<16xi32>
        tpu.vector_store_idx %arg8[%add3A_1834, %add3A_1837], %gather3A_1831 : memref<64x128xf32, #tpu.memory_space<vmem>>[vector<16xi32>, vector<16xi32>], vector<16xf32>,
        %add3A_1838 = arith.constant 1 : i32
        %add3A_1839 = vector.broadcast %add3A_1838 : i32 to vector<16xi32>
        %add3A_1840 = arith.addi %broadcast_in_dim3A_5, %add3A_1839 : vector<16xi32>
        %add3A_1841 = arith.constant 0 : i32
        %add3A_1842 = vector.broadcast %add3A_1841 : i32 to vector<16xi32>
        %add3A_1843 = arith.addi %broadcast_in_dim3A_5, %add3A_1842 : vector<16xi32>
        %gather3A_1844 = tpu.vector_load_idx %arg7[%add3A_250, %add3A_1840, %add3A_1843, %select_n3A_1733] masked %lt3A_1721 : memref<2x4x8x1025xf32, #tpu.memory_space<vmem>>[vector<16xi32>, vector<16xi32>, vector<16xi32>, vector<16xi32>], vector<16xf32>, vector<16xi1>
        %add3A_1845 = arith.constant 48 : i32
        %add3A_1846 = vector.broadcast %add3A_1845 : i32 to vector<16xi32>
        %add3A_1847 = arith.addi %iota3A, %add3A_1846 : vector<16xi32>
        %add3A_1848 = arith.constant 8 : i32
        %add3A_1849 = vector.broadcast %add3A_1848 : i32 to vector<16xi32>
        %add3A_1850 = arith.addi %broadcast_in_dim3A_5, %add3A_1849 : vector<16xi32>
        tpu.vector_store_idx %arg8[%add3A_1847, %add3A_1850], %gather3A_1844 : memref<64x128xf32, #tpu.memory_space<vmem>>[vector<16xi32>, vector<16xi32>], vector<16xf32>,
        %add3A_1851 = arith.constant 1 : i32
        %add3A_1852 = vector.broadcast %add3A_1851 : i32 to vector<16xi32>
        %add3A_1853 = arith.addi %broadcast_in_dim3A_5, %add3A_1852 : vector<16xi32>
        %add3A_1854 = arith.constant 1 : i32
        %add3A_1855 = vector.broadcast %add3A_1854 : i32 to vector<16xi32>
        %add3A_1856 = arith.addi %broadcast_in_dim3A_5, %add3A_1855 : vector<16xi32>
        %gather3A_1857 = tpu.vector_load_idx %arg7[%add3A_250, %add3A_1853, %add3A_1856, %select_n3A_1733] masked %lt3A_1721 : memref<2x4x8x1025xf32, #tpu.memory_space<vmem>>[vector<16xi32>, vector<16xi32>, vector<16xi32>, vector<16xi32>], vector<16xf32>, vector<16xi1>
        %add3A_1858 = arith.constant 48 : i32
        %add3A_1859 = vector.broadcast %add3A_1858 : i32 to vector<16xi32>
        %add3A_1860 = arith.addi %iota3A, %add3A_1859 : vector<16xi32>
        %add3A_1861 = arith.constant 9 : i32
        %add3A_1862 = vector.broadcast %add3A_1861 : i32 to vector<16xi32>
        %add3A_1863 = arith.addi %broadcast_in_dim3A_5, %add3A_1862 : vector<16xi32>
        tpu.vector_store_idx %arg8[%add3A_1860, %add3A_1863], %gather3A_1857 : memref<64x128xf32, #tpu.memory_space<vmem>>[vector<16xi32>, vector<16xi32>], vector<16xf32>,
        %add3A_1864 = arith.constant 1 : i32
        %add3A_1865 = vector.broadcast %add3A_1864 : i32 to vector<16xi32>
        %add3A_1866 = arith.addi %broadcast_in_dim3A_5, %add3A_1865 : vector<16xi32>
        %add3A_1867 = arith.constant 2 : i32
        %add3A_1868 = vector.broadcast %add3A_1867 : i32 to vector<16xi32>
        %add3A_1869 = arith.addi %broadcast_in_dim3A_5, %add3A_1868 : vector<16xi32>
        %gather3A_1870 = tpu.vector_load_idx %arg7[%add3A_250, %add3A_1866, %add3A_1869, %select_n3A_1733] masked %lt3A_1721 : memref<2x4x8x1025xf32, #tpu.memory_space<vmem>>[vector<16xi32>, vector<16xi32>, vector<16xi32>, vector<16xi32>], vector<16xf32>, vector<16xi1>
        %add3A_1871 = arith.constant 48 : i32
        %add3A_1872 = vector.broadcast %add3A_1871 : i32 to vector<16xi32>
        %add3A_1873 = arith.addi %iota3A, %add3A_1872 : vector<16xi32>
        %add3A_1874 = arith.constant 10 : i32
        %add3A_1875 = vector.broadcast %add3A_1874 : i32 to vector<16xi32>
        %add3A_1876 = arith.addi %broadcast_in_dim3A_5, %add3A_1875 : vector<16xi32>
        tpu.vector_store_idx %arg8[%add3A_1873, %add3A_1876], %gather3A_1870 : memref<64x128xf32, #tpu.memory_space<vmem>>[vector<16xi32>, vector<16xi32>], vector<16xf32>,
        %add3A_1877 = arith.constant 1 : i32
        %add3A_1878 = vector.broadcast %add3A_1877 : i32 to vector<16xi32>
        %add3A_1879 = arith.addi %broadcast_in_dim3A_5, %add3A_1878 : vector<16xi32>
        %add3A_1880 = arith.constant 3 : i32
        %add3A_1881 = vector.broadcast %add3A_1880 : i32 to vector<16xi32>
        %add3A_1882 = arith.addi %broadcast_in_dim3A_5, %add3A_1881 : vector<16xi32>
        %gather3A_1883 = tpu.vector_load_idx %arg7[%add3A_250, %add3A_1879, %add3A_1882, %select_n3A_1733] masked %lt3A_1721 : memref<2x4x8x1025xf32, #tpu.memory_space<vmem>>[vector<16xi32>, vector<16xi32>, vector<16xi32>, vector<16xi32>], vector<16xf32>, vector<16xi1>
        %add3A_1884 = arith.constant 48 : i32
        %add3A_1885 = vector.broadcast %add3A_1884 : i32 to vector<16xi32>
        %add3A_1886 = arith.addi %iota3A, %add3A_1885 : vector<16xi32>
        %add3A_1887 = arith.constant 11 : i32
        %add3A_1888 = vector.broadcast %add3A_1887 : i32 to vector<16xi32>
        %add3A_1889 = arith.addi %broadcast_in_dim3A_5, %add3A_1888 : vector<16xi32>
        tpu.vector_store_idx %arg8[%add3A_1886, %add3A_1889], %gather3A_1883 : memref<64x128xf32, #tpu.memory_space<vmem>>[vector<16xi32>, vector<16xi32>], vector<16xf32>,
        %add3A_1890 = arith.constant 1 : i32
        %add3A_1891 = vector.broadcast %add3A_1890 : i32 to vector<16xi32>
        %add3A_1892 = arith.addi %broadcast_in_dim3A_5, %add3A_1891 : vector<16xi32>
        %add3A_1893 = arith.constant 4 : i32
        %add3A_1894 = vector.broadcast %add3A_1893 : i32 to vector<16xi32>
        %add3A_1895 = arith.addi %broadcast_in_dim3A_5, %add3A_1894 : vector<16xi32>
        %gather3A_1896 = tpu.vector_load_idx %arg7[%add3A_250, %add3A_1892, %add3A_1895, %select_n3A_1733] masked %lt3A_1721 : memref<2x4x8x1025xf32, #tpu.memory_space<vmem>>[vector<16xi32>, vector<16xi32>, vector<16xi32>, vector<16xi32>], vector<16xf32>, vector<16xi1>
        %add3A_1897 = arith.constant 48 : i32
        %add3A_1898 = vector.broadcast %add3A_1897 : i32 to vector<16xi32>
        %add3A_1899 = arith.addi %iota3A, %add3A_1898 : vector<16xi32>
        %add3A_1900 = arith.constant 12 : i32
        %add3A_1901 = vector.broadcast %add3A_1900 : i32 to vector<16xi32>
        %add3A_1902 = arith.addi %broadcast_in_dim3A_5, %add3A_1901 : vector<16xi32>
        tpu.vector_store_idx %arg8[%add3A_1899, %add3A_1902], %gather3A_1896 : memref<64x128xf32, #tpu.memory_space<vmem>>[vector<16xi32>, vector<16xi32>], vector<16xf32>,
        %add3A_1903 = arith.constant 1 : i32
        %add3A_1904 = vector.broadcast %add3A_1903 : i32 to vector<16xi32>
        %add3A_1905 = arith.addi %broadcast_in_dim3A_5, %add3A_1904 : vector<16xi32>
        %add3A_1906 = arith.constant 5 : i32
        %add3A_1907 = vector.broadcast %add3A_1906 : i32 to vector<16xi32>
        %add3A_1908 = arith.addi %broadcast_in_dim3A_5, %add3A_1907 : vector<16xi32>
        %gather3A_1909 = tpu.vector_load_idx %arg7[%add3A_250, %add3A_1905, %add3A_1908, %select_n3A_1733] masked %lt3A_1721 : memref<2x4x8x1025xf32, #tpu.memory_space<vmem>>[vector<16xi32>, vector<16xi32>, vector<16xi32>, vector<16xi32>], vector<16xf32>, vector<16xi1>
        %add3A_1910 = arith.constant 48 : i32
        %add3A_1911 = vector.broadcast %add3A_1910 : i32 to vector<16xi32>
        %add3A_1912 = arith.addi %iota3A, %add3A_1911 : vector<16xi32>
        %add3A_1913 = arith.constant 13 : i32
        %add3A_1914 = vector.broadcast %add3A_1913 : i32 to vector<16xi32>
        %add3A_1915 = arith.addi %broadcast_in_dim3A_5, %add3A_1914 : vector<16xi32>
        tpu.vector_store_idx %arg8[%add3A_1912, %add3A_1915], %gather3A_1909 : memref<64x128xf32, #tpu.memory_space<vmem>>[vector<16xi32>, vector<16xi32>], vector<16xf32>,
        %add3A_1916 = arith.constant 1 : i32
        %add3A_1917 = vector.broadcast %add3A_1916 : i32 to vector<16xi32>
        %add3A_1918 = arith.addi %broadcast_in_dim3A_5, %add3A_1917 : vector<16xi32>
        %add3A_1919 = arith.constant 6 : i32
        %add3A_1920 = vector.broadcast %add3A_1919 : i32 to vector<16xi32>
        %add3A_1921 = arith.addi %broadcast_in_dim3A_5, %add3A_1920 : vector<16xi32>
        %gather3A_1922 = tpu.vector_load_idx %arg7[%add3A_250, %add3A_1918, %add3A_1921, %select_n3A_1733] masked %lt3A_1721 : memref<2x4x8x1025xf32, #tpu.memory_space<vmem>>[vector<16xi32>, vector<16xi32>, vector<16xi32>, vector<16xi32>], vector<16xf32>, vector<16xi1>
        %add3A_1923 = arith.constant 48 : i32
        %add3A_1924 = vector.broadcast %add3A_1923 : i32 to vector<16xi32>
        %add3A_1925 = arith.addi %iota3A, %add3A_1924 : vector<16xi32>
        %add3A_1926 = arith.constant 14 : i32
        %add3A_1927 = vector.broadcast %add3A_1926 : i32 to vector<16xi32>
        %add3A_1928 = arith.addi %broadcast_in_dim3A_5, %add3A_1927 : vector<16xi32>
        tpu.vector_store_idx %arg8[%add3A_1925, %add3A_1928], %gather3A_1922 : memref<64x128xf32, #tpu.memory_space<vmem>>[vector<16xi32>, vector<16xi32>], vector<16xf32>,
        %add3A_1929 = arith.constant 1 : i32
        %add3A_1930 = vector.broadcast %add3A_1929 : i32 to vector<16xi32>
        %add3A_1931 = arith.addi %broadcast_in_dim3A_5, %add3A_1930 : vector<16xi32>
        %add3A_1932 = arith.constant 7 : i32
        %add3A_1933 = vector.broadcast %add3A_1932 : i32 to vector<16xi32>
        %add3A_1934 = arith.addi %broadcast_in_dim3A_5, %add3A_1933 : vector<16xi32>
        %gather3A_1935 = tpu.vector_load_idx %arg7[%add3A_250, %add3A_1931, %add3A_1934, %select_n3A_1733] masked %lt3A_1721 : memref<2x4x8x1025xf32, #tpu.memory_space<vmem>>[vector<16xi32>, vector<16xi32>, vector<16xi32>, vector<16xi32>], vector<16xf32>, vector<16xi1>
        %add3A_1936 = arith.constant 48 : i32
        %add3A_1937 = vector.broadcast %add3A_1936 : i32 to vector<16xi32>
        %add3A_1938 = arith.addi %iota3A, %add3A_1937 : vector<16xi32>
        %add3A_1939 = arith.constant 15 : i32
        %add3A_1940 = vector.broadcast %add3A_1939 : i32 to vector<16xi32>
        %add3A_1941 = arith.addi %broadcast_in_dim3A_5, %add3A_1940 : vector<16xi32>
        tpu.vector_store_idx %arg8[%add3A_1938, %add3A_1941], %gather3A_1935 : memref<64x128xf32, #tpu.memory_space<vmem>>[vector<16xi32>, vector<16xi32>], vector<16xf32>,
        %add3A_1942 = arith.constant 2 : i32
        %add3A_1943 = vector.broadcast %add3A_1942 : i32 to vector<16xi32>
        %add3A_1944 = arith.addi %broadcast_in_dim3A_5, %add3A_1943 : vector<16xi32>
        %add3A_1945 = arith.constant 0 : i32
        %add3A_1946 = vector.broadcast %add3A_1945 : i32 to vector<16xi32>
        %add3A_1947 = arith.addi %broadcast_in_dim3A_5, %add3A_1946 : vector<16xi32>
        %gather3A_1948 = tpu.vector_load_idx %arg7[%add3A_250, %add3A_1944, %add3A_1947, %select_n3A_1733] masked %lt3A_1721 : memref<2x4x8x1025xf32, #tpu.memory_space<vmem>>[vector<16xi32>, vector<16xi32>, vector<16xi32>, vector<16xi32>], vector<16xf32>, vector<16xi1>
        %add3A_1949 = arith.constant 48 : i32
        %add3A_1950 = vector.broadcast %add3A_1949 : i32 to vector<16xi32>
        %add3A_1951 = arith.addi %iota3A, %add3A_1950 : vector<16xi32>
        %add3A_1952 = arith.constant 16 : i32
        %add3A_1953 = vector.broadcast %add3A_1952 : i32 to vector<16xi32>
        %add3A_1954 = arith.addi %broadcast_in_dim3A_5, %add3A_1953 : vector<16xi32>
        tpu.vector_store_idx %arg8[%add3A_1951, %add3A_1954], %gather3A_1948 : memref<64x128xf32, #tpu.memory_space<vmem>>[vector<16xi32>, vector<16xi32>], vector<16xf32>,
        %add3A_1955 = arith.constant 2 : i32
        %add3A_1956 = vector.broadcast %add3A_1955 : i32 to vector<16xi32>
        %add3A_1957 = arith.addi %broadcast_in_dim3A_5, %add3A_1956 : vector<16xi32>
        %add3A_1958 = arith.constant 1 : i32
        %add3A_1959 = vector.broadcast %add3A_1958 : i32 to vector<16xi32>
        %add3A_1960 = arith.addi %broadcast_in_dim3A_5, %add3A_1959 : vector<16xi32>
        %gather3A_1961 = tpu.vector_load_idx %arg7[%add3A_250, %add3A_1957, %add3A_1960, %select_n3A_1733] masked %lt3A_1721 : memref<2x4x8x1025xf32, #tpu.memory_space<vmem>>[vector<16xi32>, vector<16xi32>, vector<16xi32>, vector<16xi32>], vector<16xf32>, vector<16xi1>
        %add3A_1962 = arith.constant 48 : i32
        %add3A_1963 = vector.broadcast %add3A_1962 : i32 to vector<16xi32>
        %add3A_1964 = arith.addi %iota3A, %add3A_1963 : vector<16xi32>
        %add3A_1965 = arith.constant 17 : i32
        %add3A_1966 = vector.broadcast %add3A_1965 : i32 to vector<16xi32>
        %add3A_1967 = arith.addi %broadcast_in_dim3A_5, %add3A_1966 : vector<16xi32>
        tpu.vector_store_idx %arg8[%add3A_1964, %add3A_1967], %gather3A_1961 : memref<64x128xf32, #tpu.memory_space<vmem>>[vector<16xi32>, vector<16xi32>], vector<16xf32>,
        %add3A_1968 = arith.constant 2 : i32
        %add3A_1969 = vector.broadcast %add3A_1968 : i32 to vector<16xi32>
        %add3A_1970 = arith.addi %broadcast_in_dim3A_5, %add3A_1969 : vector<16xi32>
        %add3A_1971 = arith.constant 2 : i32
        %add3A_1972 = vector.broadcast %add3A_1971 : i32 to vector<16xi32>
        %add3A_1973 = arith.addi %broadcast_in_dim3A_5, %add3A_1972 : vector<16xi32>
        %gather3A_1974 = tpu.vector_load_idx %arg7[%add3A_250, %add3A_1970, %add3A_1973, %select_n3A_1733] masked %lt3A_1721 : memref<2x4x8x1025xf32, #tpu.memory_space<vmem>>[vector<16xi32>, vector<16xi32>, vector<16xi32>, vector<16xi32>], vector<16xf32>, vector<16xi1>
        %add3A_1975 = arith.constant 48 : i32
        %add3A_1976 = vector.broadcast %add3A_1975 : i32 to vector<16xi32>
        %add3A_1977 = arith.addi %iota3A, %add3A_1976 : vector<16xi32>
        %add3A_1978 = arith.constant 18 : i32
        %add3A_1979 = vector.broadcast %add3A_1978 : i32 to vector<16xi32>
        %add3A_1980 = arith.addi %broadcast_in_dim3A_5, %add3A_1979 : vector<16xi32>
        tpu.vector_store_idx %arg8[%add3A_1977, %add3A_1980], %gather3A_1974 : memref<64x128xf32, #tpu.memory_space<vmem>>[vector<16xi32>, vector<16xi32>], vector<16xf32>,
        %add3A_1981 = arith.constant 2 : i32
        %add3A_1982 = vector.broadcast %add3A_1981 : i32 to vector<16xi32>
        %add3A_1983 = arith.addi %broadcast_in_dim3A_5, %add3A_1982 : vector<16xi32>
        %add3A_1984 = arith.constant 3 : i32
        %add3A_1985 = vector.broadcast %add3A_1984 : i32 to vector<16xi32>
        %add3A_1986 = arith.addi %broadcast_in_dim3A_5, %add3A_1985 : vector<16xi32>
        %gather3A_1987 = tpu.vector_load_idx %arg7[%add3A_250, %add3A_1983, %add3A_1986, %select_n3A_1733] masked %lt3A_1721 : memref<2x4x8x1025xf32, #tpu.memory_space<vmem>>[vector<16xi32>, vector<16xi32>, vector<16xi32>, vector<16xi32>], vector<16xf32>, vector<16xi1>
        %add3A_1988 = arith.constant 48 : i32
        %add3A_1989 = vector.broadcast %add3A_1988 : i32 to vector<16xi32>
        %add3A_1990 = arith.addi %iota3A, %add3A_1989 : vector<16xi32>
        %add3A_1991 = arith.constant 19 : i32
        %add3A_1992 = vector.broadcast %add3A_1991 : i32 to vector<16xi32>
        %add3A_1993 = arith.addi %broadcast_in_dim3A_5, %add3A_1992 : vector<16xi32>
        tpu.vector_store_idx %arg8[%add3A_1990, %add3A_1993], %gather3A_1987 : memref<64x128xf32, #tpu.memory_space<vmem>>[vector<16xi32>, vector<16xi32>], vector<16xf32>,
        %add3A_1994 = arith.constant 2 : i32
        %add3A_1995 = vector.broadcast %add3A_1994 : i32 to vector<16xi32>
        %add3A_1996 = arith.addi %broadcast_in_dim3A_5, %add3A_1995 : vector<16xi32>
        %add3A_1997 = arith.constant 4 : i32
        %add3A_1998 = vector.broadcast %add3A_1997 : i32 to vector<16xi32>
        %add3A_1999 = arith.addi %broadcast_in_dim3A_5, %add3A_1998 : vector<16xi32>
        %gather3A_2000 = tpu.vector_load_idx %arg7[%add3A_250, %add3A_1996, %add3A_1999, %select_n3A_1733] masked %lt3A_1721 : memref<2x4x8x1025xf32, #tpu.memory_space<vmem>>[vector<16xi32>, vector<16xi32>, vector<16xi32>, vector<16xi32>], vector<16xf32>, vector<16xi1>
        %add3A_2001 = arith.constant 48 : i32
        %add3A_2002 = vector.broadcast %add3A_2001 : i32 to vector<16xi32>
        %add3A_2003 = arith.addi %iota3A, %add3A_2002 : vector<16xi32>
        %add3A_2004 = arith.constant 20 : i32
        %add3A_2005 = vector.broadcast %add3A_2004 : i32 to vector<16xi32>
        %add3A_2006 = arith.addi %broadcast_in_dim3A_5, %add3A_2005 : vector<16xi32>
        tpu.vector_store_idx %arg8[%add3A_2003, %add3A_2006], %gather3A_2000 : memref<64x128xf32, #tpu.memory_space<vmem>>[vector<16xi32>, vector<16xi32>], vector<16xf32>,
        %add3A_2007 = arith.constant 2 : i32
        %add3A_2008 = vector.broadcast %add3A_2007 : i32 to vector<16xi32>
        %add3A_2009 = arith.addi %broadcast_in_dim3A_5, %add3A_2008 : vector<16xi32>
        %add3A_2010 = arith.constant 5 : i32
        %add3A_2011 = vector.broadcast %add3A_2010 : i32 to vector<16xi32>
        %add3A_2012 = arith.addi %broadcast_in_dim3A_5, %add3A_2011 : vector<16xi32>
        %gather3A_2013 = tpu.vector_load_idx %arg7[%add3A_250, %add3A_2009, %add3A_2012, %select_n3A_1733] masked %lt3A_1721 : memref<2x4x8x1025xf32, #tpu.memory_space<vmem>>[vector<16xi32>, vector<16xi32>, vector<16xi32>, vector<16xi32>], vector<16xf32>, vector<16xi1>
        %add3A_2014 = arith.constant 48 : i32
        %add3A_2015 = vector.broadcast %add3A_2014 : i32 to vector<16xi32>
        %add3A_2016 = arith.addi %iota3A, %add3A_2015 : vector<16xi32>
        %add3A_2017 = arith.constant 21 : i32
        %add3A_2018 = vector.broadcast %add3A_2017 : i32 to vector<16xi32>
        %add3A_2019 = arith.addi %broadcast_in_dim3A_5, %add3A_2018 : vector<16xi32>
        tpu.vector_store_idx %arg8[%add3A_2016, %add3A_2019], %gather3A_2013 : memref<64x128xf32, #tpu.memory_space<vmem>>[vector<16xi32>, vector<16xi32>], vector<16xf32>,
        %add3A_2020 = arith.constant 2 : i32
        %add3A_2021 = vector.broadcast %add3A_2020 : i32 to vector<16xi32>
        %add3A_2022 = arith.addi %broadcast_in_dim3A_5, %add3A_2021 : vector<16xi32>
        %add3A_2023 = arith.constant 6 : i32
        %add3A_2024 = vector.broadcast %add3A_2023 : i32 to vector<16xi32>
        %add3A_2025 = arith.addi %broadcast_in_dim3A_5, %add3A_2024 : vector<16xi32>
        %gather3A_2026 = tpu.vector_load_idx %arg7[%add3A_250, %add3A_2022, %add3A_2025, %select_n3A_1733] masked %lt3A_1721 : memref<2x4x8x1025xf32, #tpu.memory_space<vmem>>[vector<16xi32>, vector<16xi32>, vector<16xi32>, vector<16xi32>], vector<16xf32>, vector<16xi1>
        %add3A_2027 = arith.constant 48 : i32
        %add3A_2028 = vector.broadcast %add3A_2027 : i32 to vector<16xi32>
        %add3A_2029 = arith.addi %iota3A, %add3A_2028 : vector<16xi32>
        %add3A_2030 = arith.constant 22 : i32
        %add3A_2031 = vector.broadcast %add3A_2030 : i32 to vector<16xi32>
        %add3A_2032 = arith.addi %broadcast_in_dim3A_5, %add3A_2031 : vector<16xi32>
        tpu.vector_store_idx %arg8[%add3A_2029, %add3A_2032], %gather3A_2026 : memref<64x128xf32, #tpu.memory_space<vmem>>[vector<16xi32>, vector<16xi32>], vector<16xf32>,
        %add3A_2033 = arith.constant 2 : i32
        %add3A_2034 = vector.broadcast %add3A_2033 : i32 to vector<16xi32>
        %add3A_2035 = arith.addi %broadcast_in_dim3A_5, %add3A_2034 : vector<16xi32>
        %add3A_2036 = arith.constant 7 : i32
        %add3A_2037 = vector.broadcast %add3A_2036 : i32 to vector<16xi32>
        %add3A_2038 = arith.addi %broadcast_in_dim3A_5, %add3A_2037 : vector<16xi32>
        %gather3A_2039 = tpu.vector_load_idx %arg7[%add3A_250, %add3A_2035, %add3A_2038, %select_n3A_1733] masked %lt3A_1721 : memref<2x4x8x1025xf32, #tpu.memory_space<vmem>>[vector<16xi32>, vector<16xi32>, vector<16xi32>, vector<16xi32>], vector<16xf32>, vector<16xi1>
        %add3A_2040 = arith.constant 48 : i32
        %add3A_2041 = vector.broadcast %add3A_2040 : i32 to vector<16xi32>
        %add3A_2042 = arith.addi %iota3A, %add3A_2041 : vector<16xi32>
        %add3A_2043 = arith.constant 23 : i32
        %add3A_2044 = vector.broadcast %add3A_2043 : i32 to vector<16xi32>
        %add3A_2045 = arith.addi %broadcast_in_dim3A_5, %add3A_2044 : vector<16xi32>
        tpu.vector_store_idx %arg8[%add3A_2042, %add3A_2045], %gather3A_2039 : memref<64x128xf32, #tpu.memory_space<vmem>>[vector<16xi32>, vector<16xi32>], vector<16xf32>,
        %add3A_2046 = arith.constant 3 : i32
        %add3A_2047 = vector.broadcast %add3A_2046 : i32 to vector<16xi32>
        %add3A_2048 = arith.addi %broadcast_in_dim3A_5, %add3A_2047 : vector<16xi32>
        %add3A_2049 = arith.constant 0 : i32
        %add3A_2050 = vector.broadcast %add3A_2049 : i32 to vector<16xi32>
        %add3A_2051 = arith.addi %broadcast_in_dim3A_5, %add3A_2050 : vector<16xi32>
        %gather3A_2052 = tpu.vector_load_idx %arg7[%add3A_250, %add3A_2048, %add3A_2051, %select_n3A_1733] masked %lt3A_1721 : memref<2x4x8x1025xf32, #tpu.memory_space<vmem>>[vector<16xi32>, vector<16xi32>, vector<16xi32>, vector<16xi32>], vector<16xf32>, vector<16xi1>
        %add3A_2053 = arith.constant 48 : i32
        %add3A_2054 = vector.broadcast %add3A_2053 : i32 to vector<16xi32>
        %add3A_2055 = arith.addi %iota3A, %add3A_2054 : vector<16xi32>
        %add3A_2056 = arith.constant 24 : i32
        %add3A_2057 = vector.broadcast %add3A_2056 : i32 to vector<16xi32>
        %add3A_2058 = arith.addi %broadcast_in_dim3A_5, %add3A_2057 : vector<16xi32>
        tpu.vector_store_idx %arg8[%add3A_2055, %add3A_2058], %gather3A_2052 : memref<64x128xf32, #tpu.memory_space<vmem>>[vector<16xi32>, vector<16xi32>], vector<16xf32>,
        %add3A_2059 = arith.constant 3 : i32
        %add3A_2060 = vector.broadcast %add3A_2059 : i32 to vector<16xi32>
        %add3A_2061 = arith.addi %broadcast_in_dim3A_5, %add3A_2060 : vector<16xi32>
        %add3A_2062 = arith.constant 1 : i32
        %add3A_2063 = vector.broadcast %add3A_2062 : i32 to vector<16xi32>
        %add3A_2064 = arith.addi %broadcast_in_dim3A_5, %add3A_2063 : vector<16xi32>
        %gather3A_2065 = tpu.vector_load_idx %arg7[%add3A_250, %add3A_2061, %add3A_2064, %select_n3A_1733] masked %lt3A_1721 : memref<2x4x8x1025xf32, #tpu.memory_space<vmem>>[vector<16xi32>, vector<16xi32>, vector<16xi32>, vector<16xi32>], vector<16xf32>, vector<16xi1>
        %add3A_2066 = arith.constant 48 : i32
        %add3A_2067 = vector.broadcast %add3A_2066 : i32 to vector<16xi32>
        %add3A_2068 = arith.addi %iota3A, %add3A_2067 : vector<16xi32>
        %add3A_2069 = arith.constant 25 : i32
        %add3A_2070 = vector.broadcast %add3A_2069 : i32 to vector<16xi32>
        %add3A_2071 = arith.addi %broadcast_in_dim3A_5, %add3A_2070 : vector<16xi32>
        tpu.vector_store_idx %arg8[%add3A_2068, %add3A_2071], %gather3A_2065 : memref<64x128xf32, #tpu.memory_space<vmem>>[vector<16xi32>, vector<16xi32>], vector<16xf32>,
        %add3A_2072 = arith.constant 3 : i32
        %add3A_2073 = vector.broadcast %add3A_2072 : i32 to vector<16xi32>
        %add3A_2074 = arith.addi %broadcast_in_dim3A_5, %add3A_2073 : vector<16xi32>
        %add3A_2075 = arith.constant 2 : i32
        %add3A_2076 = vector.broadcast %add3A_2075 : i32 to vector<16xi32>
        %add3A_2077 = arith.addi %broadcast_in_dim3A_5, %add3A_2076 : vector<16xi32>
        %gather3A_2078 = tpu.vector_load_idx %arg7[%add3A_250, %add3A_2074, %add3A_2077, %select_n3A_1733] masked %lt3A_1721 : memref<2x4x8x1025xf32, #tpu.memory_space<vmem>>[vector<16xi32>, vector<16xi32>, vector<16xi32>, vector<16xi32>], vector<16xf32>, vector<16xi1>
        %add3A_2079 = arith.constant 48 : i32
        %add3A_2080 = vector.broadcast %add3A_2079 : i32 to vector<16xi32>
        %add3A_2081 = arith.addi %iota3A, %add3A_2080 : vector<16xi32>
        %add3A_2082 = arith.constant 26 : i32
        %add3A_2083 = vector.broadcast %add3A_2082 : i32 to vector<16xi32>
        %add3A_2084 = arith.addi %broadcast_in_dim3A_5, %add3A_2083 : vector<16xi32>
        tpu.vector_store_idx %arg8[%add3A_2081, %add3A_2084], %gather3A_2078 : memref<64x128xf32, #tpu.memory_space<vmem>>[vector<16xi32>, vector<16xi32>], vector<16xf32>,
        %add3A_2085 = arith.constant 3 : i32
        %add3A_2086 = vector.broadcast %add3A_2085 : i32 to vector<16xi32>
        %add3A_2087 = arith.addi %broadcast_in_dim3A_5, %add3A_2086 : vector<16xi32>
        %add3A_2088 = arith.constant 3 : i32
        %add3A_2089 = vector.broadcast %add3A_2088 : i32 to vector<16xi32>
        %add3A_2090 = arith.addi %broadcast_in_dim3A_5, %add3A_2089 : vector<16xi32>
        %gather3A_2091 = tpu.vector_load_idx %arg7[%add3A_250, %add3A_2087, %add3A_2090, %select_n3A_1733] masked %lt3A_1721 : memref<2x4x8x1025xf32, #tpu.memory_space<vmem>>[vector<16xi32>, vector<16xi32>, vector<16xi32>, vector<16xi32>], vector<16xf32>, vector<16xi1>
        %add3A_2092 = arith.constant 48 : i32
        %add3A_2093 = vector.broadcast %add3A_2092 : i32 to vector<16xi32>
        %add3A_2094 = arith.addi %iota3A, %add3A_2093 : vector<16xi32>
        %add3A_2095 = arith.constant 27 : i32
        %add3A_2096 = vector.broadcast %add3A_2095 : i32 to vector<16xi32>
        %add3A_2097 = arith.addi %broadcast_in_dim3A_5, %add3A_2096 : vector<16xi32>
        tpu.vector_store_idx %arg8[%add3A_2094, %add3A_2097], %gather3A_2091 : memref<64x128xf32, #tpu.memory_space<vmem>>[vector<16xi32>, vector<16xi32>], vector<16xf32>,
        %add3A_2098 = arith.constant 3 : i32
        %add3A_2099 = vector.broadcast %add3A_2098 : i32 to vector<16xi32>
        %add3A_2100 = arith.addi %broadcast_in_dim3A_5, %add3A_2099 : vector<16xi32>
        %add3A_2101 = arith.constant 4 : i32
        %add3A_2102 = vector.broadcast %add3A_2101 : i32 to vector<16xi32>
        %add3A_2103 = arith.addi %broadcast_in_dim3A_5, %add3A_2102 : vector<16xi32>
        %gather3A_2104 = tpu.vector_load_idx %arg7[%add3A_250, %add3A_2100, %add3A_2103, %select_n3A_1733] masked %lt3A_1721 : memref<2x4x8x1025xf32, #tpu.memory_space<vmem>>[vector<16xi32>, vector<16xi32>, vector<16xi32>, vector<16xi32>], vector<16xf32>, vector<16xi1>
        %add3A_2105 = arith.constant 48 : i32
        %add3A_2106 = vector.broadcast %add3A_2105 : i32 to vector<16xi32>
        %add3A_2107 = arith.addi %iota3A, %add3A_2106 : vector<16xi32>
        %add3A_2108 = arith.constant 28 : i32
        %add3A_2109 = vector.broadcast %add3A_2108 : i32 to vector<16xi32>
        %add3A_2110 = arith.addi %broadcast_in_dim3A_5, %add3A_2109 : vector<16xi32>
        tpu.vector_store_idx %arg8[%add3A_2107, %add3A_2110], %gather3A_2104 : memref<64x128xf32, #tpu.memory_space<vmem>>[vector<16xi32>, vector<16xi32>], vector<16xf32>,
        %add3A_2111 = arith.constant 3 : i32
        %add3A_2112 = vector.broadcast %add3A_2111 : i32 to vector<16xi32>
        %add3A_2113 = arith.addi %broadcast_in_dim3A_5, %add3A_2112 : vector<16xi32>
        %add3A_2114 = arith.constant 5 : i32
        %add3A_2115 = vector.broadcast %add3A_2114 : i32 to vector<16xi32>
        %add3A_2116 = arith.addi %broadcast_in_dim3A_5, %add3A_2115 : vector<16xi32>
        %gather3A_2117 = tpu.vector_load_idx %arg7[%add3A_250, %add3A_2113, %add3A_2116, %select_n3A_1733] masked %lt3A_1721 : memref<2x4x8x1025xf32, #tpu.memory_space<vmem>>[vector<16xi32>, vector<16xi32>, vector<16xi32>, vector<16xi32>], vector<16xf32>, vector<16xi1>
        %add3A_2118 = arith.constant 48 : i32
        %add3A_2119 = vector.broadcast %add3A_2118 : i32 to vector<16xi32>
        %add3A_2120 = arith.addi %iota3A, %add3A_2119 : vector<16xi32>
        %add3A_2121 = arith.constant 29 : i32
        %add3A_2122 = vector.broadcast %add3A_2121 : i32 to vector<16xi32>
        %add3A_2123 = arith.addi %broadcast_in_dim3A_5, %add3A_2122 : vector<16xi32>
        tpu.vector_store_idx %arg8[%add3A_2120, %add3A_2123], %gather3A_2117 : memref<64x128xf32, #tpu.memory_space<vmem>>[vector<16xi32>, vector<16xi32>], vector<16xf32>,
        %add3A_2124 = arith.constant 3 : i32
        %add3A_2125 = vector.broadcast %add3A_2124 : i32 to vector<16xi32>
        %add3A_2126 = arith.addi %broadcast_in_dim3A_5, %add3A_2125 : vector<16xi32>
        %add3A_2127 = arith.constant 6 : i32
        %add3A_2128 = vector.broadcast %add3A_2127 : i32 to vector<16xi32>
        %add3A_2129 = arith.addi %broadcast_in_dim3A_5, %add3A_2128 : vector<16xi32>
        %gather3A_2130 = tpu.vector_load_idx %arg7[%add3A_250, %add3A_2126, %add3A_2129, %select_n3A_1733] masked %lt3A_1721 : memref<2x4x8x1025xf32, #tpu.memory_space<vmem>>[vector<16xi32>, vector<16xi32>, vector<16xi32>, vector<16xi32>], vector<16xf32>, vector<16xi1>
        %add3A_2131 = arith.constant 48 : i32
        %add3A_2132 = vector.broadcast %add3A_2131 : i32 to vector<16xi32>
        %add3A_2133 = arith.addi %iota3A, %add3A_2132 : vector<16xi32>
        %add3A_2134 = arith.constant 30 : i32
        %add3A_2135 = vector.broadcast %add3A_2134 : i32 to vector<16xi32>
        %add3A_2136 = arith.addi %broadcast_in_dim3A_5, %add3A_2135 : vector<16xi32>
        tpu.vector_store_idx %arg8[%add3A_2133, %add3A_2136], %gather3A_2130 : memref<64x128xf32, #tpu.memory_space<vmem>>[vector<16xi32>, vector<16xi32>], vector<16xf32>,
        %add3A_2137 = arith.constant 3 : i32
        %add3A_2138 = vector.broadcast %add3A_2137 : i32 to vector<16xi32>
        %add3A_2139 = arith.addi %broadcast_in_dim3A_5, %add3A_2138 : vector<16xi32>
        %add3A_2140 = arith.constant 7 : i32
        %add3A_2141 = vector.broadcast %add3A_2140 : i32 to vector<16xi32>
        %add3A_2142 = arith.addi %broadcast_in_dim3A_5, %add3A_2141 : vector<16xi32>
        %gather3A_2143 = tpu.vector_load_idx %arg7[%add3A_250, %add3A_2139, %add3A_2142, %select_n3A_1733] masked %lt3A_1721 : memref<2x4x8x1025xf32, #tpu.memory_space<vmem>>[vector<16xi32>, vector<16xi32>, vector<16xi32>, vector<16xi32>], vector<16xf32>, vector<16xi1>
        %add3A_2144 = arith.constant 48 : i32
        %add3A_2145 = vector.broadcast %add3A_2144 : i32 to vector<16xi32>
        %add3A_2146 = arith.addi %iota3A, %add3A_2145 : vector<16xi32>
        %add3A_2147 = arith.constant 31 : i32
        %add3A_2148 = vector.broadcast %add3A_2147 : i32 to vector<16xi32>
        %add3A_2149 = arith.addi %broadcast_in_dim3A_5, %add3A_2148 : vector<16xi32>
        tpu.vector_store_idx %arg8[%add3A_2146, %add3A_2149], %gather3A_2143 : memref<64x128xf32, #tpu.memory_space<vmem>>[vector<16xi32>, vector<16xi32>], vector<16xf32>,
        %and3A_2150 = arith.constant 16383 : i32
        %and3A_2151 = vector.broadcast %and3A_2150 : i32 to vector<16xi32>
        %and3A_2152 = arith.andi %get3A_1725, %and3A_2151 : vector<16xi32>
        %add3A_2153 = vector.broadcast %add3A_1717 : i32 to vector<16xi32>
        %add3A_2154 = arith.addi %add3A_2153, %iota3A : vector<16xi32>
        %jit3A_2155 = arith.constant 64 : i32
        %eq3A_2156 = arith.constant 0 : i32
        %eq3A_2157 = arith.cmpi eq, %jit3A_2155, %eq3A_2156 : i32
        %jit3A_2158 = arith.constant 1 : i32
        %select_n3A_2159 = arith.select %eq3A_2157, %jit3A_2158, %jit3A_2155 : i32
        %rem3A_2160 = vector.broadcast %select_n3A_2159 : i32 to vector<16xi32>
        %rem3A_2161 = arith.remsi %add3A_2154, %rem3A_2160 : vector<16xi32>
        %ne3A_2162 = arith.constant 0 : i32
        %ne3A_2163 = vector.broadcast %ne3A_2162 : i32 to vector<16xi32>
        %ne3A_2164 = arith.cmpi ne, %rem3A_2161, %ne3A_2163 : vector<16xi32>
        %lt3A_2165 = arith.constant 0 : i32
        %lt3A_2166 = vector.broadcast %lt3A_2165 : i32 to vector<16xi32>
        %lt3A_2167 = arith.cmpi slt, %rem3A_2161, %lt3A_2166 : vector<16xi32>
        %lt3A_2168 = arith.constant 0 : i32
        %lt3A_2169 = arith.cmpi slt, %select_n3A_2159, %lt3A_2168 : i32
        %ne3A_2170 = vector.broadcast %lt3A_2169 : i1 to vector<16xi1>
        %ne3A_2171 = vector.broadcast %ne3A_2170 : vector<16xi1> to vector<16xi1>
        %ne3A_2172 = arith.xori %lt3A_2167, %ne3A_2171 : vector<16xi1>
        %and3A_2173 = arith.andi %ne3A_2172, %ne3A_2164 : vector<16xi1>
        %add3A_2174 = vector.broadcast %select_n3A_2159 : i32 to vector<16xi32>
        %add3A_2175 = arith.addi %rem3A_2161, %add3A_2174 : vector<16xi32>
        %select_n3A_2176 = arith.select %and3A_2173, %add3A_2175, %rem3A_2161 : vector<16xi1>, vector<16xi32>
        %add3A_2177 = arith.constant 16384 : i32
        %add3A_2178 = vector.broadcast %add3A_2177 : i32 to vector<16xi32>
        %add3A_2179 = arith.addi %add3A_2178, %select_n3A_2176 : vector<16xi32>
        %select_n3A_2180 = arith.select %lt3A_1721, %and3A_2152, %add3A_2179 : vector<16xi1>, vector<16xi32>
        %add3A_2181 = arith.constant 48 : i32
        %add3A_2182 = vector.broadcast %add3A_2181 : i32 to vector<16xi32>
        %add3A_2183 = arith.addi %iota3A, %add3A_2182 : vector<16xi32>
        tpu.vector_store_idx %arg9[%add3A_2183], %select_n3A_2180 masked %lt3A_1721 : memref<64xi32, #tpu.memory_space<vmem>>[vector<16xi32>], vector<16xi32>, vector<16xi1>
        %dma_start3A_2184 = arith.constant 0 : i32
        %dma_start3A_2185 = arith.constant 0 : i32
        %dma_start3A_2186 = tpu.memref_slice %arg8[%dma_start3A_2184, %dma_start3A_2185] : memref<64x128xf32, #tpu.memory_space<vmem>> -> memref<64x128xf32, #tpu.memory_space<vmem>>
        %dma_start3A_2187 = arith.constant 0 : i32
        %dma_start3A_2188 = arith.constant 0 : i32
        %dma_start3A_2189 = tpu.memref_slice %arg4[%dma_start3A_2187, %dma_start3A_2188] : memref<16448x128xf32, #tpu.memory_space<hbm>> -> memref<16448x128xf32, #tpu.memory_space<hbm>>
        tpu.enqueue_indirect_dma source(%dma_start3A_2186 : memref<64x128xf32, #tpu.memory_space<vmem>>) target(%dma_start3A_2189 : memref<16448x128xf32, #tpu.memory_space<hbm>>) offsets(%arg9 : memref<64xi32, #tpu.memory_space<vmem>>) semaphore(%arg12 : memref<!tpu.dma_semaphore, #tpu.memory_space<semaphore_mem>>)
        %dma_wait3A_2190 = arith.constant 0 : i32
        %dma_wait3A_2191 = arith.constant 0 : i32
        %dma_wait3A_2192 = tpu.memref_slice %arg8[%dma_wait3A_2190, %dma_wait3A_2191] : memref<64x128xf32, #tpu.memory_space<vmem>> -> memref<64x128xf32, #tpu.memory_space<vmem>>
        %dma_wait3A_2193 = arith.constant 0 : i32
        %dma_wait3A_2194 = arith.constant 0 : i32
        %dma_wait3A_2195 = tpu.memref_slice %arg4[%dma_wait3A_2193, %dma_wait3A_2194] : memref<16448x128xf32, #tpu.memory_space<hbm>> -> memref<16448x128xf32, #tpu.memory_space<hbm>>
        tpu.wait_indirect_dma semaphore(%arg12 : memref<!tpu.dma_semaphore, #tpu.memory_space<semaphore_mem>>) src(%dma_wait3A_2192 : memref<64x128xf32, #tpu.memory_space<vmem>>) dst(%dma_wait3A_2195 : memref<16448x128xf32, #tpu.memory_space<hbm>>)
        %while3A_2196 = arith.constant 0 : i32
        scf.yield %while3A_2196 : i32
      }
      %scan3A_291 = arith.constant 0 : i32
      scf.yield %scan3A_291 : i32
    }
    %scan3A_132 = arith.constant 32 : i32
    return
  }
}

module attributes {stable_mosaic.version = 14 : i64} {
  func.func @_tc_body(%arg0: i32, %arg1: memref<2048x128xf32, #tpu.memory_space<vmem>>, %arg2: memref<128x128xf32, #tpu.memory_space<vmem>>, %arg3: memref<32x128xf32, #tpu.memory_space<vmem>>, %arg4: memref<2048x128xf32, #tpu.memory_space<vmem>>, %arg5: memref<32x2048xf32, #tpu.memory_space<vmem>>) attributes {dimension_semantics = [#tpu.dimension_semantics<arbitrary>], iteration_bounds = array<i64: 8>, scalar_prefetch = 0 : i64, scratch_operands = 0 : i64, tpu.core_type = #tpu.core_type<tc>, window_params = [{transform_indices = @transform_0, window_bounds = array<i64: 2048, 128>}, {pipeline_mode = #tpu.pipeline_mode<synchronous>, transform_indices = @transform_1, window_bounds = array<i64: 128, 128>}, {pipeline_mode = #tpu.pipeline_mode<synchronous>, transform_indices = @transform_2, window_bounds = array<i64: 32, 128>}, {transform_indices = @transform_3, window_bounds = array<i64: 2048, 128>}, {transform_indices = @transform_4, window_bounds = array<i64: 32, 2048>}]} {
    %get3A = arith.constant 0 : index
    %get3A_0 = arith.constant 0 : index
    %get3A_1 = vector.load %arg1[%get3A, %get3A_0] : memref<2048x128xf32, #tpu.memory_space<vmem>>, vector<2048x128xf32>
    %get3A_2 = arith.constant 0 : index
    %get3A_3 = arith.constant 0 : index
    %get3A_4 = vector.load %arg2[%get3A_2, %get3A_3] : memref<128x128xf32, #tpu.memory_space<vmem>>, vector<128x128xf32>
    %dot_general3A = arith.constant dense<0.000000e+00> : vector<2048x128xf32>
    %dot_general3A_5 = tpu.matmul %get3A_1, %get3A_4, %dot_general3A {dimension_numbers = #tpu.dot_dimension_numbers<[1], [0], [0], [1], [0, 0, 1, 1], [], []>, precision = #tpu.contract_precision<fp32>, transpose_lhs_hint = false} : vector<2048x128xf32>, vector<128x128xf32>, vector<2048x128xf32> -> vector<2048x128xf32>
    %swap3A = arith.constant 0 : index
    %swap3A_6 = arith.constant 0 : index
    %swap3A_7 = vector.load %arg4[%swap3A, %swap3A_6] : memref<2048x128xf32, #tpu.memory_space<vmem>>, vector<2048x128xf32>
    tpu.vector_store %arg4[%swap3A, %swap3A_6], %dot_general3A_5 {strides = array<i32>} : memref<2048x128xf32, #tpu.memory_space<vmem>>, vector<2048x128xf32>,
    %get3A_8 = arith.constant 0 : index
    %get3A_9 = arith.constant 0 : index
    %get3A_10 = vector.load %arg3[%get3A_8, %get3A_9] : memref<32x128xf32, #tpu.memory_space<vmem>>, vector<32x128xf32>
    %dot_general3A_11 = arith.constant dense<0.000000e+00> : vector<32x2048xf32>
    %dot_general3A_12 = tpu.matmul %get3A_10, %get3A_1, %dot_general3A_11 {dimension_numbers = #tpu.dot_dimension_numbers<[1], [1], [0], [0], [0, 0, 1, 0], [], []>, precision = #tpu.contract_precision<fp32>, transpose_lhs_hint = false} : vector<32x128xf32>, vector<2048x128xf32>, vector<32x2048xf32> -> vector<32x2048xf32>
    %swap3A_13 = arith.constant 0 : index
    %swap3A_14 = arith.constant 0 : index
    %swap3A_15 = vector.load %arg5[%swap3A_13, %swap3A_14] : memref<32x2048xf32, #tpu.memory_space<vmem>>, vector<32x2048xf32>
    tpu.vector_store %arg5[%swap3A_13, %swap3A_14], %dot_general3A_12 {strides = array<i32>} : memref<32x2048xf32, #tpu.memory_space<vmem>>, vector<32x2048xf32>,
    return
  }
  func.func @transform_0(%arg0: i32) -> (i32, i32) {
    %c0_i32 = arith.constant 0 : i32
    %c0_i32_0 = arith.constant 0 : i32
    return %arg0, %c0_i32 : i32, i32
  }
  func.func @transform_1(%arg0: i32) -> (i32, i32) {
    %c0_i32 = arith.constant 0 : i32
    %c0_i32_0 = arith.constant 0 : i32
    %c0_i32_1 = arith.constant 0 : i32
    return %c0_i32, %c0_i32_0 : i32, i32
  }
  func.func @transform_2(%arg0: i32) -> (i32, i32) {
    %c0_i32 = arith.constant 0 : i32
    %c0_i32_0 = arith.constant 0 : i32
    %c0_i32_1 = arith.constant 0 : i32
    return %c0_i32, %c0_i32_0 : i32, i32
  }
  func.func @transform_3(%arg0: i32) -> (i32, i32) {
    %c0_i32 = arith.constant 0 : i32
    %c0_i32_0 = arith.constant 0 : i32
    return %arg0, %c0_i32 : i32, i32
  }
  func.func @transform_4(%arg0: i32) -> (i32, i32) {
    %c0_i32 = arith.constant 0 : i32
    %c0_i32_0 = arith.constant 0 : i32
    return %c0_i32, %arg0 : i32, i32
  }
}

</mosaic_0001>

<sc_bundles>
// kernel: kernel.4.cloned.1.call-start
scs
__scs_entry_jumppad:
0x0: {  	(pc) =	sbr.rel $0x88, $3  }
0x1: {  	(tag) =	ssettag $0x0;
	lr =	simm.s32 $0x1  }
0x2: {  	[smem:$0x3F9F] =	sst lr;
	_ =	strace $0xD0000000  }
0x3: {  	_ = 	snop  }
0x4: {  	_ = 	snop  }
0x5: {  	_ = 	snop  }
0x6: {  	_ = 	snop  }
0x7: {  	_ = 	snop  }
__scs_overlays_trampoline_lowered:
0x8: {  	[smem:$0x3FAE] =	sst s0  }
0x9: {  	[smem:$0x3FAF] =	sst s1  }
0xa: {  	[smem:$0x3FB0] =	sst s2  }
0xb: {  	[smem:$0x3FB1] =	sst s3  }
0xc: {  	[smem:$0x3FB2] =	sst s4  }
0xd: {  	[smem:$0x3FB3] =	sst s5  }
0xe: {  	[smem:$0x3FB4] =	sst s6  }
0xf: {  	[smem:$0x3FB5] =	sst s7  }
0x10: {  	[smem:$0x3FB6] =	sst s8  }
0x11: {  	[smem:$0x3FB7] =	sst s9;
	s0 =	simm.s32 @!p0 $0x0  }
0x12: {  	s1 =	sld [smem:$0x3F9D];
	s0 =	simm.s32 @p0 $0x1  }
0x13: {  	[smem:$0x3FB8] =	sst s0;
	s0 =	simm.s32 @!p1 $0x0  }
0x14: {  	s2 =	sld [smem:$0x3F9C];
	s0 =	simm.s32 @p1 $0x1  }
0x15: {  	[smem:$0x3FB9] =	sst s0;
	s0 =	simm.s32 @!p2 $0x0  }
0x16: {  	s3 =	sld [smem:$0x3FDB];
	s0 =	simm.s32 @p2 $0x1  }
0x17: {  	s4 =	simm.s32 $0x1BF5;
	[smem:$0x3FBB] =	sst s0  }
0x18: {  	s0 =	sld [smem:$0x3F9E];
	_ =	swait.ge [sflag:s4], $0x0  }
0x19: {  	s7 =	sld [smem:$0x3F9F]  }
0x1a: {  	s8 =	sadd.s32 $0xFFFFE003, lr  }
0x1b: {  	s9 =	sadd.s32 $0xFFFFFEF7, lr;
	s5 =	simm.s32 $0xFFFFFFFF;
	p2 =	slt.u32 s8, $0xFFFFF086  }
0x1c: {  	p1 =	slt.u32 s9, $0xF7A;
	s5 =	simm.s32 @!p2 $0x0  }
0x1d: {  	s5 =	simm.s32 @p1 $0x1;
	p0 =	seq.s32 s7, s2  }
0x1e: {  	s7 =	smul.u32 @!p0 $0xF7A, s2;
	p2 =	seq.s32 @!p0 s5, $0x0  }
0x1f: {  	s9 =	smul.u32 $0xF7A, s1;
	s8 =	simm.s32 @!p0 $0x1BF5;
	p2 =	por !p2, p0  }
0x20: {  	[sflag:s8] =	ssyncset.s32 @!p0 $0xFFFFF086;
	s6 =	sadd.s32 @!p0 s3, s7;
	s7 =	simm.s32 @!p0 $0x108  }
0x21: {  	s3 =	sadd.s32 s3, s9;
	s6 =	sadd.s32 @!p0 $0x88, s6;
	s7 =	simm.s32 @p2 $0x1082  }
0x22: {  	[simem:s7], [sflag:s8] =	dma.local @!p0 [hbm:s6], $0xF7A  }
0x23: {  	s9 =	sor.u32 $0xD0000000, s2;
	s6 =	simm.s32 $0x108;
	_ =	swait.ge @!p0 [sflag:s8], $0x0  }
0x24: {  	s3 =	sadd.s32 $0x88, s3;
	s6 =	simm.s32 @!p1 $0x1082;
	[sflag:s4] =	ssyncset.s32 $0xFFFFF086  }
0x25: {  	[simem:s6], [sflag:s4] =	dma.local [hbm:s3], $0xF7A  }
0x26: {  	[smem:$0x3F9F] =	sst s1;
	(tag) =	ssettag s2;
	_ =	strace s9  }
0x27: {  	s1 =	sld [smem:$0x3FAF]  }
0x28: {  	s2 =	sld [smem:$0x3FB0]  }
0x29: {  	s4 =	sld [smem:$0x3FB2]  }
0x2a: {  	p0 =	seq.s32 s5, $0x0;
	s5 =	sld [smem:$0x3FB3]  }
0x2b: {  	s6 =	sld [smem:$0x3FB4]  }
0x2c: {  	s7 =	sld [smem:$0x3FB5]  }
0x2d: {  	s3 =	simm.s32 $0x108;
	s8 =	sld [smem:$0x3FB6]  }
0x2e: {  	s3 =	simm.s32 @!p0 $0x1082;
	s9 =	sld [smem:$0x3FB7]  }
0x2f: {  	lr =	sadd.s32 s0, s3;
	s0 =	sld [smem:$0x3FAE]  }
0x30: {  	s3 =	sld [smem:$0x3FB1]  }
0x31: {  	[smem:$0x3FBA] =	sst s10  }
0x32: {  	s10 =	sld [smem:$0x3FB8];
	_ =	sdelay $0x3  }
0x33: {  	p0 =	seq.s32 s10, $0x1;
	s10 =	sld [smem:$0x3FBA];
	_ =	sdelay $0x3  }
0x34: {  	[smem:$0x3FBA] =	sst s10  }
0x35: {  	s10 =	sld [smem:$0x3FB9];
	_ =	sdelay $0x3  }
0x36: {  	p1 =	seq.s32 s10, $0x1;
	s10 =	sld [smem:$0x3FBA];
	_ =	sdelay $0x3  }
0x37: {  	[smem:$0x3FBA] =	sst s10  }
0x38: {  	s10 =	sld [smem:$0x3FBB]  }
0x39: {  	_ = 	snop;
	(pc) =	sbr.ind lr, $3  }
0x3a: {  	_ = 	snop  }
0x3b: {  	_ = 	snop  }
0x3c: {  	p2 =	seq.s32 s10, $0x1;
	s10 =	sld [smem:$0x3FBA]  }
0x3d: {  	_ =	shalt  }
0x3e: {  	_ =	shalt  }
0x3f: {  	_ =	shalt  }
0x40: {  	_ =	shalt  }
0x41: {  	_ =	shalt  }
0x42: {  	_ =	shalt  }
0x43: {  	_ =	shalt  }
0x44: {  	_ =	shalt  }
0x45: {  	_ =	shalt  }
0x46: {  	_ =	shalt  }
0x47: {  	_ =	shalt  }
0x48: {  	_ =	shalt  }
0x49: {  	_ =	shalt  }
0x4a: {  	_ =	shalt  }
0x4b: {  	_ =	shalt  }
0x4c: {  	_ =	shalt  }
0x4d: {  	_ =	shalt  }
0x4e: {  	_ =	shalt  }
0x4f: {  	_ =	shalt  }
0x50: {  	_ =	shalt  }
0x51: {  	_ =	shalt  }
0x52: {  	_ =	shalt  }
0x53: {  	_ =	shalt  }
0x54: {  	_ =	shalt  }
0x55: {  	_ =	shalt  }
0x56: {  	_ =	shalt  }
0x57: {  	_ =	shalt  }
0x58: {  	_ =	shalt  }
0x59: {  	_ =	shalt  }
0x5a: {  	_ =	shalt  }
0x5b: {  	_ =	shalt  }
0x5c: {  	_ =	shalt  }
0x5d: {  	_ =	shalt  }
0x5e: {  	_ =	shalt  }
0x5f: {  	_ =	shalt  }
0x60: {  	_ =	shalt  }
0x61: {  	_ =	shalt  }
0x62: {  	_ =	shalt  }
0x63: {  	_ =	shalt  }
0x64: {  	_ =	shalt  }
0x65: {  	_ =	shalt  }
0x66: {  	_ =	shalt  }
0x67: {  	_ =	shalt  }
0x68: {  	_ =	shalt  }
0x69: {  	_ =	shalt  }
0x6a: {  	_ =	shalt  }
0x6b: {  	_ =	shalt  }
0x6c: {  	_ =	shalt  }
0x6d: {  	_ =	shalt  }
0x6e: {  	_ =	shalt  }
0x6f: {  	_ =	shalt  }
0x70: {  	_ =	shalt  }
0x71: {  	_ =	shalt  }
0x72: {  	_ =	shalt  }
0x73: {  	_ =	shalt  }
0x74: {  	_ =	shalt  }
0x75: {  	_ =	shalt  }
0x76: {  	_ =	shalt  }
0x77: {  	_ =	shalt  }
0x78: {  	_ =	shalt  }
0x79: {  	_ =	shalt  }
0x7a: {  	_ =	shalt  }
0x7b: {  	_ =	shalt  }
0x7c: {  	_ =	shalt  }
0x7d: {  	_ =	shalt  }
0x7e: {  	_ =	shalt  }
0x7f: {  	_ =	shalt  }
0x80: {  	_ =	shalt  }
0x81: {  	_ =	shalt  }
0x82: {  	_ =	shalt  }
0x83: {  	_ =	shalt  }
0x84: {  	_ =	shalt  }
0x85: {  	_ =	shalt  }
0x86: {  	_ =	shalt  }
0x87: {  	_ =	shalt  }
.Lfunc_end0:
.L_simem_size_0:
called_computation_lowered:
.L_overlay_start_0:
0x88: {  	s2 =	sld [smem:$0x3FD9]  }
0x89: {  	s3 =	sld [smem:$0x3FFE];
	_ =	sdelay $0x1  }
0x8a: {  	s1 =	srdreg.scid  }
0x8b: {  	s0 =	sand.u32 $0x1, s1  }
0x8c: {  	s14 =	sshll.u32 s0, $0xA;
	s2 =	sadd.s32 s3, s2  }
0x8d: {  	s2 =	sadd.s32 s2, s14  }
0x8e: {  	[smem:$0x3FC6] =	sst s2  }
0x8f: {  	_ = 	snop  }
0x90: {  	s2 =	sld [smem:$0x3FD0];
	_ =	sdelay $0x2  }
0x91: {  	s4 =	simm.s32 $0xA;
	s5 =	simm.s32 $0x10;
	s15 =	sld [smem:$0x3FC9]  }
0x92: {  	[smem:s5], [sflag:s4] =	dma.local [hbm:s2], $0x1  }
0x93: {  	_ =	swait.eq [sflag:s4], $0x1  }
0x94: {  	[sflag:s4] =	ssyncset.done $0x0  }
0x95: {  	[sflag:s4] =	ssyncadd.s32 $0xFFFFFFFF  }
0x96: {  	s16 =	sld [smem:$0x11];
	(tm) =	ssettm $0x1  }
0x97: {  	s17 =	sld [smem:$0x3FFB];
	_ =	sdelay $0x3  }
0x98: {  	_ =	strace s17  }
0x99: {  	s4 =	sld [smem:$0x3FFC];
	_ =	sdelay $0x3  }
0x9a: {  	_ =	strace s4  }
0x9b: {  	s4 =	sld [smem:$0x3FFD];
	_ =	sdelay $0x3  }
0x9c: {  	_ =	strace s4  }
0x9d: {  	_ =	strace $0x8FFFFFFF  }
0x9e: {  	s18 =	sld [smem:$0x3FDB];
	_ =	sdelay $0x1  }
0x9f: {  	s19 =	simm.s32 $_scs_section_size  }
0xa0: {  	s6 =	simm.s32 $_size__tile_overlayer_lowered;
	s7 =	simm.s32 $_tile_overlayer_lowered  }
0xa1: {  	s22 =	simm.s32 $0x1BFF;
	s21 =	sshll.u32 s7, $0x1;
	s4 =	sadd.s32 s19, s18  }
0xa2: {  	s8 =	simm.s32 $0x0;
	s20 =	sshll.u32 s6, $0x1;
	s6 =	sadd.s32 s21, s4  }
0xa3: {  	[timem:s8], [sflag:s22] =	dma.local [hbm:s6], s20  }
0xa4: {  	_ =	swait.ge [sflag:s22], s20  }
0xa5: {  	s5 =	ssub.s32 $0x0, s20;
	[sflag:s22] =	ssyncset.done $0x0  }
0xa6: {  	[sflag:s22] =	ssyncadd.s32 s5;
	_ =	sdelay $0x1  }
0xa7: {  	s23 =	simm.s32 $0x1B8B  }
0xa8: {  	_ =	swait.ge [sflag:s23], $0x1  }
0xa9: {  	[sflag:s23] =	ssyncset.done $0x0  }
0xaa: {  	s25 =	simm.s32 $0x1B8E;
	s24 =	sld [smem:$0x3FFE];
	[sflag:s23] =	ssyncadd.s32 $0xFFFFFFFF  }
0xab: {  	s26 =	simm.s32 $execute0_lowered;
	[smem:$0x3FD2] =	sst s25  }
0xac: {  	s6 =	sshll.u32 s26, $0x1;
	_ =	strace $0x80000046;
	[dreg:$0x1] =	wrdreg $0xFFFFFFFF  }
0xad: {  	s28 =	simm.s32 $_size_execute0_lowered;
	s4 =	sadd.s32 s4, s6;
	[dreg:$0x0] =	wrdreg $0x0  }
0xae: {  	s6 =	sshll.u32 s28, $0x1;
	[dreg:$0x2] =	wrdreg s4  }
0xaf: {  	[dreg:$0x3] =	wrdreg s6  }
0xb0: {  	[dreg:$0x4] =	wrdreg $0xC0  }
0xb1: {  	_ =	task [dreg:s8], $0x5FFFF  }
0xb2: {  	[dreg:$0x1] =	wrdreg $0xFFFFFFFF  }
0xb3: {  	[dreg:$0x0] =	wrdreg $0x60  }
0xb4: {  	[dreg:$0x2] =	wrdreg s15  }
0xb5: {  	[dreg:$0x3] =	wrdreg s16  }
0xb6: {  	[dreg:$0x4] =	wrdreg s24  }
0xb7: {  	[dreg:$0x5] =	wrdreg $0x9  }
0xb8: {  	_ =	task.clear_ibuf [dreg:s8], $0x6FFFF;
	_ =	strace $0x90000046  }
0xb9: {  	s29 =	simm.s32 $0x9;
	_ =	strace $0x80000048  }
0xba: {  	_ =	swait.ge [sflag:s29], $0x1  }
0xbb: {  	[sflag:s29] =	ssyncadd.s32 $0xFFFFFFFF  }
0xbc: {  	_ =	strace $0x90000048  }
0xbd: {  	_ =	sfence  }
0xbe: {  	s30 =	sld [smem:$0x0];
	_ =	sdelay $0x2  }
0xbf: {  	s31 =	sshll.u32 s1, $0xD;
	s1 =	sshrl.u32 s1, $0x2  }
0xc0: {  	s3 =	sand.u32 $0x4000, s31;
	s1 =	sadd.s32 s1, s30  }
0xc1: {  	s0 =	sor.u32 s3, s0;
	s1 =	sshll.u32 s1, $0x11  }
0xc2: {  	s0 =	sor.u32 s1, s0  }
0xc3: {  	s0 =	sadd.s32 $0x8F2B, s0  }
0xc4: {  	[sflag:s0] =	ssyncadd.remote.s32 $0x1  }
0xc5: {  	_ =	sfence.sel $0xFFFF  }
0xc6: {  	[dreg:$0x0] =	wrdreg $0xFFFFFFFF;
	(pc) =	sbr.abs _section_cstart, $3  }
0xc7: {  	[dreg:$0x1] =	wrdreg $0xFFFFFFFF  }
0xc8: {  	_ =	task.clear_ibuf [dreg:s8], $0x2FFFF;
	_ =	strace $0x9FFFFFFF  }
0xc9: {  	(tm) =	ssettm $0x7FFFFFFF  }
tec
execute0_lowered:
.L_overlay_start_1:
0x0: {  	(tag) =	ssettag $0x1  }
0x1: {  	s1 =	rddreg [dreg:$0x0]  }
0x2: {  	s2 =	rddreg [dreg:$0x1]  }
0x3: {  	s0 =	rddreg [dreg:$0x2]  }
0x4: {  	s3 =	srdreg.scid;
	s4 =	simm.s32 $0x0;
	s5 =	stileid.u32  }
0x5: {  	s10 =	simm.s32 $0x2;
	[smem:$0x7FF] =	sst s4;
	s16 =	sadd.s32 $0x80, s2  }
0x6: {  	s17 =	sadd.s32 $0x100, s2;
	_ =	strace $0x80000047;
	[dreg:$0x9] =	wrdreg s16  }
0x7: {  	s3 =	sand.u32 $0x1, s3;
	s18 =	sadd.s32 $0x180, s2;
	[dreg:$0xa] =	wrdreg s17  }
0x8: {  	s5 =	sshll.u32 s5, $0x1;
	s19 =	sadd.s32 $0x200, s2;
	[dreg:$0xb] =	wrdreg s18  }
0x9: {  	s6 =	sadd.s32 $0xC00, s0;
	s20 =	sadd.s32 $0x280, s2;
	[dreg:$0xc] =	wrdreg s19  }
0xa: {  	v0 =	vlaneseq.u32;
	s9 =	sadd.s32 $0x1E8500, s1;
	s21 =	sadd.s32 $0x300, s2;
	[dreg:$0xd] =	wrdreg s20  }
0xb: {  	v4 =	vimm.s32 $0x1;
	v3 =	vmul.u32 $0x80, v0;
	v5 =	vor.u32 $0x4000, v0;
	s22 =	sadd.s32 $0x380, s2;
	s23 =	sadd.s32 $0x400, s2;
	[dreg:$0xe] =	wrdreg s21  }
0xc: {  	v6 =	vor.u32 $0x4010, v0;
	v7 =	vor.u32 $0x4020, v0;
	v8 =	vor.u32 $0x4030, v0;
	s24 =	sadd.s32 $0x480, s2;
	s25 =	sadd.s32 $0x500, s2;
	[dreg:$0xf] =	wrdreg s22  }
0xd: {  	s26 =	sadd.s32 $0x580, s2;
	s28 =	sadd.s32 $0x600, s2;
	[dreg:$0x10] =	wrdreg s23;
	v9 =	vor.u32 $0x1, v3;
	v10 =	vor.u32 $0x2, v3;
	v11 =	vor.u32 $0x3, v3  }
0xe: {  	s29 =	sadd.s32 $0x680, s2;
	s30 =	sadd.s32 $0x700, s2;
	[dreg:$0x11] =	wrdreg s24;
	v12 =	vor.u32 $0x4, v3;
	v13 =	vor.u32 $0x5, v3;
	v14 =	vor.u32 $0x6, v3  }
0xf: {  	s31 =	sadd.s32 $0x780, s2;
	s7 =	ssub.s32 $0x2, s3;
	[dreg:$0x12] =	wrdreg s25;
	v15 =	vor.u32 $0x7, v3;
	v16 =	vor.u32 $0x8, v3;
	v17 =	vor.u32 $0x9, v3  }
0x10: {  	s3 =	sor.u32 s3, s5;
	[dreg:$0x13] =	wrdreg s26;
	s16 =	simm.s32 $0x3;
	v18 =	vor.u32 $0xA, v3;
	v19 =	vor.u32 $0xB, v3;
	v20 =	vor.u32 $0xC, v3  }
0x11: {  	s17 =	simm.s32 $0x0;
	s8 =	sshrl.u32 s7, $0x1;
	s5 =	smul.u32 $0x7A00, s3;
	v21 =	vor.u32 $0xD, v3;
	v22 =	vor.u32 $0xE, v3;
	v23 =	vor.u32 $0xF, v3  }
0x12: {  	p0 =	seq.s32 s3, $0x1F;
	s3 =	simm.s32 $0x7C40;
	v24 =	vor.u32 $0x10, v3;
	v25 =	vor.u32 $0x11, v3;
	v26 =	vor.u32 $0x12, v3;
	s11 =	ssub.s32 s7, s8  }
0x13: {  	v27 =	vor.u32 $0x13, v3;
	v28 =	vor.u32 $0x14, v3;
	v29 =	vor.u32 $0x15, v3;
	s3 =	simm.s32 @!p0 $0x7A00;
	s8 =	sadd.s32 $0xF4280, s1;
	s7 =	simm.s32 $0x1000  }
0x14: {  	v30 =	vor.u32 $0x16, v3;
	v31 =	vor.u32 $0x17, v3;
	v32 =	vor.u32 $0x18, v3;
	s12 =	sadd.s32 s1, s5;
	s13 =	sadd.s32 s5, s8;
	s14 =	sadd.s32 s5, s9  }
.Ltmp0:
0x15: {  	v33 =	vor.u32 $0x19, v3;
	v34 =	vor.u32 $0x1A, v3;
	v35 =	vor.u32 $0x1B, v3;
	s0 =	smax.u32 s11, $0x1;
	[dreg:$0x4] =	wrdreg s12;
	(pc) =	sbr.rel .LBB2_1-.Ltmp0, $4  }
0x16: {  	v36 =	vor.u32 $0x1C, v3;
	v37 =	vor.u32 $0x1D, v3;
	v2 =	vmov s3;
	s3 =	simm.s32 $0x1;
	s11 =	simm.s32 $0x1B000;
	[dreg:$0x5] =	wrdreg s13  }
0x17: {  	v38 =	vor.u32 $0x1E, v3;
	v39 =	vor.u32 $0x1F, v3;
	v40 =	vor.u32 $0x800, v3;
	[dreg:$0x6] =	wrdreg s14;
	s12 =	sadd.s32 $0x2DC780, s1;
	s14 =	sadd.s32 $0x400, s5  }
0x18: {  	v41 =	vor.u32 $0x801, v3;
	v42 =	vor.u32 $0x802, v3;
	v43 =	vor.u32 $0x803, v3;
	[dreg:$0x8] =	wrdreg s0;
	s0 =	simm.s32 $0x9000;
	s15 =	sadd.s32 s5, s12  }
0x19: {  	v44 =	vor.u32 $0x804, v3;
	v45 =	vor.u32 $0x805, v3;
	v1 =	vmov s5;
	s13 =	simm.s32 $0x1D000;
	[dreg:$0x7] =	wrdreg s15;
	s15 =	simm.s32 $0x40  }
.LBB2_15:
0x1a: {  	s17 =	sadd.s32 $0x1, s17;
	s18 =	rddreg [dreg:$0x8]  }
0x1b: {  	p0 =	sne.s32 s17, s18  }
.Ltmp1:
0x1c: {  	_ = 	snop;
	(pc) =	sbr.rel @!p0 .LBB2_16-.Ltmp1, $1  }
0x1d: {  	_ =	sdelay $0x3  }
.LBB2_1:
0x1e: {  	s18 =	rddreg [dreg:$0x4]  }
0x1f: {  	[tilespmem:s0], [sflag:$0x2] =	stream.linear.gather [hbm4b:s18+s4], $0x2000, $0x38;
	[tilespmem:$0x1D080] =	vst v63  }
0x20: {  	s20 =	rddreg [dreg:$0x5];
	s19 =	simm.s32 $0xB400  }
0x21: {  	[tilespmem:s19], [sflag:$0x2] =	stream.linear.gather [hbm4b:s20+s4], $0x2000, $0x38;
	[tilespmem:$0x1D080] =	vst v63  }
0x22: {  	s21 =	rddreg [dreg:$0x6];
	s22 =	simm.s32 $0xD800  }
0x23: {  	[tilespmem:s22], [sflag:$0x2] =	stream.linear.gather [hbm4b:s21+s4], $0x2000, $0x38;
	[tilespmem:$0x1D080] =	vst v63  }
0x24: {  	s23 =	rddreg [dreg:$0x7];
	s24 =	simm.s32 $0xFC00  }
0x25: {  	[tilespmem:s24], [sflag:$0x2] =	stream.linear.gather [hbm4b:s23+s4], $0x2000, $0x38;
	[tilespmem:$0x1D080] =	vst v63  }
0x26: {  	_ = 	snop  }
0x27: {  	[tilespmem:s4], [sflag:$0x1] =	stream.linear.gather [hbm4b:s2+s4], $0x80, $0x38;
	[tilespmem:$0x1D080] =	vst v63  }
0x28: {  	s25 =	rddreg [dreg:$0x9];
	s26 =	simm.s32 $0x100  }
0x29: {  	[tilespmem:s26], [sflag:$0x1] =	stream.linear.gather [hbm4b:s25+s4], $0x80, $0x38;
	[tilespmem:$0x1D080] =	vst v63  }
0x2a: {  	s19 =	rddreg [dreg:$0xa];
	s20 =	simm.s32 $0x200  }
0x2b: {  	[tilespmem:s20], [sflag:$0x1] =	stream.linear.gather [hbm4b:s19+s4], $0x80, $0x38;
	[tilespmem:$0x1D080] =	vst v63  }
0x2c: {  	s21 =	rddreg [dreg:$0xb];
	s22 =	simm.s32 $0x300  }
0x2d: {  	[tilespmem:s22], [sflag:$0x1] =	stream.linear.gather [hbm4b:s21+s4], $0x80, $0x38;
	[tilespmem:$0x1D080] =	vst v63  }
0x2e: {  	s23 =	rddreg [dreg:$0xc];
	s24 =	simm.s32 $0x400  }
0x2f: {  	[tilespmem:s24], [sflag:$0x1] =	stream.linear.gather [hbm4b:s23+s4], $0x80, $0x38;
	[tilespmem:$0x1D080] =	vst v63  }
0x30: {  	s25 =	rddreg [dreg:$0xd];
	s26 =	simm.s32 $0x500  }
0x31: {  	[tilespmem:s26], [sflag:$0x1] =	stream.linear.gather [hbm4b:s25+s4], $0x80, $0x38;
	[tilespmem:$0x1D080] =	vst v63  }
0x32: {  	s19 =	rddreg [dreg:$0xe];
	s20 =	simm.s32 $0x600  }
0x33: {  	[tilespmem:s20], [sflag:$0x1] =	stream.linear.gather [hbm4b:s19+s4], $0x80, $0x38;
	[tilespmem:$0x1D080] =	vst v63  }
0x34: {  	s21 =	rddreg [dreg:$0xf];
	s22 =	simm.s32 $0x700  }
0x35: {  	[tilespmem:s22], [sflag:$0x1] =	stream.linear.gather [hbm4b:s21+s4], $0x80, $0x38;
	[tilespmem:$0x1D080] =	vst v63  }
0x36: {  	s23 =	rddreg [dreg:$0x10];
	s24 =	simm.s32 $0x800  }
0x37: {  	[tilespmem:s24], [sflag:$0x1] =	stream.linear.gather [hbm4b:s23+s4], $0x80, $0x38;
	[tilespmem:$0x1D080] =	vst v63  }
0x38: {  	s25 =	rddreg [dreg:$0x11];
	s26 =	simm.s32 $0x900  }
0x39: {  	[tilespmem:s26], [sflag:$0x1] =	stream.linear.gather [hbm4b:s25+s4], $0x80, $0x38;
	[tilespmem:$0x1D080] =	vst v63  }
0x3a: {  	s19 =	rddreg [dreg:$0x12];
	s20 =	simm.s32 $0xA00  }
0x3b: {  	[tilespmem:s20], [sflag:$0x1] =	stream.linear.gather [hbm4b:s19+s4], $0x80, $0x38;
	[tilespmem:$0x1D080] =	vst v63  }
0x3c: {  	s21 =	rddreg [dreg:$0x13];
	s22 =	simm.s32 $0xB00  }
0x3d: {  	[tilespmem:s22], [sflag:$0x1] =	stream.linear.gather [hbm4b:s21+s4], $0x80, $0x38;
	[tilespmem:$0x1D080] =	vst v63  }
0x3e: {  	s23 =	simm.s32 $0xC00  }
0x3f: {  	[tilespmem:s23], [sflag:$0x1] =	stream.linear.gather [hbm4b:s28+s4], $0x80, $0x38;
	[tilespmem:$0x1D080] =	vst v63  }
0x40: {  	s24 =	simm.s32 $0xD00  }
0x41: {  	[tilespmem:s24], [sflag:$0x1] =	stream.linear.gather [hbm4b:s29+s4], $0x80, $0x38;
	[tilespmem:$0x1D080] =	vst v63  }
0x42: {  	s25 =	simm.s32 $0xE00  }
0x43: {  	[tilespmem:s25], [sflag:$0x1] =	stream.linear.gather [hbm4b:s30+s4], $0x80, $0x38;
	[tilespmem:$0x1D080] =	vst v63  }
0x44: {  	s18 =	simm.s32 $0x0;
	s26 =	simm.s32 $0xF00;
	s19 =	simm.s32 $0x0  }
0x45: {  	v46 =	vimm.s32 $0x0;
	[tilespmem:s26], [sflag:$0x1] =	stream.linear.gather [hbm4b:s31+s4], $0x80, $0x38;
	[tilespmem:$0x1D080] =	vst v63  }
.LBB2_2:
0x46: {  	p0 =	seq.s32 s19, $0x7  }
0x47: {  	_ =	swait.ge [sflag:s3], $0x800;
	s20 =	sadd.s32 @!p0 $0x1, s19  }
0x48: {  	[sflag:s3] =	ssyncset.done $0x0;
	s21 =	sshll.u32 @!p0 s20, $0x4  }
0x49: {  	[sflag:s3] =	ssyncadd.s32 $0xFFFFF800;
	s22 =	sshll.u32 @!p0 s20, $0x8;
	s21 =	sand.u32 @!p0 $0x70, s21  }
0x4a: {  	s20 =	sshll.u32 @!p0 s20, $0x7;
	s22 =	sand.u32 @!p0 $0x800, s22;
	s21 =	sadd.s32 @!p0 s2, s21  }
0x4b: {  	s20 =	sand.u32 @!p0 $0x80, s20;
	s21 =	sadd.s32 @!p0 s22, s21;
	s22 =	simm.s32 @!p0 $0x0  }
0x4c: {  	[tilespmem:s20], [sflag:$0x1] =	stream.linear.gather @!p0 [hbm4b:s21+s22], $0x80, $0x38;
	[tilespmem:$0x1D080] =	vst v63  }
0x4d: {  	s24 =	sor.u32 @!p0 $0x100, s20;
	s23 =	sadd.s32 @!p0 $0x80, s21  }
0x4e: {  	[tilespmem:s24], [sflag:$0x1] =	stream.linear.gather @!p0 [hbm4b:s23+s22], $0x80, $0x38;
	[tilespmem:$0x1D080] =	vst v63  }
0x4f: {  	s23 =	sadd.s32 @!p0 $0x100, s21;
	s24 =	sor.u32 @!p0 $0x200, s20  }
0x50: {  	[tilespmem:s24], [sflag:$0x1] =	stream.linear.gather @!p0 [hbm4b:s23+s22], $0x80, $0x38;
	[tilespmem:$0x1D080] =	vst v63  }
0x51: {  	s23 =	sadd.s32 @!p0 $0x180, s21;
	s24 =	sor.u32 @!p0 $0x300, s20  }
0x52: {  	[tilespmem:s24], [sflag:$0x1] =	stream.linear.gather @!p0 [hbm4b:s23+s22], $0x80, $0x38;
	[tilespmem:$0x1D080] =	vst v63  }
0x53: {  	s23 =	sadd.s32 @!p0 $0x200, s21;
	s24 =	sor.u32 @!p0 $0x400, s20  }
0x54: {  	[tilespmem:s24], [sflag:$0x1] =	stream.linear.gather @!p0 [hbm4b:s23+s22], $0x80, $0x38;
	[tilespmem:$0x1D080] =	vst v63  }
0x55: {  	s23 =	sadd.s32 @!p0 $0x280, s21;
	s24 =	sor.u32 @!p0 $0x500, s20  }
0x56: {  	[tilespmem:s24], [sflag:$0x1] =	stream.linear.gather @!p0 [hbm4b:s23+s22], $0x80, $0x38;
	[tilespmem:$0x1D080] =	vst v63  }
0x57: {  	s23 =	sadd.s32 @!p0 $0x300, s21;
	s24 =	sor.u32 @!p0 $0x600, s20  }
0x58: {  	[tilespmem:s24], [sflag:$0x1] =	stream.linear.gather @!p0 [hbm4b:s23+s22], $0x80, $0x38;
	[tilespmem:$0x1D080] =	vst v63  }
0x59: {  	s23 =	sadd.s32 @!p0 $0x380, s21;
	s24 =	sor.u32 @!p0 $0x700, s20  }
0x5a: {  	[tilespmem:s24], [sflag:$0x1] =	stream.linear.gather @!p0 [hbm4b:s23+s22], $0x80, $0x38;
	[tilespmem:$0x1D080] =	vst v63  }
0x5b: {  	s23 =	sadd.s32 @!p0 $0x400, s21;
	s24 =	sor.u32 @!p0 $0x800, s20  }
0x5c: {  	[tilespmem:s24], [sflag:$0x1] =	stream.linear.gather @!p0 [hbm4b:s23+s22], $0x80, $0x38;
	[tilespmem:$0x1D080] =	vst v63  }
0x5d: {  	s23 =	sadd.s32 @!p0 $0x480, s21;
	s24 =	sor.u32 @!p0 $0x900, s20  }
0x5e: {  	[tilespmem:s24], [sflag:$0x1] =	stream.linear.gather @!p0 [hbm4b:s23+s22], $0x80, $0x38;
	[tilespmem:$0x1D080] =	vst v63  }
0x5f: {  	s23 =	sadd.s32 @!p0 $0x500, s21;
	s24 =	sor.u32 @!p0 $0xA00, s20  }
0x60: {  	[tilespmem:s24], [sflag:$0x1] =	stream.linear.gather @!p0 [hbm4b:s23+s22], $0x80, $0x38;
	[tilespmem:$0x1D080] =	vst v63  }
0x61: {  	s23 =	sadd.s32 @!p0 $0x580, s21;
	s24 =	sor.u32 @!p0 $0xB00, s20  }
0x62: {  	[tilespmem:s24], [sflag:$0x1] =	stream.linear.gather @!p0 [hbm4b:s23+s22], $0x80, $0x38;
	[tilespmem:$0x1D080] =	vst v63  }
0x63: {  	s23 =	sadd.s32 @!p0 $0x600, s21;
	s24 =	sor.u32 @!p0 $0xC00, s20  }
0x64: {  	[tilespmem:s24], [sflag:$0x1] =	stream.linear.gather @!p0 [hbm4b:s23+s22], $0x80, $0x38;
	[tilespmem:$0x1D080] =	vst v63  }
0x65: {  	s23 =	sadd.s32 @!p0 $0x680, s21;
	s24 =	sor.u32 @!p0 $0xD00, s20  }
0x66: {  	[tilespmem:s24], [sflag:$0x1] =	stream.linear.gather @!p0 [hbm4b:s23+s22], $0x80, $0x38;
	[tilespmem:$0x1D080] =	vst v63  }
0x67: {  	s25 =	simm.s32 $0x0;
	s23 =	sadd.s32 @!p0 $0x700, s21;
	s24 =	sor.u32 @!p0 $0xE00, s20  }
0x68: {  	[tilespmem:s24], [sflag:$0x1] =	stream.linear.gather @!p0 [hbm4b:s23+s22], $0x80, $0x38;
	[tilespmem:$0x1D080] =	vst v63  }
0x69: {  	s21 =	sadd.s32 @!p0 $0x780, s21;
	s20 =	sor.u32 @!p0 $0xF00, s20;
	s24 =	sshll.u32 s19, $0x7  }
0x6a: {  	[tilespmem:s20], [sflag:$0x1] =	stream.linear.gather @!p0 [hbm4b:s21+s22], $0x80, $0x38;
	[tilespmem:$0x1D080] =	vst v63  }
0x6b: {  	s26 =	sand.u32 $0xF00, s25;
	s20 =	sand.u32 $0x80, s24  }
0x6c: {  	s21 =	sand.u32 $0x70, s25;
	s22 =	sor.u32 s26, s20  }
0x6d: {  	s21 =	sadd.s32 s21, s22  }
0x6e: {  	v47 =	vld [tilespmem:s21+$0x0];
	_ =	sdelay $0x4  }
0x6f: {  	v48 =	vsub.s32 v47, v1  }
0x70: {  	vm0 =	vgt.s32 v48, $0xFFFFFFFF;
	vm1 =	vlt.s32 v48, v2  }
0x71: {  	vm0 =	vmand vm0, vm1  }
0x72: {  	(xrf0) =	vadd.scan.msk.s32 vm0, v4;
	_ =	sdelay $0x5  }
0x73: {  	v49, _, _ =	vpop (xrf0)  }
0x74: {  	v62 =	vadd.s32 v49, v46  }
0x75: {  	v63 =	vshll.u32 v48, $0xE;
	v61 =	vmpcnt.ones.xlane vm0;
	v48 =	vadd.s32 $0xFFFFFFFF, v62;
	_ =	sdelay $0x1  }
0x76: {  	s25 =	sadd.s32 $0x0, s18;
	s22 =	simm.s32 $0x20;
	v47 =	vadd.s32 v46, v61  }
0x77: {  	s23 =	simm.s32 $0x20;
	s21 =	simm.s32 $0x10;
	s24 =	sand.u32 $0xF00, s22;
	v49 =	vadd.s32 s25, v63;
	v46 =	vmov v47  }
.LBB2_3:
0x78: {  	p0 =	sne.s32 s23, $0x7F0;
	s25 =	sand.u32 $0x70, s21;
	s24 =	sor.u32 s24, s20;
	v49 =	vadd.s32 v0, v49  }
0x79: {  	s24 =	sadd.s32 s25, s24;
	[tilespmem:v48+s7+$0x0] =	vst.idx.msk vm0, v49  }
0x7a: {  	v48 =	vld [tilespmem:s24+$0x0];
	_ =	sdelay $0x4  }
0x7b: {  	v49 =	vsub.s32 v48, v1  }
0x7c: {  	vm0 =	vgt.s32 v49, $0xFFFFFFFF;
	vm1 =	vlt.s32 v49, v2  }
0x7d: {  	vm0 =	vmand vm0, vm1  }
0x7e: {  	v48 =	vmpcnt.ones.xlane vm0;
	(xrf0) =	vadd.scan.msk.s32 vm0, v4;
	_ =	sdelay $0x1  }
0x7f: {  	v47 =	vadd.s32 v47, v48;
	_ =	sdelay $0x3  }
0x80: {  	v48, _, _ =	vpop (xrf0)  }
.Ltmp2:
0x81: {  	v48 =	vadd.s32 v48, v46;
	v46 =	vmov v47;
	(pc) =	sbr.rel @p0 .LBB2_3-.Ltmp2, $3  }
0x82: {  	v48 =	vadd.s32 $0xFFFFFFFF, v48;
	_ =	sdelay $0x1  }
0x83: {  	s22 =	sadd.s32 $0x20, s22;
	s25 =	sadd.s32 s21, s18;
	s21 =	smov.u32 s23;
	v49 =	vshll.u32 v49, $0xE  }
0x84: {  	s23 =	sadd.s32 $0x10, s23;
	s24 =	sand.u32 $0xF00, s22;
	v49 =	vadd.s32 s25, v49  }
0x85: {  	_ =	sdelay $0x3  }
0x86: {  	s22 =	sand.u32 $0x70, s21;
	s20 =	sor.u32 s24, s20;
	v49 =	vadd.s32 v0, v49  }
0x87: {  	s20 =	sadd.s32 s22, s20;
	[tilespmem:v48+s7+$0x0] =	vst.idx.msk vm0, v49  }
0x88: {  	v48 =	vld [tilespmem:s20+$0x0];
	_ =	sdelay $0x4  }
0x89: {  	v48 =	vsub.s32 v48, v1  }
0x8a: {  	vm15 =	vgt.s32 v48, $0xFFFFFFFF;
	vm1 =	vlt.s32 v48, v2  }
0x8b: {  	vm0 =	vmand vm15, vm1  }
0x8c: {  	(xrf0) =	vadd.scan.msk.s32 vm0, v4;
	_ =	sdelay $0x5  }
0x8d: {  	v61, _, _ =	vpop (xrf0)  }
0x8e: {  	s19 =	sadd.s32 $0x1, s19;
	v46 =	vadd.s32 v61, v46  }
0x8f: {  	p0 =	sne.s32 s19, $0x8;
	v49 =	vadd.s32 $0xFFFFFFFF, v46  }
.Ltmp3:
0x90: {  	_ = 	snop;
	(pc) =	sbr.rel @p0 .LBB2_2-.Ltmp3, $4  }
0x91: {  	s26 =	sadd.s32 s21, s18;
	v62 =	vshll.u32 v48, $0xE  }
0x92: {  	v63 =	vmpcnt.ones.xlane vm0;
	v46 =	vadd.s32 s26, v62  }
0x93: {  	v50 =	vadd.s32 v0, v46  }
0x94: {  	s18 =	sadd.s32 $0x800, s18;
	v46 =	vadd.s32 v47, v63;
	[tilespmem:v49+s7+$0x0] =	vst.idx.msk vm0, v50  }
0x95: {  	v46 =	vxor.u32 $0x80000000, v46  }
0x96: {  	(xrf0) =	vmax.scan.msk.u32 $0xffff, v46;
	_ =	sdelay $0x5  }
0x97: {  	v46, _, _ =	vpop (xrf0)  }
0x98: {  	(v2sf) =	vpush v46, $0xF;
	_ =	sdelay $0xe  }
0x99: {  	s18 =	spop (v2sf)  }
0x9a: {  	s19 =	sadd.s32 $0x8000000F, s18  }
0x9b: {  	s20 =	sand.u32 $0xF, s19  }
0x9c: {  	s26 =	sshra.s32 s19, $0x1F;
	p1 =	slt.s32 s19, $0x1;
	p0 =	sne.s32 s20, $0x0  }
.Ltmp4:
0x9d: {  	s20 =	sshrl.u32 s26, $0x1C;
	p0 =	por !p1, !p0;
	(pc) =	sbr.rel .LBB2_6-.Ltmp4, $4  }
0x9e: {  	s19 =	sadd.s32 s20, s19;
	s20 =	simm.s32 $0x1;
	p0 =	por !p0, !p0  }
0x9f: {  	s19 =	sshra.s32 s19, $0x4;
	s20 =	simm.s32 @!p0 $0x0  }
0xa0: {  	s21 =	sxor.u32 $0x80000000, s18;
	s18 =	ssub.s32 s19, s20  }
0xa1: {  	v46 =	vmov s21;
	s19 =	simm.s32 $0x0;
	p0 =	slt.s32 s18, $0x1  }
.LBB2_14:
0xa2: {  	s19 =	sadd.s32 $0x1, s19  }
0xa3: {  	p1 =	sne.s32 s19, $0x20  }
.Ltmp5:
0xa4: {  	_ = 	snop;
	(pc) =	sbr.rel @!p1 .LBB2_15-.Ltmp5, $1  }
0xa5: {  	_ =	sdelay $0x3  }
.LBB2_6:
.Ltmp6:
0xa6: {  	s20 =	sshll.u32 s19, $0xA;
	(pc) =	sbr.rel @p0 .LBB2_7-.Ltmp6, $4  }
0xa7: {  	s21 =	sadd.s32 s5, s20  }
0xa8: {  	s21 =	smin.u32 s21, $0xF3E80  }
0xa9: {  	s22 =	ssub.s32 s21, s5  }
0xaa: {  	v47 =	vmov s22  }
0xab: {  	s21 =	simm.s32 $0x1000  }
0xac: {  	v49 =	vld [tilespmem:s21+$0x0];
	_ =	sdelay $0x3  }
0xad: {  	s23 =	sadd.s32 $0x400, s22;
	s22 =	simm.s32 $0x0  }
0xae: {  	v48 =	vmov s23;
	v50 =	vor.u32 s22, v0;
	v51 =	vshra.s32 v49, $0xE  }
0xaf: {  	vm0 =	vlt.s32 v50, v46;
	vm1 =	vlt.s32 v51, v48  }
0xb0: {  	vm2 =	vge.s32 v51, v47;
	vm0 =	vmand vm0, vm1  }
0xb1: {  	vm0 =	vmand vm0, vm2  }
0xb2: {  	(xrf0) =	vadd.scan.msk.s32 vm0, v4;
	_ =	sdelay $0x2  }
0xb3: {  	p1 =	sne.s32 s18, $0x1  }
.Ltmp7:
0xb4: {  	_ = 	snop;
	(pc) =	sbr.rel @!p1 .LBB2_10-.Ltmp7, $4  }
0xb5: {  	_ = 	snop  }
0xb6: {  	v62 =	vimm.s32 $0x0;
	v63 =	vmpcnt.ones.xlane vm0;
	v52, _, _ =	vpop (xrf0)  }
0xb7: {  	v52 =	vadd.s32 v52, v62  }
0xb8: {  	s23 =	sadd.s32 $0xFFFFFFFF, s18;
	v50 =	vadd.s32 v62, v63;
	v51 =	vadd.s32 $0x3FFF, v52  }
.LBB2_9:
0xb9: {  	_ =	sdelay $0x3  }
0xba: {  	p1 =	sne.s32 s23, $0x1;
	[tilespmem:v51+s7+$0x0] =	vst.idx.msk vm0, v49;
	s21 =	sadd.s32 $0x10, s21;
	s22 =	sadd.s32 $0x10, s22;
	v51 =	vmov v50  }
0xbb: {  	s23 =	sadd.s32 $0xFFFFFFFF, s23;
	v49 =	vld [tilespmem:s21+$0x0];
	_ =	sdelay $0x4  }
0xbc: {  	v52 =	vor.u32 s22, v0;
	v53 =	vshra.s32 v49, $0xE  }
0xbd: {  	vm0 =	vlt.s32 v52, v46;
	vm1 =	vlt.s32 v53, v48  }
0xbe: {  	vm2 =	vge.s32 v53, v47;
	vm0 =	vmand vm0, vm1  }
0xbf: {  	vm0 =	vmand vm0, vm2  }
0xc0: {  	v52 =	vmpcnt.ones.xlane vm0;
	(xrf0) =	vadd.scan.msk.s32 vm0, v4;
	_ =	sdelay $0x1  }
0xc1: {  	v50 =	vadd.s32 v50, v52;
	_ =	sdelay $0x1  }
.Ltmp8:
0xc2: {  	(pc) =	sbr.rel @p1 .LBB2_9-.Ltmp8, $4  }
0xc3: {  	_ = 	snop  }
0xc4: {  	v52, _, _ =	vpop (xrf0)  }
0xc5: {  	v51 =	vadd.s32 v52, v51  }
0xc6: {  	v51 =	vadd.s32 $0x3FFF, v51  }
.LBB2_10:
0xc7: {  	_ = 	snop  }
.Ltmp9:
0xc8: {  	_ = 	snop;
	(pc) =	sbr.rel .LBB2_11-.Ltmp9, $2  }
0xc9: {  	_ =	sdelay $0x2  }
0xca: {  	[tilespmem:v51+s7+$0x0] =	vst.idx.msk vm0, v49;
	v48 =	vxor.u32 $0x80000000, v50  }
.LBB2_7:
0xcb: {  	v48 =	vimm.s32 $0x80000000  }
.LBB2_11:
0xcc: {  	(xrf0) =	vmax.scan.msk.u32 $0xffff, v48;
	_ =	sdelay $0x5  }
0xcd: {  	v48, _, _ =	vpop (xrf0)  }
0xce: {  	(v2sf) =	vpush v48, $0xF;
	_ =	sdelay $0xe  }
0xcf: {  	s21 =	spop (v2sf)  }
0xd0: {  	_ =	swait.ge [sflag:s10], $0x2000  }
0xd1: {  	[sflag:s10] =	ssyncset.done $0x0  }
0xd2: {  	[sflag:s10] =	ssyncadd.s32 $0xFFFFE000  }
0xd3: {  	_ =	swait.ge [sflag:s10], $0x2000  }
0xd4: {  	[sflag:s10] =	ssyncset.done $0x0  }
0xd5: {  	[sflag:s10] =	ssyncadd.s32 $0xFFFFE000  }
0xd6: {  	s22 =	sand.u32 $0x1, s19;
	p1 =	seq.s32 s19, $0x1F;
	_ =	swait.ge [sflag:s10], $0x2000  }
0xd7: {  	s23 =	sxor.u32 @!p1 $0x1, s22;
	[sflag:s10] =	ssyncset.done $0x0  }
0xd8: {  	s23 =	smul.u32 @!p1 $0x24000, s23;
	[sflag:s10] =	ssyncadd.s32 $0xFFFFE000  }
0xd9: {  	s20 =	sadd.s32 @!p1 s20, s14;
	s26 =	simm.s32 @!p1 $0x0;
	_ =	swait.ge [sflag:s10], $0x2000  }
0xda: {  	s20 =	smin.u32 @!p1 s20, $0xF3E80;
	s23 =	sshrl.u32 @!p1 s23, $0x2;
	[sflag:s10] =	ssyncset.done $0x0  }
0xdb: {  	s25 =	sadd.s32 @!p1 s1, s20;
	s24 =	sadd.s32 @!p1 $0x9000, s23;
	[sflag:s10] =	ssyncadd.s32 $0xFFFFE000  }
0xdc: {  	[tilespmem:s24], [sflag:$0x2] =	stream.linear.gather @!p1 [hbm4b:s25+s26], $0x2000, $0x38;
	[tilespmem:$0x1D080] =	vst v63  }
0xdd: {  	s24 =	sadd.s32 @!p1 $0xB400, s23;
	s25 =	sadd.s32 @!p1 s20, s8  }
0xde: {  	[tilespmem:s24], [sflag:$0x2] =	stream.linear.gather @!p1 [hbm4b:s25+s26], $0x2000, $0x38;
	[tilespmem:$0x1D080] =	vst v63  }
0xdf: {  	s24 =	sadd.s32 @!p1 $0xD800, s23;
	s25 =	sadd.s32 @!p1 s20, s9  }
0xe0: {  	[tilespmem:s24], [sflag:$0x2] =	stream.linear.gather @!p1 [hbm4b:s25+s26], $0x2000, $0x38;
	[tilespmem:$0x1D080] =	vst v63  }
0xe1: {  	s23 =	sadd.s32 @!p1 $0xFC00, s23;
	s20 =	sadd.s32 @!p1 s20, s12  }
0xe2: {  	[tilespmem:s23], [sflag:$0x2] =	stream.linear.gather @!p1 [hbm4b:s20+s26], $0x2000, $0x38;
	[tilespmem:$0x1D080] =	vst v63  }
0xe3: {  	s20 =	sadd.s32 $0x8000003F, s21  }
0xe4: {  	s24 =	sand.u32 $0x3F, s20  }
0xe5: {  	s25 =	sshra.s32 s20, $0x1F;
	p6 =	slt.s32 s20, $0x1;
	p2 =	sne.s32 s24, $0x0  }
0xe6: {  	s26 =	sshrl.u32 s25, $0x1A;
	p1 =	por !p6, !p2  }
0xe7: {  	s23 =	simm.s32 $0x1;
	s20 =	sadd.s32 s26, s20;
	p1 =	por !p1, !p1  }
0xe8: {  	s20 =	sshra.s32 s20, $0x6;
	s23 =	simm.s32 @!p1 $0x0  }
0xe9: {  	s20 =	ssub.s32 s20, s23  }
0xea: {  	p1 =	slt.s32 s20, $0x1  }
.Ltmp10:
0xeb: {  	_ = 	snop;
	(pc) =	sbr.rel @p1 .LBB2_14-.Ltmp10, $1  }
0xec: {  	_ =	sdelay $0x3  }
0xed: {  	v48 =	vmov s22  }
0xee: {  	v48 =	vmul.u32 $0x9000, v48;
	_ =	sdelay $0x1  }
0xef: {  	s21 =	sxor.u32 $0x80000000, s21;
	v48 =	vbroadcast v48, $0x0  }
0xf0: {  	v49 =	vmov s21  }
0xf1: {  	s22 =	simm.s32 $0x5030;
	s21 =	simm.s32 $0x30;
	v50 =	vadd.s32 $0x2400, v48;
	v51 =	vadd.s32 $0x4800, v48;
	v52 =	vadd.s32 $0x6C00, v48  }
.LBB2_13:
0xf2: {  	[tilespmem:$0x1D000] =	vst v5  }
0xf3: {  	[tilespmem:$0x1D010] =	vst v6  }
0xf4: {  	s23 =	sadd.s32 $0xFFFFFFD0, s21;
	[tilespmem:$0x1D020] =	vst v7  }
0xf5: {  	[tilespmem:$0x1D030] =	vst v8;
	s24 =	sand.u32 $0xFFFFFFC0, s23  }
0xf6: {  	v53 =	vld [tilespmem:s24+$0x5000];
	_ =	sdelay $0x4  }
0xf7: {  	v54 =	vor.u32 s23, v0;
	v55 =	vshra.s32 v53, $0xE  }
0xf8: {  	vm0 =	vlt.s32 v54, v49;
	v61 =	vsub.s32 v55, v47  }
0xf9: {  	v54 =	vnsel vm0, $0x0, v61  }
0xfa: {  	v62 =	vshll.u32 v54, $0x3  }
0xfb: {  	v55 =	vand.u32 $0xFFFFFC00, v62  }
0xfc: {  	v54 =	vand.u32 $0x7F, v54;
	v56 =	vadd.s32 v48, v55  }
0xfd: {  	v56 =	vor.u32 v54, v56;
	_ =	sdelay $0x4  }
0xfe: {  	v57 =	vld.idx.msk [tilespmem:v56+s0+$0x0], vm0  }
0xff: {  	v58 =	vor.u32 $0x80, v56;
	_ =	sdelay $0x3  }
0x100: {  	[tilespmem:v3+s11+$0x0] =	vst.idx.msk $0xffff, v57  }
0x101: {  	v57 =	vld.idx.msk [tilespmem:v58+s0+$0x0], vm0  }
0x102: {  	v63 =	vor.u32 $0x100, v56;
	_ =	sdelay $0x3  }
0x103: {  	[tilespmem:v9+s11+$0x0] =	vst.idx.msk $0xffff, v57  }
0x104: {  	v57 =	vld.idx.msk [tilespmem:v63+s0+$0x0], vm0  }
0x105: {  	v60 =	vor.u32 $0x180, v56;
	_ =	sdelay $0x3  }
0x106: {  	[tilespmem:v10+s11+$0x0] =	vst.idx.msk $0xffff, v57  }
0x107: {  	v57 =	vld.idx.msk [tilespmem:v60+s0+$0x0], vm0  }
0x108: {  	v61 =	vor.u32 $0x200, v56;
	_ =	sdelay $0x3  }
0x109: {  	[tilespmem:v11+s11+$0x0] =	vst.idx.msk $0xffff, v57  }
0x10a: {  	v57 =	vld.idx.msk [tilespmem:v61+s0+$0x0], vm0  }
0x10b: {  	v62 =	vor.u32 $0x280, v56;
	_ =	sdelay $0x3  }
0x10c: {  	[tilespmem:v12+s11+$0x0] =	vst.idx.msk $0xffff, v57  }
0x10d: {  	v57 =	vld.idx.msk [tilespmem:v62+s0+$0x0], vm0  }
0x10e: {  	v63 =	vor.u32 $0x300, v56;
	_ =	sdelay $0x3  }
0x10f: {  	[tilespmem:v13+s11+$0x0] =	vst.idx.msk $0xffff, v57  }
0x110: {  	v57 =	vld.idx.msk [tilespmem:v63+s0+$0x0], vm0  }
0x111: {  	v56 =	vor.u32 $0x380, v56;
	_ =	sdelay $0x3  }
0x112: {  	[tilespmem:v14+s11+$0x0] =	vst.idx.msk $0xffff, v57  }
0x113: {  	v60 =	vadd.s32 v50, v55;
	v56 =	vld.idx.msk [tilespmem:v56+s0+$0x0], vm0  }
0x114: {  	v57 =	vor.u32 v54, v60;
	_ =	sdelay $0x3  }
0x115: {  	[tilespmem:v15+s11+$0x0] =	vst.idx.msk $0xffff, v56  }
0x116: {  	v56 =	vld.idx.msk [tilespmem:v57+s0+$0x0], vm0  }
0x117: {  	v61 =	vor.u32 $0x80, v57;
	_ =	sdelay $0x3  }
0x118: {  	[tilespmem:v16+s11+$0x0] =	vst.idx.msk $0xffff, v56  }
0x119: {  	v56 =	vld.idx.msk [tilespmem:v61+s0+$0x0], vm0  }
0x11a: {  	v62 =	vor.u32 $0x100, v57;
	_ =	sdelay $0x3  }
0x11b: {  	[tilespmem:v17+s11+$0x0] =	vst.idx.msk $0xffff, v56  }
0x11c: {  	v56 =	vld.idx.msk [tilespmem:v62+s0+$0x0], vm0  }
0x11d: {  	v63 =	vor.u32 $0x180, v57;
	_ =	sdelay $0x3  }
0x11e: {  	[tilespmem:v18+s11+$0x0] =	vst.idx.msk $0xffff, v56  }
0x11f: {  	v56 =	vld.idx.msk [tilespmem:v63+s0+$0x0], vm0  }
0x120: {  	v60 =	vor.u32 $0x200, v57;
	_ =	sdelay $0x3  }
0x121: {  	[tilespmem:v19+s11+$0x0] =	vst.idx.msk $0xffff, v56  }
0x122: {  	v56 =	vld.idx.msk [tilespmem:v60+s0+$0x0], vm0  }
0x123: {  	v61 =	vor.u32 $0x280, v57;
	_ =	sdelay $0x3  }
0x124: {  	[tilespmem:v20+s11+$0x0] =	vst.idx.msk $0xffff, v56  }
0x125: {  	v56 =	vld.idx.msk [tilespmem:v61+s0+$0x0], vm0  }
0x126: {  	v62 =	vor.u32 $0x300, v57;
	_ =	sdelay $0x3  }
0x127: {  	[tilespmem:v21+s11+$0x0] =	vst.idx.msk $0xffff, v56  }
0x128: {  	v56 =	vld.idx.msk [tilespmem:v62+s0+$0x0], vm0  }
0x129: {  	v57 =	vor.u32 $0x380, v57;
	_ =	sdelay $0x3  }
0x12a: {  	[tilespmem:v22+s11+$0x0] =	vst.idx.msk $0xffff, v56  }
0x12b: {  	v63 =	vadd.s32 v51, v55;
	v56 =	vld.idx.msk [tilespmem:v57+s0+$0x0], vm0  }
0x12c: {  	v57 =	vor.u32 v54, v63;
	_ =	sdelay $0x3  }
0x12d: {  	[tilespmem:v23+s11+$0x0] =	vst.idx.msk $0xffff, v56  }
0x12e: {  	v56 =	vld.idx.msk [tilespmem:v57+s0+$0x0], vm0  }
0x12f: {  	v60 =	vor.u32 $0x80, v57;
	_ =	sdelay $0x3  }
0x130: {  	[tilespmem:v24+s11+$0x0] =	vst.idx.msk $0xffff, v56  }
0x131: {  	v56 =	vld.idx.msk [tilespmem:v60+s0+$0x0], vm0  }
0x132: {  	v61 =	vor.u32 $0x100, v57;
	_ =	sdelay $0x3  }
0x133: {  	[tilespmem:v25+s11+$0x0] =	vst.idx.msk $0xffff, v56  }
0x134: {  	v56 =	vld.idx.msk [tilespmem:v61+s0+$0x0], vm0  }
0x135: {  	v62 =	vor.u32 $0x180, v57;
	_ =	sdelay $0x3  }
0x136: {  	[tilespmem:v26+s11+$0x0] =	vst.idx.msk $0xffff, v56  }
0x137: {  	v56 =	vld.idx.msk [tilespmem:v62+s0+$0x0], vm0  }
0x138: {  	v63 =	vor.u32 $0x200, v57;
	_ =	sdelay $0x3  }
0x139: {  	[tilespmem:v27+s11+$0x0] =	vst.idx.msk $0xffff, v56  }
0x13a: {  	v56 =	vld.idx.msk [tilespmem:v63+s0+$0x0], vm0  }
0x13b: {  	v60 =	vor.u32 $0x280, v57;
	_ =	sdelay $0x3  }
0x13c: {  	[tilespmem:v28+s11+$0x0] =	vst.idx.msk $0xffff, v56  }
0x13d: {  	v56 =	vld.idx.msk [tilespmem:v60+s0+$0x0], vm0  }
0x13e: {  	v61 =	vor.u32 $0x300, v57;
	_ =	sdelay $0x3  }
0x13f: {  	[tilespmem:v29+s11+$0x0] =	vst.idx.msk $0xffff, v56  }
0x140: {  	v56 =	vld.idx.msk [tilespmem:v61+s0+$0x0], vm0  }
0x141: {  	v57 =	vor.u32 $0x380, v57;
	_ =	sdelay $0x3  }
0x142: {  	[tilespmem:v30+s11+$0x0] =	vst.idx.msk $0xffff, v56  }
0x143: {  	v55 =	vadd.s32 v52, v55;
	v56 =	vld.idx.msk [tilespmem:v57+s0+$0x0], vm0  }
0x144: {  	v54 =	vor.u32 v54, v55;
	_ =	sdelay $0x3  }
0x145: {  	[tilespmem:v31+s11+$0x0] =	vst.idx.msk $0xffff, v56  }
0x146: {  	v55 =	vld.idx.msk [tilespmem:v54+s0+$0x0], vm0  }
0x147: {  	v62 =	vor.u32 $0x80, v54;
	_ =	sdelay $0x3  }
0x148: {  	[tilespmem:v32+s11+$0x0] =	vst.idx.msk $0xffff, v55  }
0x149: {  	v55 =	vld.idx.msk [tilespmem:v62+s0+$0x0], vm0  }
0x14a: {  	v63 =	vor.u32 $0x100, v54;
	_ =	sdelay $0x3  }
0x14b: {  	[tilespmem:v33+s11+$0x0] =	vst.idx.msk $0xffff, v55  }
0x14c: {  	v55 =	vld.idx.msk [tilespmem:v63+s0+$0x0], vm0  }
0x14d: {  	v60 =	vor.u32 $0x180, v54;
	_ =	sdelay $0x3  }
0x14e: {  	[tilespmem:v34+s11+$0x0] =	vst.idx.msk $0xffff, v55  }
0x14f: {  	v55 =	vld.idx.msk [tilespmem:v60+s0+$0x0], vm0  }
0x150: {  	v61 =	vor.u32 $0x200, v54;
	_ =	sdelay $0x3  }
0x151: {  	[tilespmem:v35+s11+$0x0] =	vst.idx.msk $0xffff, v55  }
0x152: {  	v55 =	vld.idx.msk [tilespmem:v61+s0+$0x0], vm0  }
0x153: {  	v62 =	vor.u32 $0x280, v54;
	_ =	sdelay $0x3  }
0x154: {  	[tilespmem:v36+s11+$0x0] =	vst.idx.msk $0xffff, v55  }
0x155: {  	v55 =	vld.idx.msk [tilespmem:v62+s0+$0x0], vm0  }
0x156: {  	v63 =	vor.u32 $0x300, v54;
	_ =	sdelay $0x3  }
0x157: {  	[tilespmem:v37+s11+$0x0] =	vst.idx.msk $0xffff, v55  }
0x158: {  	v55 =	vld.idx.msk [tilespmem:v63+s0+$0x0], vm0  }
0x159: {  	v54 =	vor.u32 $0x380, v54;
	_ =	sdelay $0x3  }
0x15a: {  	[tilespmem:v38+s11+$0x0] =	vst.idx.msk $0xffff, v55  }
0x15b: {  	v54 =	vld.idx.msk [tilespmem:v54+s0+$0x0], vm0;
	_ =	sdelay $0x3  }
0x15c: {  	v53 =	vand.u32 $0x3FFF, v53  }
0x15d: {  	v53 =	vsel vm0, v53, v5;
	[tilespmem:v39+s11+$0x0] =	vst.idx.msk $0xffff, v54  }
0x15e: {  	[tilespmem:v0+s13+$0x0] =	vst.idx.msk vm0, v53  }
0x15f: {  	v53 =	vld [tilespmem:s22+$0xFFFFFFE0];
	_ =	sdelay $0x3  }
0x160: {  	s25 =	sadd.s32 $0xFFFFFFE0, s21  }
0x161: {  	v54 =	vor.u32 s25, v0;
	v60 =	vshra.s32 v53, $0xE  }
0x162: {  	vm13 =	vlt.s32 v54, v49;
	v55 =	vsub.s32 v60, v47  }
0x163: {  	v55 =	vnsel vm13, $0x0, v55  }
0x164: {  	v61 =	vshll.u32 v55, $0x3  }
0x165: {  	v56 =	vand.u32 $0xFFFFFC00, v61  }
0x166: {  	v55 =	vand.u32 $0x7F, v55;
	v62 =	vadd.s32 v48, v56  }
0x167: {  	v57 =	vor.u32 v55, v62;
	_ =	sdelay $0x4  }
0x168: {  	v63 =	vld.idx.msk [tilespmem:v57+s0+$0x0], vm13  }
0x169: {  	v59 =	vor.u32 $0x80, v57;
	_ =	sdelay $0x3  }
0x16a: {  	[tilespmem:v40+s11+$0x0] =	vst.idx.msk $0xffff, v63  }
0x16b: {  	v58 =	vld.idx.msk [tilespmem:v59+s0+$0x0], vm13  }
0x16c: {  	v60 =	vor.u32 $0x100, v57;
	_ =	sdelay $0x3  }
0x16d: {  	[tilespmem:v41+s11+$0x0] =	vst.idx.msk $0xffff, v58  }
0x16e: {  	v58 =	vld.idx.msk [tilespmem:v60+s0+$0x0], vm13  }
0x16f: {  	v61 =	vor.u32 $0x180, v57;
	_ =	sdelay $0x3  }
0x170: {  	[tilespmem:v42+s11+$0x0] =	vst.idx.msk $0xffff, v58  }
0x171: {  	v58 =	vld.idx.msk [tilespmem:v61+s0+$0x0], vm13  }
0x172: {  	v62 =	vor.u32 $0x200, v57;
	_ =	sdelay $0x3  }
0x173: {  	[tilespmem:v43+s11+$0x0] =	vst.idx.msk $0xffff, v58  }
0x174: {  	v58 =	vld.idx.msk [tilespmem:v62+s0+$0x0], vm13  }
0x175: {  	v63 =	vor.u32 $0x280, v57;
	_ =	sdelay $0x3  }
0x176: {  	[tilespmem:v44+s11+$0x0] =	vst.idx.msk $0xffff, v58  }
0x177: {  	v58 =	vld.idx.msk [tilespmem:v63+s0+$0x0], vm13  }
0x178: {  	v60 =	vor.u32 $0x300, v57;
	_ =	sdelay $0x3  }
0x179: {  	[tilespmem:v45+s11+$0x0] =	vst.idx.msk $0xffff, v58  }
0x17a: {  	v61 =	vor.u32 $0x806, v3;
	v58 =	vld.idx.msk [tilespmem:v60+s0+$0x0], vm13  }
0x17b: {  	v57 =	vor.u32 $0x380, v57;
	_ =	sdelay $0x3  }
0x17c: {  	[tilespmem:v61+s11+$0x0] =	vst.idx.msk $0xffff, v58  }
0x17d: {  	v62 =	vor.u32 $0x807, v3;
	v63 =	vadd.s32 v50, v56;
	v57 =	vld.idx.msk [tilespmem:v57+s0+$0x0], vm13  }
0x17e: {  	v59 =	vor.u32 v55, v63;
	_ =	sdelay $0x3  }
0x17f: {  	[tilespmem:v62+s11+$0x0] =	vst.idx.msk $0xffff, v57  }
0x180: {  	v58 =	vor.u32 $0x808, v3;
	v57 =	vld.idx.msk [tilespmem:v59+s0+$0x0], vm13  }
0x181: {  	v60 =	vor.u32 $0x80, v59;
	_ =	sdelay $0x3  }
0x182: {  	[tilespmem:v58+s11+$0x0] =	vst.idx.msk $0xffff, v57  }
0x183: {  	v58 =	vor.u32 $0x809, v3;
	v57 =	vld.idx.msk [tilespmem:v60+s0+$0x0], vm13  }
0x184: {  	v60 =	vor.u32 $0x100, v59;
	_ =	sdelay $0x3  }
0x185: {  	[tilespmem:v58+s11+$0x0] =	vst.idx.msk $0xffff, v57  }
0x186: {  	v58 =	vor.u32 $0x80A, v3;
	v57 =	vld.idx.msk [tilespmem:v60+s0+$0x0], vm13  }
0x187: {  	v60 =	vor.u32 $0x180, v59;
	_ =	sdelay $0x3  }
0x188: {  	[tilespmem:v58+s11+$0x0] =	vst.idx.msk $0xffff, v57  }
0x189: {  	v58 =	vor.u32 $0x80B, v3;
	v57 =	vld.idx.msk [tilespmem:v60+s0+$0x0], vm13  }
0x18a: {  	v60 =	vor.u32 $0x200, v59;
	_ =	sdelay $0x3  }
0x18b: {  	[tilespmem:v58+s11+$0x0] =	vst.idx.msk $0xffff, v57  }
0x18c: {  	v58 =	vor.u32 $0x80C, v3;
	v57 =	vld.idx.msk [tilespmem:v60+s0+$0x0], vm13  }
0x18d: {  	v60 =	vor.u32 $0x280, v59;
	_ =	sdelay $0x3  }
0x18e: {  	[tilespmem:v58+s11+$0x0] =	vst.idx.msk $0xffff, v57  }
0x18f: {  	v58 =	vor.u32 $0x80D, v3;
	v57 =	vld.idx.msk [tilespmem:v60+s0+$0x0], vm13  }
0x190: {  	v60 =	vor.u32 $0x300, v59;
	_ =	sdelay $0x3  }
0x191: {  	[tilespmem:v58+s11+$0x0] =	vst.idx.msk $0xffff, v57  }
0x192: {  	v57 =	vld.idx.msk [tilespmem:v60+s0+$0x0], vm13;
	v60 =	vor.u32 $0x80E, v3  }
0x193: {  	v59 =	vor.u32 $0x380, v59;
	_ =	sdelay $0x3  }
0x194: {  	[tilespmem:v60+s11+$0x0] =	vst.idx.msk $0xffff, v57  }
0x195: {  	v61 =	vor.u32 $0x80F, v3;
	v62 =	vadd.s32 v51, v56;
	v57 =	vld.idx.msk [tilespmem:v59+s0+$0x0], vm13  }
0x196: {  	v59 =	vor.u32 v55, v62;
	_ =	sdelay $0x3  }
0x197: {  	[tilespmem:v61+s11+$0x0] =	vst.idx.msk $0xffff, v57  }
0x198: {  	v58 =	vor.u32 $0x810, v3;
	v57 =	vld.idx.msk [tilespmem:v59+s0+$0x0], vm13  }
0x199: {  	v60 =	vor.u32 $0x80, v59;
	_ =	sdelay $0x3  }
0x19a: {  	[tilespmem:v58+s11+$0x0] =	vst.idx.msk $0xffff, v57  }
0x19b: {  	v58 =	vor.u32 $0x811, v3;
	v57 =	vld.idx.msk [tilespmem:v60+s0+$0x0], vm13  }
0x19c: {  	v60 =	vor.u32 $0x100, v59;
	_ =	sdelay $0x3  }
0x19d: {  	[tilespmem:v58+s11+$0x0] =	vst.idx.msk $0xffff, v57  }
0x19e: {  	v58 =	vor.u32 $0x812, v3;
	v57 =	vld.idx.msk [tilespmem:v60+s0+$0x0], vm13  }
0x19f: {  	v60 =	vor.u32 $0x180, v59;
	_ =	sdelay $0x3  }
0x1a0: {  	[tilespmem:v58+s11+$0x0] =	vst.idx.msk $0xffff, v57  }
0x1a1: {  	v58 =	vor.u32 $0x813, v3;
	v57 =	vld.idx.msk [tilespmem:v60+s0+$0x0], vm13  }
0x1a2: {  	v60 =	vor.u32 $0x200, v59;
	_ =	sdelay $0x3  }
0x1a3: {  	[tilespmem:v58+s11+$0x0] =	vst.idx.msk $0xffff, v57  }
0x1a4: {  	v58 =	vor.u32 $0x814, v3;
	v57 =	vld.idx.msk [tilespmem:v60+s0+$0x0], vm13  }
0x1a5: {  	v60 =	vor.u32 $0x280, v59;
	_ =	sdelay $0x3  }
0x1a6: {  	[tilespmem:v58+s11+$0x0] =	vst.idx.msk $0xffff, v57  }
0x1a7: {  	v58 =	vor.u32 $0x815, v3;
	v57 =	vld.idx.msk [tilespmem:v60+s0+$0x0], vm13  }
0x1a8: {  	v60 =	vor.u32 $0x300, v59;
	_ =	sdelay $0x3  }
0x1a9: {  	[tilespmem:v58+s11+$0x0] =	vst.idx.msk $0xffff, v57  }
0x1aa: {  	v63 =	vor.u32 $0x816, v3;
	v57 =	vld.idx.msk [tilespmem:v60+s0+$0x0], vm13  }
0x1ab: {  	v59 =	vor.u32 $0x380, v59;
	_ =	sdelay $0x3  }
0x1ac: {  	[tilespmem:v63+s11+$0x0] =	vst.idx.msk $0xffff, v57  }
0x1ad: {  	v56 =	vadd.s32 v52, v56;
	v60 =	vor.u32 $0x817, v3;
	v57 =	vld.idx.msk [tilespmem:v59+s0+$0x0], vm13  }
0x1ae: {  	v55 =	vor.u32 v55, v56;
	_ =	sdelay $0x3  }
0x1af: {  	[tilespmem:v60+s11+$0x0] =	vst.idx.msk $0xffff, v57  }
0x1b0: {  	v61 =	vor.u32 $0x818, v3;
	v56 =	vld.idx.msk [tilespmem:v55+s0+$0x0], vm13  }
0x1b1: {  	v62 =	vor.u32 $0x80, v55;
	_ =	sdelay $0x3  }
0x1b2: {  	[tilespmem:v61+s11+$0x0] =	vst.idx.msk $0xffff, v56  }
0x1b3: {  	v63 =	vor.u32 $0x819, v3;
	v56 =	vld.idx.msk [tilespmem:v62+s0+$0x0], vm13  }
0x1b4: {  	v60 =	vor.u32 $0x100, v55;
	_ =	sdelay $0x3  }
0x1b5: {  	[tilespmem:v63+s11+$0x0] =	vst.idx.msk $0xffff, v56  }
0x1b6: {  	v61 =	vor.u32 $0x81A, v3;
	v56 =	vld.idx.msk [tilespmem:v60+s0+$0x0], vm13  }
0x1b7: {  	v62 =	vor.u32 $0x180, v55;
	_ =	sdelay $0x3  }
0x1b8: {  	[tilespmem:v61+s11+$0x0] =	vst.idx.msk $0xffff, v56  }
0x1b9: {  	v63 =	vor.u32 $0x81B, v3;
	v56 =	vld.idx.msk [tilespmem:v62+s0+$0x0], vm13  }
0x1ba: {  	v60 =	vor.u32 $0x200, v55;
	_ =	sdelay $0x3  }
0x1bb: {  	[tilespmem:v63+s11+$0x0] =	vst.idx.msk $0xffff, v56  }
0x1bc: {  	v61 =	vor.u32 $0x81C, v3;
	v56 =	vld.idx.msk [tilespmem:v60+s0+$0x0], vm13  }
0x1bd: {  	v62 =	vor.u32 $0x280, v55;
	_ =	sdelay $0x3  }
0x1be: {  	[tilespmem:v61+s11+$0x0] =	vst.idx.msk $0xffff, v56  }
0x1bf: {  	v63 =	vor.u32 $0x81D, v3;
	v56 =	vld.idx.msk [tilespmem:v62+s0+$0x0], vm13  }
0x1c0: {  	v60 =	vor.u32 $0x300, v55;
	_ =	sdelay $0x3  }
0x1c1: {  	[tilespmem:v63+s11+$0x0] =	vst.idx.msk $0xffff, v56  }
0x1c2: {  	v61 =	vor.u32 $0x81E, v3;
	v56 =	vld.idx.msk [tilespmem:v60+s0+$0x0], vm13  }
0x1c3: {  	v55 =	vor.u32 $0x380, v55;
	_ =	sdelay $0x3  }
0x1c4: {  	[tilespmem:v61+s11+$0x0] =	vst.idx.msk $0xffff, v56  }
0x1c5: {  	v62 =	vor.u32 $0x81F, v3;
	v55 =	vld.idx.msk [tilespmem:v55+s0+$0x0], vm13  }
0x1c6: {  	v63 =	vor.u32 $0x10, v0;
	_ =	sdelay $0x1  }
0x1c7: {  	v54 =	vand.u32 $0x1F, v54  }
0x1c8: {  	v54 =	vor.u32 $0x4000, v54;
	v53 =	vand.u32 $0x3FFF, v53  }
0x1c9: {  	v53 =	vsel vm13, v53, v54;
	[tilespmem:v62+s11+$0x0] =	vst.idx.msk $0xffff, v55  }
0x1ca: {  	[tilespmem:v63+s13+$0x0] =	vst.idx.msk vm13, v53  }
0x1cb: {  	v53 =	vld [tilespmem:s22+$0xFFFFFFF0];
	_ =	sdelay $0x3  }
0x1cc: {  	s26 =	sadd.s32 $0xFFFFFFF0, s21  }
0x1cd: {  	v54 =	vor.u32 s26, v0;
	v60 =	vshra.s32 v53, $0xE  }
0x1ce: {  	vm14 =	vlt.s32 v54, v49;
	v55 =	vsub.s32 v60, v47  }
0x1cf: {  	v55 =	vnsel vm14, $0x0, v55  }
0x1d0: {  	v61 =	vshll.u32 v55, $0x3  }
0x1d1: {  	v56 =	vand.u32 $0xFFFFFC00, v61  }
0x1d2: {  	v55 =	vand.u32 $0x7F, v55;
	v62 =	vadd.s32 v48, v56  }
0x1d3: {  	v57 =	vor.u32 v55, v62;
	_ =	sdelay $0x4  }
0x1d4: {  	v59 =	vor.u32 $0x1000, v3;
	v58 =	vld.idx.msk [tilespmem:v57+s0+$0x0], vm14  }
0x1d5: {  	v60 =	vor.u32 $0x80, v57;
	_ =	sdelay $0x3  }
0x1d6: {  	[tilespmem:v59+s11+$0x0] =	vst.idx.msk $0xffff, v58  }
0x1d7: {  	v59 =	vor.u32 $0x1001, v3;
	v58 =	vld.idx.msk [tilespmem:v60+s0+$0x0], vm14  }
0x1d8: {  	v60 =	vor.u32 $0x100, v57;
	_ =	sdelay $0x3  }
0x1d9: {  	[tilespmem:v59+s11+$0x0] =	vst.idx.msk $0xffff, v58  }
0x1da: {  	v59 =	vor.u32 $0x1002, v3;
	v58 =	vld.idx.msk [tilespmem:v60+s0+$0x0], vm14  }
0x1db: {  	v60 =	vor.u32 $0x180, v57;
	_ =	sdelay $0x3  }
0x1dc: {  	[tilespmem:v59+s11+$0x0] =	vst.idx.msk $0xffff, v58  }
0x1dd: {  	v59 =	vor.u32 $0x1003, v3;
	v58 =	vld.idx.msk [tilespmem:v60+s0+$0x0], vm14  }
0x1de: {  	v60 =	vor.u32 $0x200, v57;
	_ =	sdelay $0x3  }
0x1df: {  	[tilespmem:v59+s11+$0x0] =	vst.idx.msk $0xffff, v58  }
0x1e0: {  	v59 =	vor.u32 $0x1004, v3;
	v58 =	vld.idx.msk [tilespmem:v60+s0+$0x0], vm14  }
0x1e1: {  	v60 =	vor.u32 $0x280, v57;
	_ =	sdelay $0x3  }
0x1e2: {  	[tilespmem:v59+s11+$0x0] =	vst.idx.msk $0xffff, v58  }
0x1e3: {  	v59 =	vor.u32 $0x1005, v3;
	v58 =	vld.idx.msk [tilespmem:v60+s0+$0x0], vm14  }
0x1e4: {  	v60 =	vor.u32 $0x300, v57;
	_ =	sdelay $0x3  }
0x1e5: {  	[tilespmem:v59+s11+$0x0] =	vst.idx.msk $0xffff, v58  }
0x1e6: {  	v63 =	vor.u32 $0x1006, v3;
	v58 =	vld.idx.msk [tilespmem:v60+s0+$0x0], vm14  }
0x1e7: {  	v57 =	vor.u32 $0x380, v57;
	_ =	sdelay $0x3  }
0x1e8: {  	[tilespmem:v63+s11+$0x0] =	vst.idx.msk $0xffff, v58  }
0x1e9: {  	v61 =	vadd.s32 v50, v56;
	v60 =	vor.u32 $0x1007, v3;
	v57 =	vld.idx.msk [tilespmem:v57+s0+$0x0], vm14  }
0x1ea: {  	v59 =	vor.u32 v55, v61;
	_ =	sdelay $0x3  }
0x1eb: {  	[tilespmem:v60+s11+$0x0] =	vst.idx.msk $0xffff, v57  }
0x1ec: {  	v58 =	vor.u32 $0x1008, v3;
	v57 =	vld.idx.msk [tilespmem:v59+s0+$0x0], vm14  }
0x1ed: {  	v60 =	vor.u32 $0x80, v59;
	_ =	sdelay $0x3  }
0x1ee: {  	[tilespmem:v58+s11+$0x0] =	vst.idx.msk $0xffff, v57  }
0x1ef: {  	v58 =	vor.u32 $0x1009, v3;
	v57 =	vld.idx.msk [tilespmem:v60+s0+$0x0], vm14  }
0x1f0: {  	v60 =	vor.u32 $0x100, v59;
	_ =	sdelay $0x3  }
0x1f1: {  	[tilespmem:v58+s11+$0x0] =	vst.idx.msk $0xffff, v57  }
0x1f2: {  	v58 =	vor.u32 $0x100A, v3;
	v57 =	vld.idx.msk [tilespmem:v60+s0+$0x0], vm14  }
0x1f3: {  	v60 =	vor.u32 $0x180, v59;
	_ =	sdelay $0x3  }
0x1f4: {  	[tilespmem:v58+s11+$0x0] =	vst.idx.msk $0xffff, v57  }
0x1f5: {  	v58 =	vor.u32 $0x100B, v3;
	v57 =	vld.idx.msk [tilespmem:v60+s0+$0x0], vm14  }
0x1f6: {  	v60 =	vor.u32 $0x200, v59;
	_ =	sdelay $0x3  }
0x1f7: {  	[tilespmem:v58+s11+$0x0] =	vst.idx.msk $0xffff, v57  }
0x1f8: {  	v58 =	vor.u32 $0x100C, v3;
	v57 =	vld.idx.msk [tilespmem:v60+s0+$0x0], vm14  }
0x1f9: {  	v60 =	vor.u32 $0x280, v59;
	_ =	sdelay $0x3  }
0x1fa: {  	[tilespmem:v58+s11+$0x0] =	vst.idx.msk $0xffff, v57  }
0x1fb: {  	v58 =	vor.u32 $0x100D, v3;
	v57 =	vld.idx.msk [tilespmem:v60+s0+$0x0], vm14  }
0x1fc: {  	v60 =	vor.u32 $0x300, v59;
	_ =	sdelay $0x3  }
0x1fd: {  	[tilespmem:v58+s11+$0x0] =	vst.idx.msk $0xffff, v57  }
0x1fe: {  	v62 =	vor.u32 $0x100E, v3;
	v57 =	vld.idx.msk [tilespmem:v60+s0+$0x0], vm14  }
0x1ff: {  	v59 =	vor.u32 $0x380, v59;
	_ =	sdelay $0x3  }
0x200: {  	[tilespmem:v62+s11+$0x0] =	vst.idx.msk $0xffff, v57  }
0x201: {  	v63 =	vor.u32 $0x100F, v3;
	v60 =	vadd.s32 v51, v56;
	v57 =	vld.idx.msk [tilespmem:v59+s0+$0x0], vm14  }
0x202: {  	v59 =	vor.u32 v55, v60;
	_ =	sdelay $0x3  }
0x203: {  	[tilespmem:v63+s11+$0x0] =	vst.idx.msk $0xffff, v57  }
0x204: {  	v58 =	vor.u32 $0x1010, v3;
	v57 =	vld.idx.msk [tilespmem:v59+s0+$0x0], vm14  }
0x205: {  	v60 =	vor.u32 $0x80, v59;
	_ =	sdelay $0x3  }
0x206: {  	[tilespmem:v58+s11+$0x0] =	vst.idx.msk $0xffff, v57  }
0x207: {  	v58 =	vor.u32 $0x1011, v3;
	v57 =	vld.idx.msk [tilespmem:v60+s0+$0x0], vm14  }
0x208: {  	v60 =	vor.u32 $0x100, v59;
	_ =	sdelay $0x3  }
0x209: {  	[tilespmem:v58+s11+$0x0] =	vst.idx.msk $0xffff, v57  }
0x20a: {  	v58 =	vor.u32 $0x1012, v3;
	v57 =	vld.idx.msk [tilespmem:v60+s0+$0x0], vm14  }
0x20b: {  	v60 =	vor.u32 $0x180, v59;
	_ =	sdelay $0x3  }
0x20c: {  	[tilespmem:v58+s11+$0x0] =	vst.idx.msk $0xffff, v57  }
0x20d: {  	v58 =	vor.u32 $0x1013, v3;
	v57 =	vld.idx.msk [tilespmem:v60+s0+$0x0], vm14  }
0x20e: {  	v60 =	vor.u32 $0x200, v59;
	_ =	sdelay $0x3  }
0x20f: {  	[tilespmem:v58+s11+$0x0] =	vst.idx.msk $0xffff, v57  }
0x210: {  	v58 =	vor.u32 $0x1014, v3;
	v57 =	vld.idx.msk [tilespmem:v60+s0+$0x0], vm14  }
0x211: {  	v60 =	vor.u32 $0x280, v59;
	_ =	sdelay $0x3  }
0x212: {  	[tilespmem:v58+s11+$0x0] =	vst.idx.msk $0xffff, v57  }
0x213: {  	v58 =	vor.u32 $0x1015, v3;
	v57 =	vld.idx.msk [tilespmem:v60+s0+$0x0], vm14  }
0x214: {  	v60 =	vor.u32 $0x300, v59;
	_ =	sdelay $0x3  }
0x215: {  	[tilespmem:v58+s11+$0x0] =	vst.idx.msk $0xffff, v57  }
0x216: {  	v61 =	vor.u32 $0x1016, v3;
	v57 =	vld.idx.msk [tilespmem:v60+s0+$0x0], vm14  }
0x217: {  	v59 =	vor.u32 $0x380, v59;
	_ =	sdelay $0x3  }
0x218: {  	[tilespmem:v61+s11+$0x0] =	vst.idx.msk $0xffff, v57  }
0x219: {  	v56 =	vadd.s32 v52, v56;
	v62 =	vor.u32 $0x1017, v3;
	v57 =	vld.idx.msk [tilespmem:v59+s0+$0x0], vm14  }
0x21a: {  	v55 =	vor.u32 v55, v56;
	_ =	sdelay $0x3  }
0x21b: {  	[tilespmem:v62+s11+$0x0] =	vst.idx.msk $0xffff, v57  }
0x21c: {  	v63 =	vor.u32 $0x1018, v3;
	v56 =	vld.idx.msk [tilespmem:v55+s0+$0x0], vm14  }
0x21d: {  	v60 =	vor.u32 $0x80, v55;
	_ =	sdelay $0x3  }
0x21e: {  	[tilespmem:v63+s11+$0x0] =	vst.idx.msk $0xffff, v56  }
0x21f: {  	v61 =	vor.u32 $0x1019, v3;
	v56 =	vld.idx.msk [tilespmem:v60+s0+$0x0], vm14  }
0x220: {  	v62 =	vor.u32 $0x100, v55;
	_ =	sdelay $0x3  }
0x221: {  	[tilespmem:v61+s11+$0x0] =	vst.idx.msk $0xffff, v56  }
0x222: {  	v63 =	vor.u32 $0x101A, v3;
	v56 =	vld.idx.msk [tilespmem:v62+s0+$0x0], vm14  }
0x223: {  	v60 =	vor.u32 $0x180, v55;
	_ =	sdelay $0x3  }
0x224: {  	[tilespmem:v63+s11+$0x0] =	vst.idx.msk $0xffff, v56  }
0x225: {  	v61 =	vor.u32 $0x101B, v3;
	v56 =	vld.idx.msk [tilespmem:v60+s0+$0x0], vm14  }
0x226: {  	v62 =	vor.u32 $0x200, v55;
	_ =	sdelay $0x3  }
0x227: {  	[tilespmem:v61+s11+$0x0] =	vst.idx.msk $0xffff, v56  }
0x228: {  	v63 =	vor.u32 $0x101C, v3;
	v56 =	vld.idx.msk [tilespmem:v62+s0+$0x0], vm14  }
0x229: {  	v60 =	vor.u32 $0x280, v55;
	_ =	sdelay $0x3  }
0x22a: {  	[tilespmem:v63+s11+$0x0] =	vst.idx.msk $0xffff, v56  }
0x22b: {  	v61 =	vor.u32 $0x101D, v3;
	v56 =	vld.idx.msk [tilespmem:v60+s0+$0x0], vm14  }
0x22c: {  	v62 =	vor.u32 $0x300, v55;
	_ =	sdelay $0x3  }
0x22d: {  	[tilespmem:v61+s11+$0x0] =	vst.idx.msk $0xffff, v56  }
0x22e: {  	v63 =	vor.u32 $0x101E, v3;
	v56 =	vld.idx.msk [tilespmem:v62+s0+$0x0], vm14  }
0x22f: {  	v55 =	vor.u32 $0x380, v55;
	_ =	sdelay $0x3  }
0x230: {  	[tilespmem:v63+s11+$0x0] =	vst.idx.msk $0xffff, v56  }
0x231: {  	v60 =	vor.u32 $0x101F, v3;
	v55 =	vld.idx.msk [tilespmem:v55+s0+$0x0], vm14  }
0x232: {  	v61 =	vor.u32 $0x20, v0;
	_ =	sdelay $0x1  }
0x233: {  	v54 =	vand.u32 $0x2F, v54  }
0x234: {  	v54 =	vor.u32 $0x4000, v54;
	v53 =	vand.u32 $0x3FFF, v53  }
0x235: {  	v53 =	vsel vm14, v53, v54;
	[tilespmem:v60+s11+$0x0] =	vst.idx.msk $0xffff, v55  }
0x236: {  	[tilespmem:v61+s13+$0x0] =	vst.idx.msk vm14, v53  }
0x237: {  	v53 =	vld [tilespmem:s22+$0x0];
	_ =	sdelay $0x4  }
0x238: {  	v54 =	vor.u32 s21, v0;
	v62 =	vshra.s32 v53, $0xE  }
0x239: {  	vm15 =	vlt.s32 v54, v49;
	v55 =	vsub.s32 v62, v47  }
0x23a: {  	v55 =	vnsel vm15, $0x0, v55  }
0x23b: {  	v63 =	vshll.u32 v55, $0x3  }
0x23c: {  	v56 =	vand.u32 $0xFFFFFC00, v63  }
0x23d: {  	v55 =	vand.u32 $0x7F, v55;
	v60 =	vadd.s32 v48, v56  }
0x23e: {  	v57 =	vor.u32 v55, v60;
	_ =	sdelay $0x4  }
0x23f: {  	v59 =	vor.u32 $0x1800, v3;
	v58 =	vld.idx.msk [tilespmem:v57+s0+$0x0], vm15  }
0x240: {  	v60 =	vor.u32 $0x80, v57;
	_ =	sdelay $0x3  }
0x241: {  	[tilespmem:v59+s11+$0x0] =	vst.idx.msk $0xffff, v58  }
0x242: {  	v59 =	vor.u32 $0x1801, v3;
	v58 =	vld.idx.msk [tilespmem:v60+s0+$0x0], vm15  }
0x243: {  	v60 =	vor.u32 $0x100, v57;
	_ =	sdelay $0x3  }
0x244: {  	[tilespmem:v59+s11+$0x0] =	vst.idx.msk $0xffff, v58  }
0x245: {  	v59 =	vor.u32 $0x1802, v3;
	v58 =	vld.idx.msk [tilespmem:v60+s0+$0x0], vm15  }
0x246: {  	v60 =	vor.u32 $0x180, v57;
	_ =	sdelay $0x3  }
0x247: {  	[tilespmem:v59+s11+$0x0] =	vst.idx.msk $0xffff, v58  }
0x248: {  	v59 =	vor.u32 $0x1803, v3;
	v58 =	vld.idx.msk [tilespmem:v60+s0+$0x0], vm15  }
0x249: {  	v60 =	vor.u32 $0x200, v57;
	_ =	sdelay $0x3  }
0x24a: {  	[tilespmem:v59+s11+$0x0] =	vst.idx.msk $0xffff, v58  }
0x24b: {  	v59 =	vor.u32 $0x1804, v3;
	v58 =	vld.idx.msk [tilespmem:v60+s0+$0x0], vm15  }
0x24c: {  	v60 =	vor.u32 $0x280, v57;
	_ =	sdelay $0x3  }
0x24d: {  	[tilespmem:v59+s11+$0x0] =	vst.idx.msk $0xffff, v58  }
0x24e: {  	v59 =	vor.u32 $0x1805, v3;
	v58 =	vld.idx.msk [tilespmem:v60+s0+$0x0], vm15  }
0x24f: {  	v60 =	vor.u32 $0x300, v57;
	_ =	sdelay $0x3  }
0x250: {  	[tilespmem:v59+s11+$0x0] =	vst.idx.msk $0xffff, v58  }
0x251: {  	v61 =	vor.u32 $0x1806, v3;
	v58 =	vld.idx.msk [tilespmem:v60+s0+$0x0], vm15  }
0x252: {  	v57 =	vor.u32 $0x380, v57;
	_ =	sdelay $0x3  }
0x253: {  	[tilespmem:v61+s11+$0x0] =	vst.idx.msk $0xffff, v58  }
0x254: {  	v62 =	vor.u32 $0x1807, v3;
	v63 =	vadd.s32 v50, v56;
	v57 =	vld.idx.msk [tilespmem:v57+s0+$0x0], vm15  }
0x255: {  	v59 =	vor.u32 v55, v63;
	_ =	sdelay $0x3  }
0x256: {  	[tilespmem:v62+s11+$0x0] =	vst.idx.msk $0xffff, v57  }
0x257: {  	v58 =	vor.u32 $0x1808, v3;
	v57 =	vld.idx.msk [tilespmem:v59+s0+$0x0], vm15  }
0x258: {  	v60 =	vor.u32 $0x80, v59;
	_ =	sdelay $0x3  }
0x259: {  	[tilespmem:v58+s11+$0x0] =	vst.idx.msk $0xffff, v57  }
0x25a: {  	v58 =	vor.u32 $0x1809, v3;
	v57 =	vld.idx.msk [tilespmem:v60+s0+$0x0], vm15  }
0x25b: {  	v60 =	vor.u32 $0x100, v59;
	_ =	sdelay $0x3  }
0x25c: {  	[tilespmem:v58+s11+$0x0] =	vst.idx.msk $0xffff, v57  }
0x25d: {  	v58 =	vor.u32 $0x180A, v3;
	v57 =	vld.idx.msk [tilespmem:v60+s0+$0x0], vm15  }
0x25e: {  	v60 =	vor.u32 $0x180, v59;
	_ =	sdelay $0x3  }
0x25f: {  	[tilespmem:v58+s11+$0x0] =	vst.idx.msk $0xffff, v57  }
0x260: {  	v58 =	vor.u32 $0x180B, v3;
	v57 =	vld.idx.msk [tilespmem:v60+s0+$0x0], vm15  }
0x261: {  	v60 =	vor.u32 $0x200, v59;
	_ =	sdelay $0x3  }
0x262: {  	[tilespmem:v58+s11+$0x0] =	vst.idx.msk $0xffff, v57  }
0x263: {  	v58 =	vor.u32 $0x180C, v3;
	v57 =	vld.idx.msk [tilespmem:v60+s0+$0x0], vm15  }
0x264: {  	v60 =	vor.u32 $0x280, v59;
	_ =	sdelay $0x3  }
0x265: {  	[tilespmem:v58+s11+$0x0] =	vst.idx.msk $0xffff, v57  }
0x266: {  	v58 =	vor.u32 $0x180D, v3;
	v57 =	vld.idx.msk [tilespmem:v60+s0+$0x0], vm15  }
0x267: {  	v60 =	vor.u32 $0x300, v59;
	_ =	sdelay $0x3  }
0x268: {  	[tilespmem:v58+s11+$0x0] =	vst.idx.msk $0xffff, v57  }
0x269: {  	v57 =	vld.idx.msk [tilespmem:v60+s0+$0x0], vm15;
	v60 =	vor.u32 $0x180E, v3  }
0x26a: {  	v59 =	vor.u32 $0x380, v59;
	_ =	sdelay $0x3  }
0x26b: {  	[tilespmem:v60+s11+$0x0] =	vst.idx.msk $0xffff, v57  }
0x26c: {  	v61 =	vor.u32 $0x180F, v3;
	v62 =	vadd.s32 v51, v56;
	v57 =	vld.idx.msk [tilespmem:v59+s0+$0x0], vm15  }
0x26d: {  	v59 =	vor.u32 v55, v62;
	_ =	sdelay $0x3  }
0x26e: {  	[tilespmem:v61+s11+$0x0] =	vst.idx.msk $0xffff, v57  }
0x26f: {  	v58 =	vor.u32 $0x1810, v3;
	v57 =	vld.idx.msk [tilespmem:v59+s0+$0x0], vm15  }
0x270: {  	v60 =	vor.u32 $0x80, v59;
	_ =	sdelay $0x3  }
0x271: {  	[tilespmem:v58+s11+$0x0] =	vst.idx.msk $0xffff, v57  }
0x272: {  	v58 =	vor.u32 $0x1811, v3;
	v57 =	vld.idx.msk [tilespmem:v60+s0+$0x0], vm15  }
0x273: {  	v60 =	vor.u32 $0x100, v59;
	_ =	sdelay $0x3  }
0x274: {  	[tilespmem:v58+s11+$0x0] =	vst.idx.msk $0xffff, v57  }
0x275: {  	v58 =	vor.u32 $0x1812, v3;
	v57 =	vld.idx.msk [tilespmem:v60+s0+$0x0], vm15  }
0x276: {  	v60 =	vor.u32 $0x180, v59;
	_ =	sdelay $0x3  }
0x277: {  	[tilespmem:v58+s11+$0x0] =	vst.idx.msk $0xffff, v57  }
0x278: {  	v58 =	vor.u32 $0x1813, v3;
	v57 =	vld.idx.msk [tilespmem:v60+s0+$0x0], vm15  }
0x279: {  	v60 =	vor.u32 $0x200, v59;
	_ =	sdelay $0x3  }
0x27a: {  	[tilespmem:v58+s11+$0x0] =	vst.idx.msk $0xffff, v57  }
0x27b: {  	v58 =	vor.u32 $0x1814, v3;
	v57 =	vld.idx.msk [tilespmem:v60+s0+$0x0], vm15  }
0x27c: {  	v60 =	vor.u32 $0x280, v59;
	_ =	sdelay $0x3  }
0x27d: {  	[tilespmem:v58+s11+$0x0] =	vst.idx.msk $0xffff, v57  }
0x27e: {  	v58 =	vor.u32 $0x1815, v3;
	v57 =	vld.idx.msk [tilespmem:v60+s0+$0x0], vm15  }
0x27f: {  	v60 =	vor.u32 $0x300, v59;
	_ =	sdelay $0x3  }
0x280: {  	[tilespmem:v58+s11+$0x0] =	vst.idx.msk $0xffff, v57  }
0x281: {  	v63 =	vor.u32 $0x1816, v3;
	v57 =	vld.idx.msk [tilespmem:v60+s0+$0x0], vm15  }
0x282: {  	v59 =	vor.u32 $0x380, v59;
	_ =	sdelay $0x3  }
0x283: {  	[tilespmem:v63+s11+$0x0] =	vst.idx.msk $0xffff, v57  }
0x284: {  	v56 =	vadd.s32 v52, v56;
	v60 =	vor.u32 $0x1817, v3;
	v57 =	vld.idx.msk [tilespmem:v59+s0+$0x0], vm15  }
0x285: {  	v55 =	vor.u32 v55, v56;
	_ =	sdelay $0x3  }
0x286: {  	[tilespmem:v60+s11+$0x0] =	vst.idx.msk $0xffff, v57  }
0x287: {  	v61 =	vor.u32 $0x1818, v3;
	v56 =	vld.idx.msk [tilespmem:v55+s0+$0x0], vm15  }
0x288: {  	v62 =	vor.u32 $0x80, v55;
	_ =	sdelay $0x3  }
0x289: {  	[tilespmem:v61+s11+$0x0] =	vst.idx.msk $0xffff, v56  }
0x28a: {  	v63 =	vor.u32 $0x1819, v3;
	v56 =	vld.idx.msk [tilespmem:v62+s0+$0x0], vm15  }
0x28b: {  	v60 =	vor.u32 $0x100, v55;
	_ =	sdelay $0x3  }
0x28c: {  	[tilespmem:v63+s11+$0x0] =	vst.idx.msk $0xffff, v56  }
0x28d: {  	v61 =	vor.u32 $0x181A, v3;
	v56 =	vld.idx.msk [tilespmem:v60+s0+$0x0], vm15  }
0x28e: {  	v62 =	vor.u32 $0x180, v55;
	_ =	sdelay $0x3  }
0x28f: {  	[tilespmem:v61+s11+$0x0] =	vst.idx.msk $0xffff, v56  }
0x290: {  	v63 =	vor.u32 $0x181B, v3;
	v56 =	vld.idx.msk [tilespmem:v62+s0+$0x0], vm15  }
0x291: {  	v60 =	vor.u32 $0x200, v55;
	_ =	sdelay $0x3  }
0x292: {  	[tilespmem:v63+s11+$0x0] =	vst.idx.msk $0xffff, v56  }
0x293: {  	v61 =	vor.u32 $0x181C, v3;
	v56 =	vld.idx.msk [tilespmem:v60+s0+$0x0], vm15  }
0x294: {  	v62 =	vor.u32 $0x280, v55;
	_ =	sdelay $0x3  }
0x295: {  	[tilespmem:v61+s11+$0x0] =	vst.idx.msk $0xffff, v56  }
0x296: {  	v63 =	vor.u32 $0x181D, v3;
	v56 =	vld.idx.msk [tilespmem:v62+s0+$0x0], vm15  }
0x297: {  	v60 =	vor.u32 $0x300, v55;
	_ =	sdelay $0x3  }
0x298: {  	[tilespmem:v63+s11+$0x0] =	vst.idx.msk $0xffff, v56  }
0x299: {  	v61 =	vor.u32 $0x181E, v3;
	v56 =	vld.idx.msk [tilespmem:v60+s0+$0x0], vm15  }
0x29a: {  	v55 =	vor.u32 $0x380, v55;
	_ =	sdelay $0x3  }
0x29b: {  	[tilespmem:v61+s11+$0x0] =	vst.idx.msk $0xffff, v56  }
0x29c: {  	v62 =	vor.u32 $0x181F, v3;
	v55 =	vld.idx.msk [tilespmem:v55+s0+$0x0], vm15  }
0x29d: {  	v63 =	vor.u32 $0x30, v0;
	_ =	sdelay $0x1  }
0x29e: {  	v54 =	vand.u32 $0x3F, v54  }
0x29f: {  	v54 =	vor.u32 $0x4000, v54;
	v53 =	vand.u32 $0x3FFF, v53  }
0x2a0: {  	p1 =	sne.s32 s20, $0x1;
	v53 =	vsel vm15, v53, v54;
	[tilespmem:v62+s11+$0x0] =	vst.idx.msk $0xffff, v55  }
.Ltmp11:
0x2a1: {  	[tilespmem:v63+s13+$0x0] =	vst.idx.msk vm15, v53;
	(pc) =	sbr.rel @p1 .LBB2_13-.Ltmp11, $4  }
0x2a2: {  	[hbm4b:s6+s15] =	stream.indirect.scatter [tilespmem:s11], [sflag:$0x3], $0x80, s13, s15, $0xb8;
	[tilespmem:$0x1D080] =	vst v63  }
0x2a3: {  	_ =	swait.ge [sflag:s16], $0x2000  }
0x2a4: {  	s20 =	sadd.s32 $0xFFFFFFFF, s20;
	[sflag:s16] =	ssyncset.done $0x0  }
0x2a5: {  	s21 =	sadd.s32 $0x40, s21;
	s22 =	sadd.s32 $0x40, s22;
	[sflag:s16] =	ssyncadd.s32 $0xFFFFE000  }
.Ltmp12:
0x2a6: {  	_ = 	snop;
	(pc) =	sbr.rel .LBB2_14-.Ltmp12, $1  }
0x2a7: {  	_ =	sdelay $0x3  }
.LBB2_16:
0x2a8: {  	_ =	sfence.sel $0x180000  }
0x2a9: {  	[bflag:$0x0] =	sbarrier.arrive $0xFFFF  }
0x2aa: {  	_ =	strace $0x90000047  }
0x2ab: {  	s0 =	stileid.u32;
	[bflag:$0x2] =	sbarrier.arrive $0xFFFF  }
0x2ac: {  	p0 =	sne.s32 s0, $0x0;
	s0 =	rddreg [dreg:$0x3]  }
0x2ad: {  	s0 =	sadd.s32 @!p0 $0x100000, s0  }
0x2ae: {  	[sflag:s0] =	ssyncadd.tile.s32 @!p0 $0x1;
	_ =	shalt  }
.Lfunc_end2:
_tile_overlayer_lowered:
.L_overlay_start_2:
0x2af: {  	(tag) =	ssettag $0x2  }
0x2b0: {  	s0 =	rddreg [dreg:$0x0];
	s2 =	stileid.u32  }
0x2b1: {  	s1 =	rddreg [dreg:$0x1];
	p0 =	sne.s32 s2, $0x0  }
0x2b2: {  	s3 =	rddreg [dreg:$0x2];
	[bflag:$0x3] =	sbarrier.arrive $0xFFFF;
	s2 =	simm.s32 @!p0 $0x1C04  }
0x2b3: {  	[timem:s3], [sflag:s2] =	dma.local @!p0 [hbm:s0], s1  }
0x2b4: {  	s0 =	simm.s32 @!p0 $0x4  }
0x2b5: {  	_ =	swait.ge @!p0 [sflag:s0], s1  }
0x2b6: {  	s1 =	ssub.s32 @!p0 $0x0, s1;
	[sflag:s0] =	ssyncset.done @!p0 $0x0  }
0x2b7: {  	[sflag:s0] =	ssyncadd.s32 @!p0 s1  }
0x2b8: {  	[bflag:$0x3] =	sbarrier.arrive $0xFFFF  }
0x2b9: {  	_ =	shalt  }

</sc_bundles>
